<compile_context>
chip_gen: v7x
topology: tpu7x:2x2x1
jax: 0.10.2.dev20260603
libtpu: 0.0.44.dev20260713+nightly
codegen_flags: <defaults>
</compile_context>

<pallas_src>
import jax
import jax.numpy as jnp
from jax import lax
from jax.experimental import pallas as pl
from jax.experimental.pallas import tpu as pltpu
from jax.experimental.pallas import tpu_sc as plsc

N = 262144
F = 64
RANK = 17
RANK_PAD = 24
NUM_RF = 16

_NC = 2
_NS = 16
_NW = _NC * _NS
_RPW = N // _NW
_CHUNK = 512
_NBUF = 2
_GRP = _CHUNK // 16


def _body(idx_hbm, table_hbm, xflat_hbm, wskew_hbm, bias_hbm, out_hbm,
          idx_v, rows_v, xv, yb, wsk_v, bias_v, gsems, xsems):
    wid = lax.axis_index("s") * _NC + lax.axis_index("c")
    base = wid * _RPW
    nch = _RPW // _CHUNK

    pltpu.sync_copy(idx_hbm.at[pl.ds(base, _RPW)], idx_v)
    pltpu.sync_copy(wskew_hbm, wsk_v)
    pltpu.sync_copy(bias_hbm, bias_v)
    bias = bias_v[0:16][0]

    iota = lax.iota(jnp.int32, 16)
    iota64 = iota * F
    rot5 = iota * 5
    col_b0 = jnp.full((16,), NUM_RF, jnp.int32)

    def copies(ch, buf):
        gcp = pltpu.make_async_copy(
            table_hbm.at[idx_v.at[pl.ds(ch * _CHUNK, _CHUNK)]],
            rows_v.at[buf], gsems.at[buf])
        xcp = pltpu.make_async_copy(
            xflat_hbm.at[pl.ds((base + ch * _CHUNK) * F, _CHUNK * F)],
            xv.at[buf], xsems.at[buf])
        return gcp, xcp

    def start_chunk(ch, buf):
        gcp, xcp = copies(ch, buf)
        gcp.start()
        xcp.start()

    def compute_chunk(ch, buf):
        rows = rows_v.at[buf]
        xb = xv.at[buf]

        def group(i, carry):
            r = i * 16 + iota
            rb64 = i * (16 * F) + iota64
            acc_r = plsc.load_gather(rows, [r, col_b0])
            acc_f = jnp.full((16,), 0.0, jnp.float32)
            for k in range(F):
                c = jnp.bitwise_and(rot5 + k, F - 1)
                xk = plsc.load_gather(xb, [rb64 + c])
                acc_f = acc_f + xk * wsk_v[k]
            for k in range(NUM_RF):
                c = jnp.bitwise_and(rot5 + k, NUM_RF - 1)
                xk = plsc.load_gather(xb, [rb64 + c])
                bk = plsc.load_gather(rows, [r, c])
                acc_r = acc_r + xk * bk
            plsc.store_scatter(yb, [r], acc_f + acc_r + bias)
            return carry

        lax.fori_loop(0, _GRP, group, 0)
        pltpu.sync_copy(yb, out_hbm.at[pl.ds(base + ch * _CHUNK, _CHUNK)])

    for b in range(_NBUF):
        start_chunk(b, b)

    def ring(g, carry):
        for b in range(_NBUF):
            ch = g * _NBUF + b
            gcp, xcp = copies(ch, b)
            gcp.wait()
            xcp.wait()
            compute_chunk(ch, b)

            @pl.when(ch + _NBUF < nch)
            def _():
                start_chunk(ch + _NBUF, b)
        return carry

    lax.fori_loop(0, nch // _NBUF, ring, 0)


@jax.jit
def _sc_all(group_ids, table, xflat, wskew, bias):
    mesh = plsc.VectorSubcoreMesh(core_axis_name="c", subcore_axis_name="s")
    return pl.kernel(
        _body,
        out_type=jax.ShapeDtypeStruct((N,), jnp.float32),
        mesh=mesh,
        compiler_params=pltpu.CompilerParams(use_tc_tiling_on_sc=False,
                                             needs_layout_passes=False),
        scratch_types=[
            pltpu.VMEM((_RPW,), jnp.int32),
            pltpu.VMEM((_NBUF, _CHUNK, RANK_PAD), jnp.float32),
            pltpu.VMEM((_NBUF, _CHUNK * F), jnp.float32),
            pltpu.VMEM((_CHUNK,), jnp.float32),
            pltpu.VMEM((F, 16), jnp.float32),
            pltpu.VMEM((16,), jnp.float32),
            pltpu.SemaphoreType.DMA((_NBUF,)),
            pltpu.SemaphoreType.DMA((_NBUF,)),
        ],
    )(group_ids, table, xflat, wskew, bias)


def kernel(X, group_ids, res_per_gf, W, b):
    G = res_per_gf.shape[0]
    table = jnp.concatenate(
        [res_per_gf[:, 1:], res_per_gf[:, :1],
         jnp.zeros((G, RANK_PAD - RANK), jnp.float32)],
        axis=1)
    w0 = W.reshape(F)
    skew_idx = (jnp.arange(F)[:, None] + 5 * jnp.arange(16)[None, :]) % F
    wskew = w0[skew_idx]
    bias = jnp.concatenate([b.reshape(1), jnp.zeros((15,), jnp.float32)])
    return _sc_all(group_ids.astype(jnp.int32), table, X.reshape(N * F),
                   wskew, bias)

# --- scband reference (transcript-rebuilt; emitter-appended) ---
"""Pipeline reference for scband-mixed-effects-module-26860725469654 (READ-ONLY COPY).

The authoritative reference and input builder live on the scoring server;
editing this copy changes nothing except your own understanding.
"""

import jax, jax.numpy as jnp
import numpy as np

N = 262144
F = 64
G = 10000
NUM_FF = 64
NUM_RF = 16
RANK = NUM_RF + 1


def setup_inputs(seed: int = 0) -> dict:
    key = jax.random.key(seed)
    k1, k2, k3, k4 = jax.random.split(key, 4)
    X = jax.random.normal(k1, (N, F), dtype=jnp.float32)
    group_ids = jax.random.randint(k2, (N,), 0, G)
    res_per_gf = jax.random.normal(k3, (G, RANK), dtype=jnp.float32)
    # fixed_effects_nn = torch.nn.Linear(num_fixed_features, 1) with weight ~ 0.01*randn
    W = 0.01 * jax.random.normal(k4, (1, NUM_FF), dtype=jnp.float32)
    b = jnp.zeros((1,), dtype=jnp.float32)
    return {"X": X, "group_ids": group_ids, "res_per_gf": res_per_gf, "W": W, "b": b}


def reference(X, group_ids, res_per_gf, W, b):
    # Fixed effects: Linear(64 -> 1) applied to X[:, ff_idx], ff_idx = range(64)
    yhat_f = (X[:, :NUM_FF] @ W.T + b).reshape(-1)
    # Random effects (_get_yhat_r), single grouping factor 'group', rf_idx = range(16):
    # Xr = [1, X[:, rf_idx]]  -> [N, 17]
    Xr = jnp.concatenate([jnp.ones((X.shape[0], 1), dtype=X.dtype), X[:, :NUM_RF]], axis=1)
    # np.unique(group_ids, return_inverse=True): with all G groups present, the
    # inverse index equals group_ids itself (sorted unique = 0..G-1).
    betas_broad = jnp.take(res_per_gf, group_ids, axis=0)  # gather [N, 17]
    yhat_r = (Xr * betas_broad).sum(axis=1)
    return yhat_f + yhat_r

if __name__ == "__main__":
    import jax
    _d = setup_inputs()
    print(jax.jit(kernel)(*tuple(_d.values())))

</pallas_src>

<mosaic_0001>
#map = affine_map<(d0, d1) -> (0)>
#map1 = affine_map<(d0, d1) -> (0, 0)>
module attributes {stable_mosaic.version = 14 : i64} {
  func.func @_body(%arg0: i32, %arg1: i32, %arg2: memref<262144xi32, #tpu.memory_space<hbm>>, %arg3: memref<10000x24xf32, #tpu.memory_space<hbm>>, %arg4: memref<16777216xf32, #tpu.memory_space<hbm>>, %arg5: memref<64x16xf32, #tpu.memory_space<hbm>>, %arg6: memref<16xf32, #tpu.memory_space<hbm>>, %arg7: memref<262144xf32, #tpu.memory_space<hbm>>, %arg8: memref<8192xi32, #tpu.memory_space<vmem>>, %arg9: memref<2x512x24xf32, #tpu.memory_space<vmem>>, %arg10: memref<2x32768xf32, #tpu.memory_space<vmem>>, %arg11: memref<512xf32, #tpu.memory_space<vmem>>, %arg12: memref<64x16xf32, #tpu.memory_space<vmem>>, %arg13: memref<16xf32, #tpu.memory_space<vmem>>, %arg14: memref<2x!tpu.dma_semaphore, #tpu.memory_space<semaphore_mem>>, %arg15: memref<2x!tpu.dma_semaphore, #tpu.memory_space<semaphore_mem>>) attributes {dimension_semantics = [#tpu.dimension_semantics<core_parallel>, #tpu.dimension_semantics<subcore_parallel>], iteration_bounds = array<i64: 2, 16>, scalar_prefetch = 0 : i64, scratch_operands = 8 : i64, tpu.core_type = #tpu.core_type<sc_vector_subcore>, window_params = [{transform_indices = #map}, {transform_indices = #map1}, {transform_indices = #map}, {transform_indices = #map1}, {transform_indices = #map}, {transform_indices = #map}]} {
    %mul3A = arith.constant 2 : i32
    %mul3A_0 = arith.muli %arg1, %mul3A : i32
    %add3A = arith.addi %mul3A_0, %arg0 : i32
    %mul3A_1 = arith.constant 8192 : i32
    %mul3A_2 = arith.muli %add3A, %mul3A_1 : i32
    "tpu.region"() ({
      %run_scoped3A = tpu.sem_alloc : memref<!tpu.dma_semaphore, #tpu.memory_space<semaphore_mem>>
      %dma_start3A_73 = tpu.memref_slice %arg2[%mul3A_2] : memref<262144xi32, #tpu.memory_space<hbm>> -> memref<8192xi32, #tpu.memory_space<hbm>>
      %dma_start3A_74 = tpu.memref_slice %arg2[%mul3A_2] : memref<262144xi32, #tpu.memory_space<hbm>> -> memref<8192xi32, #tpu.memory_space<hbm>>
      tpu.enqueue_dma source(%dma_start3A_74 : memref<8192xi32, #tpu.memory_space<hbm>>) target(%arg8 : memref<8192xi32, #tpu.memory_space<vmem>>) target_semaphore(%run_scoped3A : memref<!tpu.dma_semaphore, #tpu.memory_space<semaphore_mem>>)
      %dma_wait3A = tpu.memref_slice %arg2[%mul3A_2] : memref<262144xi32, #tpu.memory_space<hbm>> -> memref<8192xi32, #tpu.memory_space<hbm>>
      %dma_wait3A_75 = tpu.memref_slice %arg2[%mul3A_2] : memref<262144xi32, #tpu.memory_space<hbm>> -> memref<8192xi32, #tpu.memory_space<hbm>>
      tpu.wait_dma2 semaphore(%run_scoped3A : memref<!tpu.dma_semaphore, #tpu.memory_space<semaphore_mem>>) src(%dma_wait3A_75 : memref<8192xi32, #tpu.memory_space<hbm>>) dst(%arg8 : memref<8192xi32, #tpu.memory_space<vmem>>)
      tpu.yield
    }) : () -> ()
    "tpu.region"() ({
      %run_scoped3A = tpu.sem_alloc : memref<!tpu.dma_semaphore, #tpu.memory_space<semaphore_mem>>
      tpu.enqueue_dma source(%arg5 : memref<64x16xf32, #tpu.memory_space<hbm>>) target(%arg12 : memref<64x16xf32, #tpu.memory_space<vmem>>) target_semaphore(%run_scoped3A : memref<!tpu.dma_semaphore, #tpu.memory_space<semaphore_mem>>)
      tpu.wait_dma2 semaphore(%run_scoped3A : memref<!tpu.dma_semaphore, #tpu.memory_space<semaphore_mem>>) src(%arg5 : memref<64x16xf32, #tpu.memory_space<hbm>>) dst(%arg12 : memref<64x16xf32, #tpu.memory_space<vmem>>)
      tpu.yield
    }) : () -> ()
    "tpu.region"() ({
      %run_scoped3A = tpu.sem_alloc : memref<!tpu.dma_semaphore, #tpu.memory_space<semaphore_mem>>
      tpu.enqueue_dma source(%arg6 : memref<16xf32, #tpu.memory_space<hbm>>) target(%arg13 : memref<16xf32, #tpu.memory_space<vmem>>) target_semaphore(%run_scoped3A : memref<!tpu.dma_semaphore, #tpu.memory_space<semaphore_mem>>)
      tpu.wait_dma2 semaphore(%run_scoped3A : memref<!tpu.dma_semaphore, #tpu.memory_space<semaphore_mem>>) src(%arg6 : memref<16xf32, #tpu.memory_space<hbm>>) dst(%arg13 : memref<16xf32, #tpu.memory_space<vmem>>)
      tpu.yield
    }) : () -> ()
    %get3A = arith.constant 0 : index
    %get3A_3 = tpu.vector_load %arg13[%get3A] {strides = array<i32>} : memref<16xf32, #tpu.memory_space<vmem>>, vector<16xf32>,
    %slice3A = vector.extract_strided_slice %get3A_3 {offsets = [0], sizes = [1], strides = [1]} : vector<16xf32> to vector<1xf32>
    %squeeze3A = vector.extract %slice3A[0] : f32 from vector<1xf32>
    %iota3A = tpu.iota {dimensions = array<i32: 0>} : vector<16xi32>
    %mul3A_4 = arith.constant 64 : i32
    %mul3A_5 = vector.broadcast %mul3A_4 : i32 to vector<16xi32>
    %mul3A_6 = arith.muli %iota3A, %mul3A_5 : vector<16xi32>
    %mul3A_7 = arith.constant 5 : i32
    %mul3A_8 = vector.broadcast %mul3A_7 : i32 to vector<16xi32>
    %mul3A_9 = arith.muli %iota3A, %mul3A_8 : vector<16xi32>
    %broadcast_in_dim3A = arith.constant 16 : i32
    %broadcast_in_dim3A_10 = vector.broadcast %broadcast_in_dim3A : i32 to vector<16xi32>
    %add3A_11 = arith.constant 0 : i32
    %add3A_12 = arith.addi %mul3A_2, %add3A_11 : i32
    %mul3A_13 = arith.constant 64 : i32
    %mul3A_14 = arith.muli %add3A_12, %mul3A_13 : i32
    %dma_start3A = arith.constant 0 : i32
    %dma_start3A_15 = arith.constant 0 : i32
    %dma_start3A_16 = arith.constant 0 : i32
    %dma_start3A_17 = arith.constant 0 : i32
    %dma_start3A_18 = tpu.memref_slice %arg9[%dma_start3A, %dma_start3A_16, %dma_start3A_17] : memref<2x512x24xf32, #tpu.memory_space<vmem>> -> memref<1x512x24xf32, #tpu.memory_space<vmem>>
    %dma_start3A_19 = tpu.memref_squeeze %dma_start3A_18 : memref<1x512x24xf32, #tpu.memory_space<vmem>> -> memref<512x24xf32, #tpu.memory_space<vmem>>
    %dma_start3A_20 = arith.constant 0 : i32
    %dma_start3A_21 = tpu.memref_slice %arg8[%dma_start3A_20] : memref<8192xi32, #tpu.memory_space<vmem>> -> memref<512xi32, #tpu.memory_space<vmem>>
    %dma_start3A_22 = arith.constant 0 : i32
    %dma_start3A_23 = arith.constant 0 : i32
    %dma_start3A_24 = tpu.memref_slice %arg3[%dma_start3A_22, %dma_start3A_23] : memref<10000x24xf32, #tpu.memory_space<hbm>> -> memref<10000x24xf32, #tpu.memory_space<hbm>>
    %dma_start3A_25 = tpu.memref_slice %arg14[%dma_start3A_15] : memref<2x!tpu.dma_semaphore, #tpu.memory_space<semaphore_mem>> -> memref<1x!tpu.dma_semaphore, #tpu.memory_space<semaphore_mem>>
    %dma_start3A_26 = tpu.memref_squeeze %dma_start3A_25 : memref<1x!tpu.dma_semaphore, #tpu.memory_space<semaphore_mem>> -> memref<!tpu.dma_semaphore, #tpu.memory_space<semaphore_mem>>
    tpu.enqueue_indirect_dma source(%dma_start3A_24 : memref<10000x24xf32, #tpu.memory_space<hbm>>) target(%dma_start3A_19 : memref<512x24xf32, #tpu.memory_space<vmem>>) offsets(%dma_start3A_21 : memref<512xi32, #tpu.memory_space<vmem>>) semaphore(%dma_start3A_26 : memref<!tpu.dma_semaphore, #tpu.memory_space<semaphore_mem>>)
    %dma_start3A_27 = arith.constant 0 : i32
    %dma_start3A_28 = arith.constant 0 : i32
    %dma_start3A_29 = arith.constant 0 : i32
    %dma_start3A_30 = tpu.memref_slice %arg10[%dma_start3A_27, %dma_start3A_29] : memref<2x32768xf32, #tpu.memory_space<vmem>> -> memref<1x32768xf32, #tpu.memory_space<vmem>>
    %dma_start3A_31 = tpu.memref_squeeze %dma_start3A_30 : memref<1x32768xf32, #tpu.memory_space<vmem>> -> memref<32768xf32, #tpu.memory_space<vmem>>
    %dma_start3A_32 = tpu.memref_slice %arg4[%mul3A_14] : memref<16777216xf32, #tpu.memory_space<hbm>> -> memref<32768xf32, #tpu.memory_space<hbm>>
    %dma_start3A_33 = tpu.memref_slice %arg15[%dma_start3A_28] : memref<2x!tpu.dma_semaphore, #tpu.memory_space<semaphore_mem>> -> memref<1x!tpu.dma_semaphore, #tpu.memory_space<semaphore_mem>>
    %dma_start3A_34 = tpu.memref_squeeze %dma_start3A_33 : memref<1x!tpu.dma_semaphore, #tpu.memory_space<semaphore_mem>> -> memref<!tpu.dma_semaphore, #tpu.memory_space<semaphore_mem>>
    %dma_start3A_35 = arith.constant 0 : i32
    %dma_start3A_36 = tpu.memref_slice %arg10[%dma_start3A_27, %dma_start3A_35] : memref<2x32768xf32, #tpu.memory_space<vmem>> -> memref<1x32768xf32, #tpu.memory_space<vmem>>
    %dma_start3A_37 = tpu.memref_squeeze %dma_start3A_36 : memref<1x32768xf32, #tpu.memory_space<vmem>> -> memref<32768xf32, #tpu.memory_space<vmem>>
    %dma_start3A_38 = tpu.memref_slice %arg4[%mul3A_14] : memref<16777216xf32, #tpu.memory_space<hbm>> -> memref<32768xf32, #tpu.memory_space<hbm>>
    tpu.enqueue_dma source(%dma_start3A_38 : memref<32768xf32, #tpu.memory_space<hbm>>) target(%dma_start3A_37 : memref<32768xf32, #tpu.memory_space<vmem>>) target_semaphore(%dma_start3A_34 : memref<!tpu.dma_semaphore, #tpu.memory_space<semaphore_mem>>)
    %add3A_39 = arith.constant 512 : i32
    %add3A_40 = arith.addi %mul3A_2, %add3A_39 : i32
    %mul3A_41 = arith.constant 64 : i32
    %mul3A_42 = arith.muli %add3A_40, %mul3A_41 : i32
    %dma_start3A_43 = arith.constant 1 : i32
    %dma_start3A_44 = arith.constant 1 : i32
    %dma_start3A_45 = arith.constant 0 : i32
    %dma_start3A_46 = arith.constant 0 : i32
    %dma_start3A_47 = tpu.memref_slice %arg9[%dma_start3A_43, %dma_start3A_45, %dma_start3A_46] : memref<2x512x24xf32, #tpu.memory_space<vmem>> -> memref<1x512x24xf32, #tpu.memory_space<vmem>>
    %dma_start3A_48 = tpu.memref_squeeze %dma_start3A_47 : memref<1x512x24xf32, #tpu.memory_space<vmem>> -> memref<512x24xf32, #tpu.memory_space<vmem>>
    %dma_start3A_49 = arith.constant 512 : i32
    %dma_start3A_50 = tpu.memref_slice %arg8[%dma_start3A_49] : memref<8192xi32, #tpu.memory_space<vmem>> -> memref<512xi32, #tpu.memory_space<vmem>>
    %dma_start3A_51 = arith.constant 0 : i32
    %dma_start3A_52 = arith.constant 0 : i32
    %dma_start3A_53 = tpu.memref_slice %arg3[%dma_start3A_51, %dma_start3A_52] : memref<10000x24xf32, #tpu.memory_space<hbm>> -> memref<10000x24xf32, #tpu.memory_space<hbm>>
    %dma_start3A_54 = tpu.memref_slice %arg14[%dma_start3A_44] : memref<2x!tpu.dma_semaphore, #tpu.memory_space<semaphore_mem>> -> memref<1x!tpu.dma_semaphore, #tpu.memory_space<semaphore_mem>>
    %dma_start3A_55 = tpu.memref_squeeze %dma_start3A_54 : memref<1x!tpu.dma_semaphore, #tpu.memory_space<semaphore_mem>> -> memref<!tpu.dma_semaphore, #tpu.memory_space<semaphore_mem>>
    tpu.enqueue_indirect_dma source(%dma_start3A_53 : memref<10000x24xf32, #tpu.memory_space<hbm>>) target(%dma_start3A_48 : memref<512x24xf32, #tpu.memory_space<vmem>>) offsets(%dma_start3A_50 : memref<512xi32, #tpu.memory_space<vmem>>) semaphore(%dma_start3A_55 : memref<!tpu.dma_semaphore, #tpu.memory_space<semaphore_mem>>)
    %dma_start3A_56 = arith.constant 1 : i32
    %dma_start3A_57 = arith.constant 1 : i32
    %dma_start3A_58 = arith.constant 0 : i32
    %dma_start3A_59 = tpu.memref_slice %arg10[%dma_start3A_56, %dma_start3A_58] : memref<2x32768xf32, #tpu.memory_space<vmem>> -> memref<1x32768xf32, #tpu.memory_space<vmem>>
    %dma_start3A_60 = tpu.memref_squeeze %dma_start3A_59 : memref<1x32768xf32, #tpu.memory_space<vmem>> -> memref<32768xf32, #tpu.memory_space<vmem>>
    %dma_start3A_61 = tpu.memref_slice %arg4[%mul3A_42] : memref<16777216xf32, #tpu.memory_space<hbm>> -> memref<32768xf32, #tpu.memory_space<hbm>>
    %dma_start3A_62 = tpu.memref_slice %arg15[%dma_start3A_57] : memref<2x!tpu.dma_semaphore, #tpu.memory_space<semaphore_mem>> -> memref<1x!tpu.dma_semaphore, #tpu.memory_space<semaphore_mem>>
    %dma_start3A_63 = tpu.memref_squeeze %dma_start3A_62 : memref<1x!tpu.dma_semaphore, #tpu.memory_space<semaphore_mem>> -> memref<!tpu.dma_semaphore, #tpu.memory_space<semaphore_mem>>
    %dma_start3A_64 = arith.constant 0 : i32
    %dma_start3A_65 = tpu.memref_slice %arg10[%dma_start3A_56, %dma_start3A_64] : memref<2x32768xf32, #tpu.memory_space<vmem>> -> memref<1x32768xf32, #tpu.memory_space<vmem>>
    %dma_start3A_66 = tpu.memref_squeeze %dma_start3A_65 : memref<1x32768xf32, #tpu.memory_space<vmem>> -> memref<32768xf32, #tpu.memory_space<vmem>>
    %dma_start3A_67 = tpu.memref_slice %arg4[%mul3A_42] : memref<16777216xf32, #tpu.memory_space<hbm>> -> memref<32768xf32, #tpu.memory_space<hbm>>
    tpu.enqueue_dma source(%dma_start3A_67 : memref<32768xf32, #tpu.memory_space<hbm>>) target(%dma_start3A_66 : memref<32768xf32, #tpu.memory_space<vmem>>) target_semaphore(%dma_start3A_63 : memref<!tpu.dma_semaphore, #tpu.memory_space<semaphore_mem>>)
    %scan3A = arith.constant 0 : i32
    %scan3A_68 = arith.constant 0 : i32
    %scan3A_69 = arith.constant 8 : i32
    %scan3A_70 = arith.addi %scan3A_68, %scan3A_69 : i32
    %scan3A_71 = arith.constant 1 : i32
    scf.for %scan3A_73 = %scan3A_68 to %scan3A_70 step %scan3A_71  : i32 {
      %mul3A_74 = arith.constant 2 : i32
      %mul3A_75 = arith.muli %scan3A_73, %mul3A_74 : i32
      %add3A_76 = arith.constant 0 : i32
      %add3A_77 = arith.addi %mul3A_75, %add3A_76 : i32
      %mul3A_78 = arith.constant 512 : i32
      %mul3A_79 = arith.muli %add3A_77, %mul3A_78 : i32
      %mul3A_80 = arith.constant 512 : i32
      %mul3A_81 = arith.muli %add3A_77, %mul3A_80 : i32
      %add3A_82 = arith.addi %mul3A_2, %mul3A_81 : i32
      %mul3A_83 = arith.constant 64 : i32
      %mul3A_84 = arith.muli %add3A_82, %mul3A_83 : i32
      %dma_wait3A = arith.constant 0 : i32
      %dma_wait3A_85 = arith.constant 0 : i32
      %dma_wait3A_86 = arith.constant 0 : i32
      %dma_wait3A_87 = arith.constant 0 : i32
      %dma_wait3A_88 = tpu.memref_slice %arg9[%dma_wait3A, %dma_wait3A_86, %dma_wait3A_87] : memref<2x512x24xf32, #tpu.memory_space<vmem>> -> memref<1x512x24xf32, #tpu.memory_space<vmem>>
      %dma_wait3A_89 = tpu.memref_squeeze %dma_wait3A_88 : memref<1x512x24xf32, #tpu.memory_space<vmem>> -> memref<512x24xf32, #tpu.memory_space<vmem>>
      %dma_wait3A_90 = tpu.memref_slice %arg8[%mul3A_79] : memref<8192xi32, #tpu.memory_space<vmem>> -> memref<512xi32, #tpu.memory_space<vmem>>
      %dma_wait3A_91 = arith.constant 0 : i32
      %dma_wait3A_92 = arith.constant 0 : i32
      %dma_wait3A_93 = tpu.memref_slice %arg3[%dma_wait3A_91, %dma_wait3A_92] : memref<10000x24xf32, #tpu.memory_space<hbm>> -> memref<10000x24xf32, #tpu.memory_space<hbm>>
      %dma_wait3A_94 = tpu.memref_slice %arg14[%dma_wait3A_85] : memref<2x!tpu.dma_semaphore, #tpu.memory_space<semaphore_mem>> -> memref<1x!tpu.dma_semaphore, #tpu.memory_space<semaphore_mem>>
      %dma_wait3A_95 = tpu.memref_squeeze %dma_wait3A_94 : memref<1x!tpu.dma_semaphore, #tpu.memory_space<semaphore_mem>> -> memref<!tpu.dma_semaphore, #tpu.memory_space<semaphore_mem>>
      tpu.wait_indirect_dma semaphore(%dma_wait3A_95 : memref<!tpu.dma_semaphore, #tpu.memory_space<semaphore_mem>>) src(%dma_wait3A_93 : memref<10000x24xf32, #tpu.memory_space<hbm>>) dst(%dma_wait3A_89 : memref<512x24xf32, #tpu.memory_space<vmem>>)
      %dma_wait3A_96 = arith.constant 0 : i32
      %dma_wait3A_97 = arith.constant 0 : i32
      %dma_wait3A_98 = arith.constant 0 : i32
      %dma_wait3A_99 = tpu.memref_slice %arg10[%dma_wait3A_96, %dma_wait3A_98] : memref<2x32768xf32, #tpu.memory_space<vmem>> -> memref<1x32768xf32, #tpu.memory_space<vmem>>
      %dma_wait3A_100 = tpu.memref_squeeze %dma_wait3A_99 : memref<1x32768xf32, #tpu.memory_space<vmem>> -> memref<32768xf32, #tpu.memory_space<vmem>>
      %dma_wait3A_101 = tpu.memref_slice %arg4[%mul3A_84] : memref<16777216xf32, #tpu.memory_space<hbm>> -> memref<32768xf32, #tpu.memory_space<hbm>>
      %dma_wait3A_102 = tpu.memref_slice %arg15[%dma_wait3A_97] : memref<2x!tpu.dma_semaphore, #tpu.memory_space<semaphore_mem>> -> memref<1x!tpu.dma_semaphore, #tpu.memory_space<semaphore_mem>>
      %dma_wait3A_103 = tpu.memref_squeeze %dma_wait3A_102 : memref<1x!tpu.dma_semaphore, #tpu.memory_space<semaphore_mem>> -> memref<!tpu.dma_semaphore, #tpu.memory_space<semaphore_mem>>
      %dma_wait3A_104 = arith.constant 0 : i32
      %dma_wait3A_105 = tpu.memref_slice %arg10[%dma_wait3A_96, %dma_wait3A_104] : memref<2x32768xf32, #tpu.memory_space<vmem>> -> memref<1x32768xf32, #tpu.memory_space<vmem>>
      %dma_wait3A_106 = tpu.memref_squeeze %dma_wait3A_105 : memref<1x32768xf32, #tpu.memory_space<vmem>> -> memref<32768xf32, #tpu.memory_space<vmem>>
      %dma_wait3A_107 = tpu.memref_slice %arg4[%mul3A_84] : memref<16777216xf32, #tpu.memory_space<hbm>> -> memref<32768xf32, #tpu.memory_space<hbm>>
      tpu.wait_dma2 semaphore(%dma_wait3A_103 : memref<!tpu.dma_semaphore, #tpu.memory_space<semaphore_mem>>) src(%dma_wait3A_107 : memref<32768xf32, #tpu.memory_space<hbm>>) dst(%dma_wait3A_106 : memref<32768xf32, #tpu.memory_space<vmem>>)
      %scan3A_108 = arith.constant 0 : i32
      %scan3A_109 = arith.constant 0 : i32
      %scan3A_110 = arith.constant 0 : i32
      %scan3A_111 = arith.constant 0 : i32
      %scan3A_112 = arith.constant 32 : i32
      %scan3A_113 = arith.addi %scan3A_111, %scan3A_112 : i32
      %scan3A_114 = arith.constant 1 : i32
      scf.for %scan3A_176 = %scan3A_111 to %scan3A_113 step %scan3A_114  : i32 {
        %mul3A_177 = arith.constant 16 : i32
        %mul3A_178 = arith.muli %scan3A_176, %mul3A_177 : i32
        %add3A_179 = vector.broadcast %mul3A_178 : i32 to vector<16xi32>
        %add3A_180 = arith.addi %add3A_179, %iota3A : vector<16xi32>
        %mul3A_181 = arith.constant 1024 : i32
        %mul3A_182 = arith.muli %scan3A_176, %mul3A_181 : i32
        %add3A_183 = vector.broadcast %mul3A_182 : i32 to vector<16xi32>
        %add3A_184 = arith.addi %add3A_183, %mul3A_6 : vector<16xi32>
        %gather3A = arith.constant 0 : i32
        %gather3A_185 = arith.constant 0 : i32
        %gather3A_186 = tpu.memref_slice %arg9[%scan3A_109, %gather3A, %gather3A_185] : memref<2x512x24xf32, #tpu.memory_space<vmem>> -> memref<1x512x24xf32, #tpu.memory_space<vmem>>
        %gather3A_187 = tpu.memref_squeeze %gather3A_186 : memref<1x512x24xf32, #tpu.memory_space<vmem>> -> memref<512x24xf32, #tpu.memory_space<vmem>>
        %gather3A_188 = tpu.vector_load_idx %gather3A_187[%add3A_180, %broadcast_in_dim3A_10] : memref<512x24xf32, #tpu.memory_space<vmem>>[vector<16xi32>, vector<16xi32>], vector<16xf32>,
        %broadcast_in_dim3A_189 = arith.constant 0.000000e+00 : f32
        %broadcast_in_dim3A_190 = vector.broadcast %broadcast_in_dim3A_189 : f32 to vector<16xf32>
        %add3A_191 = arith.constant 0 : i32
        %add3A_192 = vector.broadcast %add3A_191 : i32 to vector<16xi32>
        %add3A_193 = arith.addi %mul3A_9, %add3A_192 : vector<16xi32>
        %and3A = arith.constant 63 : i32
        %and3A_194 = vector.broadcast %and3A : i32 to vector<16xi32>
        %and3A_195 = arith.andi %add3A_193, %and3A_194 : vector<16xi32>
        %add3A_196 = arith.addi %add3A_184, %and3A_195 : vector<16xi32>
        %gather3A_197 = arith.constant 0 : i32
        %gather3A_198 = tpu.memref_slice %arg10[%scan3A_110, %gather3A_197] : memref<2x32768xf32, #tpu.memory_space<vmem>> -> memref<1x32768xf32, #tpu.memory_space<vmem>>
        %gather3A_199 = tpu.memref_squeeze %gather3A_198 : memref<1x32768xf32, #tpu.memory_space<vmem>> -> memref<32768xf32, #tpu.memory_space<vmem>>
        %gather3A_200 = tpu.vector_load_idx %gather3A_199[%add3A_196] : memref<32768xf32, #tpu.memory_space<vmem>>[vector<16xi32>], vector<16xf32>,
        %get3A_201 = arith.constant 0 : i32
        %get3A_202 = arith.index_cast %get3A_201 : i32 to index
        %get3A_203 = arith.constant 0 : index
        %get3A_204 = tpu.vector_load %arg12[%get3A_202, %get3A_203] {strides = array<i32>} : memref<64x16xf32, #tpu.memory_space<vmem>>, vector<16xf32>,
        %mul3A_205 = arith.mulf %gather3A_200, %get3A_204 : vector<16xf32>
        %add3A_206 = arith.addf %broadcast_in_dim3A_190, %mul3A_205 : vector<16xf32>
        %add3A_207 = arith.constant 1 : i32
        %add3A_208 = vector.broadcast %add3A_207 : i32 to vector<16xi32>
        %add3A_209 = arith.addi %mul3A_9, %add3A_208 : vector<16xi32>
        %and3A_210 = arith.constant 63 : i32
        %and3A_211 = vector.broadcast %and3A_210 : i32 to vector<16xi32>
        %and3A_212 = arith.andi %add3A_209, %and3A_211 : vector<16xi32>
        %add3A_213 = arith.addi %add3A_184, %and3A_212 : vector<16xi32>
        %gather3A_214 = arith.constant 0 : i32
        %gather3A_215 = tpu.memref_slice %arg10[%scan3A_110, %gather3A_214] : memref<2x32768xf32, #tpu.memory_space<vmem>> -> memref<1x32768xf32, #tpu.memory_space<vmem>>
        %gather3A_216 = tpu.memref_squeeze %gather3A_215 : memref<1x32768xf32, #tpu.memory_space<vmem>> -> memref<32768xf32, #tpu.memory_space<vmem>>
        %gather3A_217 = tpu.vector_load_idx %gather3A_216[%add3A_213] : memref<32768xf32, #tpu.memory_space<vmem>>[vector<16xi32>], vector<16xf32>,
        %get3A_218 = arith.constant 1 : i32
        %get3A_219 = arith.index_cast %get3A_218 : i32 to index
        %get3A_220 = arith.constant 0 : index
        %get3A_221 = tpu.vector_load %arg12[%get3A_219, %get3A_220] {strides = array<i32>} : memref<64x16xf32, #tpu.memory_space<vmem>>, vector<16xf32>,
        %mul3A_222 = arith.mulf %gather3A_217, %get3A_221 : vector<16xf32>
        %add3A_223 = arith.addf %add3A_206, %mul3A_222 : vector<16xf32>
        %add3A_224 = arith.constant 2 : i32
        %add3A_225 = vector.broadcast %add3A_224 : i32 to vector<16xi32>
        %add3A_226 = arith.addi %mul3A_9, %add3A_225 : vector<16xi32>
        %and3A_227 = arith.constant 63 : i32
        %and3A_228 = vector.broadcast %and3A_227 : i32 to vector<16xi32>
        %and3A_229 = arith.andi %add3A_226, %and3A_228 : vector<16xi32>
        %add3A_230 = arith.addi %add3A_184, %and3A_229 : vector<16xi32>
        %gather3A_231 = arith.constant 0 : i32
        %gather3A_232 = tpu.memref_slice %arg10[%scan3A_110, %gather3A_231] : memref<2x32768xf32, #tpu.memory_space<vmem>> -> memref<1x32768xf32, #tpu.memory_space<vmem>>
        %gather3A_233 = tpu.memref_squeeze %gather3A_232 : memref<1x32768xf32, #tpu.memory_space<vmem>> -> memref<32768xf32, #tpu.memory_space<vmem>>
        %gather3A_234 = tpu.vector_load_idx %gather3A_233[%add3A_230] : memref<32768xf32, #tpu.memory_space<vmem>>[vector<16xi32>], vector<16xf32>,
        %get3A_235 = arith.constant 2 : i32
        %get3A_236 = arith.index_cast %get3A_235 : i32 to index
        %get3A_237 = arith.constant 0 : index
        %get3A_238 = tpu.vector_load %arg12[%get3A_236, %get3A_237] {strides = array<i32>} : memref<64x16xf32, #tpu.memory_space<vmem>>, vector<16xf32>,
        %mul3A_239 = arith.mulf %gather3A_234, %get3A_238 : vector<16xf32>
        %add3A_240 = arith.addf %add3A_223, %mul3A_239 : vector<16xf32>
        %add3A_241 = arith.constant 3 : i32
        %add3A_242 = vector.broadcast %add3A_241 : i32 to vector<16xi32>
        %add3A_243 = arith.addi %mul3A_9, %add3A_242 : vector<16xi32>
        %and3A_244 = arith.constant 63 : i32
        %and3A_245 = vector.broadcast %and3A_244 : i32 to vector<16xi32>
        %and3A_246 = arith.andi %add3A_243, %and3A_245 : vector<16xi32>
        %add3A_247 = arith.addi %add3A_184, %and3A_246 : vector<16xi32>
        %gather3A_248 = arith.constant 0 : i32
        %gather3A_249 = tpu.memref_slice %arg10[%scan3A_110, %gather3A_248] : memref<2x32768xf32, #tpu.memory_space<vmem>> -> memref<1x32768xf32, #tpu.memory_space<vmem>>
        %gather3A_250 = tpu.memref_squeeze %gather3A_249 : memref<1x32768xf32, #tpu.memory_space<vmem>> -> memref<32768xf32, #tpu.memory_space<vmem>>
        %gather3A_251 = tpu.vector_load_idx %gather3A_250[%add3A_247] : memref<32768xf32, #tpu.memory_space<vmem>>[vector<16xi32>], vector<16xf32>,
        %get3A_252 = arith.constant 3 : i32
        %get3A_253 = arith.index_cast %get3A_252 : i32 to index
        %get3A_254 = arith.constant 0 : index
        %get3A_255 = tpu.vector_load %arg12[%get3A_253, %get3A_254] {strides = array<i32>} : memref<64x16xf32, #tpu.memory_space<vmem>>, vector<16xf32>,
        %mul3A_256 = arith.mulf %gather3A_251, %get3A_255 : vector<16xf32>
        %add3A_257 = arith.addf %add3A_240, %mul3A_256 : vector<16xf32>
        %add3A_258 = arith.constant 4 : i32
        %add3A_259 = vector.broadcast %add3A_258 : i32 to vector<16xi32>
        %add3A_260 = arith.addi %mul3A_9, %add3A_259 : vector<16xi32>
        %and3A_261 = arith.constant 63 : i32
        %and3A_262 = vector.broadcast %and3A_261 : i32 to vector<16xi32>
        %and3A_263 = arith.andi %add3A_260, %and3A_262 : vector<16xi32>
        %add3A_264 = arith.addi %add3A_184, %and3A_263 : vector<16xi32>
        %gather3A_265 = arith.constant 0 : i32
        %gather3A_266 = tpu.memref_slice %arg10[%scan3A_110, %gather3A_265] : memref<2x32768xf32, #tpu.memory_space<vmem>> -> memref<1x32768xf32, #tpu.memory_space<vmem>>
        %gather3A_267 = tpu.memref_squeeze %gather3A_266 : memref<1x32768xf32, #tpu.memory_space<vmem>> -> memref<32768xf32, #tpu.memory_space<vmem>>
        %gather3A_268 = tpu.vector_load_idx %gather3A_267[%add3A_264] : memref<32768xf32, #tpu.memory_space<vmem>>[vector<16xi32>], vector<16xf32>,
        %get3A_269 = arith.constant 4 : i32
        %get3A_270 = arith.index_cast %get3A_269 : i32 to index
        %get3A_271 = arith.constant 0 : index
        %get3A_272 = tpu.vector_load %arg12[%get3A_270, %get3A_271] {strides = array<i32>} : memref<64x16xf32, #tpu.memory_space<vmem>>, vector<16xf32>,
        %mul3A_273 = arith.mulf %gather3A_268, %get3A_272 : vector<16xf32>
        %add3A_274 = arith.addf %add3A_257, %mul3A_273 : vector<16xf32>
        %add3A_275 = arith.constant 5 : i32
        %add3A_276 = vector.broadcast %add3A_275 : i32 to vector<16xi32>
        %add3A_277 = arith.addi %mul3A_9, %add3A_276 : vector<16xi32>
        %and3A_278 = arith.constant 63 : i32
        %and3A_279 = vector.broadcast %and3A_278 : i32 to vector<16xi32>
        %and3A_280 = arith.andi %add3A_277, %and3A_279 : vector<16xi32>
        %add3A_281 = arith.addi %add3A_184, %and3A_280 : vector<16xi32>
        %gather3A_282 = arith.constant 0 : i32
        %gather3A_283 = tpu.memref_slice %arg10[%scan3A_110, %gather3A_282] : memref<2x32768xf32, #tpu.memory_space<vmem>> -> memref<1x32768xf32, #tpu.memory_space<vmem>>
        %gather3A_284 = tpu.memref_squeeze %gather3A_283 : memref<1x32768xf32, #tpu.memory_space<vmem>> -> memref<32768xf32, #tpu.memory_space<vmem>>
        %gather3A_285 = tpu.vector_load_idx %gather3A_284[%add3A_281] : memref<32768xf32, #tpu.memory_space<vmem>>[vector<16xi32>], vector<16xf32>,
        %get3A_286 = arith.constant 5 : i32
        %get3A_287 = arith.index_cast %get3A_286 : i32 to index
        %get3A_288 = arith.constant 0 : index
        %get3A_289 = tpu.vector_load %arg12[%get3A_287, %get3A_288] {strides = array<i32>} : memref<64x16xf32, #tpu.memory_space<vmem>>, vector<16xf32>,
        %mul3A_290 = arith.mulf %gather3A_285, %get3A_289 : vector<16xf32>
        %add3A_291 = arith.addf %add3A_274, %mul3A_290 : vector<16xf32>
        %add3A_292 = arith.constant 6 : i32
        %add3A_293 = vector.broadcast %add3A_292 : i32 to vector<16xi32>
        %add3A_294 = arith.addi %mul3A_9, %add3A_293 : vector<16xi32>
        %and3A_295 = arith.constant 63 : i32
        %and3A_296 = vector.broadcast %and3A_295 : i32 to vector<16xi32>
        %and3A_297 = arith.andi %add3A_294, %and3A_296 : vector<16xi32>
        %add3A_298 = arith.addi %add3A_184, %and3A_297 : vector<16xi32>
        %gather3A_299 = arith.constant 0 : i32
        %gather3A_300 = tpu.memref_slice %arg10[%scan3A_110, %gather3A_299] : memref<2x32768xf32, #tpu.memory_space<vmem>> -> memref<1x32768xf32, #tpu.memory_space<vmem>>
        %gather3A_301 = tpu.memref_squeeze %gather3A_300 : memref<1x32768xf32, #tpu.memory_space<vmem>> -> memref<32768xf32, #tpu.memory_space<vmem>>
        %gather3A_302 = tpu.vector_load_idx %gather3A_301[%add3A_298] : memref<32768xf32, #tpu.memory_space<vmem>>[vector<16xi32>], vector<16xf32>,
        %get3A_303 = arith.constant 6 : i32
        %get3A_304 = arith.index_cast %get3A_303 : i32 to index
        %get3A_305 = arith.constant 0 : index
        %get3A_306 = tpu.vector_load %arg12[%get3A_304, %get3A_305] {strides = array<i32>} : memref<64x16xf32, #tpu.memory_space<vmem>>, vector<16xf32>,
        %mul3A_307 = arith.mulf %gather3A_302, %get3A_306 : vector<16xf32>
        %add3A_308 = arith.addf %add3A_291, %mul3A_307 : vector<16xf32>
        %add3A_309 = arith.constant 7 : i32
        %add3A_310 = vector.broadcast %add3A_309 : i32 to vector<16xi32>
        %add3A_311 = arith.addi %mul3A_9, %add3A_310 : vector<16xi32>
        %and3A_312 = arith.constant 63 : i32
        %and3A_313 = vector.broadcast %and3A_312 : i32 to vector<16xi32>
        %and3A_314 = arith.andi %add3A_311, %and3A_313 : vector<16xi32>
        %add3A_315 = arith.addi %add3A_184, %and3A_314 : vector<16xi32>
        %gather3A_316 = arith.constant 0 : i32
        %gather3A_317 = tpu.memref_slice %arg10[%scan3A_110, %gather3A_316] : memref<2x32768xf32, #tpu.memory_space<vmem>> -> memref<1x32768xf32, #tpu.memory_space<vmem>>
        %gather3A_318 = tpu.memref_squeeze %gather3A_317 : memref<1x32768xf32, #tpu.memory_space<vmem>> -> memref<32768xf32, #tpu.memory_space<vmem>>
        %gather3A_319 = tpu.vector_load_idx %gather3A_318[%add3A_315] : memref<32768xf32, #tpu.memory_space<vmem>>[vector<16xi32>], vector<16xf32>,
        %get3A_320 = arith.constant 7 : i32
        %get3A_321 = arith.index_cast %get3A_320 : i32 to index
        %get3A_322 = arith.constant 0 : index
        %get3A_323 = tpu.vector_load %arg12[%get3A_321, %get3A_322] {strides = array<i32>} : memref<64x16xf32, #tpu.memory_space<vmem>>, vector<16xf32>,
        %mul3A_324 = arith.mulf %gather3A_319, %get3A_323 : vector<16xf32>
        %add3A_325 = arith.addf %add3A_308, %mul3A_324 : vector<16xf32>
        %add3A_326 = arith.constant 8 : i32
        %add3A_327 = vector.broadcast %add3A_326 : i32 to vector<16xi32>
        %add3A_328 = arith.addi %mul3A_9, %add3A_327 : vector<16xi32>
        %and3A_329 = arith.constant 63 : i32
        %and3A_330 = vector.broadcast %and3A_329 : i32 to vector<16xi32>
        %and3A_331 = arith.andi %add3A_328, %and3A_330 : vector<16xi32>
        %add3A_332 = arith.addi %add3A_184, %and3A_331 : vector<16xi32>
        %gather3A_333 = arith.constant 0 : i32
        %gather3A_334 = tpu.memref_slice %arg10[%scan3A_110, %gather3A_333] : memref<2x32768xf32, #tpu.memory_space<vmem>> -> memref<1x32768xf32, #tpu.memory_space<vmem>>
        %gather3A_335 = tpu.memref_squeeze %gather3A_334 : memref<1x32768xf32, #tpu.memory_space<vmem>> -> memref<32768xf32, #tpu.memory_space<vmem>>
        %gather3A_336 = tpu.vector_load_idx %gather3A_335[%add3A_332] : memref<32768xf32, #tpu.memory_space<vmem>>[vector<16xi32>], vector<16xf32>,
        %get3A_337 = arith.constant 8 : i32
        %get3A_338 = arith.index_cast %get3A_337 : i32 to index
        %get3A_339 = arith.constant 0 : index
        %get3A_340 = tpu.vector_load %arg12[%get3A_338, %get3A_339] {strides = array<i32>} : memref<64x16xf32, #tpu.memory_space<vmem>>, vector<16xf32>,
        %mul3A_341 = arith.mulf %gather3A_336, %get3A_340 : vector<16xf32>
        %add3A_342 = arith.addf %add3A_325, %mul3A_341 : vector<16xf32>
        %add3A_343 = arith.constant 9 : i32
        %add3A_344 = vector.broadcast %add3A_343 : i32 to vector<16xi32>
        %add3A_345 = arith.addi %mul3A_9, %add3A_344 : vector<16xi32>
        %and3A_346 = arith.constant 63 : i32
        %and3A_347 = vector.broadcast %and3A_346 : i32 to vector<16xi32>
        %and3A_348 = arith.andi %add3A_345, %and3A_347 : vector<16xi32>
        %add3A_349 = arith.addi %add3A_184, %and3A_348 : vector<16xi32>
        %gather3A_350 = arith.constant 0 : i32
        %gather3A_351 = tpu.memref_slice %arg10[%scan3A_110, %gather3A_350] : memref<2x32768xf32, #tpu.memory_space<vmem>> -> memref<1x32768xf32, #tpu.memory_space<vmem>>
        %gather3A_352 = tpu.memref_squeeze %gather3A_351 : memref<1x32768xf32, #tpu.memory_space<vmem>> -> memref<32768xf32, #tpu.memory_space<vmem>>
        %gather3A_353 = tpu.vector_load_idx %gather3A_352[%add3A_349] : memref<32768xf32, #tpu.memory_space<vmem>>[vector<16xi32>], vector<16xf32>,
        %get3A_354 = arith.constant 9 : i32
        %get3A_355 = arith.index_cast %get3A_354 : i32 to index
        %get3A_356 = arith.constant 0 : index
        %get3A_357 = tpu.vector_load %arg12[%get3A_355, %get3A_356] {strides = array<i32>} : memref<64x16xf32, #tpu.memory_space<vmem>>, vector<16xf32>,
        %mul3A_358 = arith.mulf %gather3A_353, %get3A_357 : vector<16xf32>
        %add3A_359 = arith.addf %add3A_342, %mul3A_358 : vector<16xf32>
        %add3A_360 = arith.constant 10 : i32
        %add3A_361 = vector.broadcast %add3A_360 : i32 to vector<16xi32>
        %add3A_362 = arith.addi %mul3A_9, %add3A_361 : vector<16xi32>
        %and3A_363 = arith.constant 63 : i32
        %and3A_364 = vector.broadcast %and3A_363 : i32 to vector<16xi32>
        %and3A_365 = arith.andi %add3A_362, %and3A_364 : vector<16xi32>
        %add3A_366 = arith.addi %add3A_184, %and3A_365 : vector<16xi32>
        %gather3A_367 = arith.constant 0 : i32
        %gather3A_368 = tpu.memref_slice %arg10[%scan3A_110, %gather3A_367] : memref<2x32768xf32, #tpu.memory_space<vmem>> -> memref<1x32768xf32, #tpu.memory_space<vmem>>
        %gather3A_369 = tpu.memref_squeeze %gather3A_368 : memref<1x32768xf32, #tpu.memory_space<vmem>> -> memref<32768xf32, #tpu.memory_space<vmem>>
        %gather3A_370 = tpu.vector_load_idx %gather3A_369[%add3A_366] : memref<32768xf32, #tpu.memory_space<vmem>>[vector<16xi32>], vector<16xf32>,
        %get3A_371 = arith.constant 10 : i32
        %get3A_372 = arith.index_cast %get3A_371 : i32 to index
        %get3A_373 = arith.constant 0 : index
        %get3A_374 = tpu.vector_load %arg12[%get3A_372, %get3A_373] {strides = array<i32>} : memref<64x16xf32, #tpu.memory_space<vmem>>, vector<16xf32>,
        %mul3A_375 = arith.mulf %gather3A_370, %get3A_374 : vector<16xf32>
        %add3A_376 = arith.addf %add3A_359, %mul3A_375 : vector<16xf32>
        %add3A_377 = arith.constant 11 : i32
        %add3A_378 = vector.broadcast %add3A_377 : i32 to vector<16xi32>
        %add3A_379 = arith.addi %mul3A_9, %add3A_378 : vector<16xi32>
        %and3A_380 = arith.constant 63 : i32
        %and3A_381 = vector.broadcast %and3A_380 : i32 to vector<16xi32>
        %and3A_382 = arith.andi %add3A_379, %and3A_381 : vector<16xi32>
        %add3A_383 = arith.addi %add3A_184, %and3A_382 : vector<16xi32>
        %gather3A_384 = arith.constant 0 : i32
        %gather3A_385 = tpu.memref_slice %arg10[%scan3A_110, %gather3A_384] : memref<2x32768xf32, #tpu.memory_space<vmem>> -> memref<1x32768xf32, #tpu.memory_space<vmem>>
        %gather3A_386 = tpu.memref_squeeze %gather3A_385 : memref<1x32768xf32, #tpu.memory_space<vmem>> -> memref<32768xf32, #tpu.memory_space<vmem>>
        %gather3A_387 = tpu.vector_load_idx %gather3A_386[%add3A_383] : memref<32768xf32, #tpu.memory_space<vmem>>[vector<16xi32>], vector<16xf32>,
        %get3A_388 = arith.constant 11 : i32
        %get3A_389 = arith.index_cast %get3A_388 : i32 to index
        %get3A_390 = arith.constant 0 : index
        %get3A_391 = tpu.vector_load %arg12[%get3A_389, %get3A_390] {strides = array<i32>} : memref<64x16xf32, #tpu.memory_space<vmem>>, vector<16xf32>,
        %mul3A_392 = arith.mulf %gather3A_387, %get3A_391 : vector<16xf32>
        %add3A_393 = arith.addf %add3A_376, %mul3A_392 : vector<16xf32>
        %add3A_394 = arith.constant 12 : i32
        %add3A_395 = vector.broadcast %add3A_394 : i32 to vector<16xi32>
        %add3A_396 = arith.addi %mul3A_9, %add3A_395 : vector<16xi32>
        %and3A_397 = arith.constant 63 : i32
        %and3A_398 = vector.broadcast %and3A_397 : i32 to vector<16xi32>
        %and3A_399 = arith.andi %add3A_396, %and3A_398 : vector<16xi32>
        %add3A_400 = arith.addi %add3A_184, %and3A_399 : vector<16xi32>
        %gather3A_401 = arith.constant 0 : i32
        %gather3A_402 = tpu.memref_slice %arg10[%scan3A_110, %gather3A_401] : memref<2x32768xf32, #tpu.memory_space<vmem>> -> memref<1x32768xf32, #tpu.memory_space<vmem>>
        %gather3A_403 = tpu.memref_squeeze %gather3A_402 : memref<1x32768xf32, #tpu.memory_space<vmem>> -> memref<32768xf32, #tpu.memory_space<vmem>>
        %gather3A_404 = tpu.vector_load_idx %gather3A_403[%add3A_400] : memref<32768xf32, #tpu.memory_space<vmem>>[vector<16xi32>], vector<16xf32>,
        %get3A_405 = arith.constant 12 : i32
        %get3A_406 = arith.index_cast %get3A_405 : i32 to index
        %get3A_407 = arith.constant 0 : index
        %get3A_408 = tpu.vector_load %arg12[%get3A_406, %get3A_407] {strides = array<i32>} : memref<64x16xf32, #tpu.memory_space<vmem>>, vector<16xf32>,
        %mul3A_409 = arith.mulf %gather3A_404, %get3A_408 : vector<16xf32>
        %add3A_410 = arith.addf %add3A_393, %mul3A_409 : vector<16xf32>
        %add3A_411 = arith.constant 13 : i32
        %add3A_412 = vector.broadcast %add3A_411 : i32 to vector<16xi32>
        %add3A_413 = arith.addi %mul3A_9, %add3A_412 : vector<16xi32>
        %and3A_414 = arith.constant 63 : i32
        %and3A_415 = vector.broadcast %and3A_414 : i32 to vector<16xi32>
        %and3A_416 = arith.andi %add3A_413, %and3A_415 : vector<16xi32>
        %add3A_417 = arith.addi %add3A_184, %and3A_416 : vector<16xi32>
        %gather3A_418 = arith.constant 0 : i32
        %gather3A_419 = tpu.memref_slice %arg10[%scan3A_110, %gather3A_418] : memref<2x32768xf32, #tpu.memory_space<vmem>> -> memref<1x32768xf32, #tpu.memory_space<vmem>>
        %gather3A_420 = tpu.memref_squeeze %gather3A_419 : memref<1x32768xf32, #tpu.memory_space<vmem>> -> memref<32768xf32, #tpu.memory_space<vmem>>
        %gather3A_421 = tpu.vector_load_idx %gather3A_420[%add3A_417] : memref<32768xf32, #tpu.memory_space<vmem>>[vector<16xi32>], vector<16xf32>,
        %get3A_422 = arith.constant 13 : i32
        %get3A_423 = arith.index_cast %get3A_422 : i32 to index
        %get3A_424 = arith.constant 0 : index
        %get3A_425 = tpu.vector_load %arg12[%get3A_423, %get3A_424] {strides = array<i32>} : memref<64x16xf32, #tpu.memory_space<vmem>>, vector<16xf32>,
        %mul3A_426 = arith.mulf %gather3A_421, %get3A_425 : vector<16xf32>
        %add3A_427 = arith.addf %add3A_410, %mul3A_426 : vector<16xf32>
        %add3A_428 = arith.constant 14 : i32
        %add3A_429 = vector.broadcast %add3A_428 : i32 to vector<16xi32>
        %add3A_430 = arith.addi %mul3A_9, %add3A_429 : vector<16xi32>
        %and3A_431 = arith.constant 63 : i32
        %and3A_432 = vector.broadcast %and3A_431 : i32 to vector<16xi32>
        %and3A_433 = arith.andi %add3A_430, %and3A_432 : vector<16xi32>
        %add3A_434 = arith.addi %add3A_184, %and3A_433 : vector<16xi32>
        %gather3A_435 = arith.constant 0 : i32
        %gather3A_436 = tpu.memref_slice %arg10[%scan3A_110, %gather3A_435] : memref<2x32768xf32, #tpu.memory_space<vmem>> -> memref<1x32768xf32, #tpu.memory_space<vmem>>
        %gather3A_437 = tpu.memref_squeeze %gather3A_436 : memref<1x32768xf32, #tpu.memory_space<vmem>> -> memref<32768xf32, #tpu.memory_space<vmem>>
        %gather3A_438 = tpu.vector_load_idx %gather3A_437[%add3A_434] : memref<32768xf32, #tpu.memory_space<vmem>>[vector<16xi32>], vector<16xf32>,
        %get3A_439 = arith.constant 14 : i32
        %get3A_440 = arith.index_cast %get3A_439 : i32 to index
        %get3A_441 = arith.constant 0 : index
        %get3A_442 = tpu.vector_load %arg12[%get3A_440, %get3A_441] {strides = array<i32>} : memref<64x16xf32, #tpu.memory_space<vmem>>, vector<16xf32>,
        %mul3A_443 = arith.mulf %gather3A_438, %get3A_442 : vector<16xf32>
        %add3A_444 = arith.addf %add3A_427, %mul3A_443 : vector<16xf32>
        %add3A_445 = arith.constant 15 : i32
        %add3A_446 = vector.broadcast %add3A_445 : i32 to vector<16xi32>
        %add3A_447 = arith.addi %mul3A_9, %add3A_446 : vector<16xi32>
        %and3A_448 = arith.constant 63 : i32
        %and3A_449 = vector.broadcast %and3A_448 : i32 to vector<16xi32>
        %and3A_450 = arith.andi %add3A_447, %and3A_449 : vector<16xi32>
        %add3A_451 = arith.addi %add3A_184, %and3A_450 : vector<16xi32>
        %gather3A_452 = arith.constant 0 : i32
        %gather3A_453 = tpu.memref_slice %arg10[%scan3A_110, %gather3A_452] : memref<2x32768xf32, #tpu.memory_space<vmem>> -> memref<1x32768xf32, #tpu.memory_space<vmem>>
        %gather3A_454 = tpu.memref_squeeze %gather3A_453 : memref<1x32768xf32, #tpu.memory_space<vmem>> -> memref<32768xf32, #tpu.memory_space<vmem>>
        %gather3A_455 = tpu.vector_load_idx %gather3A_454[%add3A_451] : memref<32768xf32, #tpu.memory_space<vmem>>[vector<16xi32>], vector<16xf32>,
        %get3A_456 = arith.constant 15 : i32
        %get3A_457 = arith.index_cast %get3A_456 : i32 to index
        %get3A_458 = arith.constant 0 : index
        %get3A_459 = tpu.vector_load %arg12[%get3A_457, %get3A_458] {strides = array<i32>} : memref<64x16xf32, #tpu.memory_space<vmem>>, vector<16xf32>,
        %mul3A_460 = arith.mulf %gather3A_455, %get3A_459 : vector<16xf32>
        %add3A_461 = arith.addf %add3A_444, %mul3A_460 : vector<16xf32>
        %add3A_462 = arith.constant 16 : i32
        %add3A_463 = vector.broadcast %add3A_462 : i32 to vector<16xi32>
        %add3A_464 = arith.addi %mul3A_9, %add3A_463 : vector<16xi32>
        %and3A_465 = arith.constant 63 : i32
        %and3A_466 = vector.broadcast %and3A_465 : i32 to vector<16xi32>
        %and3A_467 = arith.andi %add3A_464, %and3A_466 : vector<16xi32>
        %add3A_468 = arith.addi %add3A_184, %and3A_467 : vector<16xi32>
        %gather3A_469 = arith.constant 0 : i32
        %gather3A_470 = tpu.memref_slice %arg10[%scan3A_110, %gather3A_469] : memref<2x32768xf32, #tpu.memory_space<vmem>> -> memref<1x32768xf32, #tpu.memory_space<vmem>>
        %gather3A_471 = tpu.memref_squeeze %gather3A_470 : memref<1x32768xf32, #tpu.memory_space<vmem>> -> memref<32768xf32, #tpu.memory_space<vmem>>
        %gather3A_472 = tpu.vector_load_idx %gather3A_471[%add3A_468] : memref<32768xf32, #tpu.memory_space<vmem>>[vector<16xi32>], vector<16xf32>,
        %get3A_473 = arith.constant 16 : i32
        %get3A_474 = arith.index_cast %get3A_473 : i32 to index
        %get3A_475 = arith.constant 0 : index
        %get3A_476 = tpu.vector_load %arg12[%get3A_474, %get3A_475] {strides = array<i32>} : memref<64x16xf32, #tpu.memory_space<vmem>>, vector<16xf32>,
        %mul3A_477 = arith.mulf %gather3A_472, %get3A_476 : vector<16xf32>
        %add3A_478 = arith.addf %add3A_461, %mul3A_477 : vector<16xf32>
        %add3A_479 = arith.constant 17 : i32
        %add3A_480 = vector.broadcast %add3A_479 : i32 to vector<16xi32>
        %add3A_481 = arith.addi %mul3A_9, %add3A_480 : vector<16xi32>
        %and3A_482 = arith.constant 63 : i32
        %and3A_483 = vector.broadcast %and3A_482 : i32 to vector<16xi32>
        %and3A_484 = arith.andi %add3A_481, %and3A_483 : vector<16xi32>
        %add3A_485 = arith.addi %add3A_184, %and3A_484 : vector<16xi32>
        %gather3A_486 = arith.constant 0 : i32
        %gather3A_487 = tpu.memref_slice %arg10[%scan3A_110, %gather3A_486] : memref<2x32768xf32, #tpu.memory_space<vmem>> -> memref<1x32768xf32, #tpu.memory_space<vmem>>
        %gather3A_488 = tpu.memref_squeeze %gather3A_487 : memref<1x32768xf32, #tpu.memory_space<vmem>> -> memref<32768xf32, #tpu.memory_space<vmem>>
        %gather3A_489 = tpu.vector_load_idx %gather3A_488[%add3A_485] : memref<32768xf32, #tpu.memory_space<vmem>>[vector<16xi32>], vector<16xf32>,
        %get3A_490 = arith.constant 17 : i32
        %get3A_491 = arith.index_cast %get3A_490 : i32 to index
        %get3A_492 = arith.constant 0 : index
        %get3A_493 = tpu.vector_load %arg12[%get3A_491, %get3A_492] {strides = array<i32>} : memref<64x16xf32, #tpu.memory_space<vmem>>, vector<16xf32>,
        %mul3A_494 = arith.mulf %gather3A_489, %get3A_493 : vector<16xf32>
        %add3A_495 = arith.addf %add3A_478, %mul3A_494 : vector<16xf32>
        %add3A_496 = arith.constant 18 : i32
        %add3A_497 = vector.broadcast %add3A_496 : i32 to vector<16xi32>
        %add3A_498 = arith.addi %mul3A_9, %add3A_497 : vector<16xi32>
        %and3A_499 = arith.constant 63 : i32
        %and3A_500 = vector.broadcast %and3A_499 : i32 to vector<16xi32>
        %and3A_501 = arith.andi %add3A_498, %and3A_500 : vector<16xi32>
        %add3A_502 = arith.addi %add3A_184, %and3A_501 : vector<16xi32>
        %gather3A_503 = arith.constant 0 : i32
        %gather3A_504 = tpu.memref_slice %arg10[%scan3A_110, %gather3A_503] : memref<2x32768xf32, #tpu.memory_space<vmem>> -> memref<1x32768xf32, #tpu.memory_space<vmem>>
        %gather3A_505 = tpu.memref_squeeze %gather3A_504 : memref<1x32768xf32, #tpu.memory_space<vmem>> -> memref<32768xf32, #tpu.memory_space<vmem>>
        %gather3A_506 = tpu.vector_load_idx %gather3A_505[%add3A_502] : memref<32768xf32, #tpu.memory_space<vmem>>[vector<16xi32>], vector<16xf32>,
        %get3A_507 = arith.constant 18 : i32
        %get3A_508 = arith.index_cast %get3A_507 : i32 to index
        %get3A_509 = arith.constant 0 : index
        %get3A_510 = tpu.vector_load %arg12[%get3A_508, %get3A_509] {strides = array<i32>} : memref<64x16xf32, #tpu.memory_space<vmem>>, vector<16xf32>,
        %mul3A_511 = arith.mulf %gather3A_506, %get3A_510 : vector<16xf32>
        %add3A_512 = arith.addf %add3A_495, %mul3A_511 : vector<16xf32>
        %add3A_513 = arith.constant 19 : i32
        %add3A_514 = vector.broadcast %add3A_513 : i32 to vector<16xi32>
        %add3A_515 = arith.addi %mul3A_9, %add3A_514 : vector<16xi32>
        %and3A_516 = arith.constant 63 : i32
        %and3A_517 = vector.broadcast %and3A_516 : i32 to vector<16xi32>
        %and3A_518 = arith.andi %add3A_515, %and3A_517 : vector<16xi32>
        %add3A_519 = arith.addi %add3A_184, %and3A_518 : vector<16xi32>
        %gather3A_520 = arith.constant 0 : i32
        %gather3A_521 = tpu.memref_slice %arg10[%scan3A_110, %gather3A_520] : memref<2x32768xf32, #tpu.memory_space<vmem>> -> memref<1x32768xf32, #tpu.memory_space<vmem>>
        %gather3A_522 = tpu.memref_squeeze %gather3A_521 : memref<1x32768xf32, #tpu.memory_space<vmem>> -> memref<32768xf32, #tpu.memory_space<vmem>>
        %gather3A_523 = tpu.vector_load_idx %gather3A_522[%add3A_519] : memref<32768xf32, #tpu.memory_space<vmem>>[vector<16xi32>], vector<16xf32>,
        %get3A_524 = arith.constant 19 : i32
        %get3A_525 = arith.index_cast %get3A_524 : i32 to index
        %get3A_526 = arith.constant 0 : index
        %get3A_527 = tpu.vector_load %arg12[%get3A_525, %get3A_526] {strides = array<i32>} : memref<64x16xf32, #tpu.memory_space<vmem>>, vector<16xf32>,
        %mul3A_528 = arith.mulf %gather3A_523, %get3A_527 : vector<16xf32>
        %add3A_529 = arith.addf %add3A_512, %mul3A_528 : vector<16xf32>
        %add3A_530 = arith.constant 20 : i32
        %add3A_531 = vector.broadcast %add3A_530 : i32 to vector<16xi32>
        %add3A_532 = arith.addi %mul3A_9, %add3A_531 : vector<16xi32>
        %and3A_533 = arith.constant 63 : i32
        %and3A_534 = vector.broadcast %and3A_533 : i32 to vector<16xi32>
        %and3A_535 = arith.andi %add3A_532, %and3A_534 : vector<16xi32>
        %add3A_536 = arith.addi %add3A_184, %and3A_535 : vector<16xi32>
        %gather3A_537 = arith.constant 0 : i32
        %gather3A_538 = tpu.memref_slice %arg10[%scan3A_110, %gather3A_537] : memref<2x32768xf32, #tpu.memory_space<vmem>> -> memref<1x32768xf32, #tpu.memory_space<vmem>>
        %gather3A_539 = tpu.memref_squeeze %gather3A_538 : memref<1x32768xf32, #tpu.memory_space<vmem>> -> memref<32768xf32, #tpu.memory_space<vmem>>
        %gather3A_540 = tpu.vector_load_idx %gather3A_539[%add3A_536] : memref<32768xf32, #tpu.memory_space<vmem>>[vector<16xi32>], vector<16xf32>,
        %get3A_541 = arith.constant 20 : i32
        %get3A_542 = arith.index_cast %get3A_541 : i32 to index
        %get3A_543 = arith.constant 0 : index
        %get3A_544 = tpu.vector_load %arg12[%get3A_542, %get3A_543] {strides = array<i32>} : memref<64x16xf32, #tpu.memory_space<vmem>>, vector<16xf32>,
        %mul3A_545 = arith.mulf %gather3A_540, %get3A_544 : vector<16xf32>
        %add3A_546 = arith.addf %add3A_529, %mul3A_545 : vector<16xf32>
        %add3A_547 = arith.constant 21 : i32
        %add3A_548 = vector.broadcast %add3A_547 : i32 to vector<16xi32>
        %add3A_549 = arith.addi %mul3A_9, %add3A_548 : vector<16xi32>
        %and3A_550 = arith.constant 63 : i32
        %and3A_551 = vector.broadcast %and3A_550 : i32 to vector<16xi32>
        %and3A_552 = arith.andi %add3A_549, %and3A_551 : vector<16xi32>
        %add3A_553 = arith.addi %add3A_184, %and3A_552 : vector<16xi32>
        %gather3A_554 = arith.constant 0 : i32
        %gather3A_555 = tpu.memref_slice %arg10[%scan3A_110, %gather3A_554] : memref<2x32768xf32, #tpu.memory_space<vmem>> -> memref<1x32768xf32, #tpu.memory_space<vmem>>
        %gather3A_556 = tpu.memref_squeeze %gather3A_555 : memref<1x32768xf32, #tpu.memory_space<vmem>> -> memref<32768xf32, #tpu.memory_space<vmem>>
        %gather3A_557 = tpu.vector_load_idx %gather3A_556[%add3A_553] : memref<32768xf32, #tpu.memory_space<vmem>>[vector<16xi32>], vector<16xf32>,
        %get3A_558 = arith.constant 21 : i32
        %get3A_559 = arith.index_cast %get3A_558 : i32 to index
        %get3A_560 = arith.constant 0 : index
        %get3A_561 = tpu.vector_load %arg12[%get3A_559, %get3A_560] {strides = array<i32>} : memref<64x16xf32, #tpu.memory_space<vmem>>, vector<16xf32>,
        %mul3A_562 = arith.mulf %gather3A_557, %get3A_561 : vector<16xf32>
        %add3A_563 = arith.addf %add3A_546, %mul3A_562 : vector<16xf32>
        %add3A_564 = arith.constant 22 : i32
        %add3A_565 = vector.broadcast %add3A_564 : i32 to vector<16xi32>
        %add3A_566 = arith.addi %mul3A_9, %add3A_565 : vector<16xi32>
        %and3A_567 = arith.constant 63 : i32
        %and3A_568 = vector.broadcast %and3A_567 : i32 to vector<16xi32>
        %and3A_569 = arith.andi %add3A_566, %and3A_568 : vector<16xi32>
        %add3A_570 = arith.addi %add3A_184, %and3A_569 : vector<16xi32>
        %gather3A_571 = arith.constant 0 : i32
        %gather3A_572 = tpu.memref_slice %arg10[%scan3A_110, %gather3A_571] : memref<2x32768xf32, #tpu.memory_space<vmem>> -> memref<1x32768xf32, #tpu.memory_space<vmem>>
        %gather3A_573 = tpu.memref_squeeze %gather3A_572 : memref<1x32768xf32, #tpu.memory_space<vmem>> -> memref<32768xf32, #tpu.memory_space<vmem>>
        %gather3A_574 = tpu.vector_load_idx %gather3A_573[%add3A_570] : memref<32768xf32, #tpu.memory_space<vmem>>[vector<16xi32>], vector<16xf32>,
        %get3A_575 = arith.constant 22 : i32
        %get3A_576 = arith.index_cast %get3A_575 : i32 to index
        %get3A_577 = arith.constant 0 : index
        %get3A_578 = tpu.vector_load %arg12[%get3A_576, %get3A_577] {strides = array<i32>} : memref<64x16xf32, #tpu.memory_space<vmem>>, vector<16xf32>,
        %mul3A_579 = arith.mulf %gather3A_574, %get3A_578 : vector<16xf32>
        %add3A_580 = arith.addf %add3A_563, %mul3A_579 : vector<16xf32>
        %add3A_581 = arith.constant 23 : i32
        %add3A_582 = vector.broadcast %add3A_581 : i32 to vector<16xi32>
        %add3A_583 = arith.addi %mul3A_9, %add3A_582 : vector<16xi32>
        %and3A_584 = arith.constant 63 : i32
        %and3A_585 = vector.broadcast %and3A_584 : i32 to vector<16xi32>
        %and3A_586 = arith.andi %add3A_583, %and3A_585 : vector<16xi32>
        %add3A_587 = arith.addi %add3A_184, %and3A_586 : vector<16xi32>
        %gather3A_588 = arith.constant 0 : i32
        %gather3A_589 = tpu.memref_slice %arg10[%scan3A_110, %gather3A_588] : memref<2x32768xf32, #tpu.memory_space<vmem>> -> memref<1x32768xf32, #tpu.memory_space<vmem>>
        %gather3A_590 = tpu.memref_squeeze %gather3A_589 : memref<1x32768xf32, #tpu.memory_space<vmem>> -> memref<32768xf32, #tpu.memory_space<vmem>>
        %gather3A_591 = tpu.vector_load_idx %gather3A_590[%add3A_587] : memref<32768xf32, #tpu.memory_space<vmem>>[vector<16xi32>], vector<16xf32>,
        %get3A_592 = arith.constant 23 : i32
        %get3A_593 = arith.index_cast %get3A_592 : i32 to index
        %get3A_594 = arith.constant 0 : index
        %get3A_595 = tpu.vector_load %arg12[%get3A_593, %get3A_594] {strides = array<i32>} : memref<64x16xf32, #tpu.memory_space<vmem>>, vector<16xf32>,
        %mul3A_596 = arith.mulf %gather3A_591, %get3A_595 : vector<16xf32>
        %add3A_597 = arith.addf %add3A_580, %mul3A_596 : vector<16xf32>
        %add3A_598 = arith.constant 24 : i32
        %add3A_599 = vector.broadcast %add3A_598 : i32 to vector<16xi32>
        %add3A_600 = arith.addi %mul3A_9, %add3A_599 : vector<16xi32>
        %and3A_601 = arith.constant 63 : i32
        %and3A_602 = vector.broadcast %and3A_601 : i32 to vector<16xi32>
        %and3A_603 = arith.andi %add3A_600, %and3A_602 : vector<16xi32>
        %add3A_604 = arith.addi %add3A_184, %and3A_603 : vector<16xi32>
        %gather3A_605 = arith.constant 0 : i32
        %gather3A_606 = tpu.memref_slice %arg10[%scan3A_110, %gather3A_605] : memref<2x32768xf32, #tpu.memory_space<vmem>> -> memref<1x32768xf32, #tpu.memory_space<vmem>>
        %gather3A_607 = tpu.memref_squeeze %gather3A_606 : memref<1x32768xf32, #tpu.memory_space<vmem>> -> memref<32768xf32, #tpu.memory_space<vmem>>
        %gather3A_608 = tpu.vector_load_idx %gather3A_607[%add3A_604] : memref<32768xf32, #tpu.memory_space<vmem>>[vector<16xi32>], vector<16xf32>,
        %get3A_609 = arith.constant 24 : i32
        %get3A_610 = arith.index_cast %get3A_609 : i32 to index
        %get3A_611 = arith.constant 0 : index
        %get3A_612 = tpu.vector_load %arg12[%get3A_610, %get3A_611] {strides = array<i32>} : memref<64x16xf32, #tpu.memory_space<vmem>>, vector<16xf32>,
        %mul3A_613 = arith.mulf %gather3A_608, %get3A_612 : vector<16xf32>
        %add3A_614 = arith.addf %add3A_597, %mul3A_613 : vector<16xf32>
        %add3A_615 = arith.constant 25 : i32
        %add3A_616 = vector.broadcast %add3A_615 : i32 to vector<16xi32>
        %add3A_617 = arith.addi %mul3A_9, %add3A_616 : vector<16xi32>
        %and3A_618 = arith.constant 63 : i32
        %and3A_619 = vector.broadcast %and3A_618 : i32 to vector<16xi32>
        %and3A_620 = arith.andi %add3A_617, %and3A_619 : vector<16xi32>
        %add3A_621 = arith.addi %add3A_184, %and3A_620 : vector<16xi32>
        %gather3A_622 = arith.constant 0 : i32
        %gather3A_623 = tpu.memref_slice %arg10[%scan3A_110, %gather3A_622] : memref<2x32768xf32, #tpu.memory_space<vmem>> -> memref<1x32768xf32, #tpu.memory_space<vmem>>
        %gather3A_624 = tpu.memref_squeeze %gather3A_623 : memref<1x32768xf32, #tpu.memory_space<vmem>> -> memref<32768xf32, #tpu.memory_space<vmem>>
        %gather3A_625 = tpu.vector_load_idx %gather3A_624[%add3A_621] : memref<32768xf32, #tpu.memory_space<vmem>>[vector<16xi32>], vector<16xf32>,
        %get3A_626 = arith.constant 25 : i32
        %get3A_627 = arith.index_cast %get3A_626 : i32 to index
        %get3A_628 = arith.constant 0 : index
        %get3A_629 = tpu.vector_load %arg12[%get3A_627, %get3A_628] {strides = array<i32>} : memref<64x16xf32, #tpu.memory_space<vmem>>, vector<16xf32>,
        %mul3A_630 = arith.mulf %gather3A_625, %get3A_629 : vector<16xf32>
        %add3A_631 = arith.addf %add3A_614, %mul3A_630 : vector<16xf32>
        %add3A_632 = arith.constant 26 : i32
        %add3A_633 = vector.broadcast %add3A_632 : i32 to vector<16xi32>
        %add3A_634 = arith.addi %mul3A_9, %add3A_633 : vector<16xi32>
        %and3A_635 = arith.constant 63 : i32
        %and3A_636 = vector.broadcast %and3A_635 : i32 to vector<16xi32>
        %and3A_637 = arith.andi %add3A_634, %and3A_636 : vector<16xi32>
        %add3A_638 = arith.addi %add3A_184, %and3A_637 : vector<16xi32>
        %gather3A_639 = arith.constant 0 : i32
        %gather3A_640 = tpu.memref_slice %arg10[%scan3A_110, %gather3A_639] : memref<2x32768xf32, #tpu.memory_space<vmem>> -> memref<1x32768xf32, #tpu.memory_space<vmem>>
        %gather3A_641 = tpu.memref_squeeze %gather3A_640 : memref<1x32768xf32, #tpu.memory_space<vmem>> -> memref<32768xf32, #tpu.memory_space<vmem>>
        %gather3A_642 = tpu.vector_load_idx %gather3A_641[%add3A_638] : memref<32768xf32, #tpu.memory_space<vmem>>[vector<16xi32>], vector<16xf32>,
        %get3A_643 = arith.constant 26 : i32
        %get3A_644 = arith.index_cast %get3A_643 : i32 to index
        %get3A_645 = arith.constant 0 : index
        %get3A_646 = tpu.vector_load %arg12[%get3A_644, %get3A_645] {strides = array<i32>} : memref<64x16xf32, #tpu.memory_space<vmem>>, vector<16xf32>,
        %mul3A_647 = arith.mulf %gather3A_642, %get3A_646 : vector<16xf32>
        %add3A_648 = arith.addf %add3A_631, %mul3A_647 : vector<16xf32>
        %add3A_649 = arith.constant 27 : i32
        %add3A_650 = vector.broadcast %add3A_649 : i32 to vector<16xi32>
        %add3A_651 = arith.addi %mul3A_9, %add3A_650 : vector<16xi32>
        %and3A_652 = arith.constant 63 : i32
        %and3A_653 = vector.broadcast %and3A_652 : i32 to vector<16xi32>
        %and3A_654 = arith.andi %add3A_651, %and3A_653 : vector<16xi32>
        %add3A_655 = arith.addi %add3A_184, %and3A_654 : vector<16xi32>
        %gather3A_656 = arith.constant 0 : i32
        %gather3A_657 = tpu.memref_slice %arg10[%scan3A_110, %gather3A_656] : memref<2x32768xf32, #tpu.memory_space<vmem>> -> memref<1x32768xf32, #tpu.memory_space<vmem>>
        %gather3A_658 = tpu.memref_squeeze %gather3A_657 : memref<1x32768xf32, #tpu.memory_space<vmem>> -> memref<32768xf32, #tpu.memory_space<vmem>>
        %gather3A_659 = tpu.vector_load_idx %gather3A_658[%add3A_655] : memref<32768xf32, #tpu.memory_space<vmem>>[vector<16xi32>], vector<16xf32>,
        %get3A_660 = arith.constant 27 : i32
        %get3A_661 = arith.index_cast %get3A_660 : i32 to index
        %get3A_662 = arith.constant 0 : index
        %get3A_663 = tpu.vector_load %arg12[%get3A_661, %get3A_662] {strides = array<i32>} : memref<64x16xf32, #tpu.memory_space<vmem>>, vector<16xf32>,
        %mul3A_664 = arith.mulf %gather3A_659, %get3A_663 : vector<16xf32>
        %add3A_665 = arith.addf %add3A_648, %mul3A_664 : vector<16xf32>
        %add3A_666 = arith.constant 28 : i32
        %add3A_667 = vector.broadcast %add3A_666 : i32 to vector<16xi32>
        %add3A_668 = arith.addi %mul3A_9, %add3A_667 : vector<16xi32>
        %and3A_669 = arith.constant 63 : i32
        %and3A_670 = vector.broadcast %and3A_669 : i32 to vector<16xi32>
        %and3A_671 = arith.andi %add3A_668, %and3A_670 : vector<16xi32>
        %add3A_672 = arith.addi %add3A_184, %and3A_671 : vector<16xi32>
        %gather3A_673 = arith.constant 0 : i32
        %gather3A_674 = tpu.memref_slice %arg10[%scan3A_110, %gather3A_673] : memref<2x32768xf32, #tpu.memory_space<vmem>> -> memref<1x32768xf32, #tpu.memory_space<vmem>>
        %gather3A_675 = tpu.memref_squeeze %gather3A_674 : memref<1x32768xf32, #tpu.memory_space<vmem>> -> memref<32768xf32, #tpu.memory_space<vmem>>
        %gather3A_676 = tpu.vector_load_idx %gather3A_675[%add3A_672] : memref<32768xf32, #tpu.memory_space<vmem>>[vector<16xi32>], vector<16xf32>,
        %get3A_677 = arith.constant 28 : i32
        %get3A_678 = arith.index_cast %get3A_677 : i32 to index
        %get3A_679 = arith.constant 0 : index
        %get3A_680 = tpu.vector_load %arg12[%get3A_678, %get3A_679] {strides = array<i32>} : memref<64x16xf32, #tpu.memory_space<vmem>>, vector<16xf32>,
        %mul3A_681 = arith.mulf %gather3A_676, %get3A_680 : vector<16xf32>
        %add3A_682 = arith.addf %add3A_665, %mul3A_681 : vector<16xf32>
        %add3A_683 = arith.constant 29 : i32
        %add3A_684 = vector.broadcast %add3A_683 : i32 to vector<16xi32>
        %add3A_685 = arith.addi %mul3A_9, %add3A_684 : vector<16xi32>
        %and3A_686 = arith.constant 63 : i32
        %and3A_687 = vector.broadcast %and3A_686 : i32 to vector<16xi32>
        %and3A_688 = arith.andi %add3A_685, %and3A_687 : vector<16xi32>
        %add3A_689 = arith.addi %add3A_184, %and3A_688 : vector<16xi32>
        %gather3A_690 = arith.constant 0 : i32
        %gather3A_691 = tpu.memref_slice %arg10[%scan3A_110, %gather3A_690] : memref<2x32768xf32, #tpu.memory_space<vmem>> -> memref<1x32768xf32, #tpu.memory_space<vmem>>
        %gather3A_692 = tpu.memref_squeeze %gather3A_691 : memref<1x32768xf32, #tpu.memory_space<vmem>> -> memref<32768xf32, #tpu.memory_space<vmem>>
        %gather3A_693 = tpu.vector_load_idx %gather3A_692[%add3A_689] : memref<32768xf32, #tpu.memory_space<vmem>>[vector<16xi32>], vector<16xf32>,
        %get3A_694 = arith.constant 29 : i32
        %get3A_695 = arith.index_cast %get3A_694 : i32 to index
        %get3A_696 = arith.constant 0 : index
        %get3A_697 = tpu.vector_load %arg12[%get3A_695, %get3A_696] {strides = array<i32>} : memref<64x16xf32, #tpu.memory_space<vmem>>, vector<16xf32>,
        %mul3A_698 = arith.mulf %gather3A_693, %get3A_697 : vector<16xf32>
        %add3A_699 = arith.addf %add3A_682, %mul3A_698 : vector<16xf32>
        %add3A_700 = arith.constant 30 : i32
        %add3A_701 = vector.broadcast %add3A_700 : i32 to vector<16xi32>
        %add3A_702 = arith.addi %mul3A_9, %add3A_701 : vector<16xi32>
        %and3A_703 = arith.constant 63 : i32
        %and3A_704 = vector.broadcast %and3A_703 : i32 to vector<16xi32>
        %and3A_705 = arith.andi %add3A_702, %and3A_704 : vector<16xi32>
        %add3A_706 = arith.addi %add3A_184, %and3A_705 : vector<16xi32>
        %gather3A_707 = arith.constant 0 : i32
        %gather3A_708 = tpu.memref_slice %arg10[%scan3A_110, %gather3A_707] : memref<2x32768xf32, #tpu.memory_space<vmem>> -> memref<1x32768xf32, #tpu.memory_space<vmem>>
        %gather3A_709 = tpu.memref_squeeze %gather3A_708 : memref<1x32768xf32, #tpu.memory_space<vmem>> -> memref<32768xf32, #tpu.memory_space<vmem>>
        %gather3A_710 = tpu.vector_load_idx %gather3A_709[%add3A_706] : memref<32768xf32, #tpu.memory_space<vmem>>[vector<16xi32>], vector<16xf32>,
        %get3A_711 = arith.constant 30 : i32
        %get3A_712 = arith.index_cast %get3A_711 : i32 to index
        %get3A_713 = arith.constant 0 : index
        %get3A_714 = tpu.vector_load %arg12[%get3A_712, %get3A_713] {strides = array<i32>} : memref<64x16xf32, #tpu.memory_space<vmem>>, vector<16xf32>,
        %mul3A_715 = arith.mulf %gather3A_710, %get3A_714 : vector<16xf32>
        %add3A_716 = arith.addf %add3A_699, %mul3A_715 : vector<16xf32>
        %add3A_717 = arith.constant 31 : i32
        %add3A_718 = vector.broadcast %add3A_717 : i32 to vector<16xi32>
        %add3A_719 = arith.addi %mul3A_9, %add3A_718 : vector<16xi32>
        %and3A_720 = arith.constant 63 : i32
        %and3A_721 = vector.broadcast %and3A_720 : i32 to vector<16xi32>
        %and3A_722 = arith.andi %add3A_719, %and3A_721 : vector<16xi32>
        %add3A_723 = arith.addi %add3A_184, %and3A_722 : vector<16xi32>
        %gather3A_724 = arith.constant 0 : i32
        %gather3A_725 = tpu.memref_slice %arg10[%scan3A_110, %gather3A_724] : memref<2x32768xf32, #tpu.memory_space<vmem>> -> memref<1x32768xf32, #tpu.memory_space<vmem>>
        %gather3A_726 = tpu.memref_squeeze %gather3A_725 : memref<1x32768xf32, #tpu.memory_space<vmem>> -> memref<32768xf32, #tpu.memory_space<vmem>>
        %gather3A_727 = tpu.vector_load_idx %gather3A_726[%add3A_723] : memref<32768xf32, #tpu.memory_space<vmem>>[vector<16xi32>], vector<16xf32>,
        %get3A_728 = arith.constant 31 : i32
        %get3A_729 = arith.index_cast %get3A_728 : i32 to index
        %get3A_730 = arith.constant 0 : index
        %get3A_731 = tpu.vector_load %arg12[%get3A_729, %get3A_730] {strides = array<i32>} : memref<64x16xf32, #tpu.memory_space<vmem>>, vector<16xf32>,
        %mul3A_732 = arith.mulf %gather3A_727, %get3A_731 : vector<16xf32>
        %add3A_733 = arith.addf %add3A_716, %mul3A_732 : vector<16xf32>
        %add3A_734 = arith.constant 32 : i32
        %add3A_735 = vector.broadcast %add3A_734 : i32 to vector<16xi32>
        %add3A_736 = arith.addi %mul3A_9, %add3A_735 : vector<16xi32>
        %and3A_737 = arith.constant 63 : i32
        %and3A_738 = vector.broadcast %and3A_737 : i32 to vector<16xi32>
        %and3A_739 = arith.andi %add3A_736, %and3A_738 : vector<16xi32>
        %add3A_740 = arith.addi %add3A_184, %and3A_739 : vector<16xi32>
        %gather3A_741 = arith.constant 0 : i32
        %gather3A_742 = tpu.memref_slice %arg10[%scan3A_110, %gather3A_741] : memref<2x32768xf32, #tpu.memory_space<vmem>> -> memref<1x32768xf32, #tpu.memory_space<vmem>>
        %gather3A_743 = tpu.memref_squeeze %gather3A_742 : memref<1x32768xf32, #tpu.memory_space<vmem>> -> memref<32768xf32, #tpu.memory_space<vmem>>
        %gather3A_744 = tpu.vector_load_idx %gather3A_743[%add3A_740] : memref<32768xf32, #tpu.memory_space<vmem>>[vector<16xi32>], vector<16xf32>,
        %get3A_745 = arith.constant 32 : i32
        %get3A_746 = arith.index_cast %get3A_745 : i32 to index
        %get3A_747 = arith.constant 0 : index
        %get3A_748 = tpu.vector_load %arg12[%get3A_746, %get3A_747] {strides = array<i32>} : memref<64x16xf32, #tpu.memory_space<vmem>>, vector<16xf32>,
        %mul3A_749 = arith.mulf %gather3A_744, %get3A_748 : vector<16xf32>
        %add3A_750 = arith.addf %add3A_733, %mul3A_749 : vector<16xf32>
        %add3A_751 = arith.constant 33 : i32
        %add3A_752 = vector.broadcast %add3A_751 : i32 to vector<16xi32>
        %add3A_753 = arith.addi %mul3A_9, %add3A_752 : vector<16xi32>
        %and3A_754 = arith.constant 63 : i32
        %and3A_755 = vector.broadcast %and3A_754 : i32 to vector<16xi32>
        %and3A_756 = arith.andi %add3A_753, %and3A_755 : vector<16xi32>
        %add3A_757 = arith.addi %add3A_184, %and3A_756 : vector<16xi32>
        %gather3A_758 = arith.constant 0 : i32
        %gather3A_759 = tpu.memref_slice %arg10[%scan3A_110, %gather3A_758] : memref<2x32768xf32, #tpu.memory_space<vmem>> -> memref<1x32768xf32, #tpu.memory_space<vmem>>
        %gather3A_760 = tpu.memref_squeeze %gather3A_759 : memref<1x32768xf32, #tpu.memory_space<vmem>> -> memref<32768xf32, #tpu.memory_space<vmem>>
        %gather3A_761 = tpu.vector_load_idx %gather3A_760[%add3A_757] : memref<32768xf32, #tpu.memory_space<vmem>>[vector<16xi32>], vector<16xf32>,
        %get3A_762 = arith.constant 33 : i32
        %get3A_763 = arith.index_cast %get3A_762 : i32 to index
        %get3A_764 = arith.constant 0 : index
        %get3A_765 = tpu.vector_load %arg12[%get3A_763, %get3A_764] {strides = array<i32>} : memref<64x16xf32, #tpu.memory_space<vmem>>, vector<16xf32>,
        %mul3A_766 = arith.mulf %gather3A_761, %get3A_765 : vector<16xf32>
        %add3A_767 = arith.addf %add3A_750, %mul3A_766 : vector<16xf32>
        %add3A_768 = arith.constant 34 : i32
        %add3A_769 = vector.broadcast %add3A_768 : i32 to vector<16xi32>
        %add3A_770 = arith.addi %mul3A_9, %add3A_769 : vector<16xi32>
        %and3A_771 = arith.constant 63 : i32
        %and3A_772 = vector.broadcast %and3A_771 : i32 to vector<16xi32>
        %and3A_773 = arith.andi %add3A_770, %and3A_772 : vector<16xi32>
        %add3A_774 = arith.addi %add3A_184, %and3A_773 : vector<16xi32>
        %gather3A_775 = arith.constant 0 : i32
        %gather3A_776 = tpu.memref_slice %arg10[%scan3A_110, %gather3A_775] : memref<2x32768xf32, #tpu.memory_space<vmem>> -> memref<1x32768xf32, #tpu.memory_space<vmem>>
        %gather3A_777 = tpu.memref_squeeze %gather3A_776 : memref<1x32768xf32, #tpu.memory_space<vmem>> -> memref<32768xf32, #tpu.memory_space<vmem>>
        %gather3A_778 = tpu.vector_load_idx %gather3A_777[%add3A_774] : memref<32768xf32, #tpu.memory_space<vmem>>[vector<16xi32>], vector<16xf32>,
        %get3A_779 = arith.constant 34 : i32
        %get3A_780 = arith.index_cast %get3A_779 : i32 to index
        %get3A_781 = arith.constant 0 : index
        %get3A_782 = tpu.vector_load %arg12[%get3A_780, %get3A_781] {strides = array<i32>} : memref<64x16xf32, #tpu.memory_space<vmem>>, vector<16xf32>,
        %mul3A_783 = arith.mulf %gather3A_778, %get3A_782 : vector<16xf32>
        %add3A_784 = arith.addf %add3A_767, %mul3A_783 : vector<16xf32>
        %add3A_785 = arith.constant 35 : i32
        %add3A_786 = vector.broadcast %add3A_785 : i32 to vector<16xi32>
        %add3A_787 = arith.addi %mul3A_9, %add3A_786 : vector<16xi32>
        %and3A_788 = arith.constant 63 : i32
        %and3A_789 = vector.broadcast %and3A_788 : i32 to vector<16xi32>
        %and3A_790 = arith.andi %add3A_787, %and3A_789 : vector<16xi32>
        %add3A_791 = arith.addi %add3A_184, %and3A_790 : vector<16xi32>
        %gather3A_792 = arith.constant 0 : i32
        %gather3A_793 = tpu.memref_slice %arg10[%scan3A_110, %gather3A_792] : memref<2x32768xf32, #tpu.memory_space<vmem>> -> memref<1x32768xf32, #tpu.memory_space<vmem>>
        %gather3A_794 = tpu.memref_squeeze %gather3A_793 : memref<1x32768xf32, #tpu.memory_space<vmem>> -> memref<32768xf32, #tpu.memory_space<vmem>>
        %gather3A_795 = tpu.vector_load_idx %gather3A_794[%add3A_791] : memref<32768xf32, #tpu.memory_space<vmem>>[vector<16xi32>], vector<16xf32>,
        %get3A_796 = arith.constant 35 : i32
        %get3A_797 = arith.index_cast %get3A_796 : i32 to index
        %get3A_798 = arith.constant 0 : index
        %get3A_799 = tpu.vector_load %arg12[%get3A_797, %get3A_798] {strides = array<i32>} : memref<64x16xf32, #tpu.memory_space<vmem>>, vector<16xf32>,
        %mul3A_800 = arith.mulf %gather3A_795, %get3A_799 : vector<16xf32>
        %add3A_801 = arith.addf %add3A_784, %mul3A_800 : vector<16xf32>
        %add3A_802 = arith.constant 36 : i32
        %add3A_803 = vector.broadcast %add3A_802 : i32 to vector<16xi32>
        %add3A_804 = arith.addi %mul3A_9, %add3A_803 : vector<16xi32>
        %and3A_805 = arith.constant 63 : i32
        %and3A_806 = vector.broadcast %and3A_805 : i32 to vector<16xi32>
        %and3A_807 = arith.andi %add3A_804, %and3A_806 : vector<16xi32>
        %add3A_808 = arith.addi %add3A_184, %and3A_807 : vector<16xi32>
        %gather3A_809 = arith.constant 0 : i32
        %gather3A_810 = tpu.memref_slice %arg10[%scan3A_110, %gather3A_809] : memref<2x32768xf32, #tpu.memory_space<vmem>> -> memref<1x32768xf32, #tpu.memory_space<vmem>>
        %gather3A_811 = tpu.memref_squeeze %gather3A_810 : memref<1x32768xf32, #tpu.memory_space<vmem>> -> memref<32768xf32, #tpu.memory_space<vmem>>
        %gather3A_812 = tpu.vector_load_idx %gather3A_811[%add3A_808] : memref<32768xf32, #tpu.memory_space<vmem>>[vector<16xi32>], vector<16xf32>,
        %get3A_813 = arith.constant 36 : i32
        %get3A_814 = arith.index_cast %get3A_813 : i32 to index
        %get3A_815 = arith.constant 0 : index
        %get3A_816 = tpu.vector_load %arg12[%get3A_814, %get3A_815] {strides = array<i32>} : memref<64x16xf32, #tpu.memory_space<vmem>>, vector<16xf32>,
        %mul3A_817 = arith.mulf %gather3A_812, %get3A_816 : vector<16xf32>
        %add3A_818 = arith.addf %add3A_801, %mul3A_817 : vector<16xf32>
        %add3A_819 = arith.constant 37 : i32
        %add3A_820 = vector.broadcast %add3A_819 : i32 to vector<16xi32>
        %add3A_821 = arith.addi %mul3A_9, %add3A_820 : vector<16xi32>
        %and3A_822 = arith.constant 63 : i32
        %and3A_823 = vector.broadcast %and3A_822 : i32 to vector<16xi32>
        %and3A_824 = arith.andi %add3A_821, %and3A_823 : vector<16xi32>
        %add3A_825 = arith.addi %add3A_184, %and3A_824 : vector<16xi32>
        %gather3A_826 = arith.constant 0 : i32
        %gather3A_827 = tpu.memref_slice %arg10[%scan3A_110, %gather3A_826] : memref<2x32768xf32, #tpu.memory_space<vmem>> -> memref<1x32768xf32, #tpu.memory_space<vmem>>
        %gather3A_828 = tpu.memref_squeeze %gather3A_827 : memref<1x32768xf32, #tpu.memory_space<vmem>> -> memref<32768xf32, #tpu.memory_space<vmem>>
        %gather3A_829 = tpu.vector_load_idx %gather3A_828[%add3A_825] : memref<32768xf32, #tpu.memory_space<vmem>>[vector<16xi32>], vector<16xf32>,
        %get3A_830 = arith.constant 37 : i32
        %get3A_831 = arith.index_cast %get3A_830 : i32 to index
        %get3A_832 = arith.constant 0 : index
        %get3A_833 = tpu.vector_load %arg12[%get3A_831, %get3A_832] {strides = array<i32>} : memref<64x16xf32, #tpu.memory_space<vmem>>, vector<16xf32>,
        %mul3A_834 = arith.mulf %gather3A_829, %get3A_833 : vector<16xf32>
        %add3A_835 = arith.addf %add3A_818, %mul3A_834 : vector<16xf32>
        %add3A_836 = arith.constant 38 : i32
        %add3A_837 = vector.broadcast %add3A_836 : i32 to vector<16xi32>
        %add3A_838 = arith.addi %mul3A_9, %add3A_837 : vector<16xi32>
        %and3A_839 = arith.constant 63 : i32
        %and3A_840 = vector.broadcast %and3A_839 : i32 to vector<16xi32>
        %and3A_841 = arith.andi %add3A_838, %and3A_840 : vector<16xi32>
        %add3A_842 = arith.addi %add3A_184, %and3A_841 : vector<16xi32>
        %gather3A_843 = arith.constant 0 : i32
        %gather3A_844 = tpu.memref_slice %arg10[%scan3A_110, %gather3A_843] : memref<2x32768xf32, #tpu.memory_space<vmem>> -> memref<1x32768xf32, #tpu.memory_space<vmem>>
        %gather3A_845 = tpu.memref_squeeze %gather3A_844 : memref<1x32768xf32, #tpu.memory_space<vmem>> -> memref<32768xf32, #tpu.memory_space<vmem>>
        %gather3A_846 = tpu.vector_load_idx %gather3A_845[%add3A_842] : memref<32768xf32, #tpu.memory_space<vmem>>[vector<16xi32>], vector<16xf32>,
        %get3A_847 = arith.constant 38 : i32
        %get3A_848 = arith.index_cast %get3A_847 : i32 to index
        %get3A_849 = arith.constant 0 : index
        %get3A_850 = tpu.vector_load %arg12[%get3A_848, %get3A_849] {strides = array<i32>} : memref<64x16xf32, #tpu.memory_space<vmem>>, vector<16xf32>,
        %mul3A_851 = arith.mulf %gather3A_846, %get3A_850 : vector<16xf32>
        %add3A_852 = arith.addf %add3A_835, %mul3A_851 : vector<16xf32>
        %add3A_853 = arith.constant 39 : i32
        %add3A_854 = vector.broadcast %add3A_853 : i32 to vector<16xi32>
        %add3A_855 = arith.addi %mul3A_9, %add3A_854 : vector<16xi32>
        %and3A_856 = arith.constant 63 : i32
        %and3A_857 = vector.broadcast %and3A_856 : i32 to vector<16xi32>
        %and3A_858 = arith.andi %add3A_855, %and3A_857 : vector<16xi32>
        %add3A_859 = arith.addi %add3A_184, %and3A_858 : vector<16xi32>
        %gather3A_860 = arith.constant 0 : i32
        %gather3A_861 = tpu.memref_slice %arg10[%scan3A_110, %gather3A_860] : memref<2x32768xf32, #tpu.memory_space<vmem>> -> memref<1x32768xf32, #tpu.memory_space<vmem>>
        %gather3A_862 = tpu.memref_squeeze %gather3A_861 : memref<1x32768xf32, #tpu.memory_space<vmem>> -> memref<32768xf32, #tpu.memory_space<vmem>>
        %gather3A_863 = tpu.vector_load_idx %gather3A_862[%add3A_859] : memref<32768xf32, #tpu.memory_space<vmem>>[vector<16xi32>], vector<16xf32>,
        %get3A_864 = arith.constant 39 : i32
        %get3A_865 = arith.index_cast %get3A_864 : i32 to index
        %get3A_866 = arith.constant 0 : index
        %get3A_867 = tpu.vector_load %arg12[%get3A_865, %get3A_866] {strides = array<i32>} : memref<64x16xf32, #tpu.memory_space<vmem>>, vector<16xf32>,
        %mul3A_868 = arith.mulf %gather3A_863, %get3A_867 : vector<16xf32>
        %add3A_869 = arith.addf %add3A_852, %mul3A_868 : vector<16xf32>
        %add3A_870 = arith.constant 40 : i32
        %add3A_871 = vector.broadcast %add3A_870 : i32 to vector<16xi32>
        %add3A_872 = arith.addi %mul3A_9, %add3A_871 : vector<16xi32>
        %and3A_873 = arith.constant 63 : i32
        %and3A_874 = vector.broadcast %and3A_873 : i32 to vector<16xi32>
        %and3A_875 = arith.andi %add3A_872, %and3A_874 : vector<16xi32>
        %add3A_876 = arith.addi %add3A_184, %and3A_875 : vector<16xi32>
        %gather3A_877 = arith.constant 0 : i32
        %gather3A_878 = tpu.memref_slice %arg10[%scan3A_110, %gather3A_877] : memref<2x32768xf32, #tpu.memory_space<vmem>> -> memref<1x32768xf32, #tpu.memory_space<vmem>>
        %gather3A_879 = tpu.memref_squeeze %gather3A_878 : memref<1x32768xf32, #tpu.memory_space<vmem>> -> memref<32768xf32, #tpu.memory_space<vmem>>
        %gather3A_880 = tpu.vector_load_idx %gather3A_879[%add3A_876] : memref<32768xf32, #tpu.memory_space<vmem>>[vector<16xi32>], vector<16xf32>,
        %get3A_881 = arith.constant 40 : i32
        %get3A_882 = arith.index_cast %get3A_881 : i32 to index
        %get3A_883 = arith.constant 0 : index
        %get3A_884 = tpu.vector_load %arg12[%get3A_882, %get3A_883] {strides = array<i32>} : memref<64x16xf32, #tpu.memory_space<vmem>>, vector<16xf32>,
        %mul3A_885 = arith.mulf %gather3A_880, %get3A_884 : vector<16xf32>
        %add3A_886 = arith.addf %add3A_869, %mul3A_885 : vector<16xf32>
        %add3A_887 = arith.constant 41 : i32
        %add3A_888 = vector.broadcast %add3A_887 : i32 to vector<16xi32>
        %add3A_889 = arith.addi %mul3A_9, %add3A_888 : vector<16xi32>
        %and3A_890 = arith.constant 63 : i32
        %and3A_891 = vector.broadcast %and3A_890 : i32 to vector<16xi32>
        %and3A_892 = arith.andi %add3A_889, %and3A_891 : vector<16xi32>
        %add3A_893 = arith.addi %add3A_184, %and3A_892 : vector<16xi32>
        %gather3A_894 = arith.constant 0 : i32
        %gather3A_895 = tpu.memref_slice %arg10[%scan3A_110, %gather3A_894] : memref<2x32768xf32, #tpu.memory_space<vmem>> -> memref<1x32768xf32, #tpu.memory_space<vmem>>
        %gather3A_896 = tpu.memref_squeeze %gather3A_895 : memref<1x32768xf32, #tpu.memory_space<vmem>> -> memref<32768xf32, #tpu.memory_space<vmem>>
        %gather3A_897 = tpu.vector_load_idx %gather3A_896[%add3A_893] : memref<32768xf32, #tpu.memory_space<vmem>>[vector<16xi32>], vector<16xf32>,
        %get3A_898 = arith.constant 41 : i32
        %get3A_899 = arith.index_cast %get3A_898 : i32 to index
        %get3A_900 = arith.constant 0 : index
        %get3A_901 = tpu.vector_load %arg12[%get3A_899, %get3A_900] {strides = array<i32>} : memref<64x16xf32, #tpu.memory_space<vmem>>, vector<16xf32>,
        %mul3A_902 = arith.mulf %gather3A_897, %get3A_901 : vector<16xf32>
        %add3A_903 = arith.addf %add3A_886, %mul3A_902 : vector<16xf32>
        %add3A_904 = arith.constant 42 : i32
        %add3A_905 = vector.broadcast %add3A_904 : i32 to vector<16xi32>
        %add3A_906 = arith.addi %mul3A_9, %add3A_905 : vector<16xi32>
        %and3A_907 = arith.constant 63 : i32
        %and3A_908 = vector.broadcast %and3A_907 : i32 to vector<16xi32>
        %and3A_909 = arith.andi %add3A_906, %and3A_908 : vector<16xi32>
        %add3A_910 = arith.addi %add3A_184, %and3A_909 : vector<16xi32>
        %gather3A_911 = arith.constant 0 : i32
        %gather3A_912 = tpu.memref_slice %arg10[%scan3A_110, %gather3A_911] : memref<2x32768xf32, #tpu.memory_space<vmem>> -> memref<1x32768xf32, #tpu.memory_space<vmem>>
        %gather3A_913 = tpu.memref_squeeze %gather3A_912 : memref<1x32768xf32, #tpu.memory_space<vmem>> -> memref<32768xf32, #tpu.memory_space<vmem>>
        %gather3A_914 = tpu.vector_load_idx %gather3A_913[%add3A_910] : memref<32768xf32, #tpu.memory_space<vmem>>[vector<16xi32>], vector<16xf32>,
        %get3A_915 = arith.constant 42 : i32
        %get3A_916 = arith.index_cast %get3A_915 : i32 to index
        %get3A_917 = arith.constant 0 : index
        %get3A_918 = tpu.vector_load %arg12[%get3A_916, %get3A_917] {strides = array<i32>} : memref<64x16xf32, #tpu.memory_space<vmem>>, vector<16xf32>,
        %mul3A_919 = arith.mulf %gather3A_914, %get3A_918 : vector<16xf32>
        %add3A_920 = arith.addf %add3A_903, %mul3A_919 : vector<16xf32>
        %add3A_921 = arith.constant 43 : i32
        %add3A_922 = vector.broadcast %add3A_921 : i32 to vector<16xi32>
        %add3A_923 = arith.addi %mul3A_9, %add3A_922 : vector<16xi32>
        %and3A_924 = arith.constant 63 : i32
        %and3A_925 = vector.broadcast %and3A_924 : i32 to vector<16xi32>
        %and3A_926 = arith.andi %add3A_923, %and3A_925 : vector<16xi32>
        %add3A_927 = arith.addi %add3A_184, %and3A_926 : vector<16xi32>
        %gather3A_928 = arith.constant 0 : i32
        %gather3A_929 = tpu.memref_slice %arg10[%scan3A_110, %gather3A_928] : memref<2x32768xf32, #tpu.memory_space<vmem>> -> memref<1x32768xf32, #tpu.memory_space<vmem>>
        %gather3A_930 = tpu.memref_squeeze %gather3A_929 : memref<1x32768xf32, #tpu.memory_space<vmem>> -> memref<32768xf32, #tpu.memory_space<vmem>>
        %gather3A_931 = tpu.vector_load_idx %gather3A_930[%add3A_927] : memref<32768xf32, #tpu.memory_space<vmem>>[vector<16xi32>], vector<16xf32>,
        %get3A_932 = arith.constant 43 : i32
        %get3A_933 = arith.index_cast %get3A_932 : i32 to index
        %get3A_934 = arith.constant 0 : index
        %get3A_935 = tpu.vector_load %arg12[%get3A_933, %get3A_934] {strides = array<i32>} : memref<64x16xf32, #tpu.memory_space<vmem>>, vector<16xf32>,
        %mul3A_936 = arith.mulf %gather3A_931, %get3A_935 : vector<16xf32>
        %add3A_937 = arith.addf %add3A_920, %mul3A_936 : vector<16xf32>
        %add3A_938 = arith.constant 44 : i32
        %add3A_939 = vector.broadcast %add3A_938 : i32 to vector<16xi32>
        %add3A_940 = arith.addi %mul3A_9, %add3A_939 : vector<16xi32>
        %and3A_941 = arith.constant 63 : i32
        %and3A_942 = vector.broadcast %and3A_941 : i32 to vector<16xi32>
        %and3A_943 = arith.andi %add3A_940, %and3A_942 : vector<16xi32>
        %add3A_944 = arith.addi %add3A_184, %and3A_943 : vector<16xi32>
        %gather3A_945 = arith.constant 0 : i32
        %gather3A_946 = tpu.memref_slice %arg10[%scan3A_110, %gather3A_945] : memref<2x32768xf32, #tpu.memory_space<vmem>> -> memref<1x32768xf32, #tpu.memory_space<vmem>>
        %gather3A_947 = tpu.memref_squeeze %gather3A_946 : memref<1x32768xf32, #tpu.memory_space<vmem>> -> memref<32768xf32, #tpu.memory_space<vmem>>
        %gather3A_948 = tpu.vector_load_idx %gather3A_947[%add3A_944] : memref<32768xf32, #tpu.memory_space<vmem>>[vector<16xi32>], vector<16xf32>,
        %get3A_949 = arith.constant 44 : i32
        %get3A_950 = arith.index_cast %get3A_949 : i32 to index
        %get3A_951 = arith.constant 0 : index
        %get3A_952 = tpu.vector_load %arg12[%get3A_950, %get3A_951] {strides = array<i32>} : memref<64x16xf32, #tpu.memory_space<vmem>>, vector<16xf32>,
        %mul3A_953 = arith.mulf %gather3A_948, %get3A_952 : vector<16xf32>
        %add3A_954 = arith.addf %add3A_937, %mul3A_953 : vector<16xf32>
        %add3A_955 = arith.constant 45 : i32
        %add3A_956 = vector.broadcast %add3A_955 : i32 to vector<16xi32>
        %add3A_957 = arith.addi %mul3A_9, %add3A_956 : vector<16xi32>
        %and3A_958 = arith.constant 63 : i32
        %and3A_959 = vector.broadcast %and3A_958 : i32 to vector<16xi32>
        %and3A_960 = arith.andi %add3A_957, %and3A_959 : vector<16xi32>
        %add3A_961 = arith.addi %add3A_184, %and3A_960 : vector<16xi32>
        %gather3A_962 = arith.constant 0 : i32
        %gather3A_963 = tpu.memref_slice %arg10[%scan3A_110, %gather3A_962] : memref<2x32768xf32, #tpu.memory_space<vmem>> -> memref<1x32768xf32, #tpu.memory_space<vmem>>
        %gather3A_964 = tpu.memref_squeeze %gather3A_963 : memref<1x32768xf32, #tpu.memory_space<vmem>> -> memref<32768xf32, #tpu.memory_space<vmem>>
        %gather3A_965 = tpu.vector_load_idx %gather3A_964[%add3A_961] : memref<32768xf32, #tpu.memory_space<vmem>>[vector<16xi32>], vector<16xf32>,
        %get3A_966 = arith.constant 45 : i32
        %get3A_967 = arith.index_cast %get3A_966 : i32 to index
        %get3A_968 = arith.constant 0 : index
        %get3A_969 = tpu.vector_load %arg12[%get3A_967, %get3A_968] {strides = array<i32>} : memref<64x16xf32, #tpu.memory_space<vmem>>, vector<16xf32>,
        %mul3A_970 = arith.mulf %gather3A_965, %get3A_969 : vector<16xf32>
        %add3A_971 = arith.addf %add3A_954, %mul3A_970 : vector<16xf32>
        %add3A_972 = arith.constant 46 : i32
        %add3A_973 = vector.broadcast %add3A_972 : i32 to vector<16xi32>
        %add3A_974 = arith.addi %mul3A_9, %add3A_973 : vector<16xi32>
        %and3A_975 = arith.constant 63 : i32
        %and3A_976 = vector.broadcast %and3A_975 : i32 to vector<16xi32>
        %and3A_977 = arith.andi %add3A_974, %and3A_976 : vector<16xi32>
        %add3A_978 = arith.addi %add3A_184, %and3A_977 : vector<16xi32>
        %gather3A_979 = arith.constant 0 : i32
        %gather3A_980 = tpu.memref_slice %arg10[%scan3A_110, %gather3A_979] : memref<2x32768xf32, #tpu.memory_space<vmem>> -> memref<1x32768xf32, #tpu.memory_space<vmem>>
        %gather3A_981 = tpu.memref_squeeze %gather3A_980 : memref<1x32768xf32, #tpu.memory_space<vmem>> -> memref<32768xf32, #tpu.memory_space<vmem>>
        %gather3A_982 = tpu.vector_load_idx %gather3A_981[%add3A_978] : memref<32768xf32, #tpu.memory_space<vmem>>[vector<16xi32>], vector<16xf32>,
        %get3A_983 = arith.constant 46 : i32
        %get3A_984 = arith.index_cast %get3A_983 : i32 to index
        %get3A_985 = arith.constant 0 : index
        %get3A_986 = tpu.vector_load %arg12[%get3A_984, %get3A_985] {strides = array<i32>} : memref<64x16xf32, #tpu.memory_space<vmem>>, vector<16xf32>,
        %mul3A_987 = arith.mulf %gather3A_982, %get3A_986 : vector<16xf32>
        %add3A_988 = arith.addf %add3A_971, %mul3A_987 : vector<16xf32>
        %add3A_989 = arith.constant 47 : i32
        %add3A_990 = vector.broadcast %add3A_989 : i32 to vector<16xi32>
        %add3A_991 = arith.addi %mul3A_9, %add3A_990 : vector<16xi32>
        %and3A_992 = arith.constant 63 : i32
        %and3A_993 = vector.broadcast %and3A_992 : i32 to vector<16xi32>
        %and3A_994 = arith.andi %add3A_991, %and3A_993 : vector<16xi32>
        %add3A_995 = arith.addi %add3A_184, %and3A_994 : vector<16xi32>
        %gather3A_996 = arith.constant 0 : i32
        %gather3A_997 = tpu.memref_slice %arg10[%scan3A_110, %gather3A_996] : memref<2x32768xf32, #tpu.memory_space<vmem>> -> memref<1x32768xf32, #tpu.memory_space<vmem>>
        %gather3A_998 = tpu.memref_squeeze %gather3A_997 : memref<1x32768xf32, #tpu.memory_space<vmem>> -> memref<32768xf32, #tpu.memory_space<vmem>>
        %gather3A_999 = tpu.vector_load_idx %gather3A_998[%add3A_995] : memref<32768xf32, #tpu.memory_space<vmem>>[vector<16xi32>], vector<16xf32>,
        %get3A_1000 = arith.constant 47 : i32
        %get3A_1001 = arith.index_cast %get3A_1000 : i32 to index
        %get3A_1002 = arith.constant 0 : index
        %get3A_1003 = tpu.vector_load %arg12[%get3A_1001, %get3A_1002] {strides = array<i32>} : memref<64x16xf32, #tpu.memory_space<vmem>>, vector<16xf32>,
        %mul3A_1004 = arith.mulf %gather3A_999, %get3A_1003 : vector<16xf32>
        %add3A_1005 = arith.addf %add3A_988, %mul3A_1004 : vector<16xf32>
        %add3A_1006 = arith.constant 48 : i32
        %add3A_1007 = vector.broadcast %add3A_1006 : i32 to vector<16xi32>
        %add3A_1008 = arith.addi %mul3A_9, %add3A_1007 : vector<16xi32>
        %and3A_1009 = arith.constant 63 : i32
        %and3A_1010 = vector.broadcast %and3A_1009 : i32 to vector<16xi32>
        %and3A_1011 = arith.andi %add3A_1008, %and3A_1010 : vector<16xi32>
        %add3A_1012 = arith.addi %add3A_184, %and3A_1011 : vector<16xi32>
        %gather3A_1013 = arith.constant 0 : i32
        %gather3A_1014 = tpu.memref_slice %arg10[%scan3A_110, %gather3A_1013] : memref<2x32768xf32, #tpu.memory_space<vmem>> -> memref<1x32768xf32, #tpu.memory_space<vmem>>
        %gather3A_1015 = tpu.memref_squeeze %gather3A_1014 : memref<1x32768xf32, #tpu.memory_space<vmem>> -> memref<32768xf32, #tpu.memory_space<vmem>>
        %gather3A_1016 = tpu.vector_load_idx %gather3A_1015[%add3A_1012] : memref<32768xf32, #tpu.memory_space<vmem>>[vector<16xi32>], vector<16xf32>,
        %get3A_1017 = arith.constant 48 : i32
        %get3A_1018 = arith.index_cast %get3A_1017 : i32 to index
        %get3A_1019 = arith.constant 0 : index
        %get3A_1020 = tpu.vector_load %arg12[%get3A_1018, %get3A_1019] {strides = array<i32>} : memref<64x16xf32, #tpu.memory_space<vmem>>, vector<16xf32>,
        %mul3A_1021 = arith.mulf %gather3A_1016, %get3A_1020 : vector<16xf32>
        %add3A_1022 = arith.addf %add3A_1005, %mul3A_1021 : vector<16xf32>
        %add3A_1023 = arith.constant 49 : i32
        %add3A_1024 = vector.broadcast %add3A_1023 : i32 to vector<16xi32>
        %add3A_1025 = arith.addi %mul3A_9, %add3A_1024 : vector<16xi32>
        %and3A_1026 = arith.constant 63 : i32
        %and3A_1027 = vector.broadcast %and3A_1026 : i32 to vector<16xi32>
        %and3A_1028 = arith.andi %add3A_1025, %and3A_1027 : vector<16xi32>
        %add3A_1029 = arith.addi %add3A_184, %and3A_1028 : vector<16xi32>
        %gather3A_1030 = arith.constant 0 : i32
        %gather3A_1031 = tpu.memref_slice %arg10[%scan3A_110, %gather3A_1030] : memref<2x32768xf32, #tpu.memory_space<vmem>> -> memref<1x32768xf32, #tpu.memory_space<vmem>>
        %gather3A_1032 = tpu.memref_squeeze %gather3A_1031 : memref<1x32768xf32, #tpu.memory_space<vmem>> -> memref<32768xf32, #tpu.memory_space<vmem>>
        %gather3A_1033 = tpu.vector_load_idx %gather3A_1032[%add3A_1029] : memref<32768xf32, #tpu.memory_space<vmem>>[vector<16xi32>], vector<16xf32>,
        %get3A_1034 = arith.constant 49 : i32
        %get3A_1035 = arith.index_cast %get3A_1034 : i32 to index
        %get3A_1036 = arith.constant 0 : index
        %get3A_1037 = tpu.vector_load %arg12[%get3A_1035, %get3A_1036] {strides = array<i32>} : memref<64x16xf32, #tpu.memory_space<vmem>>, vector<16xf32>,
        %mul3A_1038 = arith.mulf %gather3A_1033, %get3A_1037 : vector<16xf32>
        %add3A_1039 = arith.addf %add3A_1022, %mul3A_1038 : vector<16xf32>
        %add3A_1040 = arith.constant 50 : i32
        %add3A_1041 = vector.broadcast %add3A_1040 : i32 to vector<16xi32>
        %add3A_1042 = arith.addi %mul3A_9, %add3A_1041 : vector<16xi32>
        %and3A_1043 = arith.constant 63 : i32
        %and3A_1044 = vector.broadcast %and3A_1043 : i32 to vector<16xi32>
        %and3A_1045 = arith.andi %add3A_1042, %and3A_1044 : vector<16xi32>
        %add3A_1046 = arith.addi %add3A_184, %and3A_1045 : vector<16xi32>
        %gather3A_1047 = arith.constant 0 : i32
        %gather3A_1048 = tpu.memref_slice %arg10[%scan3A_110, %gather3A_1047] : memref<2x32768xf32, #tpu.memory_space<vmem>> -> memref<1x32768xf32, #tpu.memory_space<vmem>>
        %gather3A_1049 = tpu.memref_squeeze %gather3A_1048 : memref<1x32768xf32, #tpu.memory_space<vmem>> -> memref<32768xf32, #tpu.memory_space<vmem>>
        %gather3A_1050 = tpu.vector_load_idx %gather3A_1049[%add3A_1046] : memref<32768xf32, #tpu.memory_space<vmem>>[vector<16xi32>], vector<16xf32>,
        %get3A_1051 = arith.constant 50 : i32
        %get3A_1052 = arith.index_cast %get3A_1051 : i32 to index
        %get3A_1053 = arith.constant 0 : index
        %get3A_1054 = tpu.vector_load %arg12[%get3A_1052, %get3A_1053] {strides = array<i32>} : memref<64x16xf32, #tpu.memory_space<vmem>>, vector<16xf32>,
        %mul3A_1055 = arith.mulf %gather3A_1050, %get3A_1054 : vector<16xf32>
        %add3A_1056 = arith.addf %add3A_1039, %mul3A_1055 : vector<16xf32>
        %add3A_1057 = arith.constant 51 : i32
        %add3A_1058 = vector.broadcast %add3A_1057 : i32 to vector<16xi32>
        %add3A_1059 = arith.addi %mul3A_9, %add3A_1058 : vector<16xi32>
        %and3A_1060 = arith.constant 63 : i32
        %and3A_1061 = vector.broadcast %and3A_1060 : i32 to vector<16xi32>
        %and3A_1062 = arith.andi %add3A_1059, %and3A_1061 : vector<16xi32>
        %add3A_1063 = arith.addi %add3A_184, %and3A_1062 : vector<16xi32>
        %gather3A_1064 = arith.constant 0 : i32
        %gather3A_1065 = tpu.memref_slice %arg10[%scan3A_110, %gather3A_1064] : memref<2x32768xf32, #tpu.memory_space<vmem>> -> memref<1x32768xf32, #tpu.memory_space<vmem>>
        %gather3A_1066 = tpu.memref_squeeze %gather3A_1065 : memref<1x32768xf32, #tpu.memory_space<vmem>> -> memref<32768xf32, #tpu.memory_space<vmem>>
        %gather3A_1067 = tpu.vector_load_idx %gather3A_1066[%add3A_1063] : memref<32768xf32, #tpu.memory_space<vmem>>[vector<16xi32>], vector<16xf32>,
        %get3A_1068 = arith.constant 51 : i32
        %get3A_1069 = arith.index_cast %get3A_1068 : i32 to index
        %get3A_1070 = arith.constant 0 : index
        %get3A_1071 = tpu.vector_load %arg12[%get3A_1069, %get3A_1070] {strides = array<i32>} : memref<64x16xf32, #tpu.memory_space<vmem>>, vector<16xf32>,
        %mul3A_1072 = arith.mulf %gather3A_1067, %get3A_1071 : vector<16xf32>
        %add3A_1073 = arith.addf %add3A_1056, %mul3A_1072 : vector<16xf32>
        %add3A_1074 = arith.constant 52 : i32
        %add3A_1075 = vector.broadcast %add3A_1074 : i32 to vector<16xi32>
        %add3A_1076 = arith.addi %mul3A_9, %add3A_1075 : vector<16xi32>
        %and3A_1077 = arith.constant 63 : i32
        %and3A_1078 = vector.broadcast %and3A_1077 : i32 to vector<16xi32>
        %and3A_1079 = arith.andi %add3A_1076, %and3A_1078 : vector<16xi32>
        %add3A_1080 = arith.addi %add3A_184, %and3A_1079 : vector<16xi32>
        %gather3A_1081 = arith.constant 0 : i32
        %gather3A_1082 = tpu.memref_slice %arg10[%scan3A_110, %gather3A_1081] : memref<2x32768xf32, #tpu.memory_space<vmem>> -> memref<1x32768xf32, #tpu.memory_space<vmem>>
        %gather3A_1083 = tpu.memref_squeeze %gather3A_1082 : memref<1x32768xf32, #tpu.memory_space<vmem>> -> memref<32768xf32, #tpu.memory_space<vmem>>
        %gather3A_1084 = tpu.vector_load_idx %gather3A_1083[%add3A_1080] : memref<32768xf32, #tpu.memory_space<vmem>>[vector<16xi32>], vector<16xf32>,
        %get3A_1085 = arith.constant 52 : i32
        %get3A_1086 = arith.index_cast %get3A_1085 : i32 to index
        %get3A_1087 = arith.constant 0 : index
        %get3A_1088 = tpu.vector_load %arg12[%get3A_1086, %get3A_1087] {strides = array<i32>} : memref<64x16xf32, #tpu.memory_space<vmem>>, vector<16xf32>,
        %mul3A_1089 = arith.mulf %gather3A_1084, %get3A_1088 : vector<16xf32>
        %add3A_1090 = arith.addf %add3A_1073, %mul3A_1089 : vector<16xf32>
        %add3A_1091 = arith.constant 53 : i32
        %add3A_1092 = vector.broadcast %add3A_1091 : i32 to vector<16xi32>
        %add3A_1093 = arith.addi %mul3A_9, %add3A_1092 : vector<16xi32>
        %and3A_1094 = arith.constant 63 : i32
        %and3A_1095 = vector.broadcast %and3A_1094 : i32 to vector<16xi32>
        %and3A_1096 = arith.andi %add3A_1093, %and3A_1095 : vector<16xi32>
        %add3A_1097 = arith.addi %add3A_184, %and3A_1096 : vector<16xi32>
        %gather3A_1098 = arith.constant 0 : i32
        %gather3A_1099 = tpu.memref_slice %arg10[%scan3A_110, %gather3A_1098] : memref<2x32768xf32, #tpu.memory_space<vmem>> -> memref<1x32768xf32, #tpu.memory_space<vmem>>
        %gather3A_1100 = tpu.memref_squeeze %gather3A_1099 : memref<1x32768xf32, #tpu.memory_space<vmem>> -> memref<32768xf32, #tpu.memory_space<vmem>>
        %gather3A_1101 = tpu.vector_load_idx %gather3A_1100[%add3A_1097] : memref<32768xf32, #tpu.memory_space<vmem>>[vector<16xi32>], vector<16xf32>,
        %get3A_1102 = arith.constant 53 : i32
        %get3A_1103 = arith.index_cast %get3A_1102 : i32 to index
        %get3A_1104 = arith.constant 0 : index
        %get3A_1105 = tpu.vector_load %arg12[%get3A_1103, %get3A_1104] {strides = array<i32>} : memref<64x16xf32, #tpu.memory_space<vmem>>, vector<16xf32>,
        %mul3A_1106 = arith.mulf %gather3A_1101, %get3A_1105 : vector<16xf32>
        %add3A_1107 = arith.addf %add3A_1090, %mul3A_1106 : vector<16xf32>
        %add3A_1108 = arith.constant 54 : i32
        %add3A_1109 = vector.broadcast %add3A_1108 : i32 to vector<16xi32>
        %add3A_1110 = arith.addi %mul3A_9, %add3A_1109 : vector<16xi32>
        %and3A_1111 = arith.constant 63 : i32
        %and3A_1112 = vector.broadcast %and3A_1111 : i32 to vector<16xi32>
        %and3A_1113 = arith.andi %add3A_1110, %and3A_1112 : vector<16xi32>
        %add3A_1114 = arith.addi %add3A_184, %and3A_1113 : vector<16xi32>
        %gather3A_1115 = arith.constant 0 : i32
        %gather3A_1116 = tpu.memref_slice %arg10[%scan3A_110, %gather3A_1115] : memref<2x32768xf32, #tpu.memory_space<vmem>> -> memref<1x32768xf32, #tpu.memory_space<vmem>>
        %gather3A_1117 = tpu.memref_squeeze %gather3A_1116 : memref<1x32768xf32, #tpu.memory_space<vmem>> -> memref<32768xf32, #tpu.memory_space<vmem>>
        %gather3A_1118 = tpu.vector_load_idx %gather3A_1117[%add3A_1114] : memref<32768xf32, #tpu.memory_space<vmem>>[vector<16xi32>], vector<16xf32>,
        %get3A_1119 = arith.constant 54 : i32
        %get3A_1120 = arith.index_cast %get3A_1119 : i32 to index
        %get3A_1121 = arith.constant 0 : index
        %get3A_1122 = tpu.vector_load %arg12[%get3A_1120, %get3A_1121] {strides = array<i32>} : memref<64x16xf32, #tpu.memory_space<vmem>>, vector<16xf32>,
        %mul3A_1123 = arith.mulf %gather3A_1118, %get3A_1122 : vector<16xf32>
        %add3A_1124 = arith.addf %add3A_1107, %mul3A_1123 : vector<16xf32>
        %add3A_1125 = arith.constant 55 : i32
        %add3A_1126 = vector.broadcast %add3A_1125 : i32 to vector<16xi32>
        %add3A_1127 = arith.addi %mul3A_9, %add3A_1126 : vector<16xi32>
        %and3A_1128 = arith.constant 63 : i32
        %and3A_1129 = vector.broadcast %and3A_1128 : i32 to vector<16xi32>
        %and3A_1130 = arith.andi %add3A_1127, %and3A_1129 : vector<16xi32>
        %add3A_1131 = arith.addi %add3A_184, %and3A_1130 : vector<16xi32>
        %gather3A_1132 = arith.constant 0 : i32
        %gather3A_1133 = tpu.memref_slice %arg10[%scan3A_110, %gather3A_1132] : memref<2x32768xf32, #tpu.memory_space<vmem>> -> memref<1x32768xf32, #tpu.memory_space<vmem>>
        %gather3A_1134 = tpu.memref_squeeze %gather3A_1133 : memref<1x32768xf32, #tpu.memory_space<vmem>> -> memref<32768xf32, #tpu.memory_space<vmem>>
        %gather3A_1135 = tpu.vector_load_idx %gather3A_1134[%add3A_1131] : memref<32768xf32, #tpu.memory_space<vmem>>[vector<16xi32>], vector<16xf32>,
        %get3A_1136 = arith.constant 55 : i32
        %get3A_1137 = arith.index_cast %get3A_1136 : i32 to index
        %get3A_1138 = arith.constant 0 : index
        %get3A_1139 = tpu.vector_load %arg12[%get3A_1137, %get3A_1138] {strides = array<i32>} : memref<64x16xf32, #tpu.memory_space<vmem>>, vector<16xf32>,
        %mul3A_1140 = arith.mulf %gather3A_1135, %get3A_1139 : vector<16xf32>
        %add3A_1141 = arith.addf %add3A_1124, %mul3A_1140 : vector<16xf32>
        %add3A_1142 = arith.constant 56 : i32
        %add3A_1143 = vector.broadcast %add3A_1142 : i32 to vector<16xi32>
        %add3A_1144 = arith.addi %mul3A_9, %add3A_1143 : vector<16xi32>
        %and3A_1145 = arith.constant 63 : i32
        %and3A_1146 = vector.broadcast %and3A_1145 : i32 to vector<16xi32>
        %and3A_1147 = arith.andi %add3A_1144, %and3A_1146 : vector<16xi32>
        %add3A_1148 = arith.addi %add3A_184, %and3A_1147 : vector<16xi32>
        %gather3A_1149 = arith.constant 0 : i32
        %gather3A_1150 = tpu.memref_slice %arg10[%scan3A_110, %gather3A_1149] : memref<2x32768xf32, #tpu.memory_space<vmem>> -> memref<1x32768xf32, #tpu.memory_space<vmem>>
        %gather3A_1151 = tpu.memref_squeeze %gather3A_1150 : memref<1x32768xf32, #tpu.memory_space<vmem>> -> memref<32768xf32, #tpu.memory_space<vmem>>
        %gather3A_1152 = tpu.vector_load_idx %gather3A_1151[%add3A_1148] : memref<32768xf32, #tpu.memory_space<vmem>>[vector<16xi32>], vector<16xf32>,
        %get3A_1153 = arith.constant 56 : i32
        %get3A_1154 = arith.index_cast %get3A_1153 : i32 to index
        %get3A_1155 = arith.constant 0 : index
        %get3A_1156 = tpu.vector_load %arg12[%get3A_1154, %get3A_1155] {strides = array<i32>} : memref<64x16xf32, #tpu.memory_space<vmem>>, vector<16xf32>,
        %mul3A_1157 = arith.mulf %gather3A_1152, %get3A_1156 : vector<16xf32>
        %add3A_1158 = arith.addf %add3A_1141, %mul3A_1157 : vector<16xf32>
        %add3A_1159 = arith.constant 57 : i32
        %add3A_1160 = vector.broadcast %add3A_1159 : i32 to vector<16xi32>
        %add3A_1161 = arith.addi %mul3A_9, %add3A_1160 : vector<16xi32>
        %and3A_1162 = arith.constant 63 : i32
        %and3A_1163 = vector.broadcast %and3A_1162 : i32 to vector<16xi32>
        %and3A_1164 = arith.andi %add3A_1161, %and3A_1163 : vector<16xi32>
        %add3A_1165 = arith.addi %add3A_184, %and3A_1164 : vector<16xi32>
        %gather3A_1166 = arith.constant 0 : i32
        %gather3A_1167 = tpu.memref_slice %arg10[%scan3A_110, %gather3A_1166] : memref<2x32768xf32, #tpu.memory_space<vmem>> -> memref<1x32768xf32, #tpu.memory_space<vmem>>
        %gather3A_1168 = tpu.memref_squeeze %gather3A_1167 : memref<1x32768xf32, #tpu.memory_space<vmem>> -> memref<32768xf32, #tpu.memory_space<vmem>>
        %gather3A_1169 = tpu.vector_load_idx %gather3A_1168[%add3A_1165] : memref<32768xf32, #tpu.memory_space<vmem>>[vector<16xi32>], vector<16xf32>,
        %get3A_1170 = arith.constant 57 : i32
        %get3A_1171 = arith.index_cast %get3A_1170 : i32 to index
        %get3A_1172 = arith.constant 0 : index
        %get3A_1173 = tpu.vector_load %arg12[%get3A_1171, %get3A_1172] {strides = array<i32>} : memref<64x16xf32, #tpu.memory_space<vmem>>, vector<16xf32>,
        %mul3A_1174 = arith.mulf %gather3A_1169, %get3A_1173 : vector<16xf32>
        %add3A_1175 = arith.addf %add3A_1158, %mul3A_1174 : vector<16xf32>
        %add3A_1176 = arith.constant 58 : i32
        %add3A_1177 = vector.broadcast %add3A_1176 : i32 to vector<16xi32>
        %add3A_1178 = arith.addi %mul3A_9, %add3A_1177 : vector<16xi32>
        %and3A_1179 = arith.constant 63 : i32
        %and3A_1180 = vector.broadcast %and3A_1179 : i32 to vector<16xi32>
        %and3A_1181 = arith.andi %add3A_1178, %and3A_1180 : vector<16xi32>
        %add3A_1182 = arith.addi %add3A_184, %and3A_1181 : vector<16xi32>
        %gather3A_1183 = arith.constant 0 : i32
        %gather3A_1184 = tpu.memref_slice %arg10[%scan3A_110, %gather3A_1183] : memref<2x32768xf32, #tpu.memory_space<vmem>> -> memref<1x32768xf32, #tpu.memory_space<vmem>>
        %gather3A_1185 = tpu.memref_squeeze %gather3A_1184 : memref<1x32768xf32, #tpu.memory_space<vmem>> -> memref<32768xf32, #tpu.memory_space<vmem>>
        %gather3A_1186 = tpu.vector_load_idx %gather3A_1185[%add3A_1182] : memref<32768xf32, #tpu.memory_space<vmem>>[vector<16xi32>], vector<16xf32>,
        %get3A_1187 = arith.constant 58 : i32
        %get3A_1188 = arith.index_cast %get3A_1187 : i32 to index
        %get3A_1189 = arith.constant 0 : index
        %get3A_1190 = tpu.vector_load %arg12[%get3A_1188, %get3A_1189] {strides = array<i32>} : memref<64x16xf32, #tpu.memory_space<vmem>>, vector<16xf32>,
        %mul3A_1191 = arith.mulf %gather3A_1186, %get3A_1190 : vector<16xf32>
        %add3A_1192 = arith.addf %add3A_1175, %mul3A_1191 : vector<16xf32>
        %add3A_1193 = arith.constant 59 : i32
        %add3A_1194 = vector.broadcast %add3A_1193 : i32 to vector<16xi32>
        %add3A_1195 = arith.addi %mul3A_9, %add3A_1194 : vector<16xi32>
        %and3A_1196 = arith.constant 63 : i32
        %and3A_1197 = vector.broadcast %and3A_1196 : i32 to vector<16xi32>
        %and3A_1198 = arith.andi %add3A_1195, %and3A_1197 : vector<16xi32>
        %add3A_1199 = arith.addi %add3A_184, %and3A_1198 : vector<16xi32>
        %gather3A_1200 = arith.constant 0 : i32
        %gather3A_1201 = tpu.memref_slice %arg10[%scan3A_110, %gather3A_1200] : memref<2x32768xf32, #tpu.memory_space<vmem>> -> memref<1x32768xf32, #tpu.memory_space<vmem>>
        %gather3A_1202 = tpu.memref_squeeze %gather3A_1201 : memref<1x32768xf32, #tpu.memory_space<vmem>> -> memref<32768xf32, #tpu.memory_space<vmem>>
        %gather3A_1203 = tpu.vector_load_idx %gather3A_1202[%add3A_1199] : memref<32768xf32, #tpu.memory_space<vmem>>[vector<16xi32>], vector<16xf32>,
        %get3A_1204 = arith.constant 59 : i32
        %get3A_1205 = arith.index_cast %get3A_1204 : i32 to index
        %get3A_1206 = arith.constant 0 : index
        %get3A_1207 = tpu.vector_load %arg12[%get3A_1205, %get3A_1206] {strides = array<i32>} : memref<64x16xf32, #tpu.memory_space<vmem>>, vector<16xf32>,
        %mul3A_1208 = arith.mulf %gather3A_1203, %get3A_1207 : vector<16xf32>
        %add3A_1209 = arith.addf %add3A_1192, %mul3A_1208 : vector<16xf32>
        %add3A_1210 = arith.constant 60 : i32
        %add3A_1211 = vector.broadcast %add3A_1210 : i32 to vector<16xi32>
        %add3A_1212 = arith.addi %mul3A_9, %add3A_1211 : vector<16xi32>
        %and3A_1213 = arith.constant 63 : i32
        %and3A_1214 = vector.broadcast %and3A_1213 : i32 to vector<16xi32>
        %and3A_1215 = arith.andi %add3A_1212, %and3A_1214 : vector<16xi32>
        %add3A_1216 = arith.addi %add3A_184, %and3A_1215 : vector<16xi32>
        %gather3A_1217 = arith.constant 0 : i32
        %gather3A_1218 = tpu.memref_slice %arg10[%scan3A_110, %gather3A_1217] : memref<2x32768xf32, #tpu.memory_space<vmem>> -> memref<1x32768xf32, #tpu.memory_space<vmem>>
        %gather3A_1219 = tpu.memref_squeeze %gather3A_1218 : memref<1x32768xf32, #tpu.memory_space<vmem>> -> memref<32768xf32, #tpu.memory_space<vmem>>
        %gather3A_1220 = tpu.vector_load_idx %gather3A_1219[%add3A_1216] : memref<32768xf32, #tpu.memory_space<vmem>>[vector<16xi32>], vector<16xf32>,
        %get3A_1221 = arith.constant 60 : i32
        %get3A_1222 = arith.index_cast %get3A_1221 : i32 to index
        %get3A_1223 = arith.constant 0 : index
        %get3A_1224 = tpu.vector_load %arg12[%get3A_1222, %get3A_1223] {strides = array<i32>} : memref<64x16xf32, #tpu.memory_space<vmem>>, vector<16xf32>,
        %mul3A_1225 = arith.mulf %gather3A_1220, %get3A_1224 : vector<16xf32>
        %add3A_1226 = arith.addf %add3A_1209, %mul3A_1225 : vector<16xf32>
        %add3A_1227 = arith.constant 61 : i32
        %add3A_1228 = vector.broadcast %add3A_1227 : i32 to vector<16xi32>
        %add3A_1229 = arith.addi %mul3A_9, %add3A_1228 : vector<16xi32>
        %and3A_1230 = arith.constant 63 : i32
        %and3A_1231 = vector.broadcast %and3A_1230 : i32 to vector<16xi32>
        %and3A_1232 = arith.andi %add3A_1229, %and3A_1231 : vector<16xi32>
        %add3A_1233 = arith.addi %add3A_184, %and3A_1232 : vector<16xi32>
        %gather3A_1234 = arith.constant 0 : i32
        %gather3A_1235 = tpu.memref_slice %arg10[%scan3A_110, %gather3A_1234] : memref<2x32768xf32, #tpu.memory_space<vmem>> -> memref<1x32768xf32, #tpu.memory_space<vmem>>
        %gather3A_1236 = tpu.memref_squeeze %gather3A_1235 : memref<1x32768xf32, #tpu.memory_space<vmem>> -> memref<32768xf32, #tpu.memory_space<vmem>>
        %gather3A_1237 = tpu.vector_load_idx %gather3A_1236[%add3A_1233] : memref<32768xf32, #tpu.memory_space<vmem>>[vector<16xi32>], vector<16xf32>,
        %get3A_1238 = arith.constant 61 : i32
        %get3A_1239 = arith.index_cast %get3A_1238 : i32 to index
        %get3A_1240 = arith.constant 0 : index
        %get3A_1241 = tpu.vector_load %arg12[%get3A_1239, %get3A_1240] {strides = array<i32>} : memref<64x16xf32, #tpu.memory_space<vmem>>, vector<16xf32>,
        %mul3A_1242 = arith.mulf %gather3A_1237, %get3A_1241 : vector<16xf32>
        %add3A_1243 = arith.addf %add3A_1226, %mul3A_1242 : vector<16xf32>
        %add3A_1244 = arith.constant 62 : i32
        %add3A_1245 = vector.broadcast %add3A_1244 : i32 to vector<16xi32>
        %add3A_1246 = arith.addi %mul3A_9, %add3A_1245 : vector<16xi32>
        %and3A_1247 = arith.constant 63 : i32
        %and3A_1248 = vector.broadcast %and3A_1247 : i32 to vector<16xi32>
        %and3A_1249 = arith.andi %add3A_1246, %and3A_1248 : vector<16xi32>
        %add3A_1250 = arith.addi %add3A_184, %and3A_1249 : vector<16xi32>
        %gather3A_1251 = arith.constant 0 : i32
        %gather3A_1252 = tpu.memref_slice %arg10[%scan3A_110, %gather3A_1251] : memref<2x32768xf32, #tpu.memory_space<vmem>> -> memref<1x32768xf32, #tpu.memory_space<vmem>>
        %gather3A_1253 = tpu.memref_squeeze %gather3A_1252 : memref<1x32768xf32, #tpu.memory_space<vmem>> -> memref<32768xf32, #tpu.memory_space<vmem>>
        %gather3A_1254 = tpu.vector_load_idx %gather3A_1253[%add3A_1250] : memref<32768xf32, #tpu.memory_space<vmem>>[vector<16xi32>], vector<16xf32>,
        %get3A_1255 = arith.constant 62 : i32
        %get3A_1256 = arith.index_cast %get3A_1255 : i32 to index
        %get3A_1257 = arith.constant 0 : index
        %get3A_1258 = tpu.vector_load %arg12[%get3A_1256, %get3A_1257] {strides = array<i32>} : memref<64x16xf32, #tpu.memory_space<vmem>>, vector<16xf32>,
        %mul3A_1259 = arith.mulf %gather3A_1254, %get3A_1258 : vector<16xf32>
        %add3A_1260 = arith.addf %add3A_1243, %mul3A_1259 : vector<16xf32>
        %add3A_1261 = arith.constant 63 : i32
        %add3A_1262 = vector.broadcast %add3A_1261 : i32 to vector<16xi32>
        %add3A_1263 = arith.addi %mul3A_9, %add3A_1262 : vector<16xi32>
        %and3A_1264 = arith.constant 63 : i32
        %and3A_1265 = vector.broadcast %and3A_1264 : i32 to vector<16xi32>
        %and3A_1266 = arith.andi %add3A_1263, %and3A_1265 : vector<16xi32>
        %add3A_1267 = arith.addi %add3A_184, %and3A_1266 : vector<16xi32>
        %gather3A_1268 = arith.constant 0 : i32
        %gather3A_1269 = tpu.memref_slice %arg10[%scan3A_110, %gather3A_1268] : memref<2x32768xf32, #tpu.memory_space<vmem>> -> memref<1x32768xf32, #tpu.memory_space<vmem>>
        %gather3A_1270 = tpu.memref_squeeze %gather3A_1269 : memref<1x32768xf32, #tpu.memory_space<vmem>> -> memref<32768xf32, #tpu.memory_space<vmem>>
        %gather3A_1271 = tpu.vector_load_idx %gather3A_1270[%add3A_1267] : memref<32768xf32, #tpu.memory_space<vmem>>[vector<16xi32>], vector<16xf32>,
        %get3A_1272 = arith.constant 63 : i32
        %get3A_1273 = arith.index_cast %get3A_1272 : i32 to index
        %get3A_1274 = arith.constant 0 : index
        %get3A_1275 = tpu.vector_load %arg12[%get3A_1273, %get3A_1274] {strides = array<i32>} : memref<64x16xf32, #tpu.memory_space<vmem>>, vector<16xf32>,
        %mul3A_1276 = arith.mulf %gather3A_1271, %get3A_1275 : vector<16xf32>
        %add3A_1277 = arith.addf %add3A_1260, %mul3A_1276 : vector<16xf32>
        %add3A_1278 = arith.constant 0 : i32
        %add3A_1279 = vector.broadcast %add3A_1278 : i32 to vector<16xi32>
        %add3A_1280 = arith.addi %mul3A_9, %add3A_1279 : vector<16xi32>
        %and3A_1281 = arith.constant 15 : i32
        %and3A_1282 = vector.broadcast %and3A_1281 : i32 to vector<16xi32>
        %and3A_1283 = arith.andi %add3A_1280, %and3A_1282 : vector<16xi32>
        %add3A_1284 = arith.addi %add3A_184, %and3A_1283 : vector<16xi32>
        %gather3A_1285 = arith.constant 0 : i32
        %gather3A_1286 = tpu.memref_slice %arg10[%scan3A_110, %gather3A_1285] : memref<2x32768xf32, #tpu.memory_space<vmem>> -> memref<1x32768xf32, #tpu.memory_space<vmem>>
        %gather3A_1287 = tpu.memref_squeeze %gather3A_1286 : memref<1x32768xf32, #tpu.memory_space<vmem>> -> memref<32768xf32, #tpu.memory_space<vmem>>
        %gather3A_1288 = tpu.vector_load_idx %gather3A_1287[%add3A_1284] : memref<32768xf32, #tpu.memory_space<vmem>>[vector<16xi32>], vector<16xf32>,
        %gather3A_1289 = arith.constant 0 : i32
        %gather3A_1290 = arith.constant 0 : i32
        %gather3A_1291 = tpu.memref_slice %arg9[%scan3A_109, %gather3A_1289, %gather3A_1290] : memref<2x512x24xf32, #tpu.memory_space<vmem>> -> memref<1x512x24xf32, #tpu.memory_space<vmem>>
        %gather3A_1292 = tpu.memref_squeeze %gather3A_1291 : memref<1x512x24xf32, #tpu.memory_space<vmem>> -> memref<512x24xf32, #tpu.memory_space<vmem>>
        %gather3A_1293 = tpu.vector_load_idx %gather3A_1292[%add3A_180, %and3A_1283] : memref<512x24xf32, #tpu.memory_space<vmem>>[vector<16xi32>, vector<16xi32>], vector<16xf32>,
        %mul3A_1294 = arith.mulf %gather3A_1288, %gather3A_1293 : vector<16xf32>
        %add3A_1295 = arith.addf %gather3A_188, %mul3A_1294 : vector<16xf32>
        %add3A_1296 = arith.constant 1 : i32
        %add3A_1297 = vector.broadcast %add3A_1296 : i32 to vector<16xi32>
        %add3A_1298 = arith.addi %mul3A_9, %add3A_1297 : vector<16xi32>
        %and3A_1299 = arith.constant 15 : i32
        %and3A_1300 = vector.broadcast %and3A_1299 : i32 to vector<16xi32>
        %and3A_1301 = arith.andi %add3A_1298, %and3A_1300 : vector<16xi32>
        %add3A_1302 = arith.addi %add3A_184, %and3A_1301 : vector<16xi32>
        %gather3A_1303 = arith.constant 0 : i32
        %gather3A_1304 = tpu.memref_slice %arg10[%scan3A_110, %gather3A_1303] : memref<2x32768xf32, #tpu.memory_space<vmem>> -> memref<1x32768xf32, #tpu.memory_space<vmem>>
        %gather3A_1305 = tpu.memref_squeeze %gather3A_1304 : memref<1x32768xf32, #tpu.memory_space<vmem>> -> memref<32768xf32, #tpu.memory_space<vmem>>
        %gather3A_1306 = tpu.vector_load_idx %gather3A_1305[%add3A_1302] : memref<32768xf32, #tpu.memory_space<vmem>>[vector<16xi32>], vector<16xf32>,
        %gather3A_1307 = arith.constant 0 : i32
        %gather3A_1308 = arith.constant 0 : i32
        %gather3A_1309 = tpu.memref_slice %arg9[%scan3A_109, %gather3A_1307, %gather3A_1308] : memref<2x512x24xf32, #tpu.memory_space<vmem>> -> memref<1x512x24xf32, #tpu.memory_space<vmem>>
        %gather3A_1310 = tpu.memref_squeeze %gather3A_1309 : memref<1x512x24xf32, #tpu.memory_space<vmem>> -> memref<512x24xf32, #tpu.memory_space<vmem>>
        %gather3A_1311 = tpu.vector_load_idx %gather3A_1310[%add3A_180, %and3A_1301] : memref<512x24xf32, #tpu.memory_space<vmem>>[vector<16xi32>, vector<16xi32>], vector<16xf32>,
        %mul3A_1312 = arith.mulf %gather3A_1306, %gather3A_1311 : vector<16xf32>
        %add3A_1313 = arith.addf %add3A_1295, %mul3A_1312 : vector<16xf32>
        %add3A_1314 = arith.constant 2 : i32
        %add3A_1315 = vector.broadcast %add3A_1314 : i32 to vector<16xi32>
        %add3A_1316 = arith.addi %mul3A_9, %add3A_1315 : vector<16xi32>
        %and3A_1317 = arith.constant 15 : i32
        %and3A_1318 = vector.broadcast %and3A_1317 : i32 to vector<16xi32>
        %and3A_1319 = arith.andi %add3A_1316, %and3A_1318 : vector<16xi32>
        %add3A_1320 = arith.addi %add3A_184, %and3A_1319 : vector<16xi32>
        %gather3A_1321 = arith.constant 0 : i32
        %gather3A_1322 = tpu.memref_slice %arg10[%scan3A_110, %gather3A_1321] : memref<2x32768xf32, #tpu.memory_space<vmem>> -> memref<1x32768xf32, #tpu.memory_space<vmem>>
        %gather3A_1323 = tpu.memref_squeeze %gather3A_1322 : memref<1x32768xf32, #tpu.memory_space<vmem>> -> memref<32768xf32, #tpu.memory_space<vmem>>
        %gather3A_1324 = tpu.vector_load_idx %gather3A_1323[%add3A_1320] : memref<32768xf32, #tpu.memory_space<vmem>>[vector<16xi32>], vector<16xf32>,
        %gather3A_1325 = arith.constant 0 : i32
        %gather3A_1326 = arith.constant 0 : i32
        %gather3A_1327 = tpu.memref_slice %arg9[%scan3A_109, %gather3A_1325, %gather3A_1326] : memref<2x512x24xf32, #tpu.memory_space<vmem>> -> memref<1x512x24xf32, #tpu.memory_space<vmem>>
        %gather3A_1328 = tpu.memref_squeeze %gather3A_1327 : memref<1x512x24xf32, #tpu.memory_space<vmem>> -> memref<512x24xf32, #tpu.memory_space<vmem>>
        %gather3A_1329 = tpu.vector_load_idx %gather3A_1328[%add3A_180, %and3A_1319] : memref<512x24xf32, #tpu.memory_space<vmem>>[vector<16xi32>, vector<16xi32>], vector<16xf32>,
        %mul3A_1330 = arith.mulf %gather3A_1324, %gather3A_1329 : vector<16xf32>
        %add3A_1331 = arith.addf %add3A_1313, %mul3A_1330 : vector<16xf32>
        %add3A_1332 = arith.constant 3 : i32
        %add3A_1333 = vector.broadcast %add3A_1332 : i32 to vector<16xi32>
        %add3A_1334 = arith.addi %mul3A_9, %add3A_1333 : vector<16xi32>
        %and3A_1335 = arith.constant 15 : i32
        %and3A_1336 = vector.broadcast %and3A_1335 : i32 to vector<16xi32>
        %and3A_1337 = arith.andi %add3A_1334, %and3A_1336 : vector<16xi32>
        %add3A_1338 = arith.addi %add3A_184, %and3A_1337 : vector<16xi32>
        %gather3A_1339 = arith.constant 0 : i32
        %gather3A_1340 = tpu.memref_slice %arg10[%scan3A_110, %gather3A_1339] : memref<2x32768xf32, #tpu.memory_space<vmem>> -> memref<1x32768xf32, #tpu.memory_space<vmem>>
        %gather3A_1341 = tpu.memref_squeeze %gather3A_1340 : memref<1x32768xf32, #tpu.memory_space<vmem>> -> memref<32768xf32, #tpu.memory_space<vmem>>
        %gather3A_1342 = tpu.vector_load_idx %gather3A_1341[%add3A_1338] : memref<32768xf32, #tpu.memory_space<vmem>>[vector<16xi32>], vector<16xf32>,
        %gather3A_1343 = arith.constant 0 : i32
        %gather3A_1344 = arith.constant 0 : i32
        %gather3A_1345 = tpu.memref_slice %arg9[%scan3A_109, %gather3A_1343, %gather3A_1344] : memref<2x512x24xf32, #tpu.memory_space<vmem>> -> memref<1x512x24xf32, #tpu.memory_space<vmem>>
        %gather3A_1346 = tpu.memref_squeeze %gather3A_1345 : memref<1x512x24xf32, #tpu.memory_space<vmem>> -> memref<512x24xf32, #tpu.memory_space<vmem>>
        %gather3A_1347 = tpu.vector_load_idx %gather3A_1346[%add3A_180, %and3A_1337] : memref<512x24xf32, #tpu.memory_space<vmem>>[vector<16xi32>, vector<16xi32>], vector<16xf32>,
        %mul3A_1348 = arith.mulf %gather3A_1342, %gather3A_1347 : vector<16xf32>
        %add3A_1349 = arith.addf %add3A_1331, %mul3A_1348 : vector<16xf32>
        %add3A_1350 = arith.constant 4 : i32
        %add3A_1351 = vector.broadcast %add3A_1350 : i32 to vector<16xi32>
        %add3A_1352 = arith.addi %mul3A_9, %add3A_1351 : vector<16xi32>
        %and3A_1353 = arith.constant 15 : i32
        %and3A_1354 = vector.broadcast %and3A_1353 : i32 to vector<16xi32>
        %and3A_1355 = arith.andi %add3A_1352, %and3A_1354 : vector<16xi32>
        %add3A_1356 = arith.addi %add3A_184, %and3A_1355 : vector<16xi32>
        %gather3A_1357 = arith.constant 0 : i32
        %gather3A_1358 = tpu.memref_slice %arg10[%scan3A_110, %gather3A_1357] : memref<2x32768xf32, #tpu.memory_space<vmem>> -> memref<1x32768xf32, #tpu.memory_space<vmem>>
        %gather3A_1359 = tpu.memref_squeeze %gather3A_1358 : memref<1x32768xf32, #tpu.memory_space<vmem>> -> memref<32768xf32, #tpu.memory_space<vmem>>
        %gather3A_1360 = tpu.vector_load_idx %gather3A_1359[%add3A_1356] : memref<32768xf32, #tpu.memory_space<vmem>>[vector<16xi32>], vector<16xf32>,
        %gather3A_1361 = arith.constant 0 : i32
        %gather3A_1362 = arith.constant 0 : i32
        %gather3A_1363 = tpu.memref_slice %arg9[%scan3A_109, %gather3A_1361, %gather3A_1362] : memref<2x512x24xf32, #tpu.memory_space<vmem>> -> memref<1x512x24xf32, #tpu.memory_space<vmem>>
        %gather3A_1364 = tpu.memref_squeeze %gather3A_1363 : memref<1x512x24xf32, #tpu.memory_space<vmem>> -> memref<512x24xf32, #tpu.memory_space<vmem>>
        %gather3A_1365 = tpu.vector_load_idx %gather3A_1364[%add3A_180, %and3A_1355] : memref<512x24xf32, #tpu.memory_space<vmem>>[vector<16xi32>, vector<16xi32>], vector<16xf32>,
        %mul3A_1366 = arith.mulf %gather3A_1360, %gather3A_1365 : vector<16xf32>
        %add3A_1367 = arith.addf %add3A_1349, %mul3A_1366 : vector<16xf32>
        %add3A_1368 = arith.constant 5 : i32
        %add3A_1369 = vector.broadcast %add3A_1368 : i32 to vector<16xi32>
        %add3A_1370 = arith.addi %mul3A_9, %add3A_1369 : vector<16xi32>
        %and3A_1371 = arith.constant 15 : i32
        %and3A_1372 = vector.broadcast %and3A_1371 : i32 to vector<16xi32>
        %and3A_1373 = arith.andi %add3A_1370, %and3A_1372 : vector<16xi32>
        %add3A_1374 = arith.addi %add3A_184, %and3A_1373 : vector<16xi32>
        %gather3A_1375 = arith.constant 0 : i32
        %gather3A_1376 = tpu.memref_slice %arg10[%scan3A_110, %gather3A_1375] : memref<2x32768xf32, #tpu.memory_space<vmem>> -> memref<1x32768xf32, #tpu.memory_space<vmem>>
        %gather3A_1377 = tpu.memref_squeeze %gather3A_1376 : memref<1x32768xf32, #tpu.memory_space<vmem>> -> memref<32768xf32, #tpu.memory_space<vmem>>
        %gather3A_1378 = tpu.vector_load_idx %gather3A_1377[%add3A_1374] : memref<32768xf32, #tpu.memory_space<vmem>>[vector<16xi32>], vector<16xf32>,
        %gather3A_1379 = arith.constant 0 : i32
        %gather3A_1380 = arith.constant 0 : i32
        %gather3A_1381 = tpu.memref_slice %arg9[%scan3A_109, %gather3A_1379, %gather3A_1380] : memref<2x512x24xf32, #tpu.memory_space<vmem>> -> memref<1x512x24xf32, #tpu.memory_space<vmem>>
        %gather3A_1382 = tpu.memref_squeeze %gather3A_1381 : memref<1x512x24xf32, #tpu.memory_space<vmem>> -> memref<512x24xf32, #tpu.memory_space<vmem>>
        %gather3A_1383 = tpu.vector_load_idx %gather3A_1382[%add3A_180, %and3A_1373] : memref<512x24xf32, #tpu.memory_space<vmem>>[vector<16xi32>, vector<16xi32>], vector<16xf32>,
        %mul3A_1384 = arith.mulf %gather3A_1378, %gather3A_1383 : vector<16xf32>
        %add3A_1385 = arith.addf %add3A_1367, %mul3A_1384 : vector<16xf32>
        %add3A_1386 = arith.constant 6 : i32
        %add3A_1387 = vector.broadcast %add3A_1386 : i32 to vector<16xi32>
        %add3A_1388 = arith.addi %mul3A_9, %add3A_1387 : vector<16xi32>
        %and3A_1389 = arith.constant 15 : i32
        %and3A_1390 = vector.broadcast %and3A_1389 : i32 to vector<16xi32>
        %and3A_1391 = arith.andi %add3A_1388, %and3A_1390 : vector<16xi32>
        %add3A_1392 = arith.addi %add3A_184, %and3A_1391 : vector<16xi32>
        %gather3A_1393 = arith.constant 0 : i32
        %gather3A_1394 = tpu.memref_slice %arg10[%scan3A_110, %gather3A_1393] : memref<2x32768xf32, #tpu.memory_space<vmem>> -> memref<1x32768xf32, #tpu.memory_space<vmem>>
        %gather3A_1395 = tpu.memref_squeeze %gather3A_1394 : memref<1x32768xf32, #tpu.memory_space<vmem>> -> memref<32768xf32, #tpu.memory_space<vmem>>
        %gather3A_1396 = tpu.vector_load_idx %gather3A_1395[%add3A_1392] : memref<32768xf32, #tpu.memory_space<vmem>>[vector<16xi32>], vector<16xf32>,
        %gather3A_1397 = arith.constant 0 : i32
        %gather3A_1398 = arith.constant 0 : i32
        %gather3A_1399 = tpu.memref_slice %arg9[%scan3A_109, %gather3A_1397, %gather3A_1398] : memref<2x512x24xf32, #tpu.memory_space<vmem>> -> memref<1x512x24xf32, #tpu.memory_space<vmem>>
        %gather3A_1400 = tpu.memref_squeeze %gather3A_1399 : memref<1x512x24xf32, #tpu.memory_space<vmem>> -> memref<512x24xf32, #tpu.memory_space<vmem>>
        %gather3A_1401 = tpu.vector_load_idx %gather3A_1400[%add3A_180, %and3A_1391] : memref<512x24xf32, #tpu.memory_space<vmem>>[vector<16xi32>, vector<16xi32>], vector<16xf32>,
        %mul3A_1402 = arith.mulf %gather3A_1396, %gather3A_1401 : vector<16xf32>
        %add3A_1403 = arith.addf %add3A_1385, %mul3A_1402 : vector<16xf32>
        %add3A_1404 = arith.constant 7 : i32
        %add3A_1405 = vector.broadcast %add3A_1404 : i32 to vector<16xi32>
        %add3A_1406 = arith.addi %mul3A_9, %add3A_1405 : vector<16xi32>
        %and3A_1407 = arith.constant 15 : i32
        %and3A_1408 = vector.broadcast %and3A_1407 : i32 to vector<16xi32>
        %and3A_1409 = arith.andi %add3A_1406, %and3A_1408 : vector<16xi32>
        %add3A_1410 = arith.addi %add3A_184, %and3A_1409 : vector<16xi32>
        %gather3A_1411 = arith.constant 0 : i32
        %gather3A_1412 = tpu.memref_slice %arg10[%scan3A_110, %gather3A_1411] : memref<2x32768xf32, #tpu.memory_space<vmem>> -> memref<1x32768xf32, #tpu.memory_space<vmem>>
        %gather3A_1413 = tpu.memref_squeeze %gather3A_1412 : memref<1x32768xf32, #tpu.memory_space<vmem>> -> memref<32768xf32, #tpu.memory_space<vmem>>
        %gather3A_1414 = tpu.vector_load_idx %gather3A_1413[%add3A_1410] : memref<32768xf32, #tpu.memory_space<vmem>>[vector<16xi32>], vector<16xf32>,
        %gather3A_1415 = arith.constant 0 : i32
        %gather3A_1416 = arith.constant 0 : i32
        %gather3A_1417 = tpu.memref_slice %arg9[%scan3A_109, %gather3A_1415, %gather3A_1416] : memref<2x512x24xf32, #tpu.memory_space<vmem>> -> memref<1x512x24xf32, #tpu.memory_space<vmem>>
        %gather3A_1418 = tpu.memref_squeeze %gather3A_1417 : memref<1x512x24xf32, #tpu.memory_space<vmem>> -> memref<512x24xf32, #tpu.memory_space<vmem>>
        %gather3A_1419 = tpu.vector_load_idx %gather3A_1418[%add3A_180, %and3A_1409] : memref<512x24xf32, #tpu.memory_space<vmem>>[vector<16xi32>, vector<16xi32>], vector<16xf32>,
        %mul3A_1420 = arith.mulf %gather3A_1414, %gather3A_1419 : vector<16xf32>
        %add3A_1421 = arith.addf %add3A_1403, %mul3A_1420 : vector<16xf32>
        %add3A_1422 = arith.constant 8 : i32
        %add3A_1423 = vector.broadcast %add3A_1422 : i32 to vector<16xi32>
        %add3A_1424 = arith.addi %mul3A_9, %add3A_1423 : vector<16xi32>
        %and3A_1425 = arith.constant 15 : i32
        %and3A_1426 = vector.broadcast %and3A_1425 : i32 to vector<16xi32>
        %and3A_1427 = arith.andi %add3A_1424, %and3A_1426 : vector<16xi32>
        %add3A_1428 = arith.addi %add3A_184, %and3A_1427 : vector<16xi32>
        %gather3A_1429 = arith.constant 0 : i32
        %gather3A_1430 = tpu.memref_slice %arg10[%scan3A_110, %gather3A_1429] : memref<2x32768xf32, #tpu.memory_space<vmem>> -> memref<1x32768xf32, #tpu.memory_space<vmem>>
        %gather3A_1431 = tpu.memref_squeeze %gather3A_1430 : memref<1x32768xf32, #tpu.memory_space<vmem>> -> memref<32768xf32, #tpu.memory_space<vmem>>
        %gather3A_1432 = tpu.vector_load_idx %gather3A_1431[%add3A_1428] : memref<32768xf32, #tpu.memory_space<vmem>>[vector<16xi32>], vector<16xf32>,
        %gather3A_1433 = arith.constant 0 : i32
        %gather3A_1434 = arith.constant 0 : i32
        %gather3A_1435 = tpu.memref_slice %arg9[%scan3A_109, %gather3A_1433, %gather3A_1434] : memref<2x512x24xf32, #tpu.memory_space<vmem>> -> memref<1x512x24xf32, #tpu.memory_space<vmem>>
        %gather3A_1436 = tpu.memref_squeeze %gather3A_1435 : memref<1x512x24xf32, #tpu.memory_space<vmem>> -> memref<512x24xf32, #tpu.memory_space<vmem>>
        %gather3A_1437 = tpu.vector_load_idx %gather3A_1436[%add3A_180, %and3A_1427] : memref<512x24xf32, #tpu.memory_space<vmem>>[vector<16xi32>, vector<16xi32>], vector<16xf32>,
        %mul3A_1438 = arith.mulf %gather3A_1432, %gather3A_1437 : vector<16xf32>
        %add3A_1439 = arith.addf %add3A_1421, %mul3A_1438 : vector<16xf32>
        %add3A_1440 = arith.constant 9 : i32
        %add3A_1441 = vector.broadcast %add3A_1440 : i32 to vector<16xi32>
        %add3A_1442 = arith.addi %mul3A_9, %add3A_1441 : vector<16xi32>
        %and3A_1443 = arith.constant 15 : i32
        %and3A_1444 = vector.broadcast %and3A_1443 : i32 to vector<16xi32>
        %and3A_1445 = arith.andi %add3A_1442, %and3A_1444 : vector<16xi32>
        %add3A_1446 = arith.addi %add3A_184, %and3A_1445 : vector<16xi32>
        %gather3A_1447 = arith.constant 0 : i32
        %gather3A_1448 = tpu.memref_slice %arg10[%scan3A_110, %gather3A_1447] : memref<2x32768xf32, #tpu.memory_space<vmem>> -> memref<1x32768xf32, #tpu.memory_space<vmem>>
        %gather3A_1449 = tpu.memref_squeeze %gather3A_1448 : memref<1x32768xf32, #tpu.memory_space<vmem>> -> memref<32768xf32, #tpu.memory_space<vmem>>
        %gather3A_1450 = tpu.vector_load_idx %gather3A_1449[%add3A_1446] : memref<32768xf32, #tpu.memory_space<vmem>>[vector<16xi32>], vector<16xf32>,
        %gather3A_1451 = arith.constant 0 : i32
        %gather3A_1452 = arith.constant 0 : i32
        %gather3A_1453 = tpu.memref_slice %arg9[%scan3A_109, %gather3A_1451, %gather3A_1452] : memref<2x512x24xf32, #tpu.memory_space<vmem>> -> memref<1x512x24xf32, #tpu.memory_space<vmem>>
        %gather3A_1454 = tpu.memref_squeeze %gather3A_1453 : memref<1x512x24xf32, #tpu.memory_space<vmem>> -> memref<512x24xf32, #tpu.memory_space<vmem>>
        %gather3A_1455 = tpu.vector_load_idx %gather3A_1454[%add3A_180, %and3A_1445] : memref<512x24xf32, #tpu.memory_space<vmem>>[vector<16xi32>, vector<16xi32>], vector<16xf32>,
        %mul3A_1456 = arith.mulf %gather3A_1450, %gather3A_1455 : vector<16xf32>
        %add3A_1457 = arith.addf %add3A_1439, %mul3A_1456 : vector<16xf32>
        %add3A_1458 = arith.constant 10 : i32
        %add3A_1459 = vector.broadcast %add3A_1458 : i32 to vector<16xi32>
        %add3A_1460 = arith.addi %mul3A_9, %add3A_1459 : vector<16xi32>
        %and3A_1461 = arith.constant 15 : i32
        %and3A_1462 = vector.broadcast %and3A_1461 : i32 to vector<16xi32>
        %and3A_1463 = arith.andi %add3A_1460, %and3A_1462 : vector<16xi32>
        %add3A_1464 = arith.addi %add3A_184, %and3A_1463 : vector<16xi32>
        %gather3A_1465 = arith.constant 0 : i32
        %gather3A_1466 = tpu.memref_slice %arg10[%scan3A_110, %gather3A_1465] : memref<2x32768xf32, #tpu.memory_space<vmem>> -> memref<1x32768xf32, #tpu.memory_space<vmem>>
        %gather3A_1467 = tpu.memref_squeeze %gather3A_1466 : memref<1x32768xf32, #tpu.memory_space<vmem>> -> memref<32768xf32, #tpu.memory_space<vmem>>
        %gather3A_1468 = tpu.vector_load_idx %gather3A_1467[%add3A_1464] : memref<32768xf32, #tpu.memory_space<vmem>>[vector<16xi32>], vector<16xf32>,
        %gather3A_1469 = arith.constant 0 : i32
        %gather3A_1470 = arith.constant 0 : i32
        %gather3A_1471 = tpu.memref_slice %arg9[%scan3A_109, %gather3A_1469, %gather3A_1470] : memref<2x512x24xf32, #tpu.memory_space<vmem>> -> memref<1x512x24xf32, #tpu.memory_space<vmem>>
        %gather3A_1472 = tpu.memref_squeeze %gather3A_1471 : memref<1x512x24xf32, #tpu.memory_space<vmem>> -> memref<512x24xf32, #tpu.memory_space<vmem>>
        %gather3A_1473 = tpu.vector_load_idx %gather3A_1472[%add3A_180, %and3A_1463] : memref<512x24xf32, #tpu.memory_space<vmem>>[vector<16xi32>, vector<16xi32>], vector<16xf32>,
        %mul3A_1474 = arith.mulf %gather3A_1468, %gather3A_1473 : vector<16xf32>
        %add3A_1475 = arith.addf %add3A_1457, %mul3A_1474 : vector<16xf32>
        %add3A_1476 = arith.constant 11 : i32
        %add3A_1477 = vector.broadcast %add3A_1476 : i32 to vector<16xi32>
        %add3A_1478 = arith.addi %mul3A_9, %add3A_1477 : vector<16xi32>
        %and3A_1479 = arith.constant 15 : i32
        %and3A_1480 = vector.broadcast %and3A_1479 : i32 to vector<16xi32>
        %and3A_1481 = arith.andi %add3A_1478, %and3A_1480 : vector<16xi32>
        %add3A_1482 = arith.addi %add3A_184, %and3A_1481 : vector<16xi32>
        %gather3A_1483 = arith.constant 0 : i32
        %gather3A_1484 = tpu.memref_slice %arg10[%scan3A_110, %gather3A_1483] : memref<2x32768xf32, #tpu.memory_space<vmem>> -> memref<1x32768xf32, #tpu.memory_space<vmem>>
        %gather3A_1485 = tpu.memref_squeeze %gather3A_1484 : memref<1x32768xf32, #tpu.memory_space<vmem>> -> memref<32768xf32, #tpu.memory_space<vmem>>
        %gather3A_1486 = tpu.vector_load_idx %gather3A_1485[%add3A_1482] : memref<32768xf32, #tpu.memory_space<vmem>>[vector<16xi32>], vector<16xf32>,
        %gather3A_1487 = arith.constant 0 : i32
        %gather3A_1488 = arith.constant 0 : i32
        %gather3A_1489 = tpu.memref_slice %arg9[%scan3A_109, %gather3A_1487, %gather3A_1488] : memref<2x512x24xf32, #tpu.memory_space<vmem>> -> memref<1x512x24xf32, #tpu.memory_space<vmem>>
        %gather3A_1490 = tpu.memref_squeeze %gather3A_1489 : memref<1x512x24xf32, #tpu.memory_space<vmem>> -> memref<512x24xf32, #tpu.memory_space<vmem>>
        %gather3A_1491 = tpu.vector_load_idx %gather3A_1490[%add3A_180, %and3A_1481] : memref<512x24xf32, #tpu.memory_space<vmem>>[vector<16xi32>, vector<16xi32>], vector<16xf32>,
        %mul3A_1492 = arith.mulf %gather3A_1486, %gather3A_1491 : vector<16xf32>
        %add3A_1493 = arith.addf %add3A_1475, %mul3A_1492 : vector<16xf32>
        %add3A_1494 = arith.constant 12 : i32
        %add3A_1495 = vector.broadcast %add3A_1494 : i32 to vector<16xi32>
        %add3A_1496 = arith.addi %mul3A_9, %add3A_1495 : vector<16xi32>
        %and3A_1497 = arith.constant 15 : i32
        %and3A_1498 = vector.broadcast %and3A_1497 : i32 to vector<16xi32>
        %and3A_1499 = arith.andi %add3A_1496, %and3A_1498 : vector<16xi32>
        %add3A_1500 = arith.addi %add3A_184, %and3A_1499 : vector<16xi32>
        %gather3A_1501 = arith.constant 0 : i32
        %gather3A_1502 = tpu.memref_slice %arg10[%scan3A_110, %gather3A_1501] : memref<2x32768xf32, #tpu.memory_space<vmem>> -> memref<1x32768xf32, #tpu.memory_space<vmem>>
        %gather3A_1503 = tpu.memref_squeeze %gather3A_1502 : memref<1x32768xf32, #tpu.memory_space<vmem>> -> memref<32768xf32, #tpu.memory_space<vmem>>
        %gather3A_1504 = tpu.vector_load_idx %gather3A_1503[%add3A_1500] : memref<32768xf32, #tpu.memory_space<vmem>>[vector<16xi32>], vector<16xf32>,
        %gather3A_1505 = arith.constant 0 : i32
        %gather3A_1506 = arith.constant 0 : i32
        %gather3A_1507 = tpu.memref_slice %arg9[%scan3A_109, %gather3A_1505, %gather3A_1506] : memref<2x512x24xf32, #tpu.memory_space<vmem>> -> memref<1x512x24xf32, #tpu.memory_space<vmem>>
        %gather3A_1508 = tpu.memref_squeeze %gather3A_1507 : memref<1x512x24xf32, #tpu.memory_space<vmem>> -> memref<512x24xf32, #tpu.memory_space<vmem>>
        %gather3A_1509 = tpu.vector_load_idx %gather3A_1508[%add3A_180, %and3A_1499] : memref<512x24xf32, #tpu.memory_space<vmem>>[vector<16xi32>, vector<16xi32>], vector<16xf32>,
        %mul3A_1510 = arith.mulf %gather3A_1504, %gather3A_1509 : vector<16xf32>
        %add3A_1511 = arith.addf %add3A_1493, %mul3A_1510 : vector<16xf32>
        %add3A_1512 = arith.constant 13 : i32
        %add3A_1513 = vector.broadcast %add3A_1512 : i32 to vector<16xi32>
        %add3A_1514 = arith.addi %mul3A_9, %add3A_1513 : vector<16xi32>
        %and3A_1515 = arith.constant 15 : i32
        %and3A_1516 = vector.broadcast %and3A_1515 : i32 to vector<16xi32>
        %and3A_1517 = arith.andi %add3A_1514, %and3A_1516 : vector<16xi32>
        %add3A_1518 = arith.addi %add3A_184, %and3A_1517 : vector<16xi32>
        %gather3A_1519 = arith.constant 0 : i32
        %gather3A_1520 = tpu.memref_slice %arg10[%scan3A_110, %gather3A_1519] : memref<2x32768xf32, #tpu.memory_space<vmem>> -> memref<1x32768xf32, #tpu.memory_space<vmem>>
        %gather3A_1521 = tpu.memref_squeeze %gather3A_1520 : memref<1x32768xf32, #tpu.memory_space<vmem>> -> memref<32768xf32, #tpu.memory_space<vmem>>
        %gather3A_1522 = tpu.vector_load_idx %gather3A_1521[%add3A_1518] : memref<32768xf32, #tpu.memory_space<vmem>>[vector<16xi32>], vector<16xf32>,
        %gather3A_1523 = arith.constant 0 : i32
        %gather3A_1524 = arith.constant 0 : i32
        %gather3A_1525 = tpu.memref_slice %arg9[%scan3A_109, %gather3A_1523, %gather3A_1524] : memref<2x512x24xf32, #tpu.memory_space<vmem>> -> memref<1x512x24xf32, #tpu.memory_space<vmem>>
        %gather3A_1526 = tpu.memref_squeeze %gather3A_1525 : memref<1x512x24xf32, #tpu.memory_space<vmem>> -> memref<512x24xf32, #tpu.memory_space<vmem>>
        %gather3A_1527 = tpu.vector_load_idx %gather3A_1526[%add3A_180, %and3A_1517] : memref<512x24xf32, #tpu.memory_space<vmem>>[vector<16xi32>, vector<16xi32>], vector<16xf32>,
        %mul3A_1528 = arith.mulf %gather3A_1522, %gather3A_1527 : vector<16xf32>
        %add3A_1529 = arith.addf %add3A_1511, %mul3A_1528 : vector<16xf32>
        %add3A_1530 = arith.constant 14 : i32
        %add3A_1531 = vector.broadcast %add3A_1530 : i32 to vector<16xi32>
        %add3A_1532 = arith.addi %mul3A_9, %add3A_1531 : vector<16xi32>
        %and3A_1533 = arith.constant 15 : i32
        %and3A_1534 = vector.broadcast %and3A_1533 : i32 to vector<16xi32>
        %and3A_1535 = arith.andi %add3A_1532, %and3A_1534 : vector<16xi32>
        %add3A_1536 = arith.addi %add3A_184, %and3A_1535 : vector<16xi32>
        %gather3A_1537 = arith.constant 0 : i32
        %gather3A_1538 = tpu.memref_slice %arg10[%scan3A_110, %gather3A_1537] : memref<2x32768xf32, #tpu.memory_space<vmem>> -> memref<1x32768xf32, #tpu.memory_space<vmem>>
        %gather3A_1539 = tpu.memref_squeeze %gather3A_1538 : memref<1x32768xf32, #tpu.memory_space<vmem>> -> memref<32768xf32, #tpu.memory_space<vmem>>
        %gather3A_1540 = tpu.vector_load_idx %gather3A_1539[%add3A_1536] : memref<32768xf32, #tpu.memory_space<vmem>>[vector<16xi32>], vector<16xf32>,
        %gather3A_1541 = arith.constant 0 : i32
        %gather3A_1542 = arith.constant 0 : i32
        %gather3A_1543 = tpu.memref_slice %arg9[%scan3A_109, %gather3A_1541, %gather3A_1542] : memref<2x512x24xf32, #tpu.memory_space<vmem>> -> memref<1x512x24xf32, #tpu.memory_space<vmem>>
        %gather3A_1544 = tpu.memref_squeeze %gather3A_1543 : memref<1x512x24xf32, #tpu.memory_space<vmem>> -> memref<512x24xf32, #tpu.memory_space<vmem>>
        %gather3A_1545 = tpu.vector_load_idx %gather3A_1544[%add3A_180, %and3A_1535] : memref<512x24xf32, #tpu.memory_space<vmem>>[vector<16xi32>, vector<16xi32>], vector<16xf32>,
        %mul3A_1546 = arith.mulf %gather3A_1540, %gather3A_1545 : vector<16xf32>
        %add3A_1547 = arith.addf %add3A_1529, %mul3A_1546 : vector<16xf32>
        %add3A_1548 = arith.constant 15 : i32
        %add3A_1549 = vector.broadcast %add3A_1548 : i32 to vector<16xi32>
        %add3A_1550 = arith.addi %mul3A_9, %add3A_1549 : vector<16xi32>
        %and3A_1551 = arith.constant 15 : i32
        %and3A_1552 = vector.broadcast %and3A_1551 : i32 to vector<16xi32>
        %and3A_1553 = arith.andi %add3A_1550, %and3A_1552 : vector<16xi32>
        %add3A_1554 = arith.addi %add3A_184, %and3A_1553 : vector<16xi32>
        %gather3A_1555 = arith.constant 0 : i32
        %gather3A_1556 = tpu.memref_slice %arg10[%scan3A_110, %gather3A_1555] : memref<2x32768xf32, #tpu.memory_space<vmem>> -> memref<1x32768xf32, #tpu.memory_space<vmem>>
        %gather3A_1557 = tpu.memref_squeeze %gather3A_1556 : memref<1x32768xf32, #tpu.memory_space<vmem>> -> memref<32768xf32, #tpu.memory_space<vmem>>
        %gather3A_1558 = tpu.vector_load_idx %gather3A_1557[%add3A_1554] : memref<32768xf32, #tpu.memory_space<vmem>>[vector<16xi32>], vector<16xf32>,
        %gather3A_1559 = arith.constant 0 : i32
        %gather3A_1560 = arith.constant 0 : i32
        %gather3A_1561 = tpu.memref_slice %arg9[%scan3A_109, %gather3A_1559, %gather3A_1560] : memref<2x512x24xf32, #tpu.memory_space<vmem>> -> memref<1x512x24xf32, #tpu.memory_space<vmem>>
        %gather3A_1562 = tpu.memref_squeeze %gather3A_1561 : memref<1x512x24xf32, #tpu.memory_space<vmem>> -> memref<512x24xf32, #tpu.memory_space<vmem>>
        %gather3A_1563 = tpu.vector_load_idx %gather3A_1562[%add3A_180, %and3A_1553] : memref<512x24xf32, #tpu.memory_space<vmem>>[vector<16xi32>, vector<16xi32>], vector<16xf32>,
        %mul3A_1564 = arith.mulf %gather3A_1558, %gather3A_1563 : vector<16xf32>
        %add3A_1565 = arith.addf %add3A_1547, %mul3A_1564 : vector<16xf32>
        %add3A_1566 = arith.addf %add3A_1277, %add3A_1565 : vector<16xf32>
        %add3A_1567 = vector.broadcast %squeeze3A : f32 to vector<16xf32>
        %add3A_1568 = arith.addf %add3A_1566, %add3A_1567 : vector<16xf32>
        tpu.vector_store_idx %arg11[%add3A_180], %add3A_1568 : memref<512xf32, #tpu.memory_space<vmem>>[vector<16xi32>], vector<16xf32>,
      }
      %scan3A_115 = arith.constant 32 : i32
      %mul3A_116 = arith.constant 512 : i32
      %mul3A_117 = arith.muli %add3A_77, %mul3A_116 : i32
      %add3A_118 = arith.addi %mul3A_2, %mul3A_117 : i32
      "tpu.region"() ({
        %run_scoped3A = tpu.sem_alloc : memref<!tpu.dma_semaphore, #tpu.memory_space<semaphore_mem>>
        %dma_start3A_176 = tpu.memref_slice %arg7[%add3A_118] : memref<262144xf32, #tpu.memory_space<hbm>> -> memref<512xf32, #tpu.memory_space<hbm>>
        %dma_start3A_177 = tpu.memref_slice %arg7[%add3A_118] : memref<262144xf32, #tpu.memory_space<hbm>> -> memref<512xf32, #tpu.memory_space<hbm>>
        tpu.enqueue_dma source(%arg11 : memref<512xf32, #tpu.memory_space<vmem>>) target(%dma_start3A_177 : memref<512xf32, #tpu.memory_space<hbm>>) target_semaphore(%run_scoped3A : memref<!tpu.dma_semaphore, #tpu.memory_space<semaphore_mem>>)
        %dma_wait3A_178 = tpu.memref_slice %arg7[%add3A_118] : memref<262144xf32, #tpu.memory_space<hbm>> -> memref<512xf32, #tpu.memory_space<hbm>>
        %dma_wait3A_179 = tpu.memref_slice %arg7[%add3A_118] : memref<262144xf32, #tpu.memory_space<hbm>> -> memref<512xf32, #tpu.memory_space<hbm>>
        tpu.wait_dma2 semaphore(%run_scoped3A : memref<!tpu.dma_semaphore, #tpu.memory_space<semaphore_mem>>) src(%arg11 : memref<512xf32, #tpu.memory_space<vmem>>) dst(%dma_wait3A_179 : memref<512xf32, #tpu.memory_space<hbm>>)
        tpu.yield
      }) : () -> ()
      %add3A_119 = arith.constant 2 : i32
      %add3A_120 = arith.addi %add3A_77, %add3A_119 : i32
      %lt3A = arith.constant 16 : i32
      %lt3A_121 = arith.cmpi slt, %add3A_120, %lt3A : i32
      %convert_element_type3A = arith.extui %lt3A_121 : i1 to i32
      %cond3A = arith.constant 0 : i32
      %cond3A_122 = arith.cmpi ne, %convert_element_type3A, %cond3A : i32
      scf.if %cond3A_122 {
        %add3A_176 = arith.constant 2 : i32
        %add3A_177 = arith.addi %add3A_77, %add3A_176 : i32
        %mul3A_178 = arith.constant 512 : i32
        %mul3A_179 = arith.muli %add3A_177, %mul3A_178 : i32
        %mul3A_180 = arith.constant 512 : i32
        %mul3A_181 = arith.muli %add3A_177, %mul3A_180 : i32
        %add3A_182 = arith.addi %mul3A_2, %mul3A_181 : i32
        %mul3A_183 = arith.constant 64 : i32
        %mul3A_184 = arith.muli %add3A_182, %mul3A_183 : i32
        %dma_start3A_185 = arith.constant 0 : i32
        %dma_start3A_186 = arith.constant 0 : i32
        %dma_start3A_187 = arith.constant 0 : i32
        %dma_start3A_188 = arith.constant 0 : i32
        %dma_start3A_189 = tpu.memref_slice %arg9[%dma_start3A_185, %dma_start3A_187, %dma_start3A_188] : memref<2x512x24xf32, #tpu.memory_space<vmem>> -> memref<1x512x24xf32, #tpu.memory_space<vmem>>
        %dma_start3A_190 = tpu.memref_squeeze %dma_start3A_189 : memref<1x512x24xf32, #tpu.memory_space<vmem>> -> memref<512x24xf32, #tpu.memory_space<vmem>>
        %dma_start3A_191 = tpu.memref_slice %arg8[%mul3A_179] : memref<8192xi32, #tpu.memory_space<vmem>> -> memref<512xi32, #tpu.memory_space<vmem>>
        %dma_start3A_192 = arith.constant 0 : i32
        %dma_start3A_193 = arith.constant 0 : i32
        %dma_start3A_194 = tpu.memref_slice %arg3[%dma_start3A_192, %dma_start3A_193] : memref<10000x24xf32, #tpu.memory_space<hbm>> -> memref<10000x24xf32, #tpu.memory_space<hbm>>
        %dma_start3A_195 = tpu.memref_slice %arg14[%dma_start3A_186] : memref<2x!tpu.dma_semaphore, #tpu.memory_space<semaphore_mem>> -> memref<1x!tpu.dma_semaphore, #tpu.memory_space<semaphore_mem>>
        %dma_start3A_196 = tpu.memref_squeeze %dma_start3A_195 : memref<1x!tpu.dma_semaphore, #tpu.memory_space<semaphore_mem>> -> memref<!tpu.dma_semaphore, #tpu.memory_space<semaphore_mem>>
        tpu.enqueue_indirect_dma source(%dma_start3A_194 : memref<10000x24xf32, #tpu.memory_space<hbm>>) target(%dma_start3A_190 : memref<512x24xf32, #tpu.memory_space<vmem>>) offsets(%dma_start3A_191 : memref<512xi32, #tpu.memory_space<vmem>>) semaphore(%dma_start3A_196 : memref<!tpu.dma_semaphore, #tpu.memory_space<semaphore_mem>>)
        %dma_start3A_197 = arith.constant 0 : i32
        %dma_start3A_198 = arith.constant 0 : i32
        %dma_start3A_199 = arith.constant 0 : i32
        %dma_start3A_200 = tpu.memref_slice %arg10[%dma_start3A_197, %dma_start3A_199] : memref<2x32768xf32, #tpu.memory_space<vmem>> -> memref<1x32768xf32, #tpu.memory_space<vmem>>
        %dma_start3A_201 = tpu.memref_squeeze %dma_start3A_200 : memref<1x32768xf32, #tpu.memory_space<vmem>> -> memref<32768xf32, #tpu.memory_space<vmem>>
        %dma_start3A_202 = tpu.memref_slice %arg4[%mul3A_184] : memref<16777216xf32, #tpu.memory_space<hbm>> -> memref<32768xf32, #tpu.memory_space<hbm>>
        %dma_start3A_203 = tpu.memref_slice %arg15[%dma_start3A_198] : memref<2x!tpu.dma_semaphore, #tpu.memory_space<semaphore_mem>> -> memref<1x!tpu.dma_semaphore, #tpu.memory_space<semaphore_mem>>
        %dma_start3A_204 = tpu.memref_squeeze %dma_start3A_203 : memref<1x!tpu.dma_semaphore, #tpu.memory_space<semaphore_mem>> -> memref<!tpu.dma_semaphore, #tpu.memory_space<semaphore_mem>>
        %dma_start3A_205 = arith.constant 0 : i32
        %dma_start3A_206 = tpu.memref_slice %arg10[%dma_start3A_197, %dma_start3A_205] : memref<2x32768xf32, #tpu.memory_space<vmem>> -> memref<1x32768xf32, #tpu.memory_space<vmem>>
        %dma_start3A_207 = tpu.memref_squeeze %dma_start3A_206 : memref<1x32768xf32, #tpu.memory_space<vmem>> -> memref<32768xf32, #tpu.memory_space<vmem>>
        %dma_start3A_208 = tpu.memref_slice %arg4[%mul3A_184] : memref<16777216xf32, #tpu.memory_space<hbm>> -> memref<32768xf32, #tpu.memory_space<hbm>>
        tpu.enqueue_dma source(%dma_start3A_208 : memref<32768xf32, #tpu.memory_space<hbm>>) target(%dma_start3A_207 : memref<32768xf32, #tpu.memory_space<vmem>>) target_semaphore(%dma_start3A_204 : memref<!tpu.dma_semaphore, #tpu.memory_space<semaphore_mem>>)
      } else {
      }
      %mul3A_123 = arith.constant 2 : i32
      %mul3A_124 = arith.muli %scan3A_73, %mul3A_123 : i32
      %add3A_125 = arith.constant 1 : i32
      %add3A_126 = arith.addi %mul3A_124, %add3A_125 : i32
      %mul3A_127 = arith.constant 512 : i32
      %mul3A_128 = arith.muli %add3A_126, %mul3A_127 : i32
      %mul3A_129 = arith.constant 512 : i32
      %mul3A_130 = arith.muli %add3A_126, %mul3A_129 : i32
      %add3A_131 = arith.addi %mul3A_2, %mul3A_130 : i32
      %mul3A_132 = arith.constant 64 : i32
      %mul3A_133 = arith.muli %add3A_131, %mul3A_132 : i32
      %dma_wait3A_134 = arith.constant 1 : i32
      %dma_wait3A_135 = arith.constant 1 : i32
      %dma_wait3A_136 = arith.constant 0 : i32
      %dma_wait3A_137 = arith.constant 0 : i32
      %dma_wait3A_138 = tpu.memref_slice %arg9[%dma_wait3A_134, %dma_wait3A_136, %dma_wait3A_137] : memref<2x512x24xf32, #tpu.memory_space<vmem>> -> memref<1x512x24xf32, #tpu.memory_space<vmem>>
      %dma_wait3A_139 = tpu.memref_squeeze %dma_wait3A_138 : memref<1x512x24xf32, #tpu.memory_space<vmem>> -> memref<512x24xf32, #tpu.memory_space<vmem>>
      %dma_wait3A_140 = tpu.memref_slice %arg8[%mul3A_128] : memref<8192xi32, #tpu.memory_space<vmem>> -> memref<512xi32, #tpu.memory_space<vmem>>
      %dma_wait3A_141 = arith.constant 0 : i32
      %dma_wait3A_142 = arith.constant 0 : i32
      %dma_wait3A_143 = tpu.memref_slice %arg3[%dma_wait3A_141, %dma_wait3A_142] : memref<10000x24xf32, #tpu.memory_space<hbm>> -> memref<10000x24xf32, #tpu.memory_space<hbm>>
      %dma_wait3A_144 = tpu.memref_slice %arg14[%dma_wait3A_135] : memref<2x!tpu.dma_semaphore, #tpu.memory_space<semaphore_mem>> -> memref<1x!tpu.dma_semaphore, #tpu.memory_space<semaphore_mem>>
      %dma_wait3A_145 = tpu.memref_squeeze %dma_wait3A_144 : memref<1x!tpu.dma_semaphore, #tpu.memory_space<semaphore_mem>> -> memref<!tpu.dma_semaphore, #tpu.memory_space<semaphore_mem>>
      tpu.wait_indirect_dma semaphore(%dma_wait3A_145 : memref<!tpu.dma_semaphore, #tpu.memory_space<semaphore_mem>>) src(%dma_wait3A_143 : memref<10000x24xf32, #tpu.memory_space<hbm>>) dst(%dma_wait3A_139 : memref<512x24xf32, #tpu.memory_space<vmem>>)
      %dma_wait3A_146 = arith.constant 1 : i32
      %dma_wait3A_147 = arith.constant 1 : i32
      %dma_wait3A_148 = arith.constant 0 : i32
      %dma_wait3A_149 = tpu.memref_slice %arg10[%dma_wait3A_146, %dma_wait3A_148] : memref<2x32768xf32, #tpu.memory_space<vmem>> -> memref<1x32768xf32, #tpu.memory_space<vmem>>
      %dma_wait3A_150 = tpu.memref_squeeze %dma_wait3A_149 : memref<1x32768xf32, #tpu.memory_space<vmem>> -> memref<32768xf32, #tpu.memory_space<vmem>>
      %dma_wait3A_151 = tpu.memref_slice %arg4[%mul3A_133] : memref<16777216xf32, #tpu.memory_space<hbm>> -> memref<32768xf32, #tpu.memory_space<hbm>>
      %dma_wait3A_152 = tpu.memref_slice %arg15[%dma_wait3A_147] : memref<2x!tpu.dma_semaphore, #tpu.memory_space<semaphore_mem>> -> memref<1x!tpu.dma_semaphore, #tpu.memory_space<semaphore_mem>>
      %dma_wait3A_153 = tpu.memref_squeeze %dma_wait3A_152 : memref<1x!tpu.dma_semaphore, #tpu.memory_space<semaphore_mem>> -> memref<!tpu.dma_semaphore, #tpu.memory_space<semaphore_mem>>
      %dma_wait3A_154 = arith.constant 0 : i32
      %dma_wait3A_155 = tpu.memref_slice %arg10[%dma_wait3A_146, %dma_wait3A_154] : memref<2x32768xf32, #tpu.memory_space<vmem>> -> memref<1x32768xf32, #tpu.memory_space<vmem>>
      %dma_wait3A_156 = tpu.memref_squeeze %dma_wait3A_155 : memref<1x32768xf32, #tpu.memory_space<vmem>> -> memref<32768xf32, #tpu.memory_space<vmem>>
      %dma_wait3A_157 = tpu.memref_slice %arg4[%mul3A_133] : memref<16777216xf32, #tpu.memory_space<hbm>> -> memref<32768xf32, #tpu.memory_space<hbm>>
      tpu.wait_dma2 semaphore(%dma_wait3A_153 : memref<!tpu.dma_semaphore, #tpu.memory_space<semaphore_mem>>) src(%dma_wait3A_157 : memref<32768xf32, #tpu.memory_space<hbm>>) dst(%dma_wait3A_156 : memref<32768xf32, #tpu.memory_space<vmem>>)
      %scan3A_158 = arith.constant 0 : i32
      %scan3A_159 = arith.constant 1 : i32
      %scan3A_160 = arith.constant 1 : i32
      %scan3A_161 = arith.constant 0 : i32
      %scan3A_162 = arith.constant 32 : i32
      %scan3A_163 = arith.addi %scan3A_161, %scan3A_162 : i32
      %scan3A_164 = arith.constant 1 : i32
      scf.for %scan3A_176 = %scan3A_161 to %scan3A_163 step %scan3A_164  : i32 {
        %mul3A_177 = arith.constant 16 : i32
        %mul3A_178 = arith.muli %scan3A_176, %mul3A_177 : i32
        %add3A_179 = vector.broadcast %mul3A_178 : i32 to vector<16xi32>
        %add3A_180 = arith.addi %add3A_179, %iota3A : vector<16xi32>
        %mul3A_181 = arith.constant 1024 : i32
        %mul3A_182 = arith.muli %scan3A_176, %mul3A_181 : i32
        %add3A_183 = vector.broadcast %mul3A_182 : i32 to vector<16xi32>
        %add3A_184 = arith.addi %add3A_183, %mul3A_6 : vector<16xi32>
        %gather3A = arith.constant 0 : i32
        %gather3A_185 = arith.constant 0 : i32
        %gather3A_186 = tpu.memref_slice %arg9[%scan3A_159, %gather3A, %gather3A_185] : memref<2x512x24xf32, #tpu.memory_space<vmem>> -> memref<1x512x24xf32, #tpu.memory_space<vmem>>
        %gather3A_187 = tpu.memref_squeeze %gather3A_186 : memref<1x512x24xf32, #tpu.memory_space<vmem>> -> memref<512x24xf32, #tpu.memory_space<vmem>>
        %gather3A_188 = tpu.vector_load_idx %gather3A_187[%add3A_180, %broadcast_in_dim3A_10] : memref<512x24xf32, #tpu.memory_space<vmem>>[vector<16xi32>, vector<16xi32>], vector<16xf32>,
        %broadcast_in_dim3A_189 = arith.constant 0.000000e+00 : f32
        %broadcast_in_dim3A_190 = vector.broadcast %broadcast_in_dim3A_189 : f32 to vector<16xf32>
        %add3A_191 = arith.constant 0 : i32
        %add3A_192 = vector.broadcast %add3A_191 : i32 to vector<16xi32>
        %add3A_193 = arith.addi %mul3A_9, %add3A_192 : vector<16xi32>
        %and3A = arith.constant 63 : i32
        %and3A_194 = vector.broadcast %and3A : i32 to vector<16xi32>
        %and3A_195 = arith.andi %add3A_193, %and3A_194 : vector<16xi32>
        %add3A_196 = arith.addi %add3A_184, %and3A_195 : vector<16xi32>
        %gather3A_197 = arith.constant 0 : i32
        %gather3A_198 = tpu.memref_slice %arg10[%scan3A_160, %gather3A_197] : memref<2x32768xf32, #tpu.memory_space<vmem>> -> memref<1x32768xf32, #tpu.memory_space<vmem>>
        %gather3A_199 = tpu.memref_squeeze %gather3A_198 : memref<1x32768xf32, #tpu.memory_space<vmem>> -> memref<32768xf32, #tpu.memory_space<vmem>>
        %gather3A_200 = tpu.vector_load_idx %gather3A_199[%add3A_196] : memref<32768xf32, #tpu.memory_space<vmem>>[vector<16xi32>], vector<16xf32>,
        %get3A_201 = arith.constant 0 : i32
        %get3A_202 = arith.index_cast %get3A_201 : i32 to index
        %get3A_203 = arith.constant 0 : index
        %get3A_204 = tpu.vector_load %arg12[%get3A_202, %get3A_203] {strides = array<i32>} : memref<64x16xf32, #tpu.memory_space<vmem>>, vector<16xf32>,
        %mul3A_205 = arith.mulf %gather3A_200, %get3A_204 : vector<16xf32>
        %add3A_206 = arith.addf %broadcast_in_dim3A_190, %mul3A_205 : vector<16xf32>
        %add3A_207 = arith.constant 1 : i32
        %add3A_208 = vector.broadcast %add3A_207 : i32 to vector<16xi32>
        %add3A_209 = arith.addi %mul3A_9, %add3A_208 : vector<16xi32>
        %and3A_210 = arith.constant 63 : i32
        %and3A_211 = vector.broadcast %and3A_210 : i32 to vector<16xi32>
        %and3A_212 = arith.andi %add3A_209, %and3A_211 : vector<16xi32>
        %add3A_213 = arith.addi %add3A_184, %and3A_212 : vector<16xi32>
        %gather3A_214 = arith.constant 0 : i32
        %gather3A_215 = tpu.memref_slice %arg10[%scan3A_160, %gather3A_214] : memref<2x32768xf32, #tpu.memory_space<vmem>> -> memref<1x32768xf32, #tpu.memory_space<vmem>>
        %gather3A_216 = tpu.memref_squeeze %gather3A_215 : memref<1x32768xf32, #tpu.memory_space<vmem>> -> memref<32768xf32, #tpu.memory_space<vmem>>
        %gather3A_217 = tpu.vector_load_idx %gather3A_216[%add3A_213] : memref<32768xf32, #tpu.memory_space<vmem>>[vector<16xi32>], vector<16xf32>,
        %get3A_218 = arith.constant 1 : i32
        %get3A_219 = arith.index_cast %get3A_218 : i32 to index
        %get3A_220 = arith.constant 0 : index
        %get3A_221 = tpu.vector_load %arg12[%get3A_219, %get3A_220] {strides = array<i32>} : memref<64x16xf32, #tpu.memory_space<vmem>>, vector<16xf32>,
        %mul3A_222 = arith.mulf %gather3A_217, %get3A_221 : vector<16xf32>
        %add3A_223 = arith.addf %add3A_206, %mul3A_222 : vector<16xf32>
        %add3A_224 = arith.constant 2 : i32
        %add3A_225 = vector.broadcast %add3A_224 : i32 to vector<16xi32>
        %add3A_226 = arith.addi %mul3A_9, %add3A_225 : vector<16xi32>
        %and3A_227 = arith.constant 63 : i32
        %and3A_228 = vector.broadcast %and3A_227 : i32 to vector<16xi32>
        %and3A_229 = arith.andi %add3A_226, %and3A_228 : vector<16xi32>
        %add3A_230 = arith.addi %add3A_184, %and3A_229 : vector<16xi32>
        %gather3A_231 = arith.constant 0 : i32
        %gather3A_232 = tpu.memref_slice %arg10[%scan3A_160, %gather3A_231] : memref<2x32768xf32, #tpu.memory_space<vmem>> -> memref<1x32768xf32, #tpu.memory_space<vmem>>
        %gather3A_233 = tpu.memref_squeeze %gather3A_232 : memref<1x32768xf32, #tpu.memory_space<vmem>> -> memref<32768xf32, #tpu.memory_space<vmem>>
        %gather3A_234 = tpu.vector_load_idx %gather3A_233[%add3A_230] : memref<32768xf32, #tpu.memory_space<vmem>>[vector<16xi32>], vector<16xf32>,
        %get3A_235 = arith.constant 2 : i32
        %get3A_236 = arith.index_cast %get3A_235 : i32 to index
        %get3A_237 = arith.constant 0 : index
        %get3A_238 = tpu.vector_load %arg12[%get3A_236, %get3A_237] {strides = array<i32>} : memref<64x16xf32, #tpu.memory_space<vmem>>, vector<16xf32>,
        %mul3A_239 = arith.mulf %gather3A_234, %get3A_238 : vector<16xf32>
        %add3A_240 = arith.addf %add3A_223, %mul3A_239 : vector<16xf32>
        %add3A_241 = arith.constant 3 : i32
        %add3A_242 = vector.broadcast %add3A_241 : i32 to vector<16xi32>
        %add3A_243 = arith.addi %mul3A_9, %add3A_242 : vector<16xi32>
        %and3A_244 = arith.constant 63 : i32
        %and3A_245 = vector.broadcast %and3A_244 : i32 to vector<16xi32>
        %and3A_246 = arith.andi %add3A_243, %and3A_245 : vector<16xi32>
        %add3A_247 = arith.addi %add3A_184, %and3A_246 : vector<16xi32>
        %gather3A_248 = arith.constant 0 : i32
        %gather3A_249 = tpu.memref_slice %arg10[%scan3A_160, %gather3A_248] : memref<2x32768xf32, #tpu.memory_space<vmem>> -> memref<1x32768xf32, #tpu.memory_space<vmem>>
        %gather3A_250 = tpu.memref_squeeze %gather3A_249 : memref<1x32768xf32, #tpu.memory_space<vmem>> -> memref<32768xf32, #tpu.memory_space<vmem>>
        %gather3A_251 = tpu.vector_load_idx %gather3A_250[%add3A_247] : memref<32768xf32, #tpu.memory_space<vmem>>[vector<16xi32>], vector<16xf32>,
        %get3A_252 = arith.constant 3 : i32
        %get3A_253 = arith.index_cast %get3A_252 : i32 to index
        %get3A_254 = arith.constant 0 : index
        %get3A_255 = tpu.vector_load %arg12[%get3A_253, %get3A_254] {strides = array<i32>} : memref<64x16xf32, #tpu.memory_space<vmem>>, vector<16xf32>,
        %mul3A_256 = arith.mulf %gather3A_251, %get3A_255 : vector<16xf32>
        %add3A_257 = arith.addf %add3A_240, %mul3A_256 : vector<16xf32>
        %add3A_258 = arith.constant 4 : i32
        %add3A_259 = vector.broadcast %add3A_258 : i32 to vector<16xi32>
        %add3A_260 = arith.addi %mul3A_9, %add3A_259 : vector<16xi32>
        %and3A_261 = arith.constant 63 : i32
        %and3A_262 = vector.broadcast %and3A_261 : i32 to vector<16xi32>
        %and3A_263 = arith.andi %add3A_260, %and3A_262 : vector<16xi32>
        %add3A_264 = arith.addi %add3A_184, %and3A_263 : vector<16xi32>
        %gather3A_265 = arith.constant 0 : i32
        %gather3A_266 = tpu.memref_slice %arg10[%scan3A_160, %gather3A_265] : memref<2x32768xf32, #tpu.memory_space<vmem>> -> memref<1x32768xf32, #tpu.memory_space<vmem>>
        %gather3A_267 = tpu.memref_squeeze %gather3A_266 : memref<1x32768xf32, #tpu.memory_space<vmem>> -> memref<32768xf32, #tpu.memory_space<vmem>>
        %gather3A_268 = tpu.vector_load_idx %gather3A_267[%add3A_264] : memref<32768xf32, #tpu.memory_space<vmem>>[vector<16xi32>], vector<16xf32>,
        %get3A_269 = arith.constant 4 : i32
        %get3A_270 = arith.index_cast %get3A_269 : i32 to index
        %get3A_271 = arith.constant 0 : index
        %get3A_272 = tpu.vector_load %arg12[%get3A_270, %get3A_271] {strides = array<i32>} : memref<64x16xf32, #tpu.memory_space<vmem>>, vector<16xf32>,
        %mul3A_273 = arith.mulf %gather3A_268, %get3A_272 : vector<16xf32>
        %add3A_274 = arith.addf %add3A_257, %mul3A_273 : vector<16xf32>
        %add3A_275 = arith.constant 5 : i32
        %add3A_276 = vector.broadcast %add3A_275 : i32 to vector<16xi32>
        %add3A_277 = arith.addi %mul3A_9, %add3A_276 : vector<16xi32>
        %and3A_278 = arith.constant 63 : i32
        %and3A_279 = vector.broadcast %and3A_278 : i32 to vector<16xi32>
        %and3A_280 = arith.andi %add3A_277, %and3A_279 : vector<16xi32>
        %add3A_281 = arith.addi %add3A_184, %and3A_280 : vector<16xi32>
        %gather3A_282 = arith.constant 0 : i32
        %gather3A_283 = tpu.memref_slice %arg10[%scan3A_160, %gather3A_282] : memref<2x32768xf32, #tpu.memory_space<vmem>> -> memref<1x32768xf32, #tpu.memory_space<vmem>>
        %gather3A_284 = tpu.memref_squeeze %gather3A_283 : memref<1x32768xf32, #tpu.memory_space<vmem>> -> memref<32768xf32, #tpu.memory_space<vmem>>
        %gather3A_285 = tpu.vector_load_idx %gather3A_284[%add3A_281] : memref<32768xf32, #tpu.memory_space<vmem>>[vector<16xi32>], vector<16xf32>,
        %get3A_286 = arith.constant 5 : i32
        %get3A_287 = arith.index_cast %get3A_286 : i32 to index
        %get3A_288 = arith.constant 0 : index
        %get3A_289 = tpu.vector_load %arg12[%get3A_287, %get3A_288] {strides = array<i32>} : memref<64x16xf32, #tpu.memory_space<vmem>>, vector<16xf32>,
        %mul3A_290 = arith.mulf %gather3A_285, %get3A_289 : vector<16xf32>
        %add3A_291 = arith.addf %add3A_274, %mul3A_290 : vector<16xf32>
        %add3A_292 = arith.constant 6 : i32
        %add3A_293 = vector.broadcast %add3A_292 : i32 to vector<16xi32>
        %add3A_294 = arith.addi %mul3A_9, %add3A_293 : vector<16xi32>
        %and3A_295 = arith.constant 63 : i32
        %and3A_296 = vector.broadcast %and3A_295 : i32 to vector<16xi32>
        %and3A_297 = arith.andi %add3A_294, %and3A_296 : vector<16xi32>
        %add3A_298 = arith.addi %add3A_184, %and3A_297 : vector<16xi32>
        %gather3A_299 = arith.constant 0 : i32
        %gather3A_300 = tpu.memref_slice %arg10[%scan3A_160, %gather3A_299] : memref<2x32768xf32, #tpu.memory_space<vmem>> -> memref<1x32768xf32, #tpu.memory_space<vmem>>
        %gather3A_301 = tpu.memref_squeeze %gather3A_300 : memref<1x32768xf32, #tpu.memory_space<vmem>> -> memref<32768xf32, #tpu.memory_space<vmem>>
        %gather3A_302 = tpu.vector_load_idx %gather3A_301[%add3A_298] : memref<32768xf32, #tpu.memory_space<vmem>>[vector<16xi32>], vector<16xf32>,
        %get3A_303 = arith.constant 6 : i32
        %get3A_304 = arith.index_cast %get3A_303 : i32 to index
        %get3A_305 = arith.constant 0 : index
        %get3A_306 = tpu.vector_load %arg12[%get3A_304, %get3A_305] {strides = array<i32>} : memref<64x16xf32, #tpu.memory_space<vmem>>, vector<16xf32>,
        %mul3A_307 = arith.mulf %gather3A_302, %get3A_306 : vector<16xf32>
        %add3A_308 = arith.addf %add3A_291, %mul3A_307 : vector<16xf32>
        %add3A_309 = arith.constant 7 : i32
        %add3A_310 = vector.broadcast %add3A_309 : i32 to vector<16xi32>
        %add3A_311 = arith.addi %mul3A_9, %add3A_310 : vector<16xi32>
        %and3A_312 = arith.constant 63 : i32
        %and3A_313 = vector.broadcast %and3A_312 : i32 to vector<16xi32>
        %and3A_314 = arith.andi %add3A_311, %and3A_313 : vector<16xi32>
        %add3A_315 = arith.addi %add3A_184, %and3A_314 : vector<16xi32>
        %gather3A_316 = arith.constant 0 : i32
        %gather3A_317 = tpu.memref_slice %arg10[%scan3A_160, %gather3A_316] : memref<2x32768xf32, #tpu.memory_space<vmem>> -> memref<1x32768xf32, #tpu.memory_space<vmem>>
        %gather3A_318 = tpu.memref_squeeze %gather3A_317 : memref<1x32768xf32, #tpu.memory_space<vmem>> -> memref<32768xf32, #tpu.memory_space<vmem>>
        %gather3A_319 = tpu.vector_load_idx %gather3A_318[%add3A_315] : memref<32768xf32, #tpu.memory_space<vmem>>[vector<16xi32>], vector<16xf32>,
        %get3A_320 = arith.constant 7 : i32
        %get3A_321 = arith.index_cast %get3A_320 : i32 to index
        %get3A_322 = arith.constant 0 : index
        %get3A_323 = tpu.vector_load %arg12[%get3A_321, %get3A_322] {strides = array<i32>} : memref<64x16xf32, #tpu.memory_space<vmem>>, vector<16xf32>,
        %mul3A_324 = arith.mulf %gather3A_319, %get3A_323 : vector<16xf32>
        %add3A_325 = arith.addf %add3A_308, %mul3A_324 : vector<16xf32>
        %add3A_326 = arith.constant 8 : i32
        %add3A_327 = vector.broadcast %add3A_326 : i32 to vector<16xi32>
        %add3A_328 = arith.addi %mul3A_9, %add3A_327 : vector<16xi32>
        %and3A_329 = arith.constant 63 : i32
        %and3A_330 = vector.broadcast %and3A_329 : i32 to vector<16xi32>
        %and3A_331 = arith.andi %add3A_328, %and3A_330 : vector<16xi32>
        %add3A_332 = arith.addi %add3A_184, %and3A_331 : vector<16xi32>
        %gather3A_333 = arith.constant 0 : i32
        %gather3A_334 = tpu.memref_slice %arg10[%scan3A_160, %gather3A_333] : memref<2x32768xf32, #tpu.memory_space<vmem>> -> memref<1x32768xf32, #tpu.memory_space<vmem>>
        %gather3A_335 = tpu.memref_squeeze %gather3A_334 : memref<1x32768xf32, #tpu.memory_space<vmem>> -> memref<32768xf32, #tpu.memory_space<vmem>>
        %gather3A_336 = tpu.vector_load_idx %gather3A_335[%add3A_332] : memref<32768xf32, #tpu.memory_space<vmem>>[vector<16xi32>], vector<16xf32>,
        %get3A_337 = arith.constant 8 : i32
        %get3A_338 = arith.index_cast %get3A_337 : i32 to index
        %get3A_339 = arith.constant 0 : index
        %get3A_340 = tpu.vector_load %arg12[%get3A_338, %get3A_339] {strides = array<i32>} : memref<64x16xf32, #tpu.memory_space<vmem>>, vector<16xf32>,
        %mul3A_341 = arith.mulf %gather3A_336, %get3A_340 : vector<16xf32>
        %add3A_342 = arith.addf %add3A_325, %mul3A_341 : vector<16xf32>
        %add3A_343 = arith.constant 9 : i32
        %add3A_344 = vector.broadcast %add3A_343 : i32 to vector<16xi32>
        %add3A_345 = arith.addi %mul3A_9, %add3A_344 : vector<16xi32>
        %and3A_346 = arith.constant 63 : i32
        %and3A_347 = vector.broadcast %and3A_346 : i32 to vector<16xi32>
        %and3A_348 = arith.andi %add3A_345, %and3A_347 : vector<16xi32>
        %add3A_349 = arith.addi %add3A_184, %and3A_348 : vector<16xi32>
        %gather3A_350 = arith.constant 0 : i32
        %gather3A_351 = tpu.memref_slice %arg10[%scan3A_160, %gather3A_350] : memref<2x32768xf32, #tpu.memory_space<vmem>> -> memref<1x32768xf32, #tpu.memory_space<vmem>>
        %gather3A_352 = tpu.memref_squeeze %gather3A_351 : memref<1x32768xf32, #tpu.memory_space<vmem>> -> memref<32768xf32, #tpu.memory_space<vmem>>
        %gather3A_353 = tpu.vector_load_idx %gather3A_352[%add3A_349] : memref<32768xf32, #tpu.memory_space<vmem>>[vector<16xi32>], vector<16xf32>,
        %get3A_354 = arith.constant 9 : i32
        %get3A_355 = arith.index_cast %get3A_354 : i32 to index
        %get3A_356 = arith.constant 0 : index
        %get3A_357 = tpu.vector_load %arg12[%get3A_355, %get3A_356] {strides = array<i32>} : memref<64x16xf32, #tpu.memory_space<vmem>>, vector<16xf32>,
        %mul3A_358 = arith.mulf %gather3A_353, %get3A_357 : vector<16xf32>
        %add3A_359 = arith.addf %add3A_342, %mul3A_358 : vector<16xf32>
        %add3A_360 = arith.constant 10 : i32
        %add3A_361 = vector.broadcast %add3A_360 : i32 to vector<16xi32>
        %add3A_362 = arith.addi %mul3A_9, %add3A_361 : vector<16xi32>
        %and3A_363 = arith.constant 63 : i32
        %and3A_364 = vector.broadcast %and3A_363 : i32 to vector<16xi32>
        %and3A_365 = arith.andi %add3A_362, %and3A_364 : vector<16xi32>
        %add3A_366 = arith.addi %add3A_184, %and3A_365 : vector<16xi32>
        %gather3A_367 = arith.constant 0 : i32
        %gather3A_368 = tpu.memref_slice %arg10[%scan3A_160, %gather3A_367] : memref<2x32768xf32, #tpu.memory_space<vmem>> -> memref<1x32768xf32, #tpu.memory_space<vmem>>
        %gather3A_369 = tpu.memref_squeeze %gather3A_368 : memref<1x32768xf32, #tpu.memory_space<vmem>> -> memref<32768xf32, #tpu.memory_space<vmem>>
        %gather3A_370 = tpu.vector_load_idx %gather3A_369[%add3A_366] : memref<32768xf32, #tpu.memory_space<vmem>>[vector<16xi32>], vector<16xf32>,
        %get3A_371 = arith.constant 10 : i32
        %get3A_372 = arith.index_cast %get3A_371 : i32 to index
        %get3A_373 = arith.constant 0 : index
        %get3A_374 = tpu.vector_load %arg12[%get3A_372, %get3A_373] {strides = array<i32>} : memref<64x16xf32, #tpu.memory_space<vmem>>, vector<16xf32>,
        %mul3A_375 = arith.mulf %gather3A_370, %get3A_374 : vector<16xf32>
        %add3A_376 = arith.addf %add3A_359, %mul3A_375 : vector<16xf32>
        %add3A_377 = arith.constant 11 : i32
        %add3A_378 = vector.broadcast %add3A_377 : i32 to vector<16xi32>
        %add3A_379 = arith.addi %mul3A_9, %add3A_378 : vector<16xi32>
        %and3A_380 = arith.constant 63 : i32
        %and3A_381 = vector.broadcast %and3A_380 : i32 to vector<16xi32>
        %and3A_382 = arith.andi %add3A_379, %and3A_381 : vector<16xi32>
        %add3A_383 = arith.addi %add3A_184, %and3A_382 : vector<16xi32>
        %gather3A_384 = arith.constant 0 : i32
        %gather3A_385 = tpu.memref_slice %arg10[%scan3A_160, %gather3A_384] : memref<2x32768xf32, #tpu.memory_space<vmem>> -> memref<1x32768xf32, #tpu.memory_space<vmem>>
        %gather3A_386 = tpu.memref_squeeze %gather3A_385 : memref<1x32768xf32, #tpu.memory_space<vmem>> -> memref<32768xf32, #tpu.memory_space<vmem>>
        %gather3A_387 = tpu.vector_load_idx %gather3A_386[%add3A_383] : memref<32768xf32, #tpu.memory_space<vmem>>[vector<16xi32>], vector<16xf32>,
        %get3A_388 = arith.constant 11 : i32
        %get3A_389 = arith.index_cast %get3A_388 : i32 to index
        %get3A_390 = arith.constant 0 : index
        %get3A_391 = tpu.vector_load %arg12[%get3A_389, %get3A_390] {strides = array<i32>} : memref<64x16xf32, #tpu.memory_space<vmem>>, vector<16xf32>,
        %mul3A_392 = arith.mulf %gather3A_387, %get3A_391 : vector<16xf32>
        %add3A_393 = arith.addf %add3A_376, %mul3A_392 : vector<16xf32>
        %add3A_394 = arith.constant 12 : i32
        %add3A_395 = vector.broadcast %add3A_394 : i32 to vector<16xi32>
        %add3A_396 = arith.addi %mul3A_9, %add3A_395 : vector<16xi32>
        %and3A_397 = arith.constant 63 : i32
        %and3A_398 = vector.broadcast %and3A_397 : i32 to vector<16xi32>
        %and3A_399 = arith.andi %add3A_396, %and3A_398 : vector<16xi32>
        %add3A_400 = arith.addi %add3A_184, %and3A_399 : vector<16xi32>
        %gather3A_401 = arith.constant 0 : i32
        %gather3A_402 = tpu.memref_slice %arg10[%scan3A_160, %gather3A_401] : memref<2x32768xf32, #tpu.memory_space<vmem>> -> memref<1x32768xf32, #tpu.memory_space<vmem>>
        %gather3A_403 = tpu.memref_squeeze %gather3A_402 : memref<1x32768xf32, #tpu.memory_space<vmem>> -> memref<32768xf32, #tpu.memory_space<vmem>>
        %gather3A_404 = tpu.vector_load_idx %gather3A_403[%add3A_400] : memref<32768xf32, #tpu.memory_space<vmem>>[vector<16xi32>], vector<16xf32>,
        %get3A_405 = arith.constant 12 : i32
        %get3A_406 = arith.index_cast %get3A_405 : i32 to index
        %get3A_407 = arith.constant 0 : index
        %get3A_408 = tpu.vector_load %arg12[%get3A_406, %get3A_407] {strides = array<i32>} : memref<64x16xf32, #tpu.memory_space<vmem>>, vector<16xf32>,
        %mul3A_409 = arith.mulf %gather3A_404, %get3A_408 : vector<16xf32>
        %add3A_410 = arith.addf %add3A_393, %mul3A_409 : vector<16xf32>
        %add3A_411 = arith.constant 13 : i32
        %add3A_412 = vector.broadcast %add3A_411 : i32 to vector<16xi32>
        %add3A_413 = arith.addi %mul3A_9, %add3A_412 : vector<16xi32>
        %and3A_414 = arith.constant 63 : i32
        %and3A_415 = vector.broadcast %and3A_414 : i32 to vector<16xi32>
        %and3A_416 = arith.andi %add3A_413, %and3A_415 : vector<16xi32>
        %add3A_417 = arith.addi %add3A_184, %and3A_416 : vector<16xi32>
        %gather3A_418 = arith.constant 0 : i32
        %gather3A_419 = tpu.memref_slice %arg10[%scan3A_160, %gather3A_418] : memref<2x32768xf32, #tpu.memory_space<vmem>> -> memref<1x32768xf32, #tpu.memory_space<vmem>>
        %gather3A_420 = tpu.memref_squeeze %gather3A_419 : memref<1x32768xf32, #tpu.memory_space<vmem>> -> memref<32768xf32, #tpu.memory_space<vmem>>
        %gather3A_421 = tpu.vector_load_idx %gather3A_420[%add3A_417] : memref<32768xf32, #tpu.memory_space<vmem>>[vector<16xi32>], vector<16xf32>,
        %get3A_422 = arith.constant 13 : i32
        %get3A_423 = arith.index_cast %get3A_422 : i32 to index
        %get3A_424 = arith.constant 0 : index
        %get3A_425 = tpu.vector_load %arg12[%get3A_423, %get3A_424] {strides = array<i32>} : memref<64x16xf32, #tpu.memory_space<vmem>>, vector<16xf32>,
        %mul3A_426 = arith.mulf %gather3A_421, %get3A_425 : vector<16xf32>
        %add3A_427 = arith.addf %add3A_410, %mul3A_426 : vector<16xf32>
        %add3A_428 = arith.constant 14 : i32
        %add3A_429 = vector.broadcast %add3A_428 : i32 to vector<16xi32>
        %add3A_430 = arith.addi %mul3A_9, %add3A_429 : vector<16xi32>
        %and3A_431 = arith.constant 63 : i32
        %and3A_432 = vector.broadcast %and3A_431 : i32 to vector<16xi32>
        %and3A_433 = arith.andi %add3A_430, %and3A_432 : vector<16xi32>
        %add3A_434 = arith.addi %add3A_184, %and3A_433 : vector<16xi32>
        %gather3A_435 = arith.constant 0 : i32
        %gather3A_436 = tpu.memref_slice %arg10[%scan3A_160, %gather3A_435] : memref<2x32768xf32, #tpu.memory_space<vmem>> -> memref<1x32768xf32, #tpu.memory_space<vmem>>
        %gather3A_437 = tpu.memref_squeeze %gather3A_436 : memref<1x32768xf32, #tpu.memory_space<vmem>> -> memref<32768xf32, #tpu.memory_space<vmem>>
        %gather3A_438 = tpu.vector_load_idx %gather3A_437[%add3A_434] : memref<32768xf32, #tpu.memory_space<vmem>>[vector<16xi32>], vector<16xf32>,
        %get3A_439 = arith.constant 14 : i32
        %get3A_440 = arith.index_cast %get3A_439 : i32 to index
        %get3A_441 = arith.constant 0 : index
        %get3A_442 = tpu.vector_load %arg12[%get3A_440, %get3A_441] {strides = array<i32>} : memref<64x16xf32, #tpu.memory_space<vmem>>, vector<16xf32>,
        %mul3A_443 = arith.mulf %gather3A_438, %get3A_442 : vector<16xf32>
        %add3A_444 = arith.addf %add3A_427, %mul3A_443 : vector<16xf32>
        %add3A_445 = arith.constant 15 : i32
        %add3A_446 = vector.broadcast %add3A_445 : i32 to vector<16xi32>
        %add3A_447 = arith.addi %mul3A_9, %add3A_446 : vector<16xi32>
        %and3A_448 = arith.constant 63 : i32
        %and3A_449 = vector.broadcast %and3A_448 : i32 to vector<16xi32>
        %and3A_450 = arith.andi %add3A_447, %and3A_449 : vector<16xi32>
        %add3A_451 = arith.addi %add3A_184, %and3A_450 : vector<16xi32>
        %gather3A_452 = arith.constant 0 : i32
        %gather3A_453 = tpu.memref_slice %arg10[%scan3A_160, %gather3A_452] : memref<2x32768xf32, #tpu.memory_space<vmem>> -> memref<1x32768xf32, #tpu.memory_space<vmem>>
        %gather3A_454 = tpu.memref_squeeze %gather3A_453 : memref<1x32768xf32, #tpu.memory_space<vmem>> -> memref<32768xf32, #tpu.memory_space<vmem>>
        %gather3A_455 = tpu.vector_load_idx %gather3A_454[%add3A_451] : memref<32768xf32, #tpu.memory_space<vmem>>[vector<16xi32>], vector<16xf32>,
        %get3A_456 = arith.constant 15 : i32
        %get3A_457 = arith.index_cast %get3A_456 : i32 to index
        %get3A_458 = arith.constant 0 : index
        %get3A_459 = tpu.vector_load %arg12[%get3A_457, %get3A_458] {strides = array<i32>} : memref<64x16xf32, #tpu.memory_space<vmem>>, vector<16xf32>,
        %mul3A_460 = arith.mulf %gather3A_455, %get3A_459 : vector<16xf32>
        %add3A_461 = arith.addf %add3A_444, %mul3A_460 : vector<16xf32>
        %add3A_462 = arith.constant 16 : i32
        %add3A_463 = vector.broadcast %add3A_462 : i32 to vector<16xi32>
        %add3A_464 = arith.addi %mul3A_9, %add3A_463 : vector<16xi32>
        %and3A_465 = arith.constant 63 : i32
        %and3A_466 = vector.broadcast %and3A_465 : i32 to vector<16xi32>
        %and3A_467 = arith.andi %add3A_464, %and3A_466 : vector<16xi32>
        %add3A_468 = arith.addi %add3A_184, %and3A_467 : vector<16xi32>
        %gather3A_469 = arith.constant 0 : i32
        %gather3A_470 = tpu.memref_slice %arg10[%scan3A_160, %gather3A_469] : memref<2x32768xf32, #tpu.memory_space<vmem>> -> memref<1x32768xf32, #tpu.memory_space<vmem>>
        %gather3A_471 = tpu.memref_squeeze %gather3A_470 : memref<1x32768xf32, #tpu.memory_space<vmem>> -> memref<32768xf32, #tpu.memory_space<vmem>>
        %gather3A_472 = tpu.vector_load_idx %gather3A_471[%add3A_468] : memref<32768xf32, #tpu.memory_space<vmem>>[vector<16xi32>], vector<16xf32>,
        %get3A_473 = arith.constant 16 : i32
        %get3A_474 = arith.index_cast %get3A_473 : i32 to index
        %get3A_475 = arith.constant 0 : index
        %get3A_476 = tpu.vector_load %arg12[%get3A_474, %get3A_475] {strides = array<i32>} : memref<64x16xf32, #tpu.memory_space<vmem>>, vector<16xf32>,
        %mul3A_477 = arith.mulf %gather3A_472, %get3A_476 : vector<16xf32>
        %add3A_478 = arith.addf %add3A_461, %mul3A_477 : vector<16xf32>
        %add3A_479 = arith.constant 17 : i32
        %add3A_480 = vector.broadcast %add3A_479 : i32 to vector<16xi32>
        %add3A_481 = arith.addi %mul3A_9, %add3A_480 : vector<16xi32>
        %and3A_482 = arith.constant 63 : i32
        %and3A_483 = vector.broadcast %and3A_482 : i32 to vector<16xi32>
        %and3A_484 = arith.andi %add3A_481, %and3A_483 : vector<16xi32>
        %add3A_485 = arith.addi %add3A_184, %and3A_484 : vector<16xi32>
        %gather3A_486 = arith.constant 0 : i32
        %gather3A_487 = tpu.memref_slice %arg10[%scan3A_160, %gather3A_486] : memref<2x32768xf32, #tpu.memory_space<vmem>> -> memref<1x32768xf32, #tpu.memory_space<vmem>>
        %gather3A_488 = tpu.memref_squeeze %gather3A_487 : memref<1x32768xf32, #tpu.memory_space<vmem>> -> memref<32768xf32, #tpu.memory_space<vmem>>
        %gather3A_489 = tpu.vector_load_idx %gather3A_488[%add3A_485] : memref<32768xf32, #tpu.memory_space<vmem>>[vector<16xi32>], vector<16xf32>,
        %get3A_490 = arith.constant 17 : i32
        %get3A_491 = arith.index_cast %get3A_490 : i32 to index
        %get3A_492 = arith.constant 0 : index
        %get3A_493 = tpu.vector_load %arg12[%get3A_491, %get3A_492] {strides = array<i32>} : memref<64x16xf32, #tpu.memory_space<vmem>>, vector<16xf32>,
        %mul3A_494 = arith.mulf %gather3A_489, %get3A_493 : vector<16xf32>
        %add3A_495 = arith.addf %add3A_478, %mul3A_494 : vector<16xf32>
        %add3A_496 = arith.constant 18 : i32
        %add3A_497 = vector.broadcast %add3A_496 : i32 to vector<16xi32>
        %add3A_498 = arith.addi %mul3A_9, %add3A_497 : vector<16xi32>
        %and3A_499 = arith.constant 63 : i32
        %and3A_500 = vector.broadcast %and3A_499 : i32 to vector<16xi32>
        %and3A_501 = arith.andi %add3A_498, %and3A_500 : vector<16xi32>
        %add3A_502 = arith.addi %add3A_184, %and3A_501 : vector<16xi32>
        %gather3A_503 = arith.constant 0 : i32
        %gather3A_504 = tpu.memref_slice %arg10[%scan3A_160, %gather3A_503] : memref<2x32768xf32, #tpu.memory_space<vmem>> -> memref<1x32768xf32, #tpu.memory_space<vmem>>
        %gather3A_505 = tpu.memref_squeeze %gather3A_504 : memref<1x32768xf32, #tpu.memory_space<vmem>> -> memref<32768xf32, #tpu.memory_space<vmem>>
        %gather3A_506 = tpu.vector_load_idx %gather3A_505[%add3A_502] : memref<32768xf32, #tpu.memory_space<vmem>>[vector<16xi32>], vector<16xf32>,
        %get3A_507 = arith.constant 18 : i32
        %get3A_508 = arith.index_cast %get3A_507 : i32 to index
        %get3A_509 = arith.constant 0 : index
        %get3A_510 = tpu.vector_load %arg12[%get3A_508, %get3A_509] {strides = array<i32>} : memref<64x16xf32, #tpu.memory_space<vmem>>, vector<16xf32>,
        %mul3A_511 = arith.mulf %gather3A_506, %get3A_510 : vector<16xf32>
        %add3A_512 = arith.addf %add3A_495, %mul3A_511 : vector<16xf32>
        %add3A_513 = arith.constant 19 : i32
        %add3A_514 = vector.broadcast %add3A_513 : i32 to vector<16xi32>
        %add3A_515 = arith.addi %mul3A_9, %add3A_514 : vector<16xi32>
        %and3A_516 = arith.constant 63 : i32
        %and3A_517 = vector.broadcast %and3A_516 : i32 to vector<16xi32>
        %and3A_518 = arith.andi %add3A_515, %and3A_517 : vector<16xi32>
        %add3A_519 = arith.addi %add3A_184, %and3A_518 : vector<16xi32>
        %gather3A_520 = arith.constant 0 : i32
        %gather3A_521 = tpu.memref_slice %arg10[%scan3A_160, %gather3A_520] : memref<2x32768xf32, #tpu.memory_space<vmem>> -> memref<1x32768xf32, #tpu.memory_space<vmem>>
        %gather3A_522 = tpu.memref_squeeze %gather3A_521 : memref<1x32768xf32, #tpu.memory_space<vmem>> -> memref<32768xf32, #tpu.memory_space<vmem>>
        %gather3A_523 = tpu.vector_load_idx %gather3A_522[%add3A_519] : memref<32768xf32, #tpu.memory_space<vmem>>[vector<16xi32>], vector<16xf32>,
        %get3A_524 = arith.constant 19 : i32
        %get3A_525 = arith.index_cast %get3A_524 : i32 to index
        %get3A_526 = arith.constant 0 : index
        %get3A_527 = tpu.vector_load %arg12[%get3A_525, %get3A_526] {strides = array<i32>} : memref<64x16xf32, #tpu.memory_space<vmem>>, vector<16xf32>,
        %mul3A_528 = arith.mulf %gather3A_523, %get3A_527 : vector<16xf32>
        %add3A_529 = arith.addf %add3A_512, %mul3A_528 : vector<16xf32>
        %add3A_530 = arith.constant 20 : i32
        %add3A_531 = vector.broadcast %add3A_530 : i32 to vector<16xi32>
        %add3A_532 = arith.addi %mul3A_9, %add3A_531 : vector<16xi32>
        %and3A_533 = arith.constant 63 : i32
        %and3A_534 = vector.broadcast %and3A_533 : i32 to vector<16xi32>
        %and3A_535 = arith.andi %add3A_532, %and3A_534 : vector<16xi32>
        %add3A_536 = arith.addi %add3A_184, %and3A_535 : vector<16xi32>
        %gather3A_537 = arith.constant 0 : i32
        %gather3A_538 = tpu.memref_slice %arg10[%scan3A_160, %gather3A_537] : memref<2x32768xf32, #tpu.memory_space<vmem>> -> memref<1x32768xf32, #tpu.memory_space<vmem>>
        %gather3A_539 = tpu.memref_squeeze %gather3A_538 : memref<1x32768xf32, #tpu.memory_space<vmem>> -> memref<32768xf32, #tpu.memory_space<vmem>>
        %gather3A_540 = tpu.vector_load_idx %gather3A_539[%add3A_536] : memref<32768xf32, #tpu.memory_space<vmem>>[vector<16xi32>], vector<16xf32>,
        %get3A_541 = arith.constant 20 : i32
        %get3A_542 = arith.index_cast %get3A_541 : i32 to index
        %get3A_543 = arith.constant 0 : index
        %get3A_544 = tpu.vector_load %arg12[%get3A_542, %get3A_543] {strides = array<i32>} : memref<64x16xf32, #tpu.memory_space<vmem>>, vector<16xf32>,
        %mul3A_545 = arith.mulf %gather3A_540, %get3A_544 : vector<16xf32>
        %add3A_546 = arith.addf %add3A_529, %mul3A_545 : vector<16xf32>
        %add3A_547 = arith.constant 21 : i32
        %add3A_548 = vector.broadcast %add3A_547 : i32 to vector<16xi32>
        %add3A_549 = arith.addi %mul3A_9, %add3A_548 : vector<16xi32>
        %and3A_550 = arith.constant 63 : i32
        %and3A_551 = vector.broadcast %and3A_550 : i32 to vector<16xi32>
        %and3A_552 = arith.andi %add3A_549, %and3A_551 : vector<16xi32>
        %add3A_553 = arith.addi %add3A_184, %and3A_552 : vector<16xi32>
        %gather3A_554 = arith.constant 0 : i32
        %gather3A_555 = tpu.memref_slice %arg10[%scan3A_160, %gather3A_554] : memref<2x32768xf32, #tpu.memory_space<vmem>> -> memref<1x32768xf32, #tpu.memory_space<vmem>>
        %gather3A_556 = tpu.memref_squeeze %gather3A_555 : memref<1x32768xf32, #tpu.memory_space<vmem>> -> memref<32768xf32, #tpu.memory_space<vmem>>
        %gather3A_557 = tpu.vector_load_idx %gather3A_556[%add3A_553] : memref<32768xf32, #tpu.memory_space<vmem>>[vector<16xi32>], vector<16xf32>,
        %get3A_558 = arith.constant 21 : i32
        %get3A_559 = arith.index_cast %get3A_558 : i32 to index
        %get3A_560 = arith.constant 0 : index
        %get3A_561 = tpu.vector_load %arg12[%get3A_559, %get3A_560] {strides = array<i32>} : memref<64x16xf32, #tpu.memory_space<vmem>>, vector<16xf32>,
        %mul3A_562 = arith.mulf %gather3A_557, %get3A_561 : vector<16xf32>
        %add3A_563 = arith.addf %add3A_546, %mul3A_562 : vector<16xf32>
        %add3A_564 = arith.constant 22 : i32
        %add3A_565 = vector.broadcast %add3A_564 : i32 to vector<16xi32>
        %add3A_566 = arith.addi %mul3A_9, %add3A_565 : vector<16xi32>
        %and3A_567 = arith.constant 63 : i32
        %and3A_568 = vector.broadcast %and3A_567 : i32 to vector<16xi32>
        %and3A_569 = arith.andi %add3A_566, %and3A_568 : vector<16xi32>
        %add3A_570 = arith.addi %add3A_184, %and3A_569 : vector<16xi32>
        %gather3A_571 = arith.constant 0 : i32
        %gather3A_572 = tpu.memref_slice %arg10[%scan3A_160, %gather3A_571] : memref<2x32768xf32, #tpu.memory_space<vmem>> -> memref<1x32768xf32, #tpu.memory_space<vmem>>
        %gather3A_573 = tpu.memref_squeeze %gather3A_572 : memref<1x32768xf32, #tpu.memory_space<vmem>> -> memref<32768xf32, #tpu.memory_space<vmem>>
        %gather3A_574 = tpu.vector_load_idx %gather3A_573[%add3A_570] : memref<32768xf32, #tpu.memory_space<vmem>>[vector<16xi32>], vector<16xf32>,
        %get3A_575 = arith.constant 22 : i32
        %get3A_576 = arith.index_cast %get3A_575 : i32 to index
        %get3A_577 = arith.constant 0 : index
        %get3A_578 = tpu.vector_load %arg12[%get3A_576, %get3A_577] {strides = array<i32>} : memref<64x16xf32, #tpu.memory_space<vmem>>, vector<16xf32>,
        %mul3A_579 = arith.mulf %gather3A_574, %get3A_578 : vector<16xf32>
        %add3A_580 = arith.addf %add3A_563, %mul3A_579 : vector<16xf32>
        %add3A_581 = arith.constant 23 : i32
        %add3A_582 = vector.broadcast %add3A_581 : i32 to vector<16xi32>
        %add3A_583 = arith.addi %mul3A_9, %add3A_582 : vector<16xi32>
        %and3A_584 = arith.constant 63 : i32
        %and3A_585 = vector.broadcast %and3A_584 : i32 to vector<16xi32>
        %and3A_586 = arith.andi %add3A_583, %and3A_585 : vector<16xi32>
        %add3A_587 = arith.addi %add3A_184, %and3A_586 : vector<16xi32>
        %gather3A_588 = arith.constant 0 : i32
        %gather3A_589 = tpu.memref_slice %arg10[%scan3A_160, %gather3A_588] : memref<2x32768xf32, #tpu.memory_space<vmem>> -> memref<1x32768xf32, #tpu.memory_space<vmem>>
        %gather3A_590 = tpu.memref_squeeze %gather3A_589 : memref<1x32768xf32, #tpu.memory_space<vmem>> -> memref<32768xf32, #tpu.memory_space<vmem>>
        %gather3A_591 = tpu.vector_load_idx %gather3A_590[%add3A_587] : memref<32768xf32, #tpu.memory_space<vmem>>[vector<16xi32>], vector<16xf32>,
        %get3A_592 = arith.constant 23 : i32
        %get3A_593 = arith.index_cast %get3A_592 : i32 to index
        %get3A_594 = arith.constant 0 : index
        %get3A_595 = tpu.vector_load %arg12[%get3A_593, %get3A_594] {strides = array<i32>} : memref<64x16xf32, #tpu.memory_space<vmem>>, vector<16xf32>,
        %mul3A_596 = arith.mulf %gather3A_591, %get3A_595 : vector<16xf32>
        %add3A_597 = arith.addf %add3A_580, %mul3A_596 : vector<16xf32>
        %add3A_598 = arith.constant 24 : i32
        %add3A_599 = vector.broadcast %add3A_598 : i32 to vector<16xi32>
        %add3A_600 = arith.addi %mul3A_9, %add3A_599 : vector<16xi32>
        %and3A_601 = arith.constant 63 : i32
        %and3A_602 = vector.broadcast %and3A_601 : i32 to vector<16xi32>
        %and3A_603 = arith.andi %add3A_600, %and3A_602 : vector<16xi32>
        %add3A_604 = arith.addi %add3A_184, %and3A_603 : vector<16xi32>
        %gather3A_605 = arith.constant 0 : i32
        %gather3A_606 = tpu.memref_slice %arg10[%scan3A_160, %gather3A_605] : memref<2x32768xf32, #tpu.memory_space<vmem>> -> memref<1x32768xf32, #tpu.memory_space<vmem>>
        %gather3A_607 = tpu.memref_squeeze %gather3A_606 : memref<1x32768xf32, #tpu.memory_space<vmem>> -> memref<32768xf32, #tpu.memory_space<vmem>>
        %gather3A_608 = tpu.vector_load_idx %gather3A_607[%add3A_604] : memref<32768xf32, #tpu.memory_space<vmem>>[vector<16xi32>], vector<16xf32>,
        %get3A_609 = arith.constant 24 : i32
        %get3A_610 = arith.index_cast %get3A_609 : i32 to index
        %get3A_611 = arith.constant 0 : index
        %get3A_612 = tpu.vector_load %arg12[%get3A_610, %get3A_611] {strides = array<i32>} : memref<64x16xf32, #tpu.memory_space<vmem>>, vector<16xf32>,
        %mul3A_613 = arith.mulf %gather3A_608, %get3A_612 : vector<16xf32>
        %add3A_614 = arith.addf %add3A_597, %mul3A_613 : vector<16xf32>
        %add3A_615 = arith.constant 25 : i32
        %add3A_616 = vector.broadcast %add3A_615 : i32 to vector<16xi32>
        %add3A_617 = arith.addi %mul3A_9, %add3A_616 : vector<16xi32>
        %and3A_618 = arith.constant 63 : i32
        %and3A_619 = vector.broadcast %and3A_618 : i32 to vector<16xi32>
        %and3A_620 = arith.andi %add3A_617, %and3A_619 : vector<16xi32>
        %add3A_621 = arith.addi %add3A_184, %and3A_620 : vector<16xi32>
        %gather3A_622 = arith.constant 0 : i32
        %gather3A_623 = tpu.memref_slice %arg10[%scan3A_160, %gather3A_622] : memref<2x32768xf32, #tpu.memory_space<vmem>> -> memref<1x32768xf32, #tpu.memory_space<vmem>>
        %gather3A_624 = tpu.memref_squeeze %gather3A_623 : memref<1x32768xf32, #tpu.memory_space<vmem>> -> memref<32768xf32, #tpu.memory_space<vmem>>
        %gather3A_625 = tpu.vector_load_idx %gather3A_624[%add3A_621] : memref<32768xf32, #tpu.memory_space<vmem>>[vector<16xi32>], vector<16xf32>,
        %get3A_626 = arith.constant 25 : i32
        %get3A_627 = arith.index_cast %get3A_626 : i32 to index
        %get3A_628 = arith.constant 0 : index
        %get3A_629 = tpu.vector_load %arg12[%get3A_627, %get3A_628] {strides = array<i32>} : memref<64x16xf32, #tpu.memory_space<vmem>>, vector<16xf32>,
        %mul3A_630 = arith.mulf %gather3A_625, %get3A_629 : vector<16xf32>
        %add3A_631 = arith.addf %add3A_614, %mul3A_630 : vector<16xf32>
        %add3A_632 = arith.constant 26 : i32
        %add3A_633 = vector.broadcast %add3A_632 : i32 to vector<16xi32>
        %add3A_634 = arith.addi %mul3A_9, %add3A_633 : vector<16xi32>
        %and3A_635 = arith.constant 63 : i32
        %and3A_636 = vector.broadcast %and3A_635 : i32 to vector<16xi32>
        %and3A_637 = arith.andi %add3A_634, %and3A_636 : vector<16xi32>
        %add3A_638 = arith.addi %add3A_184, %and3A_637 : vector<16xi32>
        %gather3A_639 = arith.constant 0 : i32
        %gather3A_640 = tpu.memref_slice %arg10[%scan3A_160, %gather3A_639] : memref<2x32768xf32, #tpu.memory_space<vmem>> -> memref<1x32768xf32, #tpu.memory_space<vmem>>
        %gather3A_641 = tpu.memref_squeeze %gather3A_640 : memref<1x32768xf32, #tpu.memory_space<vmem>> -> memref<32768xf32, #tpu.memory_space<vmem>>
        %gather3A_642 = tpu.vector_load_idx %gather3A_641[%add3A_638] : memref<32768xf32, #tpu.memory_space<vmem>>[vector<16xi32>], vector<16xf32>,
        %get3A_643 = arith.constant 26 : i32
        %get3A_644 = arith.index_cast %get3A_643 : i32 to index
        %get3A_645 = arith.constant 0 : index
        %get3A_646 = tpu.vector_load %arg12[%get3A_644, %get3A_645] {strides = array<i32>} : memref<64x16xf32, #tpu.memory_space<vmem>>, vector<16xf32>,
        %mul3A_647 = arith.mulf %gather3A_642, %get3A_646 : vector<16xf32>
        %add3A_648 = arith.addf %add3A_631, %mul3A_647 : vector<16xf32>
        %add3A_649 = arith.constant 27 : i32
        %add3A_650 = vector.broadcast %add3A_649 : i32 to vector<16xi32>
        %add3A_651 = arith.addi %mul3A_9, %add3A_650 : vector<16xi32>
        %and3A_652 = arith.constant 63 : i32
        %and3A_653 = vector.broadcast %and3A_652 : i32 to vector<16xi32>
        %and3A_654 = arith.andi %add3A_651, %and3A_653 : vector<16xi32>
        %add3A_655 = arith.addi %add3A_184, %and3A_654 : vector<16xi32>
        %gather3A_656 = arith.constant 0 : i32
        %gather3A_657 = tpu.memref_slice %arg10[%scan3A_160, %gather3A_656] : memref<2x32768xf32, #tpu.memory_space<vmem>> -> memref<1x32768xf32, #tpu.memory_space<vmem>>
        %gather3A_658 = tpu.memref_squeeze %gather3A_657 : memref<1x32768xf32, #tpu.memory_space<vmem>> -> memref<32768xf32, #tpu.memory_space<vmem>>
        %gather3A_659 = tpu.vector_load_idx %gather3A_658[%add3A_655] : memref<32768xf32, #tpu.memory_space<vmem>>[vector<16xi32>], vector<16xf32>,
        %get3A_660 = arith.constant 27 : i32
        %get3A_661 = arith.index_cast %get3A_660 : i32 to index
        %get3A_662 = arith.constant 0 : index
        %get3A_663 = tpu.vector_load %arg12[%get3A_661, %get3A_662] {strides = array<i32>} : memref<64x16xf32, #tpu.memory_space<vmem>>, vector<16xf32>,
        %mul3A_664 = arith.mulf %gather3A_659, %get3A_663 : vector<16xf32>
        %add3A_665 = arith.addf %add3A_648, %mul3A_664 : vector<16xf32>
        %add3A_666 = arith.constant 28 : i32
        %add3A_667 = vector.broadcast %add3A_666 : i32 to vector<16xi32>
        %add3A_668 = arith.addi %mul3A_9, %add3A_667 : vector<16xi32>
        %and3A_669 = arith.constant 63 : i32
        %and3A_670 = vector.broadcast %and3A_669 : i32 to vector<16xi32>
        %and3A_671 = arith.andi %add3A_668, %and3A_670 : vector<16xi32>
        %add3A_672 = arith.addi %add3A_184, %and3A_671 : vector<16xi32>
        %gather3A_673 = arith.constant 0 : i32
        %gather3A_674 = tpu.memref_slice %arg10[%scan3A_160, %gather3A_673] : memref<2x32768xf32, #tpu.memory_space<vmem>> -> memref<1x32768xf32, #tpu.memory_space<vmem>>
        %gather3A_675 = tpu.memref_squeeze %gather3A_674 : memref<1x32768xf32, #tpu.memory_space<vmem>> -> memref<32768xf32, #tpu.memory_space<vmem>>
        %gather3A_676 = tpu.vector_load_idx %gather3A_675[%add3A_672] : memref<32768xf32, #tpu.memory_space<vmem>>[vector<16xi32>], vector<16xf32>,
        %get3A_677 = arith.constant 28 : i32
        %get3A_678 = arith.index_cast %get3A_677 : i32 to index
        %get3A_679 = arith.constant 0 : index
        %get3A_680 = tpu.vector_load %arg12[%get3A_678, %get3A_679] {strides = array<i32>} : memref<64x16xf32, #tpu.memory_space<vmem>>, vector<16xf32>,
        %mul3A_681 = arith.mulf %gather3A_676, %get3A_680 : vector<16xf32>
        %add3A_682 = arith.addf %add3A_665, %mul3A_681 : vector<16xf32>
        %add3A_683 = arith.constant 29 : i32
        %add3A_684 = vector.broadcast %add3A_683 : i32 to vector<16xi32>
        %add3A_685 = arith.addi %mul3A_9, %add3A_684 : vector<16xi32>
        %and3A_686 = arith.constant 63 : i32
        %and3A_687 = vector.broadcast %and3A_686 : i32 to vector<16xi32>
        %and3A_688 = arith.andi %add3A_685, %and3A_687 : vector<16xi32>
        %add3A_689 = arith.addi %add3A_184, %and3A_688 : vector<16xi32>
        %gather3A_690 = arith.constant 0 : i32
        %gather3A_691 = tpu.memref_slice %arg10[%scan3A_160, %gather3A_690] : memref<2x32768xf32, #tpu.memory_space<vmem>> -> memref<1x32768xf32, #tpu.memory_space<vmem>>
        %gather3A_692 = tpu.memref_squeeze %gather3A_691 : memref<1x32768xf32, #tpu.memory_space<vmem>> -> memref<32768xf32, #tpu.memory_space<vmem>>
        %gather3A_693 = tpu.vector_load_idx %gather3A_692[%add3A_689] : memref<32768xf32, #tpu.memory_space<vmem>>[vector<16xi32>], vector<16xf32>,
        %get3A_694 = arith.constant 29 : i32
        %get3A_695 = arith.index_cast %get3A_694 : i32 to index
        %get3A_696 = arith.constant 0 : index
        %get3A_697 = tpu.vector_load %arg12[%get3A_695, %get3A_696] {strides = array<i32>} : memref<64x16xf32, #tpu.memory_space<vmem>>, vector<16xf32>,
        %mul3A_698 = arith.mulf %gather3A_693, %get3A_697 : vector<16xf32>
        %add3A_699 = arith.addf %add3A_682, %mul3A_698 : vector<16xf32>
        %add3A_700 = arith.constant 30 : i32
        %add3A_701 = vector.broadcast %add3A_700 : i32 to vector<16xi32>
        %add3A_702 = arith.addi %mul3A_9, %add3A_701 : vector<16xi32>
        %and3A_703 = arith.constant 63 : i32
        %and3A_704 = vector.broadcast %and3A_703 : i32 to vector<16xi32>
        %and3A_705 = arith.andi %add3A_702, %and3A_704 : vector<16xi32>
        %add3A_706 = arith.addi %add3A_184, %and3A_705 : vector<16xi32>
        %gather3A_707 = arith.constant 0 : i32
        %gather3A_708 = tpu.memref_slice %arg10[%scan3A_160, %gather3A_707] : memref<2x32768xf32, #tpu.memory_space<vmem>> -> memref<1x32768xf32, #tpu.memory_space<vmem>>
        %gather3A_709 = tpu.memref_squeeze %gather3A_708 : memref<1x32768xf32, #tpu.memory_space<vmem>> -> memref<32768xf32, #tpu.memory_space<vmem>>
        %gather3A_710 = tpu.vector_load_idx %gather3A_709[%add3A_706] : memref<32768xf32, #tpu.memory_space<vmem>>[vector<16xi32>], vector<16xf32>,
        %get3A_711 = arith.constant 30 : i32
        %get3A_712 = arith.index_cast %get3A_711 : i32 to index
        %get3A_713 = arith.constant 0 : index
        %get3A_714 = tpu.vector_load %arg12[%get3A_712, %get3A_713] {strides = array<i32>} : memref<64x16xf32, #tpu.memory_space<vmem>>, vector<16xf32>,
        %mul3A_715 = arith.mulf %gather3A_710, %get3A_714 : vector<16xf32>
        %add3A_716 = arith.addf %add3A_699, %mul3A_715 : vector<16xf32>
        %add3A_717 = arith.constant 31 : i32
        %add3A_718 = vector.broadcast %add3A_717 : i32 to vector<16xi32>
        %add3A_719 = arith.addi %mul3A_9, %add3A_718 : vector<16xi32>
        %and3A_720 = arith.constant 63 : i32
        %and3A_721 = vector.broadcast %and3A_720 : i32 to vector<16xi32>
        %and3A_722 = arith.andi %add3A_719, %and3A_721 : vector<16xi32>
        %add3A_723 = arith.addi %add3A_184, %and3A_722 : vector<16xi32>
        %gather3A_724 = arith.constant 0 : i32
        %gather3A_725 = tpu.memref_slice %arg10[%scan3A_160, %gather3A_724] : memref<2x32768xf32, #tpu.memory_space<vmem>> -> memref<1x32768xf32, #tpu.memory_space<vmem>>
        %gather3A_726 = tpu.memref_squeeze %gather3A_725 : memref<1x32768xf32, #tpu.memory_space<vmem>> -> memref<32768xf32, #tpu.memory_space<vmem>>
        %gather3A_727 = tpu.vector_load_idx %gather3A_726[%add3A_723] : memref<32768xf32, #tpu.memory_space<vmem>>[vector<16xi32>], vector<16xf32>,
        %get3A_728 = arith.constant 31 : i32
        %get3A_729 = arith.index_cast %get3A_728 : i32 to index
        %get3A_730 = arith.constant 0 : index
        %get3A_731 = tpu.vector_load %arg12[%get3A_729, %get3A_730] {strides = array<i32>} : memref<64x16xf32, #tpu.memory_space<vmem>>, vector<16xf32>,
        %mul3A_732 = arith.mulf %gather3A_727, %get3A_731 : vector<16xf32>
        %add3A_733 = arith.addf %add3A_716, %mul3A_732 : vector<16xf32>
        %add3A_734 = arith.constant 32 : i32
        %add3A_735 = vector.broadcast %add3A_734 : i32 to vector<16xi32>
        %add3A_736 = arith.addi %mul3A_9, %add3A_735 : vector<16xi32>
        %and3A_737 = arith.constant 63 : i32
        %and3A_738 = vector.broadcast %and3A_737 : i32 to vector<16xi32>
        %and3A_739 = arith.andi %add3A_736, %and3A_738 : vector<16xi32>
        %add3A_740 = arith.addi %add3A_184, %and3A_739 : vector<16xi32>
        %gather3A_741 = arith.constant 0 : i32
        %gather3A_742 = tpu.memref_slice %arg10[%scan3A_160, %gather3A_741] : memref<2x32768xf32, #tpu.memory_space<vmem>> -> memref<1x32768xf32, #tpu.memory_space<vmem>>
        %gather3A_743 = tpu.memref_squeeze %gather3A_742 : memref<1x32768xf32, #tpu.memory_space<vmem>> -> memref<32768xf32, #tpu.memory_space<vmem>>
        %gather3A_744 = tpu.vector_load_idx %gather3A_743[%add3A_740] : memref<32768xf32, #tpu.memory_space<vmem>>[vector<16xi32>], vector<16xf32>,
        %get3A_745 = arith.constant 32 : i32
        %get3A_746 = arith.index_cast %get3A_745 : i32 to index
        %get3A_747 = arith.constant 0 : index
        %get3A_748 = tpu.vector_load %arg12[%get3A_746, %get3A_747] {strides = array<i32>} : memref<64x16xf32, #tpu.memory_space<vmem>>, vector<16xf32>,
        %mul3A_749 = arith.mulf %gather3A_744, %get3A_748 : vector<16xf32>
        %add3A_750 = arith.addf %add3A_733, %mul3A_749 : vector<16xf32>
        %add3A_751 = arith.constant 33 : i32
        %add3A_752 = vector.broadcast %add3A_751 : i32 to vector<16xi32>
        %add3A_753 = arith.addi %mul3A_9, %add3A_752 : vector<16xi32>
        %and3A_754 = arith.constant 63 : i32
        %and3A_755 = vector.broadcast %and3A_754 : i32 to vector<16xi32>
        %and3A_756 = arith.andi %add3A_753, %and3A_755 : vector<16xi32>
        %add3A_757 = arith.addi %add3A_184, %and3A_756 : vector<16xi32>
        %gather3A_758 = arith.constant 0 : i32
        %gather3A_759 = tpu.memref_slice %arg10[%scan3A_160, %gather3A_758] : memref<2x32768xf32, #tpu.memory_space<vmem>> -> memref<1x32768xf32, #tpu.memory_space<vmem>>
        %gather3A_760 = tpu.memref_squeeze %gather3A_759 : memref<1x32768xf32, #tpu.memory_space<vmem>> -> memref<32768xf32, #tpu.memory_space<vmem>>
        %gather3A_761 = tpu.vector_load_idx %gather3A_760[%add3A_757] : memref<32768xf32, #tpu.memory_space<vmem>>[vector<16xi32>], vector<16xf32>,
        %get3A_762 = arith.constant 33 : i32
        %get3A_763 = arith.index_cast %get3A_762 : i32 to index
        %get3A_764 = arith.constant 0 : index
        %get3A_765 = tpu.vector_load %arg12[%get3A_763, %get3A_764] {strides = array<i32>} : memref<64x16xf32, #tpu.memory_space<vmem>>, vector<16xf32>,
        %mul3A_766 = arith.mulf %gather3A_761, %get3A_765 : vector<16xf32>
        %add3A_767 = arith.addf %add3A_750, %mul3A_766 : vector<16xf32>
        %add3A_768 = arith.constant 34 : i32
        %add3A_769 = vector.broadcast %add3A_768 : i32 to vector<16xi32>
        %add3A_770 = arith.addi %mul3A_9, %add3A_769 : vector<16xi32>
        %and3A_771 = arith.constant 63 : i32
        %and3A_772 = vector.broadcast %and3A_771 : i32 to vector<16xi32>
        %and3A_773 = arith.andi %add3A_770, %and3A_772 : vector<16xi32>
        %add3A_774 = arith.addi %add3A_184, %and3A_773 : vector<16xi32>
        %gather3A_775 = arith.constant 0 : i32
        %gather3A_776 = tpu.memref_slice %arg10[%scan3A_160, %gather3A_775] : memref<2x32768xf32, #tpu.memory_space<vmem>> -> memref<1x32768xf32, #tpu.memory_space<vmem>>
        %gather3A_777 = tpu.memref_squeeze %gather3A_776 : memref<1x32768xf32, #tpu.memory_space<vmem>> -> memref<32768xf32, #tpu.memory_space<vmem>>
        %gather3A_778 = tpu.vector_load_idx %gather3A_777[%add3A_774] : memref<32768xf32, #tpu.memory_space<vmem>>[vector<16xi32>], vector<16xf32>,
        %get3A_779 = arith.constant 34 : i32
        %get3A_780 = arith.index_cast %get3A_779 : i32 to index
        %get3A_781 = arith.constant 0 : index
        %get3A_782 = tpu.vector_load %arg12[%get3A_780, %get3A_781] {strides = array<i32>} : memref<64x16xf32, #tpu.memory_space<vmem>>, vector<16xf32>,
        %mul3A_783 = arith.mulf %gather3A_778, %get3A_782 : vector<16xf32>
        %add3A_784 = arith.addf %add3A_767, %mul3A_783 : vector<16xf32>
        %add3A_785 = arith.constant 35 : i32
        %add3A_786 = vector.broadcast %add3A_785 : i32 to vector<16xi32>
        %add3A_787 = arith.addi %mul3A_9, %add3A_786 : vector<16xi32>
        %and3A_788 = arith.constant 63 : i32
        %and3A_789 = vector.broadcast %and3A_788 : i32 to vector<16xi32>
        %and3A_790 = arith.andi %add3A_787, %and3A_789 : vector<16xi32>
        %add3A_791 = arith.addi %add3A_184, %and3A_790 : vector<16xi32>
        %gather3A_792 = arith.constant 0 : i32
        %gather3A_793 = tpu.memref_slice %arg10[%scan3A_160, %gather3A_792] : memref<2x32768xf32, #tpu.memory_space<vmem>> -> memref<1x32768xf32, #tpu.memory_space<vmem>>
        %gather3A_794 = tpu.memref_squeeze %gather3A_793 : memref<1x32768xf32, #tpu.memory_space<vmem>> -> memref<32768xf32, #tpu.memory_space<vmem>>
        %gather3A_795 = tpu.vector_load_idx %gather3A_794[%add3A_791] : memref<32768xf32, #tpu.memory_space<vmem>>[vector<16xi32>], vector<16xf32>,
        %get3A_796 = arith.constant 35 : i32
        %get3A_797 = arith.index_cast %get3A_796 : i32 to index
        %get3A_798 = arith.constant 0 : index
        %get3A_799 = tpu.vector_load %arg12[%get3A_797, %get3A_798] {strides = array<i32>} : memref<64x16xf32, #tpu.memory_space<vmem>>, vector<16xf32>,
        %mul3A_800 = arith.mulf %gather3A_795, %get3A_799 : vector<16xf32>
        %add3A_801 = arith.addf %add3A_784, %mul3A_800 : vector<16xf32>
        %add3A_802 = arith.constant 36 : i32
        %add3A_803 = vector.broadcast %add3A_802 : i32 to vector<16xi32>
        %add3A_804 = arith.addi %mul3A_9, %add3A_803 : vector<16xi32>
        %and3A_805 = arith.constant 63 : i32
        %and3A_806 = vector.broadcast %and3A_805 : i32 to vector<16xi32>
        %and3A_807 = arith.andi %add3A_804, %and3A_806 : vector<16xi32>
        %add3A_808 = arith.addi %add3A_184, %and3A_807 : vector<16xi32>
        %gather3A_809 = arith.constant 0 : i32
        %gather3A_810 = tpu.memref_slice %arg10[%scan3A_160, %gather3A_809] : memref<2x32768xf32, #tpu.memory_space<vmem>> -> memref<1x32768xf32, #tpu.memory_space<vmem>>
        %gather3A_811 = tpu.memref_squeeze %gather3A_810 : memref<1x32768xf32, #tpu.memory_space<vmem>> -> memref<32768xf32, #tpu.memory_space<vmem>>
        %gather3A_812 = tpu.vector_load_idx %gather3A_811[%add3A_808] : memref<32768xf32, #tpu.memory_space<vmem>>[vector<16xi32>], vector<16xf32>,
        %get3A_813 = arith.constant 36 : i32
        %get3A_814 = arith.index_cast %get3A_813 : i32 to index
        %get3A_815 = arith.constant 0 : index
        %get3A_816 = tpu.vector_load %arg12[%get3A_814, %get3A_815] {strides = array<i32>} : memref<64x16xf32, #tpu.memory_space<vmem>>, vector<16xf32>,
        %mul3A_817 = arith.mulf %gather3A_812, %get3A_816 : vector<16xf32>
        %add3A_818 = arith.addf %add3A_801, %mul3A_817 : vector<16xf32>
        %add3A_819 = arith.constant 37 : i32
        %add3A_820 = vector.broadcast %add3A_819 : i32 to vector<16xi32>
        %add3A_821 = arith.addi %mul3A_9, %add3A_820 : vector<16xi32>
        %and3A_822 = arith.constant 63 : i32
        %and3A_823 = vector.broadcast %and3A_822 : i32 to vector<16xi32>
        %and3A_824 = arith.andi %add3A_821, %and3A_823 : vector<16xi32>
        %add3A_825 = arith.addi %add3A_184, %and3A_824 : vector<16xi32>
        %gather3A_826 = arith.constant 0 : i32
        %gather3A_827 = tpu.memref_slice %arg10[%scan3A_160, %gather3A_826] : memref<2x32768xf32, #tpu.memory_space<vmem>> -> memref<1x32768xf32, #tpu.memory_space<vmem>>
        %gather3A_828 = tpu.memref_squeeze %gather3A_827 : memref<1x32768xf32, #tpu.memory_space<vmem>> -> memref<32768xf32, #tpu.memory_space<vmem>>
        %gather3A_829 = tpu.vector_load_idx %gather3A_828[%add3A_825] : memref<32768xf32, #tpu.memory_space<vmem>>[vector<16xi32>], vector<16xf32>,
        %get3A_830 = arith.constant 37 : i32
        %get3A_831 = arith.index_cast %get3A_830 : i32 to index
        %get3A_832 = arith.constant 0 : index
        %get3A_833 = tpu.vector_load %arg12[%get3A_831, %get3A_832] {strides = array<i32>} : memref<64x16xf32, #tpu.memory_space<vmem>>, vector<16xf32>,
        %mul3A_834 = arith.mulf %gather3A_829, %get3A_833 : vector<16xf32>
        %add3A_835 = arith.addf %add3A_818, %mul3A_834 : vector<16xf32>
        %add3A_836 = arith.constant 38 : i32
        %add3A_837 = vector.broadcast %add3A_836 : i32 to vector<16xi32>
        %add3A_838 = arith.addi %mul3A_9, %add3A_837 : vector<16xi32>
        %and3A_839 = arith.constant 63 : i32
        %and3A_840 = vector.broadcast %and3A_839 : i32 to vector<16xi32>
        %and3A_841 = arith.andi %add3A_838, %and3A_840 : vector<16xi32>
        %add3A_842 = arith.addi %add3A_184, %and3A_841 : vector<16xi32>
        %gather3A_843 = arith.constant 0 : i32
        %gather3A_844 = tpu.memref_slice %arg10[%scan3A_160, %gather3A_843] : memref<2x32768xf32, #tpu.memory_space<vmem>> -> memref<1x32768xf32, #tpu.memory_space<vmem>>
        %gather3A_845 = tpu.memref_squeeze %gather3A_844 : memref<1x32768xf32, #tpu.memory_space<vmem>> -> memref<32768xf32, #tpu.memory_space<vmem>>
        %gather3A_846 = tpu.vector_load_idx %gather3A_845[%add3A_842] : memref<32768xf32, #tpu.memory_space<vmem>>[vector<16xi32>], vector<16xf32>,
        %get3A_847 = arith.constant 38 : i32
        %get3A_848 = arith.index_cast %get3A_847 : i32 to index
        %get3A_849 = arith.constant 0 : index
        %get3A_850 = tpu.vector_load %arg12[%get3A_848, %get3A_849] {strides = array<i32>} : memref<64x16xf32, #tpu.memory_space<vmem>>, vector<16xf32>,
        %mul3A_851 = arith.mulf %gather3A_846, %get3A_850 : vector<16xf32>
        %add3A_852 = arith.addf %add3A_835, %mul3A_851 : vector<16xf32>
        %add3A_853 = arith.constant 39 : i32
        %add3A_854 = vector.broadcast %add3A_853 : i32 to vector<16xi32>
        %add3A_855 = arith.addi %mul3A_9, %add3A_854 : vector<16xi32>
        %and3A_856 = arith.constant 63 : i32
        %and3A_857 = vector.broadcast %and3A_856 : i32 to vector<16xi32>
        %and3A_858 = arith.andi %add3A_855, %and3A_857 : vector<16xi32>
        %add3A_859 = arith.addi %add3A_184, %and3A_858 : vector<16xi32>
        %gather3A_860 = arith.constant 0 : i32
        %gather3A_861 = tpu.memref_slice %arg10[%scan3A_160, %gather3A_860] : memref<2x32768xf32, #tpu.memory_space<vmem>> -> memref<1x32768xf32, #tpu.memory_space<vmem>>
        %gather3A_862 = tpu.memref_squeeze %gather3A_861 : memref<1x32768xf32, #tpu.memory_space<vmem>> -> memref<32768xf32, #tpu.memory_space<vmem>>
        %gather3A_863 = tpu.vector_load_idx %gather3A_862[%add3A_859] : memref<32768xf32, #tpu.memory_space<vmem>>[vector<16xi32>], vector<16xf32>,
        %get3A_864 = arith.constant 39 : i32
        %get3A_865 = arith.index_cast %get3A_864 : i32 to index
        %get3A_866 = arith.constant 0 : index
        %get3A_867 = tpu.vector_load %arg12[%get3A_865, %get3A_866] {strides = array<i32>} : memref<64x16xf32, #tpu.memory_space<vmem>>, vector<16xf32>,
        %mul3A_868 = arith.mulf %gather3A_863, %get3A_867 : vector<16xf32>
        %add3A_869 = arith.addf %add3A_852, %mul3A_868 : vector<16xf32>
        %add3A_870 = arith.constant 40 : i32
        %add3A_871 = vector.broadcast %add3A_870 : i32 to vector<16xi32>
        %add3A_872 = arith.addi %mul3A_9, %add3A_871 : vector<16xi32>
        %and3A_873 = arith.constant 63 : i32
        %and3A_874 = vector.broadcast %and3A_873 : i32 to vector<16xi32>
        %and3A_875 = arith.andi %add3A_872, %and3A_874 : vector<16xi32>
        %add3A_876 = arith.addi %add3A_184, %and3A_875 : vector<16xi32>
        %gather3A_877 = arith.constant 0 : i32
        %gather3A_878 = tpu.memref_slice %arg10[%scan3A_160, %gather3A_877] : memref<2x32768xf32, #tpu.memory_space<vmem>> -> memref<1x32768xf32, #tpu.memory_space<vmem>>
        %gather3A_879 = tpu.memref_squeeze %gather3A_878 : memref<1x32768xf32, #tpu.memory_space<vmem>> -> memref<32768xf32, #tpu.memory_space<vmem>>
        %gather3A_880 = tpu.vector_load_idx %gather3A_879[%add3A_876] : memref<32768xf32, #tpu.memory_space<vmem>>[vector<16xi32>], vector<16xf32>,
        %get3A_881 = arith.constant 40 : i32
        %get3A_882 = arith.index_cast %get3A_881 : i32 to index
        %get3A_883 = arith.constant 0 : index
        %get3A_884 = tpu.vector_load %arg12[%get3A_882, %get3A_883] {strides = array<i32>} : memref<64x16xf32, #tpu.memory_space<vmem>>, vector<16xf32>,
        %mul3A_885 = arith.mulf %gather3A_880, %get3A_884 : vector<16xf32>
        %add3A_886 = arith.addf %add3A_869, %mul3A_885 : vector<16xf32>
        %add3A_887 = arith.constant 41 : i32
        %add3A_888 = vector.broadcast %add3A_887 : i32 to vector<16xi32>
        %add3A_889 = arith.addi %mul3A_9, %add3A_888 : vector<16xi32>
        %and3A_890 = arith.constant 63 : i32
        %and3A_891 = vector.broadcast %and3A_890 : i32 to vector<16xi32>
        %and3A_892 = arith.andi %add3A_889, %and3A_891 : vector<16xi32>
        %add3A_893 = arith.addi %add3A_184, %and3A_892 : vector<16xi32>
        %gather3A_894 = arith.constant 0 : i32
        %gather3A_895 = tpu.memref_slice %arg10[%scan3A_160, %gather3A_894] : memref<2x32768xf32, #tpu.memory_space<vmem>> -> memref<1x32768xf32, #tpu.memory_space<vmem>>
        %gather3A_896 = tpu.memref_squeeze %gather3A_895 : memref<1x32768xf32, #tpu.memory_space<vmem>> -> memref<32768xf32, #tpu.memory_space<vmem>>
        %gather3A_897 = tpu.vector_load_idx %gather3A_896[%add3A_893] : memref<32768xf32, #tpu.memory_space<vmem>>[vector<16xi32>], vector<16xf32>,
        %get3A_898 = arith.constant 41 : i32
        %get3A_899 = arith.index_cast %get3A_898 : i32 to index
        %get3A_900 = arith.constant 0 : index
        %get3A_901 = tpu.vector_load %arg12[%get3A_899, %get3A_900] {strides = array<i32>} : memref<64x16xf32, #tpu.memory_space<vmem>>, vector<16xf32>,
        %mul3A_902 = arith.mulf %gather3A_897, %get3A_901 : vector<16xf32>
        %add3A_903 = arith.addf %add3A_886, %mul3A_902 : vector<16xf32>
        %add3A_904 = arith.constant 42 : i32
        %add3A_905 = vector.broadcast %add3A_904 : i32 to vector<16xi32>
        %add3A_906 = arith.addi %mul3A_9, %add3A_905 : vector<16xi32>
        %and3A_907 = arith.constant 63 : i32
        %and3A_908 = vector.broadcast %and3A_907 : i32 to vector<16xi32>
        %and3A_909 = arith.andi %add3A_906, %and3A_908 : vector<16xi32>
        %add3A_910 = arith.addi %add3A_184, %and3A_909 : vector<16xi32>
        %gather3A_911 = arith.constant 0 : i32
        %gather3A_912 = tpu.memref_slice %arg10[%scan3A_160, %gather3A_911] : memref<2x32768xf32, #tpu.memory_space<vmem>> -> memref<1x32768xf32, #tpu.memory_space<vmem>>
        %gather3A_913 = tpu.memref_squeeze %gather3A_912 : memref<1x32768xf32, #tpu.memory_space<vmem>> -> memref<32768xf32, #tpu.memory_space<vmem>>
        %gather3A_914 = tpu.vector_load_idx %gather3A_913[%add3A_910] : memref<32768xf32, #tpu.memory_space<vmem>>[vector<16xi32>], vector<16xf32>,
        %get3A_915 = arith.constant 42 : i32
        %get3A_916 = arith.index_cast %get3A_915 : i32 to index
        %get3A_917 = arith.constant 0 : index
        %get3A_918 = tpu.vector_load %arg12[%get3A_916, %get3A_917] {strides = array<i32>} : memref<64x16xf32, #tpu.memory_space<vmem>>, vector<16xf32>,
        %mul3A_919 = arith.mulf %gather3A_914, %get3A_918 : vector<16xf32>
        %add3A_920 = arith.addf %add3A_903, %mul3A_919 : vector<16xf32>
        %add3A_921 = arith.constant 43 : i32
        %add3A_922 = vector.broadcast %add3A_921 : i32 to vector<16xi32>
        %add3A_923 = arith.addi %mul3A_9, %add3A_922 : vector<16xi32>
        %and3A_924 = arith.constant 63 : i32
        %and3A_925 = vector.broadcast %and3A_924 : i32 to vector<16xi32>
        %and3A_926 = arith.andi %add3A_923, %and3A_925 : vector<16xi32>
        %add3A_927 = arith.addi %add3A_184, %and3A_926 : vector<16xi32>
        %gather3A_928 = arith.constant 0 : i32
        %gather3A_929 = tpu.memref_slice %arg10[%scan3A_160, %gather3A_928] : memref<2x32768xf32, #tpu.memory_space<vmem>> -> memref<1x32768xf32, #tpu.memory_space<vmem>>
        %gather3A_930 = tpu.memref_squeeze %gather3A_929 : memref<1x32768xf32, #tpu.memory_space<vmem>> -> memref<32768xf32, #tpu.memory_space<vmem>>
        %gather3A_931 = tpu.vector_load_idx %gather3A_930[%add3A_927] : memref<32768xf32, #tpu.memory_space<vmem>>[vector<16xi32>], vector<16xf32>,
        %get3A_932 = arith.constant 43 : i32
        %get3A_933 = arith.index_cast %get3A_932 : i32 to index
        %get3A_934 = arith.constant 0 : index
        %get3A_935 = tpu.vector_load %arg12[%get3A_933, %get3A_934] {strides = array<i32>} : memref<64x16xf32, #tpu.memory_space<vmem>>, vector<16xf32>,
        %mul3A_936 = arith.mulf %gather3A_931, %get3A_935 : vector<16xf32>
        %add3A_937 = arith.addf %add3A_920, %mul3A_936 : vector<16xf32>
        %add3A_938 = arith.constant 44 : i32
        %add3A_939 = vector.broadcast %add3A_938 : i32 to vector<16xi32>
        %add3A_940 = arith.addi %mul3A_9, %add3A_939 : vector<16xi32>
        %and3A_941 = arith.constant 63 : i32
        %and3A_942 = vector.broadcast %and3A_941 : i32 to vector<16xi32>
        %and3A_943 = arith.andi %add3A_940, %and3A_942 : vector<16xi32>
        %add3A_944 = arith.addi %add3A_184, %and3A_943 : vector<16xi32>
        %gather3A_945 = arith.constant 0 : i32
        %gather3A_946 = tpu.memref_slice %arg10[%scan3A_160, %gather3A_945] : memref<2x32768xf32, #tpu.memory_space<vmem>> -> memref<1x32768xf32, #tpu.memory_space<vmem>>
        %gather3A_947 = tpu.memref_squeeze %gather3A_946 : memref<1x32768xf32, #tpu.memory_space<vmem>> -> memref<32768xf32, #tpu.memory_space<vmem>>
        %gather3A_948 = tpu.vector_load_idx %gather3A_947[%add3A_944] : memref<32768xf32, #tpu.memory_space<vmem>>[vector<16xi32>], vector<16xf32>,
        %get3A_949 = arith.constant 44 : i32
        %get3A_950 = arith.index_cast %get3A_949 : i32 to index
        %get3A_951 = arith.constant 0 : index
        %get3A_952 = tpu.vector_load %arg12[%get3A_950, %get3A_951] {strides = array<i32>} : memref<64x16xf32, #tpu.memory_space<vmem>>, vector<16xf32>,
        %mul3A_953 = arith.mulf %gather3A_948, %get3A_952 : vector<16xf32>
        %add3A_954 = arith.addf %add3A_937, %mul3A_953 : vector<16xf32>
        %add3A_955 = arith.constant 45 : i32
        %add3A_956 = vector.broadcast %add3A_955 : i32 to vector<16xi32>
        %add3A_957 = arith.addi %mul3A_9, %add3A_956 : vector<16xi32>
        %and3A_958 = arith.constant 63 : i32
        %and3A_959 = vector.broadcast %and3A_958 : i32 to vector<16xi32>
        %and3A_960 = arith.andi %add3A_957, %and3A_959 : vector<16xi32>
        %add3A_961 = arith.addi %add3A_184, %and3A_960 : vector<16xi32>
        %gather3A_962 = arith.constant 0 : i32
        %gather3A_963 = tpu.memref_slice %arg10[%scan3A_160, %gather3A_962] : memref<2x32768xf32, #tpu.memory_space<vmem>> -> memref<1x32768xf32, #tpu.memory_space<vmem>>
        %gather3A_964 = tpu.memref_squeeze %gather3A_963 : memref<1x32768xf32, #tpu.memory_space<vmem>> -> memref<32768xf32, #tpu.memory_space<vmem>>
        %gather3A_965 = tpu.vector_load_idx %gather3A_964[%add3A_961] : memref<32768xf32, #tpu.memory_space<vmem>>[vector<16xi32>], vector<16xf32>,
        %get3A_966 = arith.constant 45 : i32
        %get3A_967 = arith.index_cast %get3A_966 : i32 to index
        %get3A_968 = arith.constant 0 : index
        %get3A_969 = tpu.vector_load %arg12[%get3A_967, %get3A_968] {strides = array<i32>} : memref<64x16xf32, #tpu.memory_space<vmem>>, vector<16xf32>,
        %mul3A_970 = arith.mulf %gather3A_965, %get3A_969 : vector<16xf32>
        %add3A_971 = arith.addf %add3A_954, %mul3A_970 : vector<16xf32>
        %add3A_972 = arith.constant 46 : i32
        %add3A_973 = vector.broadcast %add3A_972 : i32 to vector<16xi32>
        %add3A_974 = arith.addi %mul3A_9, %add3A_973 : vector<16xi32>
        %and3A_975 = arith.constant 63 : i32
        %and3A_976 = vector.broadcast %and3A_975 : i32 to vector<16xi32>
        %and3A_977 = arith.andi %add3A_974, %and3A_976 : vector<16xi32>
        %add3A_978 = arith.addi %add3A_184, %and3A_977 : vector<16xi32>
        %gather3A_979 = arith.constant 0 : i32
        %gather3A_980 = tpu.memref_slice %arg10[%scan3A_160, %gather3A_979] : memref<2x32768xf32, #tpu.memory_space<vmem>> -> memref<1x32768xf32, #tpu.memory_space<vmem>>
        %gather3A_981 = tpu.memref_squeeze %gather3A_980 : memref<1x32768xf32, #tpu.memory_space<vmem>> -> memref<32768xf32, #tpu.memory_space<vmem>>
        %gather3A_982 = tpu.vector_load_idx %gather3A_981[%add3A_978] : memref<32768xf32, #tpu.memory_space<vmem>>[vector<16xi32>], vector<16xf32>,
        %get3A_983 = arith.constant 46 : i32
        %get3A_984 = arith.index_cast %get3A_983 : i32 to index
        %get3A_985 = arith.constant 0 : index
        %get3A_986 = tpu.vector_load %arg12[%get3A_984, %get3A_985] {strides = array<i32>} : memref<64x16xf32, #tpu.memory_space<vmem>>, vector<16xf32>,
        %mul3A_987 = arith.mulf %gather3A_982, %get3A_986 : vector<16xf32>
        %add3A_988 = arith.addf %add3A_971, %mul3A_987 : vector<16xf32>
        %add3A_989 = arith.constant 47 : i32
        %add3A_990 = vector.broadcast %add3A_989 : i32 to vector<16xi32>
        %add3A_991 = arith.addi %mul3A_9, %add3A_990 : vector<16xi32>
        %and3A_992 = arith.constant 63 : i32
        %and3A_993 = vector.broadcast %and3A_992 : i32 to vector<16xi32>
        %and3A_994 = arith.andi %add3A_991, %and3A_993 : vector<16xi32>
        %add3A_995 = arith.addi %add3A_184, %and3A_994 : vector<16xi32>
        %gather3A_996 = arith.constant 0 : i32
        %gather3A_997 = tpu.memref_slice %arg10[%scan3A_160, %gather3A_996] : memref<2x32768xf32, #tpu.memory_space<vmem>> -> memref<1x32768xf32, #tpu.memory_space<vmem>>
        %gather3A_998 = tpu.memref_squeeze %gather3A_997 : memref<1x32768xf32, #tpu.memory_space<vmem>> -> memref<32768xf32, #tpu.memory_space<vmem>>
        %gather3A_999 = tpu.vector_load_idx %gather3A_998[%add3A_995] : memref<32768xf32, #tpu.memory_space<vmem>>[vector<16xi32>], vector<16xf32>,
        %get3A_1000 = arith.constant 47 : i32
        %get3A_1001 = arith.index_cast %get3A_1000 : i32 to index
        %get3A_1002 = arith.constant 0 : index
        %get3A_1003 = tpu.vector_load %arg12[%get3A_1001, %get3A_1002] {strides = array<i32>} : memref<64x16xf32, #tpu.memory_space<vmem>>, vector<16xf32>,
        %mul3A_1004 = arith.mulf %gather3A_999, %get3A_1003 : vector<16xf32>
        %add3A_1005 = arith.addf %add3A_988, %mul3A_1004 : vector<16xf32>
        %add3A_1006 = arith.constant 48 : i32
        %add3A_1007 = vector.broadcast %add3A_1006 : i32 to vector<16xi32>
        %add3A_1008 = arith.addi %mul3A_9, %add3A_1007 : vector<16xi32>
        %and3A_1009 = arith.constant 63 : i32
        %and3A_1010 = vector.broadcast %and3A_1009 : i32 to vector<16xi32>
        %and3A_1011 = arith.andi %add3A_1008, %and3A_1010 : vector<16xi32>
        %add3A_1012 = arith.addi %add3A_184, %and3A_1011 : vector<16xi32>
        %gather3A_1013 = arith.constant 0 : i32
        %gather3A_1014 = tpu.memref_slice %arg10[%scan3A_160, %gather3A_1013] : memref<2x32768xf32, #tpu.memory_space<vmem>> -> memref<1x32768xf32, #tpu.memory_space<vmem>>
        %gather3A_1015 = tpu.memref_squeeze %gather3A_1014 : memref<1x32768xf32, #tpu.memory_space<vmem>> -> memref<32768xf32, #tpu.memory_space<vmem>>
        %gather3A_1016 = tpu.vector_load_idx %gather3A_1015[%add3A_1012] : memref<32768xf32, #tpu.memory_space<vmem>>[vector<16xi32>], vector<16xf32>,
        %get3A_1017 = arith.constant 48 : i32
        %get3A_1018 = arith.index_cast %get3A_1017 : i32 to index
        %get3A_1019 = arith.constant 0 : index
        %get3A_1020 = tpu.vector_load %arg12[%get3A_1018, %get3A_1019] {strides = array<i32>} : memref<64x16xf32, #tpu.memory_space<vmem>>, vector<16xf32>,
        %mul3A_1021 = arith.mulf %gather3A_1016, %get3A_1020 : vector<16xf32>
        %add3A_1022 = arith.addf %add3A_1005, %mul3A_1021 : vector<16xf32>
        %add3A_1023 = arith.constant 49 : i32
        %add3A_1024 = vector.broadcast %add3A_1023 : i32 to vector<16xi32>
        %add3A_1025 = arith.addi %mul3A_9, %add3A_1024 : vector<16xi32>
        %and3A_1026 = arith.constant 63 : i32
        %and3A_1027 = vector.broadcast %and3A_1026 : i32 to vector<16xi32>
        %and3A_1028 = arith.andi %add3A_1025, %and3A_1027 : vector<16xi32>
        %add3A_1029 = arith.addi %add3A_184, %and3A_1028 : vector<16xi32>
        %gather3A_1030 = arith.constant 0 : i32
        %gather3A_1031 = tpu.memref_slice %arg10[%scan3A_160, %gather3A_1030] : memref<2x32768xf32, #tpu.memory_space<vmem>> -> memref<1x32768xf32, #tpu.memory_space<vmem>>
        %gather3A_1032 = tpu.memref_squeeze %gather3A_1031 : memref<1x32768xf32, #tpu.memory_space<vmem>> -> memref<32768xf32, #tpu.memory_space<vmem>>
        %gather3A_1033 = tpu.vector_load_idx %gather3A_1032[%add3A_1029] : memref<32768xf32, #tpu.memory_space<vmem>>[vector<16xi32>], vector<16xf32>,
        %get3A_1034 = arith.constant 49 : i32
        %get3A_1035 = arith.index_cast %get3A_1034 : i32 to index
        %get3A_1036 = arith.constant 0 : index
        %get3A_1037 = tpu.vector_load %arg12[%get3A_1035, %get3A_1036] {strides = array<i32>} : memref<64x16xf32, #tpu.memory_space<vmem>>, vector<16xf32>,
        %mul3A_1038 = arith.mulf %gather3A_1033, %get3A_1037 : vector<16xf32>
        %add3A_1039 = arith.addf %add3A_1022, %mul3A_1038 : vector<16xf32>
        %add3A_1040 = arith.constant 50 : i32
        %add3A_1041 = vector.broadcast %add3A_1040 : i32 to vector<16xi32>
        %add3A_1042 = arith.addi %mul3A_9, %add3A_1041 : vector<16xi32>
        %and3A_1043 = arith.constant 63 : i32
        %and3A_1044 = vector.broadcast %and3A_1043 : i32 to vector<16xi32>
        %and3A_1045 = arith.andi %add3A_1042, %and3A_1044 : vector<16xi32>
        %add3A_1046 = arith.addi %add3A_184, %and3A_1045 : vector<16xi32>
        %gather3A_1047 = arith.constant 0 : i32
        %gather3A_1048 = tpu.memref_slice %arg10[%scan3A_160, %gather3A_1047] : memref<2x32768xf32, #tpu.memory_space<vmem>> -> memref<1x32768xf32, #tpu.memory_space<vmem>>
        %gather3A_1049 = tpu.memref_squeeze %gather3A_1048 : memref<1x32768xf32, #tpu.memory_space<vmem>> -> memref<32768xf32, #tpu.memory_space<vmem>>
        %gather3A_1050 = tpu.vector_load_idx %gather3A_1049[%add3A_1046] : memref<32768xf32, #tpu.memory_space<vmem>>[vector<16xi32>], vector<16xf32>,
        %get3A_1051 = arith.constant 50 : i32
        %get3A_1052 = arith.index_cast %get3A_1051 : i32 to index
        %get3A_1053 = arith.constant 0 : index
        %get3A_1054 = tpu.vector_load %arg12[%get3A_1052, %get3A_1053] {strides = array<i32>} : memref<64x16xf32, #tpu.memory_space<vmem>>, vector<16xf32>,
        %mul3A_1055 = arith.mulf %gather3A_1050, %get3A_1054 : vector<16xf32>
        %add3A_1056 = arith.addf %add3A_1039, %mul3A_1055 : vector<16xf32>
        %add3A_1057 = arith.constant 51 : i32
        %add3A_1058 = vector.broadcast %add3A_1057 : i32 to vector<16xi32>
        %add3A_1059 = arith.addi %mul3A_9, %add3A_1058 : vector<16xi32>
        %and3A_1060 = arith.constant 63 : i32
        %and3A_1061 = vector.broadcast %and3A_1060 : i32 to vector<16xi32>
        %and3A_1062 = arith.andi %add3A_1059, %and3A_1061 : vector<16xi32>
        %add3A_1063 = arith.addi %add3A_184, %and3A_1062 : vector<16xi32>
        %gather3A_1064 = arith.constant 0 : i32
        %gather3A_1065 = tpu.memref_slice %arg10[%scan3A_160, %gather3A_1064] : memref<2x32768xf32, #tpu.memory_space<vmem>> -> memref<1x32768xf32, #tpu.memory_space<vmem>>
        %gather3A_1066 = tpu.memref_squeeze %gather3A_1065 : memref<1x32768xf32, #tpu.memory_space<vmem>> -> memref<32768xf32, #tpu.memory_space<vmem>>
        %gather3A_1067 = tpu.vector_load_idx %gather3A_1066[%add3A_1063] : memref<32768xf32, #tpu.memory_space<vmem>>[vector<16xi32>], vector<16xf32>,
        %get3A_1068 = arith.constant 51 : i32
        %get3A_1069 = arith.index_cast %get3A_1068 : i32 to index
        %get3A_1070 = arith.constant 0 : index
        %get3A_1071 = tpu.vector_load %arg12[%get3A_1069, %get3A_1070] {strides = array<i32>} : memref<64x16xf32, #tpu.memory_space<vmem>>, vector<16xf32>,
        %mul3A_1072 = arith.mulf %gather3A_1067, %get3A_1071 : vector<16xf32>
        %add3A_1073 = arith.addf %add3A_1056, %mul3A_1072 : vector<16xf32>
        %add3A_1074 = arith.constant 52 : i32
        %add3A_1075 = vector.broadcast %add3A_1074 : i32 to vector<16xi32>
        %add3A_1076 = arith.addi %mul3A_9, %add3A_1075 : vector<16xi32>
        %and3A_1077 = arith.constant 63 : i32
        %and3A_1078 = vector.broadcast %and3A_1077 : i32 to vector<16xi32>
        %and3A_1079 = arith.andi %add3A_1076, %and3A_1078 : vector<16xi32>
        %add3A_1080 = arith.addi %add3A_184, %and3A_1079 : vector<16xi32>
        %gather3A_1081 = arith.constant 0 : i32
        %gather3A_1082 = tpu.memref_slice %arg10[%scan3A_160, %gather3A_1081] : memref<2x32768xf32, #tpu.memory_space<vmem>> -> memref<1x32768xf32, #tpu.memory_space<vmem>>
        %gather3A_1083 = tpu.memref_squeeze %gather3A_1082 : memref<1x32768xf32, #tpu.memory_space<vmem>> -> memref<32768xf32, #tpu.memory_space<vmem>>
        %gather3A_1084 = tpu.vector_load_idx %gather3A_1083[%add3A_1080] : memref<32768xf32, #tpu.memory_space<vmem>>[vector<16xi32>], vector<16xf32>,
        %get3A_1085 = arith.constant 52 : i32
        %get3A_1086 = arith.index_cast %get3A_1085 : i32 to index
        %get3A_1087 = arith.constant 0 : index
        %get3A_1088 = tpu.vector_load %arg12[%get3A_1086, %get3A_1087] {strides = array<i32>} : memref<64x16xf32, #tpu.memory_space<vmem>>, vector<16xf32>,
        %mul3A_1089 = arith.mulf %gather3A_1084, %get3A_1088 : vector<16xf32>
        %add3A_1090 = arith.addf %add3A_1073, %mul3A_1089 : vector<16xf32>
        %add3A_1091 = arith.constant 53 : i32
        %add3A_1092 = vector.broadcast %add3A_1091 : i32 to vector<16xi32>
        %add3A_1093 = arith.addi %mul3A_9, %add3A_1092 : vector<16xi32>
        %and3A_1094 = arith.constant 63 : i32
        %and3A_1095 = vector.broadcast %and3A_1094 : i32 to vector<16xi32>
        %and3A_1096 = arith.andi %add3A_1093, %and3A_1095 : vector<16xi32>
        %add3A_1097 = arith.addi %add3A_184, %and3A_1096 : vector<16xi32>
        %gather3A_1098 = arith.constant 0 : i32
        %gather3A_1099 = tpu.memref_slice %arg10[%scan3A_160, %gather3A_1098] : memref<2x32768xf32, #tpu.memory_space<vmem>> -> memref<1x32768xf32, #tpu.memory_space<vmem>>
        %gather3A_1100 = tpu.memref_squeeze %gather3A_1099 : memref<1x32768xf32, #tpu.memory_space<vmem>> -> memref<32768xf32, #tpu.memory_space<vmem>>
        %gather3A_1101 = tpu.vector_load_idx %gather3A_1100[%add3A_1097] : memref<32768xf32, #tpu.memory_space<vmem>>[vector<16xi32>], vector<16xf32>,
        %get3A_1102 = arith.constant 53 : i32
        %get3A_1103 = arith.index_cast %get3A_1102 : i32 to index
        %get3A_1104 = arith.constant 0 : index
        %get3A_1105 = tpu.vector_load %arg12[%get3A_1103, %get3A_1104] {strides = array<i32>} : memref<64x16xf32, #tpu.memory_space<vmem>>, vector<16xf32>,
        %mul3A_1106 = arith.mulf %gather3A_1101, %get3A_1105 : vector<16xf32>
        %add3A_1107 = arith.addf %add3A_1090, %mul3A_1106 : vector<16xf32>
        %add3A_1108 = arith.constant 54 : i32
        %add3A_1109 = vector.broadcast %add3A_1108 : i32 to vector<16xi32>
        %add3A_1110 = arith.addi %mul3A_9, %add3A_1109 : vector<16xi32>
        %and3A_1111 = arith.constant 63 : i32
        %and3A_1112 = vector.broadcast %and3A_1111 : i32 to vector<16xi32>
        %and3A_1113 = arith.andi %add3A_1110, %and3A_1112 : vector<16xi32>
        %add3A_1114 = arith.addi %add3A_184, %and3A_1113 : vector<16xi32>
        %gather3A_1115 = arith.constant 0 : i32
        %gather3A_1116 = tpu.memref_slice %arg10[%scan3A_160, %gather3A_1115] : memref<2x32768xf32, #tpu.memory_space<vmem>> -> memref<1x32768xf32, #tpu.memory_space<vmem>>
        %gather3A_1117 = tpu.memref_squeeze %gather3A_1116 : memref<1x32768xf32, #tpu.memory_space<vmem>> -> memref<32768xf32, #tpu.memory_space<vmem>>
        %gather3A_1118 = tpu.vector_load_idx %gather3A_1117[%add3A_1114] : memref<32768xf32, #tpu.memory_space<vmem>>[vector<16xi32>], vector<16xf32>,
        %get3A_1119 = arith.constant 54 : i32
        %get3A_1120 = arith.index_cast %get3A_1119 : i32 to index
        %get3A_1121 = arith.constant 0 : index
        %get3A_1122 = tpu.vector_load %arg12[%get3A_1120, %get3A_1121] {strides = array<i32>} : memref<64x16xf32, #tpu.memory_space<vmem>>, vector<16xf32>,
        %mul3A_1123 = arith.mulf %gather3A_1118, %get3A_1122 : vector<16xf32>
        %add3A_1124 = arith.addf %add3A_1107, %mul3A_1123 : vector<16xf32>
        %add3A_1125 = arith.constant 55 : i32
        %add3A_1126 = vector.broadcast %add3A_1125 : i32 to vector<16xi32>
        %add3A_1127 = arith.addi %mul3A_9, %add3A_1126 : vector<16xi32>
        %and3A_1128 = arith.constant 63 : i32
        %and3A_1129 = vector.broadcast %and3A_1128 : i32 to vector<16xi32>
        %and3A_1130 = arith.andi %add3A_1127, %and3A_1129 : vector<16xi32>
        %add3A_1131 = arith.addi %add3A_184, %and3A_1130 : vector<16xi32>
        %gather3A_1132 = arith.constant 0 : i32
        %gather3A_1133 = tpu.memref_slice %arg10[%scan3A_160, %gather3A_1132] : memref<2x32768xf32, #tpu.memory_space<vmem>> -> memref<1x32768xf32, #tpu.memory_space<vmem>>
        %gather3A_1134 = tpu.memref_squeeze %gather3A_1133 : memref<1x32768xf32, #tpu.memory_space<vmem>> -> memref<32768xf32, #tpu.memory_space<vmem>>
        %gather3A_1135 = tpu.vector_load_idx %gather3A_1134[%add3A_1131] : memref<32768xf32, #tpu.memory_space<vmem>>[vector<16xi32>], vector<16xf32>,
        %get3A_1136 = arith.constant 55 : i32
        %get3A_1137 = arith.index_cast %get3A_1136 : i32 to index
        %get3A_1138 = arith.constant 0 : index
        %get3A_1139 = tpu.vector_load %arg12[%get3A_1137, %get3A_1138] {strides = array<i32>} : memref<64x16xf32, #tpu.memory_space<vmem>>, vector<16xf32>,
        %mul3A_1140 = arith.mulf %gather3A_1135, %get3A_1139 : vector<16xf32>
        %add3A_1141 = arith.addf %add3A_1124, %mul3A_1140 : vector<16xf32>
        %add3A_1142 = arith.constant 56 : i32
        %add3A_1143 = vector.broadcast %add3A_1142 : i32 to vector<16xi32>
        %add3A_1144 = arith.addi %mul3A_9, %add3A_1143 : vector<16xi32>
        %and3A_1145 = arith.constant 63 : i32
        %and3A_1146 = vector.broadcast %and3A_1145 : i32 to vector<16xi32>
        %and3A_1147 = arith.andi %add3A_1144, %and3A_1146 : vector<16xi32>
        %add3A_1148 = arith.addi %add3A_184, %and3A_1147 : vector<16xi32>
        %gather3A_1149 = arith.constant 0 : i32
        %gather3A_1150 = tpu.memref_slice %arg10[%scan3A_160, %gather3A_1149] : memref<2x32768xf32, #tpu.memory_space<vmem>> -> memref<1x32768xf32, #tpu.memory_space<vmem>>
        %gather3A_1151 = tpu.memref_squeeze %gather3A_1150 : memref<1x32768xf32, #tpu.memory_space<vmem>> -> memref<32768xf32, #tpu.memory_space<vmem>>
        %gather3A_1152 = tpu.vector_load_idx %gather3A_1151[%add3A_1148] : memref<32768xf32, #tpu.memory_space<vmem>>[vector<16xi32>], vector<16xf32>,
        %get3A_1153 = arith.constant 56 : i32
        %get3A_1154 = arith.index_cast %get3A_1153 : i32 to index
        %get3A_1155 = arith.constant 0 : index
        %get3A_1156 = tpu.vector_load %arg12[%get3A_1154, %get3A_1155] {strides = array<i32>} : memref<64x16xf32, #tpu.memory_space<vmem>>, vector<16xf32>,
        %mul3A_1157 = arith.mulf %gather3A_1152, %get3A_1156 : vector<16xf32>
        %add3A_1158 = arith.addf %add3A_1141, %mul3A_1157 : vector<16xf32>
        %add3A_1159 = arith.constant 57 : i32
        %add3A_1160 = vector.broadcast %add3A_1159 : i32 to vector<16xi32>
        %add3A_1161 = arith.addi %mul3A_9, %add3A_1160 : vector<16xi32>
        %and3A_1162 = arith.constant 63 : i32
        %and3A_1163 = vector.broadcast %and3A_1162 : i32 to vector<16xi32>
        %and3A_1164 = arith.andi %add3A_1161, %and3A_1163 : vector<16xi32>
        %add3A_1165 = arith.addi %add3A_184, %and3A_1164 : vector<16xi32>
        %gather3A_1166 = arith.constant 0 : i32
        %gather3A_1167 = tpu.memref_slice %arg10[%scan3A_160, %gather3A_1166] : memref<2x32768xf32, #tpu.memory_space<vmem>> -> memref<1x32768xf32, #tpu.memory_space<vmem>>
        %gather3A_1168 = tpu.memref_squeeze %gather3A_1167 : memref<1x32768xf32, #tpu.memory_space<vmem>> -> memref<32768xf32, #tpu.memory_space<vmem>>
        %gather3A_1169 = tpu.vector_load_idx %gather3A_1168[%add3A_1165] : memref<32768xf32, #tpu.memory_space<vmem>>[vector<16xi32>], vector<16xf32>,
        %get3A_1170 = arith.constant 57 : i32
        %get3A_1171 = arith.index_cast %get3A_1170 : i32 to index
        %get3A_1172 = arith.constant 0 : index
        %get3A_1173 = tpu.vector_load %arg12[%get3A_1171, %get3A_1172] {strides = array<i32>} : memref<64x16xf32, #tpu.memory_space<vmem>>, vector<16xf32>,
        %mul3A_1174 = arith.mulf %gather3A_1169, %get3A_1173 : vector<16xf32>
        %add3A_1175 = arith.addf %add3A_1158, %mul3A_1174 : vector<16xf32>
        %add3A_1176 = arith.constant 58 : i32
        %add3A_1177 = vector.broadcast %add3A_1176 : i32 to vector<16xi32>
        %add3A_1178 = arith.addi %mul3A_9, %add3A_1177 : vector<16xi32>
        %and3A_1179 = arith.constant 63 : i32
        %and3A_1180 = vector.broadcast %and3A_1179 : i32 to vector<16xi32>
        %and3A_1181 = arith.andi %add3A_1178, %and3A_1180 : vector<16xi32>
        %add3A_1182 = arith.addi %add3A_184, %and3A_1181 : vector<16xi32>
        %gather3A_1183 = arith.constant 0 : i32
        %gather3A_1184 = tpu.memref_slice %arg10[%scan3A_160, %gather3A_1183] : memref<2x32768xf32, #tpu.memory_space<vmem>> -> memref<1x32768xf32, #tpu.memory_space<vmem>>
        %gather3A_1185 = tpu.memref_squeeze %gather3A_1184 : memref<1x32768xf32, #tpu.memory_space<vmem>> -> memref<32768xf32, #tpu.memory_space<vmem>>
        %gather3A_1186 = tpu.vector_load_idx %gather3A_1185[%add3A_1182] : memref<32768xf32, #tpu.memory_space<vmem>>[vector<16xi32>], vector<16xf32>,
        %get3A_1187 = arith.constant 58 : i32
        %get3A_1188 = arith.index_cast %get3A_1187 : i32 to index
        %get3A_1189 = arith.constant 0 : index
        %get3A_1190 = tpu.vector_load %arg12[%get3A_1188, %get3A_1189] {strides = array<i32>} : memref<64x16xf32, #tpu.memory_space<vmem>>, vector<16xf32>,
        %mul3A_1191 = arith.mulf %gather3A_1186, %get3A_1190 : vector<16xf32>
        %add3A_1192 = arith.addf %add3A_1175, %mul3A_1191 : vector<16xf32>
        %add3A_1193 = arith.constant 59 : i32
        %add3A_1194 = vector.broadcast %add3A_1193 : i32 to vector<16xi32>
        %add3A_1195 = arith.addi %mul3A_9, %add3A_1194 : vector<16xi32>
        %and3A_1196 = arith.constant 63 : i32
        %and3A_1197 = vector.broadcast %and3A_1196 : i32 to vector<16xi32>
        %and3A_1198 = arith.andi %add3A_1195, %and3A_1197 : vector<16xi32>
        %add3A_1199 = arith.addi %add3A_184, %and3A_1198 : vector<16xi32>
        %gather3A_1200 = arith.constant 0 : i32
        %gather3A_1201 = tpu.memref_slice %arg10[%scan3A_160, %gather3A_1200] : memref<2x32768xf32, #tpu.memory_space<vmem>> -> memref<1x32768xf32, #tpu.memory_space<vmem>>
        %gather3A_1202 = tpu.memref_squeeze %gather3A_1201 : memref<1x32768xf32, #tpu.memory_space<vmem>> -> memref<32768xf32, #tpu.memory_space<vmem>>
        %gather3A_1203 = tpu.vector_load_idx %gather3A_1202[%add3A_1199] : memref<32768xf32, #tpu.memory_space<vmem>>[vector<16xi32>], vector<16xf32>,
        %get3A_1204 = arith.constant 59 : i32
        %get3A_1205 = arith.index_cast %get3A_1204 : i32 to index
        %get3A_1206 = arith.constant 0 : index
        %get3A_1207 = tpu.vector_load %arg12[%get3A_1205, %get3A_1206] {strides = array<i32>} : memref<64x16xf32, #tpu.memory_space<vmem>>, vector<16xf32>,
        %mul3A_1208 = arith.mulf %gather3A_1203, %get3A_1207 : vector<16xf32>
        %add3A_1209 = arith.addf %add3A_1192, %mul3A_1208 : vector<16xf32>
        %add3A_1210 = arith.constant 60 : i32
        %add3A_1211 = vector.broadcast %add3A_1210 : i32 to vector<16xi32>
        %add3A_1212 = arith.addi %mul3A_9, %add3A_1211 : vector<16xi32>
        %and3A_1213 = arith.constant 63 : i32
        %and3A_1214 = vector.broadcast %and3A_1213 : i32 to vector<16xi32>
        %and3A_1215 = arith.andi %add3A_1212, %and3A_1214 : vector<16xi32>
        %add3A_1216 = arith.addi %add3A_184, %and3A_1215 : vector<16xi32>
        %gather3A_1217 = arith.constant 0 : i32
        %gather3A_1218 = tpu.memref_slice %arg10[%scan3A_160, %gather3A_1217] : memref<2x32768xf32, #tpu.memory_space<vmem>> -> memref<1x32768xf32, #tpu.memory_space<vmem>>
        %gather3A_1219 = tpu.memref_squeeze %gather3A_1218 : memref<1x32768xf32, #tpu.memory_space<vmem>> -> memref<32768xf32, #tpu.memory_space<vmem>>
        %gather3A_1220 = tpu.vector_load_idx %gather3A_1219[%add3A_1216] : memref<32768xf32, #tpu.memory_space<vmem>>[vector<16xi32>], vector<16xf32>,
        %get3A_1221 = arith.constant 60 : i32
        %get3A_1222 = arith.index_cast %get3A_1221 : i32 to index
        %get3A_1223 = arith.constant 0 : index
        %get3A_1224 = tpu.vector_load %arg12[%get3A_1222, %get3A_1223] {strides = array<i32>} : memref<64x16xf32, #tpu.memory_space<vmem>>, vector<16xf32>,
        %mul3A_1225 = arith.mulf %gather3A_1220, %get3A_1224 : vector<16xf32>
        %add3A_1226 = arith.addf %add3A_1209, %mul3A_1225 : vector<16xf32>
        %add3A_1227 = arith.constant 61 : i32
        %add3A_1228 = vector.broadcast %add3A_1227 : i32 to vector<16xi32>
        %add3A_1229 = arith.addi %mul3A_9, %add3A_1228 : vector<16xi32>
        %and3A_1230 = arith.constant 63 : i32
        %and3A_1231 = vector.broadcast %and3A_1230 : i32 to vector<16xi32>
        %and3A_1232 = arith.andi %add3A_1229, %and3A_1231 : vector<16xi32>
        %add3A_1233 = arith.addi %add3A_184, %and3A_1232 : vector<16xi32>
        %gather3A_1234 = arith.constant 0 : i32
        %gather3A_1235 = tpu.memref_slice %arg10[%scan3A_160, %gather3A_1234] : memref<2x32768xf32, #tpu.memory_space<vmem>> -> memref<1x32768xf32, #tpu.memory_space<vmem>>
        %gather3A_1236 = tpu.memref_squeeze %gather3A_1235 : memref<1x32768xf32, #tpu.memory_space<vmem>> -> memref<32768xf32, #tpu.memory_space<vmem>>
        %gather3A_1237 = tpu.vector_load_idx %gather3A_1236[%add3A_1233] : memref<32768xf32, #tpu.memory_space<vmem>>[vector<16xi32>], vector<16xf32>,
        %get3A_1238 = arith.constant 61 : i32
        %get3A_1239 = arith.index_cast %get3A_1238 : i32 to index
        %get3A_1240 = arith.constant 0 : index
        %get3A_1241 = tpu.vector_load %arg12[%get3A_1239, %get3A_1240] {strides = array<i32>} : memref<64x16xf32, #tpu.memory_space<vmem>>, vector<16xf32>,
        %mul3A_1242 = arith.mulf %gather3A_1237, %get3A_1241 : vector<16xf32>
        %add3A_1243 = arith.addf %add3A_1226, %mul3A_1242 : vector<16xf32>
        %add3A_1244 = arith.constant 62 : i32
        %add3A_1245 = vector.broadcast %add3A_1244 : i32 to vector<16xi32>
        %add3A_1246 = arith.addi %mul3A_9, %add3A_1245 : vector<16xi32>
        %and3A_1247 = arith.constant 63 : i32
        %and3A_1248 = vector.broadcast %and3A_1247 : i32 to vector<16xi32>
        %and3A_1249 = arith.andi %add3A_1246, %and3A_1248 : vector<16xi32>
        %add3A_1250 = arith.addi %add3A_184, %and3A_1249 : vector<16xi32>
        %gather3A_1251 = arith.constant 0 : i32
        %gather3A_1252 = tpu.memref_slice %arg10[%scan3A_160, %gather3A_1251] : memref<2x32768xf32, #tpu.memory_space<vmem>> -> memref<1x32768xf32, #tpu.memory_space<vmem>>
        %gather3A_1253 = tpu.memref_squeeze %gather3A_1252 : memref<1x32768xf32, #tpu.memory_space<vmem>> -> memref<32768xf32, #tpu.memory_space<vmem>>
        %gather3A_1254 = tpu.vector_load_idx %gather3A_1253[%add3A_1250] : memref<32768xf32, #tpu.memory_space<vmem>>[vector<16xi32>], vector<16xf32>,
        %get3A_1255 = arith.constant 62 : i32
        %get3A_1256 = arith.index_cast %get3A_1255 : i32 to index
        %get3A_1257 = arith.constant 0 : index
        %get3A_1258 = tpu.vector_load %arg12[%get3A_1256, %get3A_1257] {strides = array<i32>} : memref<64x16xf32, #tpu.memory_space<vmem>>, vector<16xf32>,
        %mul3A_1259 = arith.mulf %gather3A_1254, %get3A_1258 : vector<16xf32>
        %add3A_1260 = arith.addf %add3A_1243, %mul3A_1259 : vector<16xf32>
        %add3A_1261 = arith.constant 63 : i32
        %add3A_1262 = vector.broadcast %add3A_1261 : i32 to vector<16xi32>
        %add3A_1263 = arith.addi %mul3A_9, %add3A_1262 : vector<16xi32>
        %and3A_1264 = arith.constant 63 : i32
        %and3A_1265 = vector.broadcast %and3A_1264 : i32 to vector<16xi32>
        %and3A_1266 = arith.andi %add3A_1263, %and3A_1265 : vector<16xi32>
        %add3A_1267 = arith.addi %add3A_184, %and3A_1266 : vector<16xi32>
        %gather3A_1268 = arith.constant 0 : i32
        %gather3A_1269 = tpu.memref_slice %arg10[%scan3A_160, %gather3A_1268] : memref<2x32768xf32, #tpu.memory_space<vmem>> -> memref<1x32768xf32, #tpu.memory_space<vmem>>
        %gather3A_1270 = tpu.memref_squeeze %gather3A_1269 : memref<1x32768xf32, #tpu.memory_space<vmem>> -> memref<32768xf32, #tpu.memory_space<vmem>>
        %gather3A_1271 = tpu.vector_load_idx %gather3A_1270[%add3A_1267] : memref<32768xf32, #tpu.memory_space<vmem>>[vector<16xi32>], vector<16xf32>,
        %get3A_1272 = arith.constant 63 : i32
        %get3A_1273 = arith.index_cast %get3A_1272 : i32 to index
        %get3A_1274 = arith.constant 0 : index
        %get3A_1275 = tpu.vector_load %arg12[%get3A_1273, %get3A_1274] {strides = array<i32>} : memref<64x16xf32, #tpu.memory_space<vmem>>, vector<16xf32>,
        %mul3A_1276 = arith.mulf %gather3A_1271, %get3A_1275 : vector<16xf32>
        %add3A_1277 = arith.addf %add3A_1260, %mul3A_1276 : vector<16xf32>
        %add3A_1278 = arith.constant 0 : i32
        %add3A_1279 = vector.broadcast %add3A_1278 : i32 to vector<16xi32>
        %add3A_1280 = arith.addi %mul3A_9, %add3A_1279 : vector<16xi32>
        %and3A_1281 = arith.constant 15 : i32
        %and3A_1282 = vector.broadcast %and3A_1281 : i32 to vector<16xi32>
        %and3A_1283 = arith.andi %add3A_1280, %and3A_1282 : vector<16xi32>
        %add3A_1284 = arith.addi %add3A_184, %and3A_1283 : vector<16xi32>
        %gather3A_1285 = arith.constant 0 : i32
        %gather3A_1286 = tpu.memref_slice %arg10[%scan3A_160, %gather3A_1285] : memref<2x32768xf32, #tpu.memory_space<vmem>> -> memref<1x32768xf32, #tpu.memory_space<vmem>>
        %gather3A_1287 = tpu.memref_squeeze %gather3A_1286 : memref<1x32768xf32, #tpu.memory_space<vmem>> -> memref<32768xf32, #tpu.memory_space<vmem>>
        %gather3A_1288 = tpu.vector_load_idx %gather3A_1287[%add3A_1284] : memref<32768xf32, #tpu.memory_space<vmem>>[vector<16xi32>], vector<16xf32>,
        %gather3A_1289 = arith.constant 0 : i32
        %gather3A_1290 = arith.constant 0 : i32
        %gather3A_1291 = tpu.memref_slice %arg9[%scan3A_159, %gather3A_1289, %gather3A_1290] : memref<2x512x24xf32, #tpu.memory_space<vmem>> -> memref<1x512x24xf32, #tpu.memory_space<vmem>>
        %gather3A_1292 = tpu.memref_squeeze %gather3A_1291 : memref<1x512x24xf32, #tpu.memory_space<vmem>> -> memref<512x24xf32, #tpu.memory_space<vmem>>
        %gather3A_1293 = tpu.vector_load_idx %gather3A_1292[%add3A_180, %and3A_1283] : memref<512x24xf32, #tpu.memory_space<vmem>>[vector<16xi32>, vector<16xi32>], vector<16xf32>,
        %mul3A_1294 = arith.mulf %gather3A_1288, %gather3A_1293 : vector<16xf32>
        %add3A_1295 = arith.addf %gather3A_188, %mul3A_1294 : vector<16xf32>
        %add3A_1296 = arith.constant 1 : i32
        %add3A_1297 = vector.broadcast %add3A_1296 : i32 to vector<16xi32>
        %add3A_1298 = arith.addi %mul3A_9, %add3A_1297 : vector<16xi32>
        %and3A_1299 = arith.constant 15 : i32
        %and3A_1300 = vector.broadcast %and3A_1299 : i32 to vector<16xi32>
        %and3A_1301 = arith.andi %add3A_1298, %and3A_1300 : vector<16xi32>
        %add3A_1302 = arith.addi %add3A_184, %and3A_1301 : vector<16xi32>
        %gather3A_1303 = arith.constant 0 : i32
        %gather3A_1304 = tpu.memref_slice %arg10[%scan3A_160, %gather3A_1303] : memref<2x32768xf32, #tpu.memory_space<vmem>> -> memref<1x32768xf32, #tpu.memory_space<vmem>>
        %gather3A_1305 = tpu.memref_squeeze %gather3A_1304 : memref<1x32768xf32, #tpu.memory_space<vmem>> -> memref<32768xf32, #tpu.memory_space<vmem>>
        %gather3A_1306 = tpu.vector_load_idx %gather3A_1305[%add3A_1302] : memref<32768xf32, #tpu.memory_space<vmem>>[vector<16xi32>], vector<16xf32>,
        %gather3A_1307 = arith.constant 0 : i32
        %gather3A_1308 = arith.constant 0 : i32
        %gather3A_1309 = tpu.memref_slice %arg9[%scan3A_159, %gather3A_1307, %gather3A_1308] : memref<2x512x24xf32, #tpu.memory_space<vmem>> -> memref<1x512x24xf32, #tpu.memory_space<vmem>>
        %gather3A_1310 = tpu.memref_squeeze %gather3A_1309 : memref<1x512x24xf32, #tpu.memory_space<vmem>> -> memref<512x24xf32, #tpu.memory_space<vmem>>
        %gather3A_1311 = tpu.vector_load_idx %gather3A_1310[%add3A_180, %and3A_1301] : memref<512x24xf32, #tpu.memory_space<vmem>>[vector<16xi32>, vector<16xi32>], vector<16xf32>,
        %mul3A_1312 = arith.mulf %gather3A_1306, %gather3A_1311 : vector<16xf32>
        %add3A_1313 = arith.addf %add3A_1295, %mul3A_1312 : vector<16xf32>
        %add3A_1314 = arith.constant 2 : i32
        %add3A_1315 = vector.broadcast %add3A_1314 : i32 to vector<16xi32>
        %add3A_1316 = arith.addi %mul3A_9, %add3A_1315 : vector<16xi32>
        %and3A_1317 = arith.constant 15 : i32
        %and3A_1318 = vector.broadcast %and3A_1317 : i32 to vector<16xi32>
        %and3A_1319 = arith.andi %add3A_1316, %and3A_1318 : vector<16xi32>
        %add3A_1320 = arith.addi %add3A_184, %and3A_1319 : vector<16xi32>
        %gather3A_1321 = arith.constant 0 : i32
        %gather3A_1322 = tpu.memref_slice %arg10[%scan3A_160, %gather3A_1321] : memref<2x32768xf32, #tpu.memory_space<vmem>> -> memref<1x32768xf32, #tpu.memory_space<vmem>>
        %gather3A_1323 = tpu.memref_squeeze %gather3A_1322 : memref<1x32768xf32, #tpu.memory_space<vmem>> -> memref<32768xf32, #tpu.memory_space<vmem>>
        %gather3A_1324 = tpu.vector_load_idx %gather3A_1323[%add3A_1320] : memref<32768xf32, #tpu.memory_space<vmem>>[vector<16xi32>], vector<16xf32>,
        %gather3A_1325 = arith.constant 0 : i32
        %gather3A_1326 = arith.constant 0 : i32
        %gather3A_1327 = tpu.memref_slice %arg9[%scan3A_159, %gather3A_1325, %gather3A_1326] : memref<2x512x24xf32, #tpu.memory_space<vmem>> -> memref<1x512x24xf32, #tpu.memory_space<vmem>>
        %gather3A_1328 = tpu.memref_squeeze %gather3A_1327 : memref<1x512x24xf32, #tpu.memory_space<vmem>> -> memref<512x24xf32, #tpu.memory_space<vmem>>
        %gather3A_1329 = tpu.vector_load_idx %gather3A_1328[%add3A_180, %and3A_1319] : memref<512x24xf32, #tpu.memory_space<vmem>>[vector<16xi32>, vector<16xi32>], vector<16xf32>,
        %mul3A_1330 = arith.mulf %gather3A_1324, %gather3A_1329 : vector<16xf32>
        %add3A_1331 = arith.addf %add3A_1313, %mul3A_1330 : vector<16xf32>
        %add3A_1332 = arith.constant 3 : i32
        %add3A_1333 = vector.broadcast %add3A_1332 : i32 to vector<16xi32>
        %add3A_1334 = arith.addi %mul3A_9, %add3A_1333 : vector<16xi32>
        %and3A_1335 = arith.constant 15 : i32
        %and3A_1336 = vector.broadcast %and3A_1335 : i32 to vector<16xi32>
        %and3A_1337 = arith.andi %add3A_1334, %and3A_1336 : vector<16xi32>
        %add3A_1338 = arith.addi %add3A_184, %and3A_1337 : vector<16xi32>
        %gather3A_1339 = arith.constant 0 : i32
        %gather3A_1340 = tpu.memref_slice %arg10[%scan3A_160, %gather3A_1339] : memref<2x32768xf32, #tpu.memory_space<vmem>> -> memref<1x32768xf32, #tpu.memory_space<vmem>>
        %gather3A_1341 = tpu.memref_squeeze %gather3A_1340 : memref<1x32768xf32, #tpu.memory_space<vmem>> -> memref<32768xf32, #tpu.memory_space<vmem>>
        %gather3A_1342 = tpu.vector_load_idx %gather3A_1341[%add3A_1338] : memref<32768xf32, #tpu.memory_space<vmem>>[vector<16xi32>], vector<16xf32>,
        %gather3A_1343 = arith.constant 0 : i32
        %gather3A_1344 = arith.constant 0 : i32
        %gather3A_1345 = tpu.memref_slice %arg9[%scan3A_159, %gather3A_1343, %gather3A_1344] : memref<2x512x24xf32, #tpu.memory_space<vmem>> -> memref<1x512x24xf32, #tpu.memory_space<vmem>>
        %gather3A_1346 = tpu.memref_squeeze %gather3A_1345 : memref<1x512x24xf32, #tpu.memory_space<vmem>> -> memref<512x24xf32, #tpu.memory_space<vmem>>
        %gather3A_1347 = tpu.vector_load_idx %gather3A_1346[%add3A_180, %and3A_1337] : memref<512x24xf32, #tpu.memory_space<vmem>>[vector<16xi32>, vector<16xi32>], vector<16xf32>,
        %mul3A_1348 = arith.mulf %gather3A_1342, %gather3A_1347 : vector<16xf32>
        %add3A_1349 = arith.addf %add3A_1331, %mul3A_1348 : vector<16xf32>
        %add3A_1350 = arith.constant 4 : i32
        %add3A_1351 = vector.broadcast %add3A_1350 : i32 to vector<16xi32>
        %add3A_1352 = arith.addi %mul3A_9, %add3A_1351 : vector<16xi32>
        %and3A_1353 = arith.constant 15 : i32
        %and3A_1354 = vector.broadcast %and3A_1353 : i32 to vector<16xi32>
        %and3A_1355 = arith.andi %add3A_1352, %and3A_1354 : vector<16xi32>
        %add3A_1356 = arith.addi %add3A_184, %and3A_1355 : vector<16xi32>
        %gather3A_1357 = arith.constant 0 : i32
        %gather3A_1358 = tpu.memref_slice %arg10[%scan3A_160, %gather3A_1357] : memref<2x32768xf32, #tpu.memory_space<vmem>> -> memref<1x32768xf32, #tpu.memory_space<vmem>>
        %gather3A_1359 = tpu.memref_squeeze %gather3A_1358 : memref<1x32768xf32, #tpu.memory_space<vmem>> -> memref<32768xf32, #tpu.memory_space<vmem>>
        %gather3A_1360 = tpu.vector_load_idx %gather3A_1359[%add3A_1356] : memref<32768xf32, #tpu.memory_space<vmem>>[vector<16xi32>], vector<16xf32>,
        %gather3A_1361 = arith.constant 0 : i32
        %gather3A_1362 = arith.constant 0 : i32
        %gather3A_1363 = tpu.memref_slice %arg9[%scan3A_159, %gather3A_1361, %gather3A_1362] : memref<2x512x24xf32, #tpu.memory_space<vmem>> -> memref<1x512x24xf32, #tpu.memory_space<vmem>>
        %gather3A_1364 = tpu.memref_squeeze %gather3A_1363 : memref<1x512x24xf32, #tpu.memory_space<vmem>> -> memref<512x24xf32, #tpu.memory_space<vmem>>
        %gather3A_1365 = tpu.vector_load_idx %gather3A_1364[%add3A_180, %and3A_1355] : memref<512x24xf32, #tpu.memory_space<vmem>>[vector<16xi32>, vector<16xi32>], vector<16xf32>,
        %mul3A_1366 = arith.mulf %gather3A_1360, %gather3A_1365 : vector<16xf32>
        %add3A_1367 = arith.addf %add3A_1349, %mul3A_1366 : vector<16xf32>
        %add3A_1368 = arith.constant 5 : i32
        %add3A_1369 = vector.broadcast %add3A_1368 : i32 to vector<16xi32>
        %add3A_1370 = arith.addi %mul3A_9, %add3A_1369 : vector<16xi32>
        %and3A_1371 = arith.constant 15 : i32
        %and3A_1372 = vector.broadcast %and3A_1371 : i32 to vector<16xi32>
        %and3A_1373 = arith.andi %add3A_1370, %and3A_1372 : vector<16xi32>
        %add3A_1374 = arith.addi %add3A_184, %and3A_1373 : vector<16xi32>
        %gather3A_1375 = arith.constant 0 : i32
        %gather3A_1376 = tpu.memref_slice %arg10[%scan3A_160, %gather3A_1375] : memref<2x32768xf32, #tpu.memory_space<vmem>> -> memref<1x32768xf32, #tpu.memory_space<vmem>>
        %gather3A_1377 = tpu.memref_squeeze %gather3A_1376 : memref<1x32768xf32, #tpu.memory_space<vmem>> -> memref<32768xf32, #tpu.memory_space<vmem>>
        %gather3A_1378 = tpu.vector_load_idx %gather3A_1377[%add3A_1374] : memref<32768xf32, #tpu.memory_space<vmem>>[vector<16xi32>], vector<16xf32>,
        %gather3A_1379 = arith.constant 0 : i32
        %gather3A_1380 = arith.constant 0 : i32
        %gather3A_1381 = tpu.memref_slice %arg9[%scan3A_159, %gather3A_1379, %gather3A_1380] : memref<2x512x24xf32, #tpu.memory_space<vmem>> -> memref<1x512x24xf32, #tpu.memory_space<vmem>>
        %gather3A_1382 = tpu.memref_squeeze %gather3A_1381 : memref<1x512x24xf32, #tpu.memory_space<vmem>> -> memref<512x24xf32, #tpu.memory_space<vmem>>
        %gather3A_1383 = tpu.vector_load_idx %gather3A_1382[%add3A_180, %and3A_1373] : memref<512x24xf32, #tpu.memory_space<vmem>>[vector<16xi32>, vector<16xi32>], vector<16xf32>,
        %mul3A_1384 = arith.mulf %gather3A_1378, %gather3A_1383 : vector<16xf32>
        %add3A_1385 = arith.addf %add3A_1367, %mul3A_1384 : vector<16xf32>
        %add3A_1386 = arith.constant 6 : i32
        %add3A_1387 = vector.broadcast %add3A_1386 : i32 to vector<16xi32>
        %add3A_1388 = arith.addi %mul3A_9, %add3A_1387 : vector<16xi32>
        %and3A_1389 = arith.constant 15 : i32
        %and3A_1390 = vector.broadcast %and3A_1389 : i32 to vector<16xi32>
        %and3A_1391 = arith.andi %add3A_1388, %and3A_1390 : vector<16xi32>
        %add3A_1392 = arith.addi %add3A_184, %and3A_1391 : vector<16xi32>
        %gather3A_1393 = arith.constant 0 : i32
        %gather3A_1394 = tpu.memref_slice %arg10[%scan3A_160, %gather3A_1393] : memref<2x32768xf32, #tpu.memory_space<vmem>> -> memref<1x32768xf32, #tpu.memory_space<vmem>>
        %gather3A_1395 = tpu.memref_squeeze %gather3A_1394 : memref<1x32768xf32, #tpu.memory_space<vmem>> -> memref<32768xf32, #tpu.memory_space<vmem>>
        %gather3A_1396 = tpu.vector_load_idx %gather3A_1395[%add3A_1392] : memref<32768xf32, #tpu.memory_space<vmem>>[vector<16xi32>], vector<16xf32>,
        %gather3A_1397 = arith.constant 0 : i32
        %gather3A_1398 = arith.constant 0 : i32
        %gather3A_1399 = tpu.memref_slice %arg9[%scan3A_159, %gather3A_1397, %gather3A_1398] : memref<2x512x24xf32, #tpu.memory_space<vmem>> -> memref<1x512x24xf32, #tpu.memory_space<vmem>>
        %gather3A_1400 = tpu.memref_squeeze %gather3A_1399 : memref<1x512x24xf32, #tpu.memory_space<vmem>> -> memref<512x24xf32, #tpu.memory_space<vmem>>
        %gather3A_1401 = tpu.vector_load_idx %gather3A_1400[%add3A_180, %and3A_1391] : memref<512x24xf32, #tpu.memory_space<vmem>>[vector<16xi32>, vector<16xi32>], vector<16xf32>,
        %mul3A_1402 = arith.mulf %gather3A_1396, %gather3A_1401 : vector<16xf32>
        %add3A_1403 = arith.addf %add3A_1385, %mul3A_1402 : vector<16xf32>
        %add3A_1404 = arith.constant 7 : i32
        %add3A_1405 = vector.broadcast %add3A_1404 : i32 to vector<16xi32>
        %add3A_1406 = arith.addi %mul3A_9, %add3A_1405 : vector<16xi32>
        %and3A_1407 = arith.constant 15 : i32
        %and3A_1408 = vector.broadcast %and3A_1407 : i32 to vector<16xi32>
        %and3A_1409 = arith.andi %add3A_1406, %and3A_1408 : vector<16xi32>
        %add3A_1410 = arith.addi %add3A_184, %and3A_1409 : vector<16xi32>
        %gather3A_1411 = arith.constant 0 : i32
        %gather3A_1412 = tpu.memref_slice %arg10[%scan3A_160, %gather3A_1411] : memref<2x32768xf32, #tpu.memory_space<vmem>> -> memref<1x32768xf32, #tpu.memory_space<vmem>>
        %gather3A_1413 = tpu.memref_squeeze %gather3A_1412 : memref<1x32768xf32, #tpu.memory_space<vmem>> -> memref<32768xf32, #tpu.memory_space<vmem>>
        %gather3A_1414 = tpu.vector_load_idx %gather3A_1413[%add3A_1410] : memref<32768xf32, #tpu.memory_space<vmem>>[vector<16xi32>], vector<16xf32>,
        %gather3A_1415 = arith.constant 0 : i32
        %gather3A_1416 = arith.constant 0 : i32
        %gather3A_1417 = tpu.memref_slice %arg9[%scan3A_159, %gather3A_1415, %gather3A_1416] : memref<2x512x24xf32, #tpu.memory_space<vmem>> -> memref<1x512x24xf32, #tpu.memory_space<vmem>>
        %gather3A_1418 = tpu.memref_squeeze %gather3A_1417 : memref<1x512x24xf32, #tpu.memory_space<vmem>> -> memref<512x24xf32, #tpu.memory_space<vmem>>
        %gather3A_1419 = tpu.vector_load_idx %gather3A_1418[%add3A_180, %and3A_1409] : memref<512x24xf32, #tpu.memory_space<vmem>>[vector<16xi32>, vector<16xi32>], vector<16xf32>,
        %mul3A_1420 = arith.mulf %gather3A_1414, %gather3A_1419 : vector<16xf32>
        %add3A_1421 = arith.addf %add3A_1403, %mul3A_1420 : vector<16xf32>
        %add3A_1422 = arith.constant 8 : i32
        %add3A_1423 = vector.broadcast %add3A_1422 : i32 to vector<16xi32>
        %add3A_1424 = arith.addi %mul3A_9, %add3A_1423 : vector<16xi32>
        %and3A_1425 = arith.constant 15 : i32
        %and3A_1426 = vector.broadcast %and3A_1425 : i32 to vector<16xi32>
        %and3A_1427 = arith.andi %add3A_1424, %and3A_1426 : vector<16xi32>
        %add3A_1428 = arith.addi %add3A_184, %and3A_1427 : vector<16xi32>
        %gather3A_1429 = arith.constant 0 : i32
        %gather3A_1430 = tpu.memref_slice %arg10[%scan3A_160, %gather3A_1429] : memref<2x32768xf32, #tpu.memory_space<vmem>> -> memref<1x32768xf32, #tpu.memory_space<vmem>>
        %gather3A_1431 = tpu.memref_squeeze %gather3A_1430 : memref<1x32768xf32, #tpu.memory_space<vmem>> -> memref<32768xf32, #tpu.memory_space<vmem>>
        %gather3A_1432 = tpu.vector_load_idx %gather3A_1431[%add3A_1428] : memref<32768xf32, #tpu.memory_space<vmem>>[vector<16xi32>], vector<16xf32>,
        %gather3A_1433 = arith.constant 0 : i32
        %gather3A_1434 = arith.constant 0 : i32
        %gather3A_1435 = tpu.memref_slice %arg9[%scan3A_159, %gather3A_1433, %gather3A_1434] : memref<2x512x24xf32, #tpu.memory_space<vmem>> -> memref<1x512x24xf32, #tpu.memory_space<vmem>>
        %gather3A_1436 = tpu.memref_squeeze %gather3A_1435 : memref<1x512x24xf32, #tpu.memory_space<vmem>> -> memref<512x24xf32, #tpu.memory_space<vmem>>
        %gather3A_1437 = tpu.vector_load_idx %gather3A_1436[%add3A_180, %and3A_1427] : memref<512x24xf32, #tpu.memory_space<vmem>>[vector<16xi32>, vector<16xi32>], vector<16xf32>,
        %mul3A_1438 = arith.mulf %gather3A_1432, %gather3A_1437 : vector<16xf32>
        %add3A_1439 = arith.addf %add3A_1421, %mul3A_1438 : vector<16xf32>
        %add3A_1440 = arith.constant 9 : i32
        %add3A_1441 = vector.broadcast %add3A_1440 : i32 to vector<16xi32>
        %add3A_1442 = arith.addi %mul3A_9, %add3A_1441 : vector<16xi32>
        %and3A_1443 = arith.constant 15 : i32
        %and3A_1444 = vector.broadcast %and3A_1443 : i32 to vector<16xi32>
        %and3A_1445 = arith.andi %add3A_1442, %and3A_1444 : vector<16xi32>
        %add3A_1446 = arith.addi %add3A_184, %and3A_1445 : vector<16xi32>
        %gather3A_1447 = arith.constant 0 : i32
        %gather3A_1448 = tpu.memref_slice %arg10[%scan3A_160, %gather3A_1447] : memref<2x32768xf32, #tpu.memory_space<vmem>> -> memref<1x32768xf32, #tpu.memory_space<vmem>>
        %gather3A_1449 = tpu.memref_squeeze %gather3A_1448 : memref<1x32768xf32, #tpu.memory_space<vmem>> -> memref<32768xf32, #tpu.memory_space<vmem>>
        %gather3A_1450 = tpu.vector_load_idx %gather3A_1449[%add3A_1446] : memref<32768xf32, #tpu.memory_space<vmem>>[vector<16xi32>], vector<16xf32>,
        %gather3A_1451 = arith.constant 0 : i32
        %gather3A_1452 = arith.constant 0 : i32
        %gather3A_1453 = tpu.memref_slice %arg9[%scan3A_159, %gather3A_1451, %gather3A_1452] : memref<2x512x24xf32, #tpu.memory_space<vmem>> -> memref<1x512x24xf32, #tpu.memory_space<vmem>>
        %gather3A_1454 = tpu.memref_squeeze %gather3A_1453 : memref<1x512x24xf32, #tpu.memory_space<vmem>> -> memref<512x24xf32, #tpu.memory_space<vmem>>
        %gather3A_1455 = tpu.vector_load_idx %gather3A_1454[%add3A_180, %and3A_1445] : memref<512x24xf32, #tpu.memory_space<vmem>>[vector<16xi32>, vector<16xi32>], vector<16xf32>,
        %mul3A_1456 = arith.mulf %gather3A_1450, %gather3A_1455 : vector<16xf32>
        %add3A_1457 = arith.addf %add3A_1439, %mul3A_1456 : vector<16xf32>
        %add3A_1458 = arith.constant 10 : i32
        %add3A_1459 = vector.broadcast %add3A_1458 : i32 to vector<16xi32>
        %add3A_1460 = arith.addi %mul3A_9, %add3A_1459 : vector<16xi32>
        %and3A_1461 = arith.constant 15 : i32
        %and3A_1462 = vector.broadcast %and3A_1461 : i32 to vector<16xi32>
        %and3A_1463 = arith.andi %add3A_1460, %and3A_1462 : vector<16xi32>
        %add3A_1464 = arith.addi %add3A_184, %and3A_1463 : vector<16xi32>
        %gather3A_1465 = arith.constant 0 : i32
        %gather3A_1466 = tpu.memref_slice %arg10[%scan3A_160, %gather3A_1465] : memref<2x32768xf32, #tpu.memory_space<vmem>> -> memref<1x32768xf32, #tpu.memory_space<vmem>>
        %gather3A_1467 = tpu.memref_squeeze %gather3A_1466 : memref<1x32768xf32, #tpu.memory_space<vmem>> -> memref<32768xf32, #tpu.memory_space<vmem>>
        %gather3A_1468 = tpu.vector_load_idx %gather3A_1467[%add3A_1464] : memref<32768xf32, #tpu.memory_space<vmem>>[vector<16xi32>], vector<16xf32>,
        %gather3A_1469 = arith.constant 0 : i32
        %gather3A_1470 = arith.constant 0 : i32
        %gather3A_1471 = tpu.memref_slice %arg9[%scan3A_159, %gather3A_1469, %gather3A_1470] : memref<2x512x24xf32, #tpu.memory_space<vmem>> -> memref<1x512x24xf32, #tpu.memory_space<vmem>>
        %gather3A_1472 = tpu.memref_squeeze %gather3A_1471 : memref<1x512x24xf32, #tpu.memory_space<vmem>> -> memref<512x24xf32, #tpu.memory_space<vmem>>
        %gather3A_1473 = tpu.vector_load_idx %gather3A_1472[%add3A_180, %and3A_1463] : memref<512x24xf32, #tpu.memory_space<vmem>>[vector<16xi32>, vector<16xi32>], vector<16xf32>,
        %mul3A_1474 = arith.mulf %gather3A_1468, %gather3A_1473 : vector<16xf32>
        %add3A_1475 = arith.addf %add3A_1457, %mul3A_1474 : vector<16xf32>
        %add3A_1476 = arith.constant 11 : i32
        %add3A_1477 = vector.broadcast %add3A_1476 : i32 to vector<16xi32>
        %add3A_1478 = arith.addi %mul3A_9, %add3A_1477 : vector<16xi32>
        %and3A_1479 = arith.constant 15 : i32
        %and3A_1480 = vector.broadcast %and3A_1479 : i32 to vector<16xi32>
        %and3A_1481 = arith.andi %add3A_1478, %and3A_1480 : vector<16xi32>
        %add3A_1482 = arith.addi %add3A_184, %and3A_1481 : vector<16xi32>
        %gather3A_1483 = arith.constant 0 : i32
        %gather3A_1484 = tpu.memref_slice %arg10[%scan3A_160, %gather3A_1483] : memref<2x32768xf32, #tpu.memory_space<vmem>> -> memref<1x32768xf32, #tpu.memory_space<vmem>>
        %gather3A_1485 = tpu.memref_squeeze %gather3A_1484 : memref<1x32768xf32, #tpu.memory_space<vmem>> -> memref<32768xf32, #tpu.memory_space<vmem>>
        %gather3A_1486 = tpu.vector_load_idx %gather3A_1485[%add3A_1482] : memref<32768xf32, #tpu.memory_space<vmem>>[vector<16xi32>], vector<16xf32>,
        %gather3A_1487 = arith.constant 0 : i32
        %gather3A_1488 = arith.constant 0 : i32
        %gather3A_1489 = tpu.memref_slice %arg9[%scan3A_159, %gather3A_1487, %gather3A_1488] : memref<2x512x24xf32, #tpu.memory_space<vmem>> -> memref<1x512x24xf32, #tpu.memory_space<vmem>>
        %gather3A_1490 = tpu.memref_squeeze %gather3A_1489 : memref<1x512x24xf32, #tpu.memory_space<vmem>> -> memref<512x24xf32, #tpu.memory_space<vmem>>
        %gather3A_1491 = tpu.vector_load_idx %gather3A_1490[%add3A_180, %and3A_1481] : memref<512x24xf32, #tpu.memory_space<vmem>>[vector<16xi32>, vector<16xi32>], vector<16xf32>,
        %mul3A_1492 = arith.mulf %gather3A_1486, %gather3A_1491 : vector<16xf32>
        %add3A_1493 = arith.addf %add3A_1475, %mul3A_1492 : vector<16xf32>
        %add3A_1494 = arith.constant 12 : i32
        %add3A_1495 = vector.broadcast %add3A_1494 : i32 to vector<16xi32>
        %add3A_1496 = arith.addi %mul3A_9, %add3A_1495 : vector<16xi32>
        %and3A_1497 = arith.constant 15 : i32
        %and3A_1498 = vector.broadcast %and3A_1497 : i32 to vector<16xi32>
        %and3A_1499 = arith.andi %add3A_1496, %and3A_1498 : vector<16xi32>
        %add3A_1500 = arith.addi %add3A_184, %and3A_1499 : vector<16xi32>
        %gather3A_1501 = arith.constant 0 : i32
        %gather3A_1502 = tpu.memref_slice %arg10[%scan3A_160, %gather3A_1501] : memref<2x32768xf32, #tpu.memory_space<vmem>> -> memref<1x32768xf32, #tpu.memory_space<vmem>>
        %gather3A_1503 = tpu.memref_squeeze %gather3A_1502 : memref<1x32768xf32, #tpu.memory_space<vmem>> -> memref<32768xf32, #tpu.memory_space<vmem>>
        %gather3A_1504 = tpu.vector_load_idx %gather3A_1503[%add3A_1500] : memref<32768xf32, #tpu.memory_space<vmem>>[vector<16xi32>], vector<16xf32>,
        %gather3A_1505 = arith.constant 0 : i32
        %gather3A_1506 = arith.constant 0 : i32
        %gather3A_1507 = tpu.memref_slice %arg9[%scan3A_159, %gather3A_1505, %gather3A_1506] : memref<2x512x24xf32, #tpu.memory_space<vmem>> -> memref<1x512x24xf32, #tpu.memory_space<vmem>>
        %gather3A_1508 = tpu.memref_squeeze %gather3A_1507 : memref<1x512x24xf32, #tpu.memory_space<vmem>> -> memref<512x24xf32, #tpu.memory_space<vmem>>
        %gather3A_1509 = tpu.vector_load_idx %gather3A_1508[%add3A_180, %and3A_1499] : memref<512x24xf32, #tpu.memory_space<vmem>>[vector<16xi32>, vector<16xi32>], vector<16xf32>,
        %mul3A_1510 = arith.mulf %gather3A_1504, %gather3A_1509 : vector<16xf32>
        %add3A_1511 = arith.addf %add3A_1493, %mul3A_1510 : vector<16xf32>
        %add3A_1512 = arith.constant 13 : i32
        %add3A_1513 = vector.broadcast %add3A_1512 : i32 to vector<16xi32>
        %add3A_1514 = arith.addi %mul3A_9, %add3A_1513 : vector<16xi32>
        %and3A_1515 = arith.constant 15 : i32
        %and3A_1516 = vector.broadcast %and3A_1515 : i32 to vector<16xi32>
        %and3A_1517 = arith.andi %add3A_1514, %and3A_1516 : vector<16xi32>
        %add3A_1518 = arith.addi %add3A_184, %and3A_1517 : vector<16xi32>
        %gather3A_1519 = arith.constant 0 : i32
        %gather3A_1520 = tpu.memref_slice %arg10[%scan3A_160, %gather3A_1519] : memref<2x32768xf32, #tpu.memory_space<vmem>> -> memref<1x32768xf32, #tpu.memory_space<vmem>>
        %gather3A_1521 = tpu.memref_squeeze %gather3A_1520 : memref<1x32768xf32, #tpu.memory_space<vmem>> -> memref<32768xf32, #tpu.memory_space<vmem>>
        %gather3A_1522 = tpu.vector_load_idx %gather3A_1521[%add3A_1518] : memref<32768xf32, #tpu.memory_space<vmem>>[vector<16xi32>], vector<16xf32>,
        %gather3A_1523 = arith.constant 0 : i32
        %gather3A_1524 = arith.constant 0 : i32
        %gather3A_1525 = tpu.memref_slice %arg9[%scan3A_159, %gather3A_1523, %gather3A_1524] : memref<2x512x24xf32, #tpu.memory_space<vmem>> -> memref<1x512x24xf32, #tpu.memory_space<vmem>>
        %gather3A_1526 = tpu.memref_squeeze %gather3A_1525 : memref<1x512x24xf32, #tpu.memory_space<vmem>> -> memref<512x24xf32, #tpu.memory_space<vmem>>
        %gather3A_1527 = tpu.vector_load_idx %gather3A_1526[%add3A_180, %and3A_1517] : memref<512x24xf32, #tpu.memory_space<vmem>>[vector<16xi32>, vector<16xi32>], vector<16xf32>,
        %mul3A_1528 = arith.mulf %gather3A_1522, %gather3A_1527 : vector<16xf32>
        %add3A_1529 = arith.addf %add3A_1511, %mul3A_1528 : vector<16xf32>
        %add3A_1530 = arith.constant 14 : i32
        %add3A_1531 = vector.broadcast %add3A_1530 : i32 to vector<16xi32>
        %add3A_1532 = arith.addi %mul3A_9, %add3A_1531 : vector<16xi32>
        %and3A_1533 = arith.constant 15 : i32
        %and3A_1534 = vector.broadcast %and3A_1533 : i32 to vector<16xi32>
        %and3A_1535 = arith.andi %add3A_1532, %and3A_1534 : vector<16xi32>
        %add3A_1536 = arith.addi %add3A_184, %and3A_1535 : vector<16xi32>
        %gather3A_1537 = arith.constant 0 : i32
        %gather3A_1538 = tpu.memref_slice %arg10[%scan3A_160, %gather3A_1537] : memref<2x32768xf32, #tpu.memory_space<vmem>> -> memref<1x32768xf32, #tpu.memory_space<vmem>>
        %gather3A_1539 = tpu.memref_squeeze %gather3A_1538 : memref<1x32768xf32, #tpu.memory_space<vmem>> -> memref<32768xf32, #tpu.memory_space<vmem>>
        %gather3A_1540 = tpu.vector_load_idx %gather3A_1539[%add3A_1536] : memref<32768xf32, #tpu.memory_space<vmem>>[vector<16xi32>], vector<16xf32>,
        %gather3A_1541 = arith.constant 0 : i32
        %gather3A_1542 = arith.constant 0 : i32
        %gather3A_1543 = tpu.memref_slice %arg9[%scan3A_159, %gather3A_1541, %gather3A_1542] : memref<2x512x24xf32, #tpu.memory_space<vmem>> -> memref<1x512x24xf32, #tpu.memory_space<vmem>>
        %gather3A_1544 = tpu.memref_squeeze %gather3A_1543 : memref<1x512x24xf32, #tpu.memory_space<vmem>> -> memref<512x24xf32, #tpu.memory_space<vmem>>
        %gather3A_1545 = tpu.vector_load_idx %gather3A_1544[%add3A_180, %and3A_1535] : memref<512x24xf32, #tpu.memory_space<vmem>>[vector<16xi32>, vector<16xi32>], vector<16xf32>,
        %mul3A_1546 = arith.mulf %gather3A_1540, %gather3A_1545 : vector<16xf32>
        %add3A_1547 = arith.addf %add3A_1529, %mul3A_1546 : vector<16xf32>
        %add3A_1548 = arith.constant 15 : i32
        %add3A_1549 = vector.broadcast %add3A_1548 : i32 to vector<16xi32>
        %add3A_1550 = arith.addi %mul3A_9, %add3A_1549 : vector<16xi32>
        %and3A_1551 = arith.constant 15 : i32
        %and3A_1552 = vector.broadcast %and3A_1551 : i32 to vector<16xi32>
        %and3A_1553 = arith.andi %add3A_1550, %and3A_1552 : vector<16xi32>
        %add3A_1554 = arith.addi %add3A_184, %and3A_1553 : vector<16xi32>
        %gather3A_1555 = arith.constant 0 : i32
        %gather3A_1556 = tpu.memref_slice %arg10[%scan3A_160, %gather3A_1555] : memref<2x32768xf32, #tpu.memory_space<vmem>> -> memref<1x32768xf32, #tpu.memory_space<vmem>>
        %gather3A_1557 = tpu.memref_squeeze %gather3A_1556 : memref<1x32768xf32, #tpu.memory_space<vmem>> -> memref<32768xf32, #tpu.memory_space<vmem>>
        %gather3A_1558 = tpu.vector_load_idx %gather3A_1557[%add3A_1554] : memref<32768xf32, #tpu.memory_space<vmem>>[vector<16xi32>], vector<16xf32>,
        %gather3A_1559 = arith.constant 0 : i32
        %gather3A_1560 = arith.constant 0 : i32
        %gather3A_1561 = tpu.memref_slice %arg9[%scan3A_159, %gather3A_1559, %gather3A_1560] : memref<2x512x24xf32, #tpu.memory_space<vmem>> -> memref<1x512x24xf32, #tpu.memory_space<vmem>>
        %gather3A_1562 = tpu.memref_squeeze %gather3A_1561 : memref<1x512x24xf32, #tpu.memory_space<vmem>> -> memref<512x24xf32, #tpu.memory_space<vmem>>
        %gather3A_1563 = tpu.vector_load_idx %gather3A_1562[%add3A_180, %and3A_1553] : memref<512x24xf32, #tpu.memory_space<vmem>>[vector<16xi32>, vector<16xi32>], vector<16xf32>,
        %mul3A_1564 = arith.mulf %gather3A_1558, %gather3A_1563 : vector<16xf32>
        %add3A_1565 = arith.addf %add3A_1547, %mul3A_1564 : vector<16xf32>
        %add3A_1566 = arith.addf %add3A_1277, %add3A_1565 : vector<16xf32>
        %add3A_1567 = vector.broadcast %squeeze3A : f32 to vector<16xf32>
        %add3A_1568 = arith.addf %add3A_1566, %add3A_1567 : vector<16xf32>
        tpu.vector_store_idx %arg11[%add3A_180], %add3A_1568 : memref<512xf32, #tpu.memory_space<vmem>>[vector<16xi32>], vector<16xf32>,
      }
      %scan3A_165 = arith.constant 32 : i32
      %mul3A_166 = arith.constant 512 : i32
      %mul3A_167 = arith.muli %add3A_126, %mul3A_166 : i32
      %add3A_168 = arith.addi %mul3A_2, %mul3A_167 : i32
      "tpu.region"() ({
        %run_scoped3A = tpu.sem_alloc : memref<!tpu.dma_semaphore, #tpu.memory_space<semaphore_mem>>
        %dma_start3A_176 = tpu.memref_slice %arg7[%add3A_168] : memref<262144xf32, #tpu.memory_space<hbm>> -> memref<512xf32, #tpu.memory_space<hbm>>
        %dma_start3A_177 = tpu.memref_slice %arg7[%add3A_168] : memref<262144xf32, #tpu.memory_space<hbm>> -> memref<512xf32, #tpu.memory_space<hbm>>
        tpu.enqueue_dma source(%arg11 : memref<512xf32, #tpu.memory_space<vmem>>) target(%dma_start3A_177 : memref<512xf32, #tpu.memory_space<hbm>>) target_semaphore(%run_scoped3A : memref<!tpu.dma_semaphore, #tpu.memory_space<semaphore_mem>>)
        %dma_wait3A_178 = tpu.memref_slice %arg7[%add3A_168] : memref<262144xf32, #tpu.memory_space<hbm>> -> memref<512xf32, #tpu.memory_space<hbm>>
        %dma_wait3A_179 = tpu.memref_slice %arg7[%add3A_168] : memref<262144xf32, #tpu.memory_space<hbm>> -> memref<512xf32, #tpu.memory_space<hbm>>
        tpu.wait_dma2 semaphore(%run_scoped3A : memref<!tpu.dma_semaphore, #tpu.memory_space<semaphore_mem>>) src(%arg11 : memref<512xf32, #tpu.memory_space<vmem>>) dst(%dma_wait3A_179 : memref<512xf32, #tpu.memory_space<hbm>>)
        tpu.yield
      }) : () -> ()
      %add3A_169 = arith.constant 2 : i32
      %add3A_170 = arith.addi %add3A_126, %add3A_169 : i32
      %lt3A_171 = arith.constant 16 : i32
      %lt3A_172 = arith.cmpi slt, %add3A_170, %lt3A_171 : i32
      %convert_element_type3A_173 = arith.extui %lt3A_172 : i1 to i32
      %cond3A_174 = arith.constant 0 : i32
      %cond3A_175 = arith.cmpi ne, %convert_element_type3A_173, %cond3A_174 : i32
      scf.if %cond3A_175 {
        %add3A_176 = arith.constant 2 : i32
        %add3A_177 = arith.addi %add3A_126, %add3A_176 : i32
        %mul3A_178 = arith.constant 512 : i32
        %mul3A_179 = arith.muli %add3A_177, %mul3A_178 : i32
        %mul3A_180 = arith.constant 512 : i32
        %mul3A_181 = arith.muli %add3A_177, %mul3A_180 : i32
        %add3A_182 = arith.addi %mul3A_2, %mul3A_181 : i32
        %mul3A_183 = arith.constant 64 : i32
        %mul3A_184 = arith.muli %add3A_182, %mul3A_183 : i32
        %dma_start3A_185 = arith.constant 1 : i32
        %dma_start3A_186 = arith.constant 1 : i32
        %dma_start3A_187 = arith.constant 0 : i32
        %dma_start3A_188 = arith.constant 0 : i32
        %dma_start3A_189 = tpu.memref_slice %arg9[%dma_start3A_185, %dma_start3A_187, %dma_start3A_188] : memref<2x512x24xf32, #tpu.memory_space<vmem>> -> memref<1x512x24xf32, #tpu.memory_space<vmem>>
        %dma_start3A_190 = tpu.memref_squeeze %dma_start3A_189 : memref<1x512x24xf32, #tpu.memory_space<vmem>> -> memref<512x24xf32, #tpu.memory_space<vmem>>
        %dma_start3A_191 = tpu.memref_slice %arg8[%mul3A_179] : memref<8192xi32, #tpu.memory_space<vmem>> -> memref<512xi32, #tpu.memory_space<vmem>>
        %dma_start3A_192 = arith.constant 0 : i32
        %dma_start3A_193 = arith.constant 0 : i32
        %dma_start3A_194 = tpu.memref_slice %arg3[%dma_start3A_192, %dma_start3A_193] : memref<10000x24xf32, #tpu.memory_space<hbm>> -> memref<10000x24xf32, #tpu.memory_space<hbm>>
        %dma_start3A_195 = tpu.memref_slice %arg14[%dma_start3A_186] : memref<2x!tpu.dma_semaphore, #tpu.memory_space<semaphore_mem>> -> memref<1x!tpu.dma_semaphore, #tpu.memory_space<semaphore_mem>>
        %dma_start3A_196 = tpu.memref_squeeze %dma_start3A_195 : memref<1x!tpu.dma_semaphore, #tpu.memory_space<semaphore_mem>> -> memref<!tpu.dma_semaphore, #tpu.memory_space<semaphore_mem>>
        tpu.enqueue_indirect_dma source(%dma_start3A_194 : memref<10000x24xf32, #tpu.memory_space<hbm>>) target(%dma_start3A_190 : memref<512x24xf32, #tpu.memory_space<vmem>>) offsets(%dma_start3A_191 : memref<512xi32, #tpu.memory_space<vmem>>) semaphore(%dma_start3A_196 : memref<!tpu.dma_semaphore, #tpu.memory_space<semaphore_mem>>)
        %dma_start3A_197 = arith.constant 1 : i32
        %dma_start3A_198 = arith.constant 1 : i32
        %dma_start3A_199 = arith.constant 0 : i32
        %dma_start3A_200 = tpu.memref_slice %arg10[%dma_start3A_197, %dma_start3A_199] : memref<2x32768xf32, #tpu.memory_space<vmem>> -> memref<1x32768xf32, #tpu.memory_space<vmem>>
        %dma_start3A_201 = tpu.memref_squeeze %dma_start3A_200 : memref<1x32768xf32, #tpu.memory_space<vmem>> -> memref<32768xf32, #tpu.memory_space<vmem>>
        %dma_start3A_202 = tpu.memref_slice %arg4[%mul3A_184] : memref<16777216xf32, #tpu.memory_space<hbm>> -> memref<32768xf32, #tpu.memory_space<hbm>>
        %dma_start3A_203 = tpu.memref_slice %arg15[%dma_start3A_198] : memref<2x!tpu.dma_semaphore, #tpu.memory_space<semaphore_mem>> -> memref<1x!tpu.dma_semaphore, #tpu.memory_space<semaphore_mem>>
        %dma_start3A_204 = tpu.memref_squeeze %dma_start3A_203 : memref<1x!tpu.dma_semaphore, #tpu.memory_space<semaphore_mem>> -> memref<!tpu.dma_semaphore, #tpu.memory_space<semaphore_mem>>
        %dma_start3A_205 = arith.constant 0 : i32
        %dma_start3A_206 = tpu.memref_slice %arg10[%dma_start3A_197, %dma_start3A_205] : memref<2x32768xf32, #tpu.memory_space<vmem>> -> memref<1x32768xf32, #tpu.memory_space<vmem>>
        %dma_start3A_207 = tpu.memref_squeeze %dma_start3A_206 : memref<1x32768xf32, #tpu.memory_space<vmem>> -> memref<32768xf32, #tpu.memory_space<vmem>>
        %dma_start3A_208 = tpu.memref_slice %arg4[%mul3A_184] : memref<16777216xf32, #tpu.memory_space<hbm>> -> memref<32768xf32, #tpu.memory_space<hbm>>
        tpu.enqueue_dma source(%dma_start3A_208 : memref<32768xf32, #tpu.memory_space<hbm>>) target(%dma_start3A_207 : memref<32768xf32, #tpu.memory_space<vmem>>) target_semaphore(%dma_start3A_204 : memref<!tpu.dma_semaphore, #tpu.memory_space<semaphore_mem>>)
      } else {
      }
    }
    %scan3A_72 = arith.constant 8 : i32
    return
  }
}

</mosaic_0001>

<sc_bundles>
// kernel: _sc_all.3.cloned.1.call-start
scs
__scs_entry_jumppad:
0x0: {  	(pc) =	sbr.rel $0x88, $3  }
0x1: {  	(tag) =	ssettag $0x0;
	lr =	simm.s32 $0x1  }
0x2: {  	[smem:$0x3F9C] =	sst lr;
	_ =	strace $0xD0000000  }
0x3: {  	_ = 	snop  }
0x4: {  	_ = 	snop  }
0x5: {  	_ = 	snop  }
0x6: {  	_ = 	snop  }
0x7: {  	_ = 	snop  }
__scs_overlays_trampoline_lowered:
0x8: {  	[smem:$0x3FAB] =	sst s0  }
0x9: {  	[smem:$0x3FAC] =	sst s1  }
0xa: {  	[smem:$0x3FAD] =	sst s2  }
0xb: {  	[smem:$0x3FAE] =	sst s3  }
0xc: {  	[smem:$0x3FAF] =	sst s4  }
0xd: {  	[smem:$0x3FB0] =	sst s5  }
0xe: {  	[smem:$0x3FB1] =	sst s6  }
0xf: {  	[smem:$0x3FB2] =	sst s7  }
0x10: {  	[smem:$0x3FB3] =	sst s8  }
0x11: {  	[smem:$0x3FB4] =	sst s9;
	s0 =	simm.s32 @!p0 $0x0  }
0x12: {  	s1 =	sld [smem:$0x3F9A];
	s0 =	simm.s32 @p0 $0x1  }
0x13: {  	[smem:$0x3FB5] =	sst s0;
	s0 =	simm.s32 @!p1 $0x0  }
0x14: {  	s2 =	sld [smem:$0x3F99];
	s0 =	simm.s32 @p1 $0x1  }
0x15: {  	[smem:$0x3FB6] =	sst s0;
	s0 =	simm.s32 @!p2 $0x0  }
0x16: {  	s3 =	sld [smem:$0x3FDB];
	s0 =	simm.s32 @p2 $0x1  }
0x17: {  	s4 =	simm.s32 $0x1BF5;
	[smem:$0x3FB8] =	sst s0  }
0x18: {  	s0 =	sld [smem:$0x3F9B];
	_ =	swait.ge [sflag:s4], $0x0  }
0x19: {  	s7 =	sld [smem:$0x3F9C]  }
0x1a: {  	s8 =	sadd.s32 $0xFFFFE003, lr  }
0x1b: {  	s9 =	sadd.s32 $0xFFFFFEF7, lr;
	s5 =	simm.s32 $0xFFFFFFFF;
	p2 =	slt.u32 s8, $0xFFFFF086  }
0x1c: {  	p1 =	slt.u32 s9, $0xF7A;
	s5 =	simm.s32 @!p2 $0x0  }
0x1d: {  	s5 =	simm.s32 @p1 $0x1;
	p0 =	seq.s32 s7, s2  }
0x1e: {  	s7 =	smul.u32 @!p0 $0xF7A, s2;
	p2 =	seq.s32 @!p0 s5, $0x0  }
0x1f: {  	s9 =	smul.u32 $0xF7A, s1;
	s8 =	simm.s32 @!p0 $0x1BF5;
	p2 =	por !p2, p0  }
0x20: {  	[sflag:s8] =	ssyncset.s32 @!p0 $0xFFFFF086;
	s6 =	sadd.s32 @!p0 s3, s7;
	s7 =	simm.s32 @!p0 $0x108  }
0x21: {  	s3 =	sadd.s32 s3, s9;
	s6 =	sadd.s32 @!p0 $0x88, s6;
	s7 =	simm.s32 @p2 $0x1082  }
0x22: {  	[simem:s7], [sflag:s8] =	dma.local @!p0 [hbm:s6], $0xF7A  }
0x23: {  	s9 =	sor.u32 $0xD0000000, s2;
	s6 =	simm.s32 $0x108;
	_ =	swait.ge @!p0 [sflag:s8], $0x0  }
0x24: {  	s3 =	sadd.s32 $0x88, s3;
	s6 =	simm.s32 @!p1 $0x1082;
	[sflag:s4] =	ssyncset.s32 $0xFFFFF086  }
0x25: {  	[simem:s6], [sflag:s4] =	dma.local [hbm:s3], $0xF7A  }
0x26: {  	[smem:$0x3F9C] =	sst s1;
	(tag) =	ssettag s2;
	_ =	strace s9  }
0x27: {  	s1 =	sld [smem:$0x3FAC]  }
0x28: {  	s2 =	sld [smem:$0x3FAD]  }
0x29: {  	s4 =	sld [smem:$0x3FAF]  }
0x2a: {  	p0 =	seq.s32 s5, $0x0;
	s5 =	sld [smem:$0x3FB0]  }
0x2b: {  	s6 =	sld [smem:$0x3FB1]  }
0x2c: {  	s7 =	sld [smem:$0x3FB2]  }
0x2d: {  	s3 =	simm.s32 $0x108;
	s8 =	sld [smem:$0x3FB3]  }
0x2e: {  	s3 =	simm.s32 @!p0 $0x1082;
	s9 =	sld [smem:$0x3FB4]  }
0x2f: {  	lr =	sadd.s32 s0, s3;
	s0 =	sld [smem:$0x3FAB]  }
0x30: {  	s3 =	sld [smem:$0x3FAE]  }
0x31: {  	[smem:$0x3FB7] =	sst s10  }
0x32: {  	s10 =	sld [smem:$0x3FB5];
	_ =	sdelay $0x3  }
0x33: {  	p0 =	seq.s32 s10, $0x1;
	s10 =	sld [smem:$0x3FB7];
	_ =	sdelay $0x3  }
0x34: {  	[smem:$0x3FB7] =	sst s10  }
0x35: {  	s10 =	sld [smem:$0x3FB6];
	_ =	sdelay $0x3  }
0x36: {  	p1 =	seq.s32 s10, $0x1;
	s10 =	sld [smem:$0x3FB7];
	_ =	sdelay $0x3  }
0x37: {  	[smem:$0x3FB7] =	sst s10  }
0x38: {  	s10 =	sld [smem:$0x3FB8]  }
0x39: {  	_ = 	snop;
	(pc) =	sbr.ind lr, $3  }
0x3a: {  	_ = 	snop  }
0x3b: {  	_ = 	snop  }
0x3c: {  	p2 =	seq.s32 s10, $0x1;
	s10 =	sld [smem:$0x3FB7]  }
0x3d: {  	_ =	shalt  }
0x3e: {  	_ =	shalt  }
0x3f: {  	_ =	shalt  }
0x40: {  	_ =	shalt  }
0x41: {  	_ =	shalt  }
0x42: {  	_ =	shalt  }
0x43: {  	_ =	shalt  }
0x44: {  	_ =	shalt  }
0x45: {  	_ =	shalt  }
0x46: {  	_ =	shalt  }
0x47: {  	_ =	shalt  }
0x48: {  	_ =	shalt  }
0x49: {  	_ =	shalt  }
0x4a: {  	_ =	shalt  }
0x4b: {  	_ =	shalt  }
0x4c: {  	_ =	shalt  }
0x4d: {  	_ =	shalt  }
0x4e: {  	_ =	shalt  }
0x4f: {  	_ =	shalt  }
0x50: {  	_ =	shalt  }
0x51: {  	_ =	shalt  }
0x52: {  	_ =	shalt  }
0x53: {  	_ =	shalt  }
0x54: {  	_ =	shalt  }
0x55: {  	_ =	shalt  }
0x56: {  	_ =	shalt  }
0x57: {  	_ =	shalt  }
0x58: {  	_ =	shalt  }
0x59: {  	_ =	shalt  }
0x5a: {  	_ =	shalt  }
0x5b: {  	_ =	shalt  }
0x5c: {  	_ =	shalt  }
0x5d: {  	_ =	shalt  }
0x5e: {  	_ =	shalt  }
0x5f: {  	_ =	shalt  }
0x60: {  	_ =	shalt  }
0x61: {  	_ =	shalt  }
0x62: {  	_ =	shalt  }
0x63: {  	_ =	shalt  }
0x64: {  	_ =	shalt  }
0x65: {  	_ =	shalt  }
0x66: {  	_ =	shalt  }
0x67: {  	_ =	shalt  }
0x68: {  	_ =	shalt  }
0x69: {  	_ =	shalt  }
0x6a: {  	_ =	shalt  }
0x6b: {  	_ =	shalt  }
0x6c: {  	_ =	shalt  }
0x6d: {  	_ =	shalt  }
0x6e: {  	_ =	shalt  }
0x6f: {  	_ =	shalt  }
0x70: {  	_ =	shalt  }
0x71: {  	_ =	shalt  }
0x72: {  	_ =	shalt  }
0x73: {  	_ =	shalt  }
0x74: {  	_ =	shalt  }
0x75: {  	_ =	shalt  }
0x76: {  	_ =	shalt  }
0x77: {  	_ =	shalt  }
0x78: {  	_ =	shalt  }
0x79: {  	_ =	shalt  }
0x7a: {  	_ =	shalt  }
0x7b: {  	_ =	shalt  }
0x7c: {  	_ =	shalt  }
0x7d: {  	_ =	shalt  }
0x7e: {  	_ =	shalt  }
0x7f: {  	_ =	shalt  }
0x80: {  	_ =	shalt  }
0x81: {  	_ =	shalt  }
0x82: {  	_ =	shalt  }
0x83: {  	_ =	shalt  }
0x84: {  	_ =	shalt  }
0x85: {  	_ =	shalt  }
0x86: {  	_ =	shalt  }
0x87: {  	_ =	shalt  }
.Lfunc_end0:
.L_simem_size_0:
called_computation_lowered:
.L_overlay_start_0:
0x88: {  	s2 =	sld [smem:$0x3FD9]  }
0x89: {  	s3 =	sld [smem:$0x3FFE];
	_ =	sdelay $0x1  }
0x8a: {  	s1 =	srdreg.scid  }
0x8b: {  	s0 =	sand.u32 $0x1, s1  }
0x8c: {  	s17 =	sshll.u32 s0, $0xA;
	s2 =	sadd.s32 s3, s2  }
0x8d: {  	s2 =	sadd.s32 s2, s17  }
0x8e: {  	[smem:$0x3FC3] =	sst s2  }
0x8f: {  	_ = 	snop  }
0x90: {  	s2 =	sld [smem:$0x3FC9]  }
0x91: {  	s18 =	sld [smem:$0x3FC7]  }
0x92: {  	s4 =	sld [smem:$0x3FC5]  }
0x93: {  	s5 =	sld [smem:$0x3FD0];
	(tm) =	ssettm $0x1  }
0x94: {  	s6 =	sld [smem:$0x3FFB];
	_ =	sdelay $0x3  }
0x95: {  	_ =	strace s6  }
0x96: {  	s6 =	sld [smem:$0x3FFC];
	_ =	sdelay $0x3  }
0x97: {  	_ =	strace s6  }
0x98: {  	s6 =	sld [smem:$0x3FFD];
	_ =	sdelay $0x3  }
0x99: {  	_ =	strace s6  }
0x9a: {  	_ =	strace $0x8FFFFFFF  }
0x9b: {  	s19 =	sld [smem:$0x3FDB];
	_ =	sdelay $0x1  }
0x9c: {  	s7 =	simm.s32 $_scs_section_size  }
0x9d: {  	s8 =	simm.s32 $_size__tile_overlayer_lowered;
	s9 =	simm.s32 $_tile_overlayer_lowered  }
0x9e: {  	s22 =	simm.s32 $0x1BFF;
	s21 =	sshll.u32 s9, $0x1;
	s6 =	sadd.s32 s7, s19  }
0x9f: {  	s10 =	simm.s32 $0x0;
	s20 =	sshll.u32 s8, $0x1;
	s8 =	sadd.s32 s21, s6  }
0xa0: {  	[timem:s10], [sflag:s22] =	dma.local [hbm:s8], s20  }
0xa1: {  	_ =	swait.ge [sflag:s22], s20  }
0xa2: {  	s7 =	ssub.s32 $0x0, s20;
	[sflag:s22] =	ssyncset.done $0x0  }
0xa3: {  	[sflag:s22] =	ssyncadd.s32 s7;
	_ =	sdelay $0x1  }
0xa4: {  	s23 =	simm.s32 $0x1B8B  }
0xa5: {  	_ =	swait.ge [sflag:s23], $0x1  }
0xa6: {  	[sflag:s23] =	ssyncset.done $0x0  }
0xa7: {  	s25 =	simm.s32 $0x1B8E;
	s24 =	sld [smem:$0x3FFE];
	[sflag:s23] =	ssyncadd.s32 $0xFFFFFFFF  }
0xa8: {  	s26 =	simm.s32 $execute0_lowered;
	[smem:$0x3FD2] =	sst s25  }
0xa9: {  	s8 =	sshll.u32 s26, $0x1;
	_ =	strace $0x80000046;
	[dreg:$0x1] =	wrdreg $0xFFFFFFFF  }
0xaa: {  	s28 =	simm.s32 $_size_execute0_lowered;
	s6 =	sadd.s32 s6, s8;
	[dreg:$0x0] =	wrdreg $0x0  }
0xab: {  	s8 =	sshll.u32 s28, $0x1;
	[dreg:$0x2] =	wrdreg s6  }
0xac: {  	[dreg:$0x3] =	wrdreg s8  }
0xad: {  	[dreg:$0x4] =	wrdreg $0xC0  }
0xae: {  	_ =	task [dreg:s10], $0x5FFFF  }
0xaf: {  	[dreg:$0x1] =	wrdreg $0xFFFFFFFF  }
0xb0: {  	[dreg:$0x0] =	wrdreg $0x60  }
0xb1: {  	[dreg:$0x2] =	wrdreg s2  }
0xb2: {  	[dreg:$0x3] =	wrdreg s24  }
0xb3: {  	[dreg:$0x4] =	wrdreg s18  }
0xb4: {  	[dreg:$0x5] =	wrdreg s4  }
0xb5: {  	[dreg:$0x6] =	wrdreg s5  }
0xb6: {  	[dreg:$0x7] =	wrdreg $0x9  }
0xb7: {  	_ =	task.clear_ibuf [dreg:s10], $0x8FFFF;
	_ =	strace $0x90000046  }
0xb8: {  	s29 =	simm.s32 $0x9;
	_ =	strace $0x80000048  }
0xb9: {  	_ =	swait.ge [sflag:s29], $0x1  }
0xba: {  	[sflag:s29] =	ssyncadd.s32 $0xFFFFFFFF  }
0xbb: {  	_ =	strace $0x90000048  }
0xbc: {  	_ =	sfence  }
0xbd: {  	s30 =	sld [smem:$0x0];
	_ =	sdelay $0x2  }
0xbe: {  	s31 =	sshll.u32 s1, $0xD;
	s1 =	sshrl.u32 s1, $0x2  }
0xbf: {  	s3 =	sand.u32 $0x4000, s31;
	s1 =	sadd.s32 s1, s30  }
0xc0: {  	s0 =	sor.u32 s3, s0;
	s1 =	sshll.u32 s1, $0x11  }
0xc1: {  	s0 =	sor.u32 s1, s0  }
0xc2: {  	s0 =	sadd.s32 $0x8F2B, s0  }
0xc3: {  	[sflag:s0] =	ssyncadd.remote.s32 $0x1  }
0xc4: {  	_ =	sfence.sel $0xFFFF  }
0xc5: {  	[dreg:$0x0] =	wrdreg $0xFFFFFFFF;
	(pc) =	sbr.abs _section_cstart, $3  }
0xc6: {  	[dreg:$0x1] =	wrdreg $0xFFFFFFFF  }
0xc7: {  	_ =	task.clear_ibuf [dreg:s10], $0x2FFFF;
	_ =	strace $0x9FFFFFFF  }
0xc8: {  	(tm) =	ssettm $0x7FFFFFFF  }
0xc9: {  	_ =	shalt  }
tec
execute0_lowered:
.L_overlay_start_1:
0x0: {  	(tag) =	ssettag $0x1  }
0x1: {  	v0 =	vimm.s32 $0xCF8A4500;
	vm11 =	vcmask $0xF00  }
0x2: {  	vm0 =	vcmask $0x1310;
	vm1 =	vcmask $0x1714;
	vm2 =	vcmask $0x1B18  }
0x3: {  	vm3 =	vcmask $0x1F1C;
	vm4 =	vcmask $0x2320;
	v1 =	vimm.s32 $0xD08B4601  }
0x4: {  	vm5 =	vcmask $0x2724;
	vm6 =	vcmask $0x2B28;
	vm7 =	vcmask $0x2F2C  }
0x5: {  	vm8 =	vcmask $0x3330;
	v2 =	vimm.s32 $0xD18C4702;
	vm9 =	vcmask $0x3734  }
0x6: {  	vm10 =	vcmask $0x3B38;
	v3 =	vimm.s32 $0xD28D4803;
	v6 =	vimm.s32 $0xD38E4904  }
0x7: {  	v10 =	vimm.s32 $0xD48F4A05;
	v26 =	vimm.s32 $0xD5904B06;
	v30 =	vimm.s32 $0xD6914C07  }
0x8: {  	v34 =	vimm.s32 $0xD7924D08;
	v42 =	vimm.s32 $0xD8934E09;
	v46 =	vimm.s32 $0xD9944F0A  }
0x9: {  	v50 =	vimm.s32 $0xDA95500B;
	v55 =	vimm.s32 $0xDB96510C;
	v12 =	vimm.s32 $0xCE89440F  }
0xa: {  	v0 =	vunpack.c.0.s8.s32 v0;
	v1 =	vunpack.c.0.s8.s32 v1;
	v2 =	vunpack.c.0.s8.s32 v2  }
0xb: {  	v59 =	vimm.s32 $0xDC97520D;
	v3 =	vunpack.c.0.s8.s32 v3;
	v12 =	vunpack.c.0.s8.s32 v12  }
0xc: {  	v0 =	vand.u32 $0xFF, v0;
	v1 =	vand.u32 $0xFF, v1;
	v2 =	vand.u32 $0xFF, v2  }
0xd: {  	v5 =	vand.u32 $0xFF, v3;
	v3 =	vunpack.c.0.s8.s32 v6;
	v0 =	vnsel vm11, $0x3CB, v0  }
0xe: {  	v1 =	vnsel vm11, $0x3CC, v1;
	v2 =	vnsel vm11, $0x3CD, v2;
	[tilespmem:$0x1FA10] =	vst v0;
	v0 =	vsel vm0, $0x114, v0  }
0xf: {  	v1 =	vsel vm0, $0x115, v1;
	v2 =	vsel vm0, $0x116, v2;
	v9 =	vand.u32 $0xFF, v3  }
0x10: {  	v3 =	vunpack.c.0.s8.s32 v10;
	v0 =	vsel vm1, $0x159, v0;
	v1 =	vsel vm1, $0x15A, v1  }
0x11: {  	v4 =	vsel vm1, $0x15B, v2;
	v2 =	vnsel vm11, $0x3CE, v5;
	v0 =	vsel vm2, $0x19E, v0  }
0x12: {  	v1 =	vsel vm2, $0x19F, v1;
	v2 =	vsel vm0, $0x117, v2;
	v25 =	vand.u32 $0xFF, v3  }
0x13: {  	v3 =	vunpack.c.0.s8.s32 v26;
	v0 =	vsel vm3, $0x1E3, v0;
	v1 =	vsel vm3, $0x1E4, v1  }
0x14: {  	v2 =	vsel vm1, $0x15C, v2;
	v0 =	vsel vm4, $0x228, v0;
	v1 =	vsel vm4, $0x229, v1  }
0x15: {  	v2 =	vsel vm2, $0x1A1, v2;
	v29 =	vand.u32 $0xFF, v3;
	v3 =	vunpack.c.0.s8.s32 v30  }
0x16: {  	v0 =	vsel vm5, $0x26D, v0;
	v1 =	vsel vm5, $0x26E, v1;
	v8 =	vsel vm3, $0x1E6, v2  }
0x17: {  	v2 =	vnsel vm11, $0x3CF, v9;
	v9 =	vimm.s32 $0xDE99540F;
	v0 =	vsel vm6, $0x2B2, v0  }
0x18: {  	v63 =	vsel vm6, $0x2B3, v1;
	v1 =	vsel vm2, $0x1A0, v4;
	v2 =	vsel vm0, $0x118, v2  }
0x19: {  	v33 =	vand.u32 $0xFF, v3;
	v3 =	vunpack.c.0.s8.s32 v34;
	v0 =	vsel vm7, $0x2F7, v0  }
0x1a: {  	v1 =	vsel vm3, $0x1E5, v1;
	v2 =	vsel vm1, $0x15D, v2;
	v0 =	vsel vm8, $0x33C, v0  }
0x1b: {  	v1 =	vsel vm4, $0x22A, v1;
	v24 =	vsel vm2, $0x1A2, v2;
	v2 =	vnsel vm11, $0x3D0, v25  }
0x1c: {  	v41 =	vand.u32 $0xFF, v3;
	v3 =	vunpack.c.0.s8.s32 v42;
	v25 =	vimm.s32 $0xDF9A5510  }
0x1d: {  	v0 =	vsel vm9, $0x341, v0;
	v1 =	vsel vm5, $0x26F, v1;
	v2 =	vsel vm0, $0x119, v2  }
0x1e: {  	v38 =	vsel vm10, $0x386, v0;
	v0 =	vsel vm7, $0x2F8, v63;
	v1 =	vsel vm6, $0x2B4, v1  }
0x1f: {  	v28 =	vsel vm1, $0x15E, v2;
	v2 =	vnsel vm11, $0x3D1, v29;
	v45 =	vand.u32 $0xFF, v3  }
0x20: {  	v3 =	vunpack.c.0.s8.s32 v46;
	v63 =	vimm.s32 $0xDD98530E;
	v29 =	vimm.s32 $0xE09B5611  }
0x21: {  	v0 =	vsel vm8, $0x33D, v0;
	v7 =	vsel vm7, $0x2F9, v1;
	v1 =	vsel vm4, $0x22B, v8  }
0x22: {  	v2 =	vsel vm0, $0x11A, v2;
	v0 =	vsel vm9, $0x342, v0;
	v1 =	vsel vm5, $0x270, v1  }
0x23: {  	v2 =	vsel vm1, $0x15F, v2;
	v49 =	vand.u32 $0xFF, v3;
	v3 =	vunpack.c.0.s8.s32 v50  }
0x24: {  	v50 =	vimm.s32 $0xE39E5914;
	v0 =	vsel vm10, $0x387, v0;
	v1 =	vsel vm6, $0x2B5, v1  }
0x25: {  	v2 =	vsel vm2, $0x1A4, v2;
	[tilespmem:$0x1FA20] =	vst v0;
	v0 =	vsel vm8, $0x33E, v7;
	v1 =	vsel vm7, $0x2FA, v1  }
0x26: {  	v32 =	vsel vm3, $0x1E9, v2;
	v2 =	vnsel vm11, $0x3D2, v33;
	v54 =	vand.u32 $0xFF, v3  }
0x27: {  	v3 =	vunpack.c.0.s8.s32 v55;
	v0 =	vsel vm9, $0x343, v0;
	v11 =	vsel vm8, $0x33F, v1  }
0x28: {  	v1 =	vsel vm3, $0x1E7, v24;
	v2 =	vsel vm0, $0x11B, v2;
	v35 =	vsel vm10, $0x388, v0  }
0x29: {  	v0 =	vsel vm9, $0x344, v11;
	v1 =	vsel vm4, $0x22C, v1;
	v2 =	vsel vm1, $0x160, v2  }
0x2a: {  	v58 =	vand.u32 $0xFF, v3;
	v3 =	vunpack.c.0.s8.s32 v59;
	v1 =	vsel vm5, $0x271, v1  }
0x2b: {  	v36 =	vsel vm10, $0x389, v0;
	v40 =	vsel vm2, $0x1A5, v2;
	v2 =	vnsel vm11, $0x3D3, v41  }
0x2c: {  	v27 =	vsel vm6, $0x2B6, v1;
	v1 =	vsel vm2, $0x1A3, v28;
	v2 =	vsel vm0, $0x11C, v2  }
0x2d: {  	v62 =	vand.u32 $0xFF, v3;
	v3 =	vunpack.c.0.s8.s32 v63;
	v0 =	vsel vm7, $0x2FB, v27  }
0x2e: {  	v1 =	vsel vm3, $0x1E8, v1;
	v44 =	vsel vm1, $0x161, v2;
	v2 =	vnsel vm11, $0x3D4, v45  }
0x2f: {  	v0 =	vsel vm8, $0x300, v0;
	v1 =	vsel vm4, $0x22D, v1;
	v2 =	vsel vm0, $0x11D, v2  }
0x30: {  	v8 =	vand.u32 $0xFF, v3;
	v3 =	vunpack.c.0.s8.s32 v9;
	v1 =	vsel vm5, $0x272, v1  }
0x31: {  	v0 =	vsel vm9, $0x345, v0;
	v2 =	vsel vm1, $0x162, v2;
	v1 =	vsel vm6, $0x2B7, v1  }
0x32: {  	v37 =	vsel vm10, $0x38A, v0;
	v2 =	vsel vm2, $0x1A7, v2;
	v24 =	vand.u32 $0xFF, v3  }
0x33: {  	v3 =	vunpack.c.0.s8.s32 v25;
	v31 =	vsel vm7, $0x2FC, v1;
	v1 =	vsel vm4, $0x22E, v32  }
0x34: {  	v48 =	vsel vm3, $0x1EC, v2;
	v2 =	vnsel vm11, $0x3D5, v49;
	v0 =	vsel vm8, $0x301, v31  }
0x35: {  	v1 =	vsel vm5, $0x273, v1;
	v2 =	vsel vm0, $0x11E, v2;
	v28 =	vand.u32 $0xFF, v3  }
0x36: {  	v3 =	vunpack.c.0.s8.s32 v29;
	v0 =	vsel vm9, $0x346, v0;
	v1 =	vsel vm6, $0x2B8, v1  }
0x37: {  	v2 =	vsel vm1, $0x163, v2;
	v1 =	vsel vm7, $0x2FD, v1;
	v33 =	vsel vm10, $0x38B, v0  }
0x38: {  	v53 =	vsel vm2, $0x1A8, v2;
	v2 =	vnsel vm11, $0x3D6, v54;
	v32 =	vand.u32 $0xFF, v3  }
0x39: {  	v39 =	vsel vm8, $0x302, v1;
	v1 =	vsel vm3, $0x1EA, v40;
	v2 =	vsel vm0, $0x11F, v2  }
0x3a: {  	v40 =	vimm.s32 $0xE19C5712;
	v0 =	vsel vm9, $0x347, v39;
	v1 =	vsel vm4, $0x22F, v1  }
0x3b: {  	v57 =	vsel vm1, $0x164, v2;
	v2 =	vnsel vm11, $0x3D7, v58;
	v3 =	vunpack.c.0.s8.s32 v40  }
0x3c: {  	v58 =	vimm.s32 $0xE49F5A15;
	v1 =	vsel vm5, $0x274, v1;
	v34 =	vsel vm10, $0x38C, v0  }
0x3d: {  	v2 =	vsel vm0, $0x120, v2;
	v43 =	vsel vm6, $0x2B9, v1;
	v1 =	vsel vm2, $0x1A6, v44  }
0x3e: {  	v2 =	vsel vm1, $0x165, v2;
	v44 =	vimm.s32 $0xE29D5813;
	v0 =	vsel vm7, $0x2FE, v43  }
0x3f: {  	v1 =	vsel vm3, $0x1EB, v1;
	v2 =	vsel vm2, $0x1AA, v2;
	v43 =	vand.u32 $0xFF, v3  }
0x40: {  	v3 =	vunpack.c.0.s8.s32 v44;
	v0 =	vsel vm8, $0x303, v0;
	v1 =	vsel vm4, $0x230, v1  }
0x41: {  	v61 =	vsel vm3, $0x1EF, v2;
	v2 =	vnsel vm11, $0x3D8, v62;
	v62 =	vimm.s32 $0xE5A05B16  }
0x42: {  	v0 =	vsel vm9, $0x348, v0;
	v1 =	vsel vm5, $0x275, v1;
	v2 =	vsel vm0, $0x121, v2  }
0x43: {  	v49 =	vand.u32 $0xFF, v3;
	v3 =	vunpack.c.0.s8.s32 v50;
	v1 =	vsel vm6, $0x2BA, v1  }
0x44: {  	v46 =	vsel vm10, $0x38D, v0;
	v2 =	vsel vm1, $0x166, v2;
	v47 =	vsel vm7, $0x2FF, v1  }
0x45: {  	v1 =	vsel vm4, $0x231, v48;
	v7 =	vsel vm2, $0x1AB, v2;
	v2 =	vnsel vm11, $0x3D9, v8  }
0x46: {  	v0 =	vsel vm8, $0x304, v47;
	v1 =	vsel vm5, $0x276, v1;
	v2 =	vsel vm0, $0x122, v2  }
0x47: {  	v0 =	vsel vm9, $0x349, v0;
	v1 =	vsel vm6, $0x2BB, v1;
	v11 =	vsel vm1, $0x167, v2  }
0x48: {  	v2 =	vnsel vm11, $0x3DA, v24;
	v1 =	vsel vm7, $0x2C0, v1;
	v52 =	vsel vm10, $0x38E, v0  }
0x49: {  	v2 =	vsel vm0, $0x123, v2;
	v51 =	vsel vm8, $0x305, v1;
	v1 =	vsel vm3, $0x1ED, v53  }
0x4a: {  	v2 =	vsel vm1, $0x168, v2;
	v0 =	vsel vm9, $0x34A, v51;
	v1 =	vsel vm4, $0x232, v1  }
0x4b: {  	v2 =	vsel vm2, $0x1AD, v2;
	v1 =	vsel vm5, $0x277, v1;
	v47 =	vsel vm10, $0x38F, v0  }
0x4c: {  	v27 =	vsel vm3, $0x1F2, v2;
	v2 =	vnsel vm11, $0x3DB, v28;
	v56 =	vsel vm6, $0x2BC, v1  }
0x4d: {  	v1 =	vsel vm2, $0x1A9, v57;
	v2 =	vsel vm0, $0x124, v2;
	v57 =	vand.u32 $0xFF, v3  }
0x4e: {  	v3 =	vunpack.c.0.s8.s32 v58;
	v0 =	vsel vm7, $0x2C1, v56;
	v1 =	vsel vm3, $0x1EE, v1  }
0x4f: {  	v2 =	vsel vm1, $0x169, v2;
	v0 =	vsel vm8, $0x306, v0;
	v1 =	vsel vm4, $0x233, v1  }
0x50: {  	v31 =	vsel vm2, $0x1AE, v2;
	v2 =	vnsel vm11, $0x3DC, v32;
	v1 =	vsel vm5, $0x278, v1  }
0x51: {  	v0 =	vsel vm9, $0x34B, v0;
	v2 =	vsel vm0, $0x125, v2;
	v1 =	vsel vm6, $0x2BD, v1  }
0x52: {  	v54 =	vsel vm10, $0x390, v0;
	v42 =	vsel vm1, $0x16A, v2;
	v2 =	vnsel vm11, $0x3DD, v43  }
0x53: {  	v60 =	vsel vm7, $0x2C2, v1;
	v1 =	vsel vm4, $0x234, v61;
	v2 =	vsel vm0, $0x126, v2  }
0x54: {  	v61 =	vand.u32 $0xFF, v3;
	v3 =	vunpack.c.0.s8.s32 v62;
	v0 =	vsel vm8, $0x307, v60  }
0x55: {  	v1 =	vsel vm5, $0x279, v1;
	v2 =	vsel vm1, $0x16B, v2;
	v0 =	vsel vm9, $0x34C, v0  }
0x56: {  	v1 =	vsel vm6, $0x2BE, v1;
	v2 =	vsel vm2, $0x1B0, v2;
	v5 =	vand.u32 $0xFF, v3  }
0x57: {  	v1 =	vsel vm7, $0x2C3, v1;
	v55 =	vsel vm10, $0x391, v0;
	v48 =	vsel vm3, $0x1F5, v2  }
0x58: {  	v2 =	vnsel vm11, $0x3DE, v49;
	v6 =	vsel vm8, $0x308, v1;
	v1 =	vsel vm3, $0x1F0, v7  }
0x59: {  	v2 =	vsel vm0, $0x127, v2;
	v0 =	vsel vm9, $0x34D, v6;
	v1 =	vsel vm4, $0x235, v1  }
0x5a: {  	v2 =	vsel vm1, $0x16C, v2;
	v6 =	vimm.s32 $0xE6A15C17;
	v1 =	vsel vm5, $0x27A, v1  }
0x5b: {  	v56 =	vsel vm10, $0x392, v0;
	v53 =	vsel vm2, $0x1B1, v2;
	v2 =	vnsel vm11, $0x3DF, v57  }
0x5c: {  	v3 =	vunpack.c.0.s8.s32 v6;
	v10 =	vsel vm6, $0x2BF, v1;
	v1 =	vsel vm2, $0x1AC, v11  }
0x5d: {  	v2 =	vsel vm0, $0x128, v2;
	v0 =	vsel vm7, $0x2C4, v10;
	v1 =	vsel vm3, $0x1F1, v1  }
0x5e: {  	v60 =	vsel vm1, $0x16D, v2;
	v2 =	vnsel vm11, $0x3E0, v61;
	v9 =	vand.u32 $0xFF, v3  }
0x5f: {  	v10 =	vimm.s32 $0xE7A25D18;
	v0 =	vsel vm8, $0x309, v0;
	v1 =	vsel vm4, $0x236, v1  }
0x60: {  	v2 =	vsel vm0, $0x129, v2;
	v3 =	vunpack.c.0.s8.s32 v10;
	v1 =	vsel vm5, $0x27B, v1  }
0x61: {  	v0 =	vsel vm9, $0x34E, v0;
	v2 =	vsel vm1, $0x16E, v2;
	v1 =	vsel vm6, $0x280, v1  }
0x62: {  	v39 =	vsel vm10, $0x393, v0;
	v2 =	vsel vm2, $0x1B3, v2;
	v40 =	vand.u32 $0xFF, v3  }
0x63: {  	v26 =	vsel vm7, $0x2C5, v1;
	v1 =	vsel vm4, $0x237, v27;
	v4 =	vsel vm3, $0x1F8, v2  }
0x64: {  	v2 =	vnsel vm11, $0x3E1, v5;
	v0 =	vsel vm8, $0x30A, v26;
	v1 =	vsel vm5, $0x27C, v1  }
0x65: {  	v2 =	vsel vm0, $0x12A, v2;
	v0 =	vsel vm9, $0x34F, v0;
	v1 =	vsel vm6, $0x281, v1  }
0x66: {  	v2 =	vsel vm1, $0x16F, v2;
	v1 =	vsel vm7, $0x2C6, v1;
	v24 =	vsel vm10, $0x394, v0  }
0x67: {  	v8 =	vsel vm2, $0x1B4, v2;
	v2 =	vnsel vm11, $0x3E2, v9;
	v9 =	vimm.s32 $0xEDA8631E  }
0x68: {  	v30 =	vsel vm8, $0x30B, v1;
	v1 =	vsel vm3, $0x1F3, v31;
	v2 =	vsel vm0, $0x12B, v2  }
0x69: {  	v0 =	vsel vm9, $0x350, v30;
	v1 =	vsel vm4, $0x238, v1;
	v32 =	vsel vm1, $0x170, v2  }
0x6a: {  	v2 =	vnsel vm11, $0x3E3, v40;
	v40 =	vimm.s32 $0xEEA9641F;
	v1 =	vsel vm5, $0x27D, v1  }
0x6b: {  	v25 =	vsel vm10, $0x395, v0;
	v2 =	vsel vm0, $0x12C, v2;
	v41 =	vsel vm6, $0x282, v1  }
0x6c: {  	v1 =	vsel vm2, $0x1AF, v42;
	v2 =	vsel vm1, $0x171, v2;
	v0 =	vsel vm7, $0x2C7, v41  }
0x6d: {  	v1 =	vsel vm3, $0x1F4, v1;
	v41 =	vimm.s32 $0xE8A35E19;
	v2 =	vsel vm2, $0x1B6, v2  }
0x6e: {  	v0 =	vsel vm8, $0x30C, v0;
	v1 =	vsel vm4, $0x239, v1;
	v3 =	vunpack.c.0.s8.s32 v41  }
0x6f: {  	v43 =	vsel vm3, $0x1FB, v2;
	v0 =	vsel vm9, $0x351, v0;
	v1 =	vsel vm5, $0x27E, v1  }
0x70: {  	v1 =	vsel vm6, $0x283, v1;
	v26 =	vsel vm10, $0x396, v0;
	v44 =	vand.u32 $0xFF, v3  }
0x71: {  	v45 =	vsel vm7, $0x2C8, v1;
	v1 =	vsel vm4, $0x23A, v48;
	v2 =	vnsel vm11, $0x3E4, v44  }
0x72: {  	v44 =	vimm.s32 $0xEFAA6520;
	v0 =	vsel vm8, $0x30D, v45;
	v1 =	vsel vm5, $0x27F, v1  }
0x73: {  	v2 =	vsel vm0, $0x12D, v2;
	v45 =	vimm.s32 $0xE9A45F1A;
	v0 =	vsel vm9, $0x352, v0  }
0x74: {  	v1 =	vsel vm6, $0x284, v1;
	v2 =	vsel vm1, $0x172, v2;
	v3 =	vunpack.c.0.s8.s32 v45  }
0x75: {  	v1 =	vsel vm7, $0x2C9, v1;
	v27 =	vsel vm10, $0x397, v0;
	v49 =	vsel vm2, $0x1B7, v2  }
0x76: {  	v51 =	vsel vm8, $0x30E, v1;
	v1 =	vsel vm3, $0x1F6, v53;
	v50 =	vand.u32 $0xFF, v3  }
0x77: {  	v0 =	vsel vm9, $0x353, v51;
	v1 =	vsel vm4, $0x23B, v1;
	v2 =	vnsel vm11, $0x3E5, v50  }
0x78: {  	v51 =	vimm.s32 $0xEAA5601B;
	v50 =	vimm.s32 $0xF0AB6621;
	v1 =	vsel vm5, $0x240, v1  }
0x79: {  	v28 =	vsel vm10, $0x398, v0;
	v2 =	vsel vm0, $0x12E, v2;
	v3 =	vunpack.c.0.s8.s32 v51  }
0x7a: {  	v59 =	vsel vm6, $0x285, v1;
	v1 =	vsel vm2, $0x1B2, v60;
	v57 =	vsel vm1, $0x173, v2  }
0x7b: {  	v0 =	vsel vm7, $0x2CA, v59;
	v1 =	vsel vm3, $0x1F7, v1;
	v58 =	vand.u32 $0xFF, v3  }
0x7c: {  	v59 =	vimm.s32 $0xEBA6611C;
	v0 =	vsel vm8, $0x30F, v0;
	v1 =	vsel vm4, $0x23C, v1  }
0x7d: {  	v2 =	vnsel vm11, $0x3E6, v58;
	v3 =	vunpack.c.0.s8.s32 v59;
	v58 =	vimm.s32 $0xF1AC6722  }
0x7e: {  	v0 =	vsel vm9, $0x354, v0;
	v1 =	vsel vm5, $0x241, v1;
	v2 =	vsel vm0, $0x12F, v2  }
0x7f: {  	v1 =	vsel vm6, $0x286, v1;
	v29 =	vsel vm10, $0x399, v0;
	v2 =	vsel vm1, $0x174, v2  }
0x80: {  	v62 =	vand.u32 $0xFF, v3;
	v63 =	vsel vm7, $0x2CB, v1;
	v1 =	vsel vm4, $0x23D, v4  }
0x81: {  	v2 =	vsel vm2, $0x1B9, v2;
	v0 =	vsel vm8, $0x310, v63;
	v1 =	vsel vm5, $0x242, v1  }
0x82: {  	v61 =	vsel vm3, $0x1FE, v2;
	v2 =	vnsel vm11, $0x3E7, v62;
	v63 =	vimm.s32 $0xECA7621D  }
0x83: {  	v62 =	vimm.s32 $0xF2AD6823;
	v0 =	vsel vm9, $0x355, v0;
	v1 =	vsel vm6, $0x287, v1  }
0x84: {  	v2 =	vsel vm0, $0x130, v2;
	v3 =	vunpack.c.0.s8.s32 v63;
	v1 =	vsel vm7, $0x2CC, v1  }
0x85: {  	v30 =	vsel vm10, $0x39A, v0;
	v2 =	vsel vm1, $0x175, v2;
	v7 =	vsel vm8, $0x311, v1  }
0x86: {  	v1 =	vsel vm3, $0x1F9, v8;
	v8 =	vand.u32 $0xFF, v3;
	v3 =	vunpack.c.0.s8.s32 v9  }
0x87: {  	v0 =	vsel vm9, $0x356, v7;
	v1 =	vsel vm4, $0x23E, v1;
	v7 =	vsel vm2, $0x1BA, v2  }
0x88: {  	v2 =	vnsel vm11, $0x3E8, v8;
	v1 =	vsel vm5, $0x243, v1;
	v31 =	vsel vm10, $0x39B, v0  }
0x89: {  	v2 =	vsel vm0, $0x131, v2;
	v11 =	vsel vm6, $0x288, v1;
	v1 =	vsel vm2, $0x1B5, v32  }
0x8a: {  	v32 =	vand.u32 $0xFF, v3;
	v3 =	vunpack.c.0.s8.s32 v40;
	v0 =	vsel vm7, $0x2CD, v11  }
0x8b: {  	v1 =	vsel vm3, $0x1FA, v1;
	v11 =	vsel vm1, $0x176, v2;
	v2 =	vnsel vm11, $0x3E9, v32  }
0x8c: {  	v0 =	vsel vm8, $0x312, v0;
	v1 =	vsel vm4, $0x23F, v1;
	v2 =	vsel vm0, $0x132, v2  }
0x8d: {  	v0 =	vsel vm9, $0x357, v0;
	v1 =	vsel vm5, $0x244, v1;
	v2 =	vsel vm1, $0x177, v2  }
0x8e: {  	v1 =	vsel vm6, $0x289, v1;
	v0 =	vsel vm10, $0x39C, v0;
	v2 =	vsel vm2, $0x1BC, v2  }
0x8f: {  	v42 =	vsel vm7, $0x2CE, v1;
	v1 =	vsel vm4, $0x200, v43;
	v43 =	vand.u32 $0xFF, v3  }
0x90: {  	[tilespmem:$0x1FA30] =	vst v0;
	v3 =	vunpack.c.0.s8.s32 v44;
	v0 =	vsel vm8, $0x313, v42;
	v1 =	vsel vm5, $0x245, v1  }
0x91: {  	v42 =	vsel vm3, $0x1C1, v2;
	v2 =	vnsel vm11, $0x3EA, v43;
	v1 =	vsel vm6, $0x28A, v1  }
0x92: {  	v0 =	vsel vm9, $0x358, v0;
	v2 =	vsel vm0, $0x133, v2;
	v1 =	vsel vm7, $0x2CF, v1  }
0x93: {  	v0 =	vsel vm10, $0x39D, v0;
	v2 =	vsel vm1, $0x178, v2;
	v48 =	vsel vm8, $0x314, v1  }
0x94: {  	v1 =	vsel vm3, $0x1FC, v49;
	v49 =	vand.u32 $0xFF, v3;
	v3 =	vunpack.c.0.s8.s32 v50  }
0x95: {  	[tilespmem:$0x1FA40] =	vst v0;
	v0 =	vsel vm9, $0x359, v48;
	v1 =	vsel vm4, $0x201, v1;
	v48 =	vsel vm2, $0x1BD, v2  }
0x96: {  	v2 =	vnsel vm11, $0x3EB, v49;
	v1 =	vsel vm5, $0x246, v1;
	v0 =	vsel vm10, $0x39E, v0  }
0x97: {  	v2 =	vsel vm0, $0x134, v2;
	v53 =	vsel vm6, $0x28B, v1;
	v1 =	vsel vm2, $0x1B8, v57  }
0x98: {  	[tilespmem:$0x1FA50] =	vst v0;
	v57 =	vand.u32 $0xFF, v3;
	v3 =	vunpack.c.0.s8.s32 v58;
	v0 =	vsel vm7, $0x2D0, v53  }
0x99: {  	v1 =	vsel vm3, $0x1FD, v1;
	v53 =	vsel vm1, $0x179, v2;
	v2 =	vnsel vm11, $0x3EC, v57  }
0x9a: {  	v0 =	vsel vm8, $0x315, v0;
	v1 =	vsel vm4, $0x202, v1;
	v2 =	vsel vm0, $0x135, v2  }
0x9b: {  	v0 =	vsel vm9, $0x35A, v0;
	v1 =	vsel vm5, $0x247, v1;
	v2 =	vsel vm1, $0x17A, v2  }
0x9c: {  	v1 =	vsel vm6, $0x28C, v1;
	v0 =	vsel vm10, $0x39F, v0;
	v2 =	vsel vm2, $0x1BF, v2  }
0x9d: {  	v60 =	vsel vm7, $0x2D1, v1;
	v1 =	vsel vm4, $0x203, v61;
	v61 =	vand.u32 $0xFF, v3  }
0x9e: {  	[tilespmem:$0x1FA60] =	vst v0;
	v3 =	vunpack.c.0.s8.s32 v62;
	v0 =	vsel vm8, $0x316, v60;
	v1 =	vsel vm5, $0x248, v1  }
0x9f: {  	v60 =	vsel vm3, $0x1C4, v2;
	v2 =	vnsel vm11, $0x3ED, v61;
	v0 =	vsel vm9, $0x35B, v0  }
0xa0: {  	v1 =	vsel vm6, $0x28D, v1;
	v2 =	vsel vm0, $0x136, v2;
	v5 =	vand.u32 $0xFF, v3  }
0xa1: {  	v1 =	vsel vm7, $0x2D2, v1;
	v0 =	vsel vm10, $0x3A0, v0;
	v2 =	vsel vm1, $0x17B, v2  }
0xa2: {  	v6 =	vsel vm8, $0x317, v1;
	v1 =	vsel vm3, $0x1FF, v7;
	v4 =	vsel vm2, $0x180, v2  }
0xa3: {  	[tilespmem:$0x1FA70] =	vst v0;
	v2 =	vnsel vm11, $0x3EE, v5;
	v0 =	vsel vm9, $0x35C, v6;
	v1 =	vsel vm4, $0x204, v1  }
0xa4: {  	v6 =	vimm.s32 $0xF3AE6924;
	v2 =	vsel vm0, $0x137, v2;
	v1 =	vsel vm5, $0x249, v1  }
0xa5: {  	v0 =	vsel vm10, $0x3A1, v0;
	v3 =	vunpack.c.0.s8.s32 v6;
	v10 =	vsel vm6, $0x28E, v1  }
0xa6: {  	v8 =	vsel vm1, $0x17C, v2;
	[tilespmem:$0x1FA80] =	vst v0;
	v1 =	vsel vm2, $0x1BB, v11;
	v0 =	vsel vm7, $0x2D3, v10  }
0xa7: {  	v1 =	vsel vm3, $0x1C0, v1;
	v9 =	vand.u32 $0xFF, v3;
	v10 =	vimm.s32 $0xF4AF6A25  }
0xa8: {  	v0 =	vsel vm8, $0x318, v0;
	v1 =	vsel vm4, $0x205, v1;
	v2 =	vnsel vm11, $0x3EF, v9  }
0xa9: {  	v3 =	vunpack.c.0.s8.s32 v10;
	v9 =	vimm.s32 $0xFAB5702B;
	v1 =	vsel vm5, $0x24A, v1  }
0xaa: {  	v0 =	vsel vm9, $0x35D, v0;
	v2 =	vsel vm0, $0x138, v2;
	v1 =	vsel vm6, $0x28F, v1  }
0xab: {  	v0 =	vsel vm10, $0x3A2, v0;
	v2 =	vsel vm1, $0x17D, v2;
	v40 =	vand.u32 $0xFF, v3  }
0xac: {  	v41 =	vsel vm7, $0x2D4, v1;
	v1 =	vsel vm4, $0x206, v42;
	v2 =	vsel vm2, $0x182, v2  }
0xad: {  	[tilespmem:$0x1FA90] =	vst v0;
	v0 =	vsel vm8, $0x319, v41;
	v1 =	vsel vm5, $0x24B, v1;
	v32 =	vsel vm3, $0x1C7, v2  }
0xae: {  	v2 =	vnsel vm11, $0x3F0, v40;
	v41 =	vimm.s32 $0xF5B06B26;
	v40 =	vimm.s32 $0xFBB6712C  }
0xaf: {  	v0 =	vsel vm9, $0x35E, v0;
	v1 =	vsel vm6, $0x290, v1;
	v2 =	vsel vm0, $0x139, v2  }
0xb0: {  	v3 =	vunpack.c.0.s8.s32 v41;
	v1 =	vsel vm7, $0x2D5, v1;
	v0 =	vsel vm10, $0x3A3, v0  }
0xb1: {  	v2 =	vsel vm1, $0x17E, v2;
	v45 =	vsel vm8, $0x31A, v1;
	v1 =	vsel vm3, $0x1C2, v48  }
0xb2: {  	[tilespmem:$0x1FAA0] =	vst v0;
	v43 =	vsel vm2, $0x183, v2;
	v44 =	vand.u32 $0xFF, v3;
	v0 =	vsel vm9, $0x35F, v45  }
0xb3: {  	v1 =	vsel vm4, $0x207, v1;
	v2 =	vnsel vm11, $0x3F1, v44;
	v45 =	vimm.s32 $0xF6B16C27  }
0xb4: {  	v44 =	vimm.s32 $0xFCB7722D;
	v1 =	vsel vm5, $0x24C, v1;
	v0 =	vsel vm10, $0x3A4, v0  }
0xb5: {  	v2 =	vsel vm0, $0x13A, v2;
	v3 =	vunpack.c.0.s8.s32 v45;
	v51 =	vsel vm6, $0x291, v1  }
0xb6: {  	[tilespmem:$0x1FAB0] =	vst v0;
	v1 =	vsel vm2, $0x1BE, v53;
	v49 =	vsel vm1, $0x17F, v2;
	v0 =	vsel vm7, $0x2D6, v51  }
0xb7: {  	v1 =	vsel vm3, $0x1C3, v1;
	v50 =	vand.u32 $0xFF, v3;
	v51 =	vimm.s32 $0xF7B26D28  }
0xb8: {  	v0 =	vsel vm8, $0x31B, v0;
	v1 =	vsel vm4, $0x208, v1;
	v2 =	vnsel vm11, $0x3F2, v50  }
0xb9: {  	v3 =	vunpack.c.0.s8.s32 v51;
	v50 =	vimm.s32 $0xFDB8732E;
	v1 =	vsel vm5, $0x24D, v1  }
0xba: {  	v0 =	vsel vm9, $0x360, v0;
	v2 =	vsel vm0, $0x13B, v2;
	v1 =	vsel vm6, $0x292, v1  }
0xbb: {  	v0 =	vsel vm10, $0x3A5, v0;
	v2 =	vsel vm1, $0x140, v2;
	v58 =	vand.u32 $0xFF, v3  }
0xbc: {  	v59 =	vsel vm7, $0x2D7, v1;
	v1 =	vsel vm4, $0x209, v60;
	v2 =	vsel vm2, $0x185, v2  }
0xbd: {  	[tilespmem:$0x1FAC0] =	vst v0;
	v0 =	vsel vm8, $0x31C, v59;
	v1 =	vsel vm5, $0x24E, v1;
	v57 =	vsel vm3, $0x1CA, v2  }
0xbe: {  	v2 =	vnsel vm11, $0x3F3, v58;
	v59 =	vimm.s32 $0xF8B36E29;
	v58 =	vimm.s32 $0xFEB9742F  }
0xbf: {  	v0 =	vsel vm9, $0x361, v0;
	v1 =	vsel vm6, $0x293, v1;
	v2 =	vsel vm0, $0x13C, v2  }
0xc0: {  	v3 =	vunpack.c.0.s8.s32 v59;
	v1 =	vsel vm7, $0x2D8, v1;
	v0 =	vsel vm10, $0x3A6, v0  }
0xc1: {  	v2 =	vsel vm1, $0x141, v2;
	v63 =	vsel vm8, $0x31D, v1;
	v1 =	vsel vm3, $0x1C5, v4  }
0xc2: {  	[tilespmem:$0x1FAD0] =	vst v0;
	v61 =	vsel vm2, $0x186, v2;
	v62 =	vand.u32 $0xFF, v3;
	v0 =	vsel vm9, $0x362, v63  }
0xc3: {  	v1 =	vsel vm4, $0x20A, v1;
	v2 =	vnsel vm11, $0x3F4, v62;
	v63 =	vimm.s32 $0xF9B46F2A  }
0xc4: {  	v62 =	vimm.s32 $0xFFBA7530;
	v1 =	vsel vm5, $0x24F, v1;
	v0 =	vsel vm10, $0x3A7, v0  }
0xc5: {  	v3 =	vunpack.c.0.s8.s32 v63;
	v7 =	vsel vm6, $0x294, v1;
	v1 =	vsel vm2, $0x181, v8  }
0xc6: {  	v2 =	vsel vm0, $0x13D, v2;
	[tilespmem:$0x1FAE0] =	vst v0;
	v0 =	vsel vm7, $0x2D9, v7;
	v1 =	vsel vm3, $0x1C6, v1  }
0xc7: {  	v7 =	vsel vm1, $0x142, v2;
	v8 =	vand.u32 $0xFF, v3;
	v3 =	vunpack.c.0.s8.s32 v9  }
0xc8: {  	v0 =	vsel vm8, $0x31E, v0;
	v1 =	vsel vm4, $0x20B, v1;
	v2 =	vnsel vm11, $0x3F5, v8  }
0xc9: {  	v0 =	vsel vm9, $0x363, v0;
	v1 =	vsel vm5, $0x250, v1;
	v2 =	vsel vm0, $0x13E, v2  }
0xca: {  	v1 =	vsel vm6, $0x295, v1;
	v0 =	vsel vm10, $0x3A8, v0;
	v2 =	vsel vm1, $0x143, v2  }
0xcb: {  	v11 =	vsel vm7, $0x2DA, v1;
	v1 =	vsel vm4, $0x20C, v32;
	v2 =	vsel vm2, $0x188, v2  }
0xcc: {  	[tilespmem:$0x1FAF0] =	vst v0;
	v32 =	vand.u32 $0xFF, v3;
	v3 =	vunpack.c.0.s8.s32 v40;
	v0 =	vsel vm8, $0x31F, v11  }
0xcd: {  	v1 =	vsel vm5, $0x251, v1;
	v11 =	vsel vm3, $0x1CD, v2;
	v2 =	vnsel vm11, $0x3F6, v32  }
0xce: {  	v0 =	vsel vm9, $0x364, v0;
	v1 =	vsel vm6, $0x296, v1;
	v2 =	vsel vm0, $0x13F, v2  }
0xcf: {  	v1 =	vsel vm7, $0x2DB, v1;
	v0 =	vsel vm10, $0x3A9, v0;
	v2 =	vsel vm1, $0x144, v2  }
0xd0: {  	v42 =	vsel vm8, $0x320, v1;
	v1 =	vsel vm3, $0x1C8, v43;
	v43 =	vand.u32 $0xFF, v3  }
0xd1: {  	[tilespmem:$0x1FB00] =	vst v0;
	v3 =	vunpack.c.0.s8.s32 v44;
	v0 =	vsel vm9, $0x365, v42;
	v1 =	vsel vm4, $0x20D, v1  }
0xd2: {  	v42 =	vsel vm2, $0x189, v2;
	v2 =	vnsel vm11, $0x3F7, v43;
	v1 =	vsel vm5, $0x252, v1  }
0xd3: {  	v0 =	vsel vm10, $0x3AA, v0;
	v2 =	vsel vm0, $0x100, v2;
	v48 =	vsel vm6, $0x297, v1  }
0xd4: {  	v1 =	vsel vm2, $0x184, v49;
	v49 =	vand.u32 $0xFF, v3;
	v3 =	vunpack.c.0.s8.s32 v50  }
0xd5: {  	[tilespmem:$0x1FB10] =	vst v0;
	v0 =	vsel vm7, $0x2DC, v48;
	v1 =	vsel vm3, $0x1C9, v1;
	v48 =	vsel vm1, $0x145, v2  }
0xd6: {  	v2 =	vnsel vm11, $0x3F8, v49;
	v0 =	vsel vm8, $0x321, v0;
	v1 =	vsel vm4, $0x20E, v1  }
0xd7: {  	v2 =	vsel vm0, $0x101, v2;
	v0 =	vsel vm9, $0x366, v0;
	v1 =	vsel vm5, $0x253, v1  }
0xd8: {  	v2 =	vsel vm1, $0x146, v2;
	v1 =	vsel vm6, $0x298, v1;
	v0 =	vsel vm10, $0x3AB, v0  }
0xd9: {  	v2 =	vsel vm2, $0x18B, v2;
	v53 =	vsel vm7, $0x2DD, v1;
	v1 =	vsel vm4, $0x20F, v57  }
0xda: {  	[tilespmem:$0x1FB20] =	vst v0;
	v57 =	vand.u32 $0xFF, v3;
	v3 =	vunpack.c.0.s8.s32 v58;
	v0 =	vsel vm8, $0x322, v53  }
0xdb: {  	v1 =	vsel vm5, $0x254, v1;
	v53 =	vsel vm3, $0x1D0, v2;
	v2 =	vnsel vm11, $0x3F9, v57  }
0xdc: {  	v0 =	vsel vm9, $0x367, v0;
	v1 =	vsel vm6, $0x299, v1;
	v2 =	vsel vm0, $0x102, v2  }
0xdd: {  	v1 =	vsel vm7, $0x2DE, v1;
	v0 =	vsel vm10, $0x3AC, v0;
	v2 =	vsel vm1, $0x147, v2  }
0xde: {  	v60 =	vsel vm8, $0x323, v1;
	v1 =	vsel vm3, $0x1CB, v61;
	v61 =	vand.u32 $0xFF, v3  }
0xdf: {  	[tilespmem:$0x1FB30] =	vst v0;
	v3 =	vunpack.c.0.s8.s32 v62;
	v0 =	vsel vm9, $0x368, v60;
	v1 =	vsel vm4, $0x210, v1  }
0xe0: {  	v60 =	vsel vm2, $0x18C, v2;
	v2 =	vnsel vm11, $0x3FA, v61;
	v1 =	vsel vm5, $0x255, v1  }
0xe1: {  	v0 =	vsel vm10, $0x3AD, v0;
	v2 =	vsel vm0, $0x103, v2;
	v5 =	vand.u32 $0xFF, v3  }
0xe2: {  	v6 =	vsel vm6, $0x29A, v1;
	v1 =	vsel vm2, $0x187, v7;
	v4 =	vsel vm1, $0x148, v2  }
0xe3: {  	[tilespmem:$0x1FB40] =	vst v0;
	v2 =	vnsel vm11, $0x3FB, v5;
	v0 =	vsel vm7, $0x2DF, v6;
	v1 =	vsel vm3, $0x1CC, v1  }
0xe4: {  	v2 =	vsel vm0, $0x104, v2;
	v6 =	vimm.s32 $0xC0BB7631;
	v0 =	vsel vm8, $0x324, v0  }
0xe5: {  	v1 =	vsel vm4, $0x211, v1;
	v2 =	vsel vm1, $0x149, v2;
	v3 =	vunpack.c.0.s8.s32 v6  }
0xe6: {  	v0 =	vsel vm9, $0x369, v0;
	v1 =	vsel vm5, $0x256, v1;
	v2 =	vsel vm2, $0x18E, v2  }
0xe7: {  	v1 =	vsel vm6, $0x29B, v1;
	v0 =	vsel vm10, $0x3AE, v0;
	v8 =	vsel vm3, $0x1D3, v2  }
0xe8: {  	v9 =	vand.u32 $0xFF, v3;
	v10 =	vsel vm7, $0x2E0, v1;
	v1 =	vsel vm4, $0x212, v11  }
0xe9: {  	[tilespmem:$0x1FB50] =	vst v0;
	v2 =	vnsel vm11, $0x3FC, v9;
	v9 =	vimm.s32 $0xC7827D38;
	v0 =	vsel vm8, $0x325, v10  }
0xea: {  	v1 =	vsel vm5, $0x257, v1;
	v2 =	vsel vm0, $0x105, v2;
	v10 =	vimm.s32 $0xC1BC7732  }
0xeb: {  	v0 =	vsel vm9, $0x36A, v0;
	v1 =	vsel vm6, $0x29C, v1;
	v2 =	vsel vm1, $0x14A, v2  }
0xec: {  	v3 =	vunpack.c.0.s8.s32 v10;
	v1 =	vsel vm7, $0x2E1, v1;
	v0 =	vsel vm10, $0x3AF, v0  }
0xed: {  	v32 =	vsel vm2, $0x18F, v2;
	v41 =	vsel vm8, $0x326, v1;
	v1 =	vsel vm3, $0x1CE, v42  }
0xee: {  	[tilespmem:$0x1FB60] =	vst v0;
	v40 =	vand.u32 $0xFF, v3;
	v0 =	vsel vm9, $0x36B, v41;
	v1 =	vsel vm4, $0x213, v1  }
0xef: {  	v2 =	vnsel vm11, $0x3FD, v40;
	v41 =	vimm.s32 $0xC2BD7833;
	v40 =	vimm.s32 $0xC8837E39  }
0xf0: {  	v1 =	vsel vm5, $0x258, v1;
	v0 =	vsel vm10, $0x3B0, v0;
	v2 =	vsel vm0, $0x106, v2  }
0xf1: {  	v3 =	vunpack.c.0.s8.s32 v41;
	v45 =	vsel vm6, $0x29D, v1;
	v1 =	vsel vm2, $0x18A, v48  }
0xf2: {  	[tilespmem:$0x1FB70] =	vst v0;
	v43 =	vsel vm1, $0x14B, v2;
	v0 =	vsel vm7, $0x2E2, v45;
	v1 =	vsel vm3, $0x1CF, v1  }
0xf3: {  	v44 =	vand.u32 $0xFF, v3;
	v45 =	vimm.s32 $0xC3BE7934;
	v0 =	vsel vm8, $0x327, v0  }
0xf4: {  	v1 =	vsel vm4, $0x214, v1;
	v2 =	vnsel vm11, $0x3FE, v44;
	v3 =	vunpack.c.0.s8.s32 v45  }
0xf5: {  	v44 =	vimm.s32 $0xC9847F3A;
	v0 =	vsel vm9, $0x36C, v0;
	v1 =	vsel vm5, $0x259, v1  }
0xf6: {  	v2 =	vsel vm0, $0x107, v2;
	v1 =	vsel vm6, $0x29E, v1;
	v0 =	vsel vm10, $0x3B1, v0  }
0xf7: {  	v2 =	vsel vm1, $0x14C, v2;
	v50 =	vand.u32 $0xFF, v3;
	v51 =	vsel vm7, $0x2E3, v1  }
0xf8: {  	[tilespmem:$0x1FB80] =	vst v0;
	v1 =	vsel vm4, $0x215, v53;
	v2 =	vsel vm2, $0x191, v2;
	v0 =	vsel vm8, $0x328, v51  }
0xf9: {  	v1 =	vsel vm5, $0x25A, v1;
	v49 =	vsel vm3, $0x1D6, v2;
	v2 =	vnsel vm11, $0x3FF, v50  }
0xfa: {  	v51 =	vimm.s32 $0xC4BF7A35;
	v50 =	vimm.s32 $0xCA85403B;
	v0 =	vsel vm9, $0x36D, v0  }
0xfb: {  	v1 =	vsel vm6, $0x29F, v1;
	v2 =	vsel vm0, $0x108, v2;
	v3 =	vunpack.c.0.s8.s32 v51  }
0xfc: {  	v1 =	vsel vm7, $0x2E4, v1;
	v0 =	vsel vm10, $0x3B2, v0;
	v2 =	vsel vm1, $0x14D, v2  }
0xfd: {  	v59 =	vsel vm8, $0x329, v1;
	v1 =	vsel vm3, $0x1D1, v60;
	v57 =	vsel vm2, $0x192, v2  }
0xfe: {  	[tilespmem:$0x1FB90] =	vst v0;
	v58 =	vand.u32 $0xFF, v3;
	v0 =	vsel vm9, $0x36E, v59;
	v1 =	vsel vm4, $0x216, v1  }
0xff: {  	v2 =	vnsel vm11, $0x3C0, v58;
	v59 =	vimm.s32 $0xC5807B36;
	v58 =	vimm.s32 $0xCB86413C  }
0x100: {  	v1 =	vsel vm5, $0x25B, v1;
	v0 =	vsel vm10, $0x3B3, v0;
	v2 =	vsel vm0, $0x109, v2  }
0x101: {  	v3 =	vunpack.c.0.s8.s32 v59;
	v63 =	vsel vm6, $0x2A0, v1;
	v1 =	vsel vm2, $0x18D, v4  }
0x102: {  	[tilespmem:$0x1FBA0] =	vst v0;
	v61 =	vsel vm1, $0x14E, v2;
	v0 =	vsel vm7, $0x2E5, v63;
	v1 =	vsel vm3, $0x1D2, v1  }
0x103: {  	v62 =	vand.u32 $0xFF, v3;
	v63 =	vimm.s32 $0xC6817C37;
	v0 =	vsel vm8, $0x32A, v0  }
0x104: {  	v1 =	vsel vm4, $0x217, v1;
	v2 =	vnsel vm11, $0x3C1, v62;
	v3 =	vunpack.c.0.s8.s32 v63  }
0x105: {  	v62 =	vimm.s32 $0xCC87423D;
	v0 =	vsel vm9, $0x36F, v0;
	v1 =	vsel vm5, $0x25C, v1  }
0x106: {  	v2 =	vsel vm0, $0x10A, v2;
	v1 =	vsel vm6, $0x2A1, v1;
	v0 =	vsel vm10, $0x3B4, v0  }
0x107: {  	v2 =	vsel vm1, $0x14F, v2;
	v7 =	vsel vm7, $0x2E6, v1;
	v1 =	vsel vm4, $0x218, v8  }
0x108: {  	v2 =	vsel vm2, $0x194, v2;
	v8 =	vand.u32 $0xFF, v3;
	v3 =	vunpack.c.0.s8.s32 v9  }
0x109: {  	[tilespmem:$0x1FBB0] =	vst v0;
	v9 =	vimm.s32 $0xCE89443F;
	v0 =	vsel vm8, $0x32B, v7;
	v1 =	vsel vm5, $0x25D, v1  }
0x10a: {  	v7 =	vsel vm3, $0x1D9, v2;
	v2 =	vnsel vm11, $0x3C2, v8;
	v8 =	vimm.s32 $0xCD88433E  }
0x10b: {  	v0 =	vsel vm9, $0x370, v0;
	v1 =	vsel vm6, $0x2A2, v1;
	v2 =	vsel vm0, $0x10B, v2  }
0x10c: {  	v1 =	vsel vm7, $0x2E7, v1;
	v0 =	vsel vm10, $0x3B5, v0;
	v2 =	vsel vm1, $0x150, v2  }
0x10d: {  	v11 =	vsel vm8, $0x32C, v1;
	v1 =	vsel vm3, $0x1D4, v32;
	v32 =	vand.u32 $0xFF, v3  }
0x10e: {  	[tilespmem:$0x1FBC0] =	vst v0;
	v3 =	vunpack.c.0.s8.s32 v40;
	v0 =	vsel vm9, $0x371, v11;
	v1 =	vsel vm4, $0x219, v1  }
0x10f: {  	v11 =	vsel vm2, $0x195, v2;
	v2 =	vnsel vm11, $0x3C3, v32;
	v1 =	vsel vm5, $0x25E, v1  }
0x110: {  	v21 =	vsel vm10, $0x3B6, v0;
	v2 =	vsel vm0, $0x10C, v2;
	v42 =	vsel vm6, $0x2A3, v1  }
0x111: {  	v1 =	vsel vm2, $0x190, v43;
	v43 =	vand.u32 $0xFF, v3;
	v3 =	vunpack.c.0.s8.s32 v44  }
0x112: {  	v0 =	vsel vm7, $0x2E8, v42;
	v1 =	vsel vm3, $0x1D5, v1;
	v42 =	vsel vm1, $0x151, v2  }
0x113: {  	v2 =	vnsel vm11, $0x3C4, v43;
	v43 =	vimm.s32 $0xC08B4601;
	v1 =	vsel vm4, $0x21A, v1  }
0x114: {  	v0 =	vsel vm8, $0x32D, v0;
	v2 =	vsel vm0, $0x10D, v2;
	v1 =	vsel vm5, $0x25F, v1  }
0x115: {  	v0 =	vsel vm9, $0x372, v0;
	v2 =	vsel vm1, $0x152, v2;
	v1 =	vsel vm6, $0x2A4, v1  }
0x116: {  	v16 =	vsel vm10, $0x3B7, v0;
	v2 =	vsel vm2, $0x197, v2;
	v48 =	vsel vm7, $0x2E9, v1  }
0x117: {  	v1 =	vsel vm4, $0x21B, v49;
	v49 =	vand.u32 $0xFF, v3;
	v3 =	vunpack.c.0.s8.s32 v50  }
0x118: {  	v0 =	vsel vm8, $0x32E, v48;
	v1 =	vsel vm5, $0x260, v1;
	v48 =	vsel vm3, $0x1DC, v2  }
0x119: {  	v2 =	vnsel vm11, $0x3C5, v49;
	v49 =	vimm.s32 $0xC18C4702;
	v1 =	vsel vm6, $0x2A5, v1  }
0x11a: {  	v0 =	vsel vm9, $0x373, v0;
	v2 =	vsel vm0, $0x10E, v2;
	v1 =	vsel vm7, $0x2EA, v1  }
0x11b: {  	v15 =	vsel vm10, $0x3B8, v0;
	v2 =	vsel vm1, $0x153, v2;
	v53 =	vsel vm8, $0x32F, v1  }
0x11c: {  	v1 =	vsel vm3, $0x1D7, v57;
	v57 =	vand.u32 $0xFF, v3;
	v3 =	vunpack.c.0.s8.s32 v58  }
0x11d: {  	v58 =	vimm.s32 $0x3E94FA50;
	v0 =	vsel vm9, $0x374, v53;
	v1 =	vsel vm4, $0x21C, v1  }
0x11e: {  	v53 =	vsel vm2, $0x198, v2;
	v2 =	vnsel vm11, $0x3C6, v57;
	v1 =	vsel vm5, $0x261, v1  }
0x11f: {  	v17 =	vsel vm10, $0x3B9, v0;
	v2 =	vsel vm0, $0x10F, v2;
	v60 =	vsel vm6, $0x2A6, v1  }
0x120: {  	v1 =	vsel vm2, $0x193, v61;
	v61 =	vand.u32 $0xFF, v3;
	v3 =	vunpack.c.0.s8.s32 v62  }
0x121: {  	v62 =	vimm.s32 $0xC72D83E9;
	v0 =	vsel vm7, $0x2EB, v60;
	v1 =	vsel vm3, $0x1D8, v1  }
0x122: {  	v60 =	vsel vm1, $0x154, v2;
	v2 =	vnsel vm11, $0x3C7, v61;
	v61 =	vimm.s32 $0xC28D4803  }
0x123: {  	v0 =	vsel vm8, $0x330, v0;
	v1 =	vsel vm4, $0x21D, v1;
	v2 =	vsel vm0, $0x110, v2  }
0x124: {  	v5 =	vand.u32 $0xFF, v3;
	v3 =	vunpack.c.0.s8.s32 v9;
	v9 =	vimm.s32 $0xC48F4A05  }
0x125: {  	v0 =	vsel vm9, $0x375, v0;
	v1 =	vsel vm5, $0x262, v1;
	v2 =	vsel vm1, $0x155, v2  }
0x126: {  	v1 =	vsel vm6, $0x2A7, v1;
	v18 =	vsel vm10, $0x3BA, v0;
	v2 =	vsel vm2, $0x19A, v2  }
0x127: {  	v6 =	vsel vm7, $0x2EC, v1;
	v1 =	vsel vm4, $0x21E, v7;
	v4 =	vsel vm3, $0x1DF, v2  }
0x128: {  	v2 =	vnsel vm11, $0x3C8, v5;
	v5 =	vimm.s32 $0xC7824D08;
	v1 =	vsel vm5, $0x263, v1  }
0x129: {  	v0 =	vsel vm8, $0x331, v6;
	v7 =	vsel vm0, $0x111, v2;
	v1 =	vsel vm6, $0x2A8, v1  }
0x12a: {  	v2 =	vunpack.c.0.s8.s32 v8;
	v8 =	vimm.s32 $0xC38E4904;
	v1 =	vsel vm7, $0x2ED, v1  }
0x12b: {  	v0 =	vsel vm9, $0x376, v0;
	v10 =	vsel vm8, $0x332, v1;
	v1 =	vsel vm3, $0x1DA, v11  }
0x12c: {  	v19 =	vsel vm10, $0x3BB, v0;
	v2 =	vand.u32 $0xFF, v2;
	v1 =	vsel vm4, $0x21F, v1  }
0x12d: {  	v11 =	vnsel vm11, $0x3C9, v2;
	v0 =	vsel vm9, $0x377, v10;
	v1 =	vsel vm5, $0x264, v1  }
0x12e: {  	v20 =	vsel vm10, $0x3BC, v0;
	v41 =	vsel vm6, $0x2A9, v1;
	v1 =	vsel vm2, $0x196, v42  }
0x12f: {  	v42 =	vand.u32 $0xFF, v3;
	v3 =	vunpack.c.0.s8.s32 v43;
	v1 =	vsel vm3, $0x1DB, v1  }
0x130: {  	v0 =	vsel vm7, $0x2EE, v41;
	v2 =	vnsel vm11, $0x3CA, v42;
	v1 =	vsel vm4, $0x220, v1  }
0x131: {  	v0 =	vsel vm8, $0x333, v0;
	v2 =	vsel vm0, $0x113, v2;
	v1 =	vsel vm5, $0x265, v1  }
0x132: {  	v0 =	vsel vm9, $0x378, v0;
	v2 =	vsel vm1, $0x158, v2;
	v1 =	vsel vm6, $0x2AA, v1  }
0x133: {  	v22 =	vsel vm10, $0x3BD, v0;
	v2 =	vsel vm2, $0x19D, v2;
	v45 =	vsel vm7, $0x2EF, v1  }
0x134: {  	v1 =	vsel vm4, $0x221, v48;
	v2 =	vsel vm3, $0x1E2, v2;
	v48 =	vand.u32 $0xFF, v3  }
0x135: {  	v3 =	vunpack.c.0.s8.s32 v49;
	v0 =	vsel vm8, $0x334, v45;
	v1 =	vsel vm5, $0x266, v1  }
0x136: {  	v45 =	vsel vm4, $0x227, v2;
	v2 =	vnsel vm11, $0x3CC, v48;
	v1 =	vsel vm6, $0x2AB, v1  }
0x137: {  	v0 =	vsel vm9, $0x379, v0;
	v2 =	vsel vm0, $0x105, v2;
	v1 =	vsel vm7, $0x2F0, v1  }
0x138: {  	v23 =	vsel vm10, $0x3BE, v0;
	v2 =	vsel vm1, $0x14A, v2;
	v51 =	vsel vm8, $0x335, v1  }
0x139: {  	v1 =	vsel vm3, $0x1DD, v53;
	v2 =	vsel vm2, $0x18F, v2;
	v53 =	vimm.s32 $0xB61C72D8  }
0x13a: {  	v0 =	vsel vm9, $0x37A, v51;
	v1 =	vsel vm4, $0x222, v1;
	v50 =	vsel vm3, $0x1C4, v2  }
0x13b: {  	v51 =	vand.u32 $0xFF, v3;
	v2 =	vunpack.c.l.s4.s8 v53;
	v1 =	vsel vm5, $0x267, v1  }
0x13c: {  	v3 =	vunpack.c.l.s4.s8 v58;
	v59 =	vsel vm6, $0x2AC, v1;
	v1 =	vsel vm2, $0x199, v60  }
0x13d: {  	v58 =	vimm.s32 $0xC8834E09;
	v32 =	vsel vm10, $0x3BF, v0;
	v1 =	vsel vm3, $0x1DE, v1  }
0x13e: {  	v2 =	vunpack.c.0.s8.s32 v2;
	v0 =	vsel vm7, $0x2F1, v59;
	v1 =	vsel vm4, $0x223, v1  }
0x13f: {  	v59 =	vunpack.c.0.s8.s32 v3;
	v0 =	vsel vm8, $0x336, v0;
	v1 =	vsel vm5, $0x268, v1  }
0x140: {  	[tilespmem:$0x1FBD0] =	vst v2;
	v2 =	vunpack.c.l.s4.s8 v62;
	v0 =	vsel vm9, $0x37B, v0;
	v1 =	vsel vm6, $0x2AD, v1  }
0x141: {  	[tilespmem:$0x1FBE0] =	vst v59;
	v59 =	vimm.s32 $0xC9844F0A;
	v63 =	vsel vm7, $0x2F2, v1;
	v1 =	vsel vm4, $0x224, v4  }
0x142: {  	v57 =	vsel vm10, $0x380, v0;
	v2 =	vunpack.c.0.s8.s32 v2;
	v1 =	vsel vm5, $0x269, v1  }
0x143: {  	v0 =	vsel vm8, $0x337, v63;
	v6 =	vsel vm6, $0x2AE, v1;
	v1 =	vsel vm1, $0x156, v7  }
0x144: {  	v63 =	vimm.s32 $0x4FA50B61;
	[tilespmem:$0x1FBF0] =	vst v2;
	v2 =	vunpack.c.0.s8.s32 v9;
	v1 =	vsel vm2, $0x19B, v1  }
0x145: {  	v0 =	vsel vm9, $0x37C, v0;
	v3 =	vunpack.c.l.s4.s8 v63;
	v1 =	vsel vm3, $0x1E0, v1  }
0x146: {  	v63 =	vimm.s32 $0xCB86410C;
	v40 =	vsel vm10, $0x381, v0;
	v1 =	vsel vm4, $0x225, v1  }
0x147: {  	v0 =	vsel vm7, $0x2F3, v6;
	v10 =	vsel vm5, $0x26A, v1;
	v1 =	vsel vm0, $0x112, v11  }
0x148: {  	v49 =	vand.u32 $0xFF, v2;
	v0 =	vsel vm8, $0x338, v0;
	v1 =	vsel vm1, $0x157, v1  }
0x149: {  	v6 =	vunpack.c.0.s8.s32 v3;
	v0 =	vsel vm9, $0x37D, v0;
	v1 =	vsel vm2, $0x19C, v1  }
0x14a: {  	v41 =	vsel vm10, $0x382, v0;
	v0 =	vsel vm6, $0x2AF, v10;
	v1 =	vsel vm3, $0x1E1, v1  }
0x14b: {  	[tilespmem:$0x1FC00] =	vst v6;
	v6 =	vnsel vm11, $0x3C0, v49;
	v0 =	vsel vm7, $0x2F4, v0;
	v1 =	vsel vm4, $0x226, v1  }
0x14c: {  	v10 =	vimm.s32 $0xC5804B06;
	v0 =	vsel vm8, $0x339, v0;
	v1 =	vsel vm5, $0x26B, v1  }
0x14d: {  	v0 =	vsel vm9, $0x37E, v0;
	v44 =	vsel vm6, $0x2B0, v1;
	v1 =	vsel vm5, $0x26C, v45  }
0x14e: {  	v42 =	vsel vm10, $0x383, v0;
	v0 =	vsel vm7, $0x2F5, v44;
	v1 =	vsel vm6, $0x2B1, v1  }
0x14f: {  	v6 =	vsel vm0, $0x109, v6;
	v0 =	vsel vm8, $0x33A, v0;
	v1 =	vsel vm7, $0x2F6, v1  }
0x150: {  	v48 =	vunpack.c.0.s8.s32 v10;
	v0 =	vsel vm9, $0x37F, v0;
	v1 =	vsel vm8, $0x33B, v1  }
0x151: {  	v1 =	vsel vm9, $0x340, v1;
	v43 =	vsel vm10, $0x384, v0;
	v0 =	vsel vm4, $0x209, v50  }
0x152: {  	v50 =	vimm.s32 $0xC6814C07;
	v44 =	vsel vm10, $0x385, v1;
	v0 =	vsel vm5, $0x24E, v0  }
0x153: {  	v1 =	vnsel vm11, $0x3CD, v51;
	v2 =	vunpack.c.0.s8.s32 v50;
	v51 =	vunpack.c.0.s8.s32 v5  }
0x154: {  	v5 =	vunpack.c.0.s8.s32 v59;
	v50 =	vand.u32 $0xFF, v12;
	v12 =	vimm.s32 $0x50B61C72  }
0x155: {  	v0 =	vsel vm6, $0x283, v0;
	v1 =	vsel vm0, $0x106, v1;
	v12 =	vunpack.c.l.s4.s8 v12  }
0x156: {  	v0 =	vsel vm7, $0x2C8, v0;
	v1 =	vsel vm1, $0x14B, v1;
	v53 =	vand.u32 $0xFF, v2  }
0x157: {  	v2 =	vunpack.c.0.s8.s32 v58;
	v62 =	vand.u32 $0xFF, v5;
	v0 =	vsel vm8, $0x30D, v0  }
0x158: {  	v58 =	vimm.s32 $0xE94FA50B;
	v1 =	vsel vm2, $0x180, v1;
	v0 =	vsel vm9, $0x342, v0  }
0x159: {  	v10 =	vnsel vm11, $0x3C5, v62;
	v1 =	vsel vm3, $0x1C5, v1;
	v45 =	vsel vm10, $0x387, v0  }
0x15a: {  	v60 =	vsel vm4, $0x20A, v1;
	v1 =	vunpack.c.0.s8.s32 v61;
	v61 =	vand.u32 $0xFF, v2  }
0x15b: {  	v0 =	vsel vm5, $0x24F, v60;
	v60 =	vimm.s32 $0xCA85400B;
	v5 =	vnsel vm11, $0x3C4, v61  }
0x15c: {  	v61 =	vimm.s32 $0xFA50B61C;
	v0 =	vsel vm6, $0x284, v0;
	v1 =	vand.u32 $0xFF, v1  }
0x15d: {  	v5 =	vsel vm0, $0x10D, v5;
	v0 =	vsel vm7, $0x2C9, v0;
	v1 =	vnsel vm11, $0x3CE, v1  }
0x15e: {  	v5 =	vsel vm1, $0x142, v5;
	v0 =	vsel vm8, $0x30E, v0;
	v1 =	vsel vm0, $0x107, v1  }
0x15f: {  	v0 =	vsel vm9, $0x343, v0;
	v7 =	vsel vm1, $0x14C, v1;
	v1 =	vunpack.c.0.s8.s32 v8  }
0x160: {  	v8 =	vnsel vm11, $0x3C2, v53;
	v53 =	vunpack.c.0.s8.s32 v12;
	v12 =	vimm.s32 $0x61C72D83  }
0x161: {  	v5 =	vsel vm2, $0x187, v5;
	v0 =	vsel vm10, $0x388, v0;
	v59 =	vunpack.c.l.s4.s8 v12  }
0x162: {  	[tilespmem:$0x1FC10] =	vst v0;
	v0 =	vsel vm2, $0x181, v7;
	v11 =	vand.u32 $0xFF, v1;
	v1 =	vand.u32 $0xFF, v48  }
0x163: {  	[tilespmem:$0x1FC30] =	vst v53;
	v53 =	vimm.s32 $0x83E94FA5;
	v0 =	vsel vm3, $0x1C6, v0;
	v3 =	vnsel vm11, $0x3CF, v11  }
0x164: {  	v7 =	vnsel vm11, $0x3C1, v1;
	v1 =	vunpack.c.0.s8.s32 v63;
	v11 =	vimm.s32 $0xCC87420D  }
0x165: {  	v4 =	vsel vm4, $0x20B, v0;
	v0 =	vand.u32 $0xFF, v51;
	v2 =	vunpack.c.0.s8.s32 v11  }
0x166: {  	v11 =	vimm.s32 $0xCD88430E;
	v51 =	vimm.s32 $0xD83E94FA;
	v3 =	vsel vm0, $0x108, v3  }
0x167: {  	v63 =	vsel vm0, $0x10A, v7;
	v9 =	vnsel vm11, $0x3C3, v0;
	v0 =	vunpack.c.0.s8.s32 v60  }
0x168: {  	v1 =	vand.u32 $0xFF, v1;
	v11 =	vunpack.c.0.s8.s32 v11;
	v4 =	vsel vm5, $0x240, v4  }
0x169: {  	v3 =	vsel vm1, $0x14D, v3;
	v60 =	vsel vm1, $0x14E, v6;
	v6 =	vunpack.c.l.s4.s8 v61  }
0x16a: {  	v14 =	vnsel vm11, $0x3C7, v1;
	v48 =	vand.u32 $0xFF, v2;
	v1 =	vnsel vm11, $0x3CA, v50  }
0x16b: {  	v4 =	vsel vm6, $0x285, v4;
	v3 =	vsel vm2, $0x182, v3;
	v0 =	vand.u32 $0xFF, v0  }
0x16c: {  	v2 =	vnsel vm11, $0x3C8, v48;
	v49 =	vand.u32 $0xFF, v11;
	v11 =	vunpack.c.l.s4.s8 v51  }
0x16d: {  	v4 =	vsel vm7, $0x2CA, v4;
	v3 =	vsel vm3, $0x1C7, v3;
	v6 =	vunpack.c.0.s8.s32 v6  }
0x16e: {  	v48 =	vimm.s32 $0xB61C72D;
	v51 =	vsel vm0, $0x10B, v8;
	v13 =	vnsel vm11, $0x3C6, v0  }
0x16f: {  	v0 =	vnsel vm11, $0x3C9, v49;
	v4 =	vsel vm8, $0x30F, v4;
	v3 =	vsel vm4, $0x20C, v3  }
0x170: {  	v7 =	vunpack.c.l.s4.s8 v48;
	v11 =	vunpack.c.0.s8.s32 v11;
	v4 =	vsel vm9, $0x344, v4  }
0x171: {  	v48 =	vimm.s32 $0x2D83E94F;
	v3 =	vsel vm5, $0x241, v3;
	v4 =	vsel vm10, $0x389, v4  }
0x172: {  	v3 =	vsel vm6, $0x286, v3;
	v50 =	vunpack.c.0.s8.s32 v7;
	[tilespmem:$0x1FC20] =	vst v11;
	v11 =	vunpack.c.l.s4.s8 v58  }
0x173: {  	[tilespmem:$0x1FC40] =	vst v4;
	v4 =	vunpack.c.0.s8.s32 v59;
	v3 =	vsel vm7, $0x2CB, v3;
	v58 =	vimm.s32 $0x1C72D83E  }
0x174: {  	v59 =	vimm.s32 $0x94FA50B6;
	v3 =	vsel vm8, $0x300, v3;
	v11 =	vunpack.c.0.s8.s32 v11  }
0x175: {  	v7 =	vunpack.c.l.s4.s8 v58;
	v8 =	vunpack.c.l.s4.s8 v59;
	[tilespmem:$0x1FC60] =	vst v4;
	v4 =	vsel vm2, $0x183, v60  }
0x176: {  	v3 =	vsel vm9, $0x345, v3;
	v4 =	vsel vm3, $0x1C8, v4;
	[tilespmem:$0x1FC50] =	vst v11;
	v11 =	vimm.s32 $0x72D83E94  }
0x177: {  	[tilespmem:$0x1FC80] =	vst v6;
	v3 =	vsel vm10, $0x38A, v3;
	v62 =	vsel vm4, $0x20D, v4;
	v6 =	vunpack.c.l.s4.s8 v11  }
0x178: {  	v61 =	vunpack.c.0.s8.s32 v7;
	[tilespmem:$0x1FC70] =	vst v3;
	v4 =	vsel vm1, $0x14F, v63;
	v3 =	vsel vm5, $0x242, v62  }
0x179: {  	v4 =	vsel vm2, $0x184, v4;
	v3 =	vsel vm6, $0x287, v3;
	v6 =	vunpack.c.0.s8.s32 v6  }
0x17a: {  	v63 =	vsel vm0, $0x10C, v9;
	v4 =	vsel vm3, $0x1C9, v4;
	v3 =	vsel vm7, $0x2CC, v3  }
0x17b: {  	v4 =	vsel vm4, $0x20E, v4;
	v3 =	vsel vm8, $0x301, v3;
	[tilespmem:$0x1FC90] =	vst v6;
	v6 =	vunpack.c.l.s4.s8 v53  }
0x17c: {  	v9 =	vsel vm3, $0x1CC, v5;
	v4 =	vsel vm5, $0x243, v4;
	v3 =	vsel vm9, $0x346, v3  }
0x17d: {  	[tilespmem:$0x1FCB0] =	vst v50;
	v49 =	vsel vm6, $0x288, v4;
	v3 =	vsel vm10, $0x38B, v3;
	v6 =	vunpack.c.0.s8.s32 v6  }
0x17e: {  	v5 =	vunpack.c.l.s4.s8 v48;
	[tilespmem:$0x1FCA0] =	vst v3;
	v3 =	vsel vm7, $0x2CD, v49;
	v49 =	vimm.s32 $0xA50B61C7  }
0x17f: {  	s2 =	rddreg [dreg:$0x0];
	v62 =	vunpack.c.0.s8.s32 v8;
	[tilespmem:$0x1FCC0] =	vst v6;
	v6 =	vunpack.c.l.s4.s8 v49  }
0x180: {  	s7 =	rddreg [dreg:$0x1];
	[tilespmem:$0x1FCD0] =	vst v61;
	v5 =	vunpack.c.0.s8.s32 v5  }
0x181: {  	s0 =	rddreg [dreg:$0x2];
	[tilespmem:$0x1FCE0] =	vst v62;
	v50 =	vunpack.c.0.s8.s32 v6  }
0x182: {  	s1 =	rddreg [dreg:$0x3];
	s4 =	simm.s32 $0x0;
	[tilespmem:$0x1FCF0] =	vst v5  }
0x183: {  	[smem:$0x7FF] =	sst s4;
	[tilespmem:$0x1FD00] =	vst v50  }
0x184: {  	s3 =	rddreg [dreg:$0x4];
	_ =	strace $0x80000047;
	[tilespmem:$0x1FD10] =	vst v35  }
0x185: {  	[tilespmem:$0x1FD20] =	vst v36  }
0x186: {  	[tilespmem:$0x1FD30] =	vst v37  }
0x187: {  	[tilespmem:$0x1FD40] =	vst v33  }
0x188: {  	[tilespmem:$0x1FD50] =	vst v34  }
0x189: {  	[tilespmem:$0x1FD60] =	vst v46  }
0x18a: {  	[tilespmem:$0x1FD70] =	vst v52  }
0x18b: {  	[tilespmem:$0x1FD80] =	vst v47  }
0x18c: {  	[tilespmem:$0x1FD90] =	vst v54  }
0x18d: {  	[tilespmem:$0x1FDA0] =	vst v55  }
0x18e: {  	[tilespmem:$0x1FDB0] =	vst v56  }
0x18f: {  	[tilespmem:$0x1FDC0] =	vst v39  }
0x190: {  	v1 =	vsel vm0, $0x103, v1;
	v2 =	vsel vm0, $0x101, v2;
	[tilespmem:$0x1FDD0] =	vst v24  }
0x191: {  	v1 =	vsel vm1, $0x148, v1;
	v2 =	vsel vm1, $0x146, v2;
	[tilespmem:$0x1FDE0] =	vst v25  }
0x192: {  	v0 =	vsel vm0, $0x102, v0;
	v1 =	vsel vm2, $0x18D, v1;
	v2 =	vsel vm2, $0x18B, v2;
	[tilespmem:$0x1FDF0] =	vst v26  }
0x193: {  	v0 =	vsel vm1, $0x147, v0;
	v1 =	vsel vm3, $0x1C2, v1;
	v2 =	vsel vm3, $0x1C0, v2;
	[tilespmem:$0x1FE00] =	vst v27  }
0x194: {  	v0 =	vsel vm2, $0x18C, v0;
	v1 =	vsel vm4, $0x207, v1;
	v58 =	vsel vm0, $0x10E, v10;
	[tilespmem:$0x1FE10] =	vst v28  }
0x195: {  	v59 =	vsel vm0, $0x10F, v13;
	v2 =	vsel vm4, $0x205, v2;
	v0 =	vsel vm3, $0x1C1, v0;
	[tilespmem:$0x1FE20] =	vst v29  }
0x196: {  	v1 =	vsel vm5, $0x24C, v1;
	v2 =	vsel vm5, $0x24A, v2;
	v0 =	vsel vm4, $0x206, v0;
	[tilespmem:$0x1FE30] =	vst v30  }
0x197: {  	v1 =	vsel vm6, $0x281, v1;
	v2 =	vsel vm6, $0x28F, v2;
	v0 =	vsel vm5, $0x24B, v0;
	[tilespmem:$0x1FE40] =	vst v31  }
0x198: {  	v1 =	vsel vm7, $0x2C6, v1;
	v2 =	vsel vm7, $0x2C4, v2;
	v4 =	vsel vm1, $0x140, v51;
	[tilespmem:$0x1FE50] =	vst v21  }
0x199: {  	v0 =	vsel vm6, $0x280, v0;
	v1 =	vsel vm8, $0x30B, v1;
	v4 =	vsel vm2, $0x185, v4;
	[tilespmem:$0x1FE60] =	vst v16  }
0x19a: {  	v2 =	vsel vm8, $0x309, v2;
	v0 =	vsel vm7, $0x2C5, v0;
	v4 =	vsel vm3, $0x1CA, v4;
	[tilespmem:$0x1FE70] =	vst v15  }
0x19b: {  	v1 =	vsel vm9, $0x340, v1;
	v3 =	vsel vm8, $0x302, v3;
	v4 =	vsel vm4, $0x20F, v4;
	[tilespmem:$0x1FE80] =	vst v17  }
0x19c: {  	v2 =	vsel vm9, $0x34E, v2;
	v3 =	vsel vm9, $0x347, v3;
	v60 =	vsel vm5, $0x244, v4;
	[tilespmem:$0x1FE90] =	vst v18  }
0x19d: {  	v0 =	vsel vm8, $0x30A, v0;
	v11 =	vsel vm10, $0x38C, v3;
	v3 =	vsel vm6, $0x289, v60;
	[tilespmem:$0x1FEA0] =	vst v19  }
0x19e: {  	v1 =	vsel vm10, $0x385, v1;
	v4 =	vsel vm1, $0x141, v63;
	v3 =	vsel vm7, $0x2CE, v3;
	[tilespmem:$0x1FEB0] =	vst v20  }
0x19f: {  	v2 =	vsel vm10, $0x383, v2;
	v4 =	vsel vm2, $0x186, v4;
	v3 =	vsel vm8, $0x303, v3;
	[tilespmem:$0x1FEC0] =	vst v22  }
0x1a0: {  	v8 =	vsel vm3, $0x1CB, v4;
	v4 =	vsel vm4, $0x201, v9;
	v3 =	vsel vm9, $0x348, v3;
	[tilespmem:$0x1FED0] =	vst v23  }
0x1a1: {  	v4 =	vsel vm5, $0x246, v4;
	v7 =	vsel vm10, $0x38D, v3;
	v3 =	vsel vm4, $0x200, v8;
	[tilespmem:$0x1FEE0] =	vst v32  }
0x1a2: {  	v0 =	vsel vm9, $0x34F, v0;
	v4 =	vsel vm6, $0x28B, v4;
	[tilespmem:$0x1FEF0] =	vst v57;
	v3 =	vsel vm5, $0x245, v3  }
0x1a3: {  	v0 =	vsel vm10, $0x384, v0;
	v4 =	vsel vm7, $0x2C0, v4;
	[tilespmem:$0x1FF00] =	vst v40;
	v3 =	vsel vm6, $0x28A, v3  }
0x1a4: {  	v60 =	vsel vm0, $0x100, v14;
	[tilespmem:$0x1FF10] =	vst v41;
	v4 =	vsel vm8, $0x305, v4;
	v3 =	vsel vm7, $0x2CF, v3  }
0x1a5: {  	v5 =	vsel vm1, $0x145, v60;
	[tilespmem:$0x1FF20] =	vst v42;
	v4 =	vsel vm9, $0x34A, v4;
	v3 =	vsel vm8, $0x304, v3  }
0x1a6: {  	v5 =	vsel vm2, $0x18A, v5;
	[tilespmem:$0x1FF30] =	vst v43;
	v53 =	vsel vm10, $0x38F, v4;
	v3 =	vsel vm9, $0x349, v3  }
0x1a7: {  	[tilespmem:$0x1FF40] =	vst v44;
	v4 =	vsel vm1, $0x144, v59;
	v51 =	vsel vm10, $0x38E, v3;
	v3 =	vsel vm1, $0x143, v58  }
0x1a8: {  	s6 =	srdreg.scid;
	s14 =	simm.s32 $0x18200;
	v5 =	vsel vm3, $0x1CF, v5;
	[tilespmem:$0x1FF50] =	vst v45;
	v4 =	vsel vm2, $0x189, v4;
	v3 =	vsel vm2, $0x188, v3  }
0x1a9: {  	s5 =	stileid.u32;
	s15 =	simm.s32 $0x18600;
	s16 =	simm.s32 $0x200;
	v5 =	vsel vm4, $0x204, v5;
	[tilespmem:$0x1FF60] =	vst v11;
	v4 =	vsel vm3, $0x1CE, v4;
	v3 =	vsel vm3, $0x1CD, v3  }
0x1aa: {  	s13 =	simm.s32 $0x5;
	s17 =	simm.s32 $0x2000;
	s18 =	simm.s32 $0x8000;
	[tilespmem:$0x1FFD0] =	vst v2;
	v5 =	vsel vm5, $0x249, v5;
	v4 =	vsel vm4, $0x203, v4;
	v3 =	vsel vm4, $0x202, v3  }
0x1ab: {  	s19 =	simm.s32 $0x5000;
	s20 =	simm.s32 $0x10000;
	s21 =	simm.s32 $0x1;
	[tilespmem:$0x1FFE0] =	vst v0;
	v5 =	vsel vm6, $0x28E, v5;
	v4 =	vsel vm5, $0x248, v4;
	v3 =	vsel vm5, $0x247, v3  }
0x1ac: {  	s22 =	simm.s32 $0x3;
	s23 =	simm.s32 $0x18000;
	s24 =	simm.s32 $0x2;
	[tilespmem:$0x1FFF0] =	vst v1;
	v5 =	vsel vm7, $0x2C3, v5;
	v4 =	vsel vm6, $0x28D, v4;
	v3 =	vsel vm6, $0x28C, v3  }
0x1ad: {  	s25 =	simm.s32 $0x4;
	s26 =	simm.s32 $0x0;
	s8 =	sand.u32 $0x1, s6;
	[tilespmem:$0x1FF70] =	vst v7;
	v5 =	vsel vm8, $0x308, v5;
	v4 =	vsel vm7, $0x2C2, v4;
	v3 =	vsel vm7, $0x2C1, v3  }
.Ltmp0:
0x1ae: {  	s9 =	sshll.u32 s5, $0x1;
	s6 =	sadd.s32 $0x400, s7;
	[tilespmem:$0x1FF90] =	vst v53;
	v63 =	vsel vm9, $0x34D, v5;
	v4 =	vsel vm8, $0x307, v4;
	v3 =	vsel vm8, $0x306, v3;
	(pc) =	sbr.rel .LBB2_1-.Ltmp0, $4  }
0x1af: {  	s7 =	sadd.s32 $0x7A00, s7;
	s10 =	ssub.s32 $0x2, s8;
	s9 =	sor.u32 s8, s9;
	[tilespmem:$0x1FF80] =	vst v51;
	v62 =	vsel vm9, $0x34C, v4;
	v4 =	vsel vm10, $0x382, v63;
	v3 =	vsel vm9, $0x34B, v3  }
0x1b0: {  	s30 =	sshrl.u32 s10, $0x1;
	s11 =	sshll.u32 s9, $0x10;
	s31 =	sshll.u32 s9, $0xA;
	[tilespmem:$0x1FFC0] =	vst v4;
	v61 =	vsel vm10, $0x380, v3  }
0x1b1: {  	s9 =	sshll.u32 s9, $0xD;
	s12 =	ssub.s32 s10, s30;
	s8 =	sadd.s32 s0, s11;
	v3 =	vsel vm10, $0x381, v62;
	[tilespmem:$0x1FFA0] =	vst v61  }
0x1b2: {  	s10 =	sadd.s32 s2, s31;
	s11 =	sadd.s32 $0x1000, s8;
	s12 =	smax.u32 s12, $0x1;
	v14 =	vlaneseq.u32;
	[tilespmem:$0x1FFB0] =	vst v3  }
.LBB2_8:
0x1b3: {  	v33 =	vld [tilespmem:$0x1FD40]  }
0x1b4: {  	v34 =	vld [tilespmem:$0x1FD50]  }
0x1b5: {  	v46 =	vld [tilespmem:$0x1FD60]  }
0x1b6: {  	v52 =	vld [tilespmem:$0x1FD70]  }
0x1b7: {  	v47 =	vld [tilespmem:$0x1FD80]  }
0x1b8: {  	v54 =	vld [tilespmem:$0x1FD90]  }
0x1b9: {  	v55 =	vld [tilespmem:$0x1FDA0]  }
0x1ba: {  	v56 =	vld [tilespmem:$0x1FDB0]  }
0x1bb: {  	v39 =	vld [tilespmem:$0x1FDC0]  }
0x1bc: {  	v21 =	vld [tilespmem:$0x1FE50]  }
0x1bd: {  	v16 =	vld [tilespmem:$0x1FE60]  }
0x1be: {  	v15 =	vld [tilespmem:$0x1FE70]  }
0x1bf: {  	v17 =	vld [tilespmem:$0x1FE80]  }
0x1c0: {  	v18 =	vld [tilespmem:$0x1FE90]  }
0x1c1: {  	v19 =	vld [tilespmem:$0x1FEA0]  }
0x1c2: {  	v20 =	vld [tilespmem:$0x1FEB0]  }
0x1c3: {  	v22 =	vld [tilespmem:$0x1FEC0]  }
0x1c4: {  	v23 =	vld [tilespmem:$0x1FED0]  }
0x1c5: {  	v32 =	vld [tilespmem:$0x1FEE0]  }
0x1c6: {  	s26 =	sadd.s32 $0x1, s26;
	v57 =	vld [tilespmem:$0x1FEF0]  }
0x1c7: {  	v40 =	vld [tilespmem:$0x1FF00];
	p0 =	sne.s32 s26, s12  }
.Ltmp1:
0x1c8: {  	v41 =	vld [tilespmem:$0x1FF10];
	(pc) =	sbr.rel @!p0 .LBB2_9-.Ltmp1, $4  }
0x1c9: {  	v42 =	vld [tilespmem:$0x1FF20]  }
0x1ca: {  	v43 =	vld [tilespmem:$0x1FF30]  }
0x1cb: {  	v44 =	vld [tilespmem:$0x1FF40]  }
0x1cc: {  	v45 =	vld [tilespmem:$0x1FF50];
	v14 =	vlaneseq.u32  }
.LBB2_1:
0x1cd: {  	[tilespmem:s4], [sflag:$0x5] =	stream.linear.gather [hbm4b:s10+s4], $0x2000, $0x38;
	[tilespmem:$0x18610] =	vst v63  }
0x1ce: {  	_ =	swait.ge [sflag:s13], $0x2000  }
0x1cf: {  	[sflag:s13] =	ssyncset.done $0x0  }
0x1d0: {  	[sflag:s13] =	ssyncadd.s32 $0xFFFFE000  }
0x1d1: {  	[tilespmem:s14], [sflag:$0x5] =	stream.linear.gather [hbm4b:s7+s4], $0x400, $0x38;
	[tilespmem:$0x18610] =	vst v63  }
0x1d2: {  	_ =	swait.ge [sflag:s13], $0x400  }
0x1d3: {  	[sflag:s13] =	ssyncset.done $0x0  }
0x1d4: {  	[sflag:s13] =	ssyncadd.s32 $0xFFFFFC00  }
0x1d5: {  	[tilespmem:s15], [sflag:$0x5] =	stream.linear.gather [hbm4b:s1+s4], $0x10, $0x38;
	[tilespmem:$0x18610] =	vst v63  }
0x1d6: {  	_ =	swait.ge [sflag:s13], $0x10  }
0x1d7: {  	[sflag:s13] =	ssyncset.done $0x0  }
0x1d8: {  	[sflag:s13] =	ssyncadd.s32 $0xFFFFFFF0  }
0x1d9: {  	v0 =	vld.msk [tilespmem:$0x18600 ss:$0x0], $0xffff;
	[tilespmem:s17], [sflag:$0x1] =	stream.indirect.gather [hbm4b:s6+s16], $0x18, s4, s16, $0xb8  }
0x1da: {  	_ = 	snop  }
0x1db: {  	[tilespmem:s18], [sflag:$0x3] =	stream.linear.gather [hbm4b:s8+s4], $0x8000, $0x38;
	[tilespmem:$0x18610] =	vst v63  }
0x1dc: {  	_ = 	snop  }
0x1dd: {  	[tilespmem:s19], [sflag:$0x2] =	stream.indirect.gather [hbm4b:s6+s16], $0x18, s16, s16, $0xb8;
	[tilespmem:$0x18610] =	vst v63  }
0x1de: {  	s28 =	simm.s32 $0x0;
	[tilespmem:$0x1FA00] =	vst v0  }
0x1df: {  	[tilespmem:s20], [sflag:$0x4] =	stream.linear.gather [hbm4b:s11+s4], $0x8000, $0x38;
	[tilespmem:$0x18610] =	vst v63  }
.LBB2_2:
0x1e0: {  	_ =	swait.ge [sflag:s21], $0x3000;
	s29 =	simm.s32 $0x0  }
0x1e1: {  	[sflag:s21] =	ssyncset.done $0x0;
	v0 =	vor.u32 s29, v44  }
0x1e2: {  	[sflag:s21] =	ssyncadd.s32 $0xFFFFD000  }
0x1e3: {  	v1 =	vor.u32 s29, v43;
	_ =	swait.ge [sflag:s22], $0x8000  }
0x1e4: {  	v2 =	vor.u32 s29, v42;
	[sflag:s22] =	ssyncset.done $0x0  }
0x1e5: {  	v8 =	vld [tilespmem:$0x1FA10];
	[sflag:s22] =	ssyncadd.s32 $0xFFFF8000  }
0x1e6: {  	v0 =	vld.idx.msk [tilespmem:v0+s18+$0x0], $0xffff  }
0x1e7: {  	v4 =	vor.u32 s29, v22;
	v3 =	vld [tilespmem:$0x185F0]  }
0x1e8: {  	v1 =	vld.idx.msk [tilespmem:v1+s18+$0x0], $0xffff  }
0x1e9: {  	v2 =	vld.idx.msk [tilespmem:v2+s18+$0x0], $0xffff  }
0x1ea: {  	v7 =	vor.u32 s29, v20;
	v61 =	vld [tilespmem:$0x185B0]  }
0x1eb: {  	v9 =	vor.u32 s29, v19;
	v63 =	vld [tilespmem:$0x185A0]  }
0x1ec: {  	v13 =	vor.u32 s29, v17;
	v5 =	vld.idx.msk [tilespmem:v4+s18+$0x0], $0xffff  }
0x1ed: {  	v6 =	vld [tilespmem:$0x18570]  }
0x1ee: {  	[tilespmem:$0x1F970] =	vst v3;
	v3 =	vld [tilespmem:$0x185E0]  }
0x1ef: {  	v7 =	vld.idx.msk [tilespmem:v7+s18+$0x0], $0xffff;
	[tilespmem:$0x1F960] =	vst v0;
	v0 =	vor.u32 s29, v41  }
0x1f0: {  	v17 =	vor.u32 s29, v16;
	v9 =	vld.idx.msk [tilespmem:v9+s18+$0x0], $0xffff  }
0x1f1: {  	v13 =	vld.idx.msk [tilespmem:v13+s18+$0x0], $0xffff  }
0x1f2: {  	v60 =	vor.u32 s29, v14;
	v14 =	vld [tilespmem:$0x18530]  }
0x1f3: {  	[tilespmem:$0x1F990] =	vst v3;
	v3 =	vld [tilespmem:$0x185D0]  }
0x1f4: {  	v4 =	vor.u32 s29, v18;
	v8 =	vsel vm0, $0x104, v8;
	v0 =	vld.idx.msk [tilespmem:v0+s18+$0x0], $0xffff  }
0x1f5: {  	v17 =	vld.idx.msk [tilespmem:v17+s18+$0x0], $0xffff;
	v10 =	vsel vm1, $0x149, v8  }
0x1f6: {  	v8 =	vld [tilespmem:$0x18560];
	[tilespmem:$0x1F980] =	vst v1;
	v1 =	vor.u32 s29, v40;
	v10 =	vsel vm2, $0x18E, v10  }
0x1f7: {  	[tilespmem:$0x1F9A0] =	vst v2;
	v2 =	vor.u32 s29, v57;
	v11 =	vsel vm3, $0x1C3, v10;
	v10 =	vld [tilespmem:$0x18550]  }
0x1f8: {  	[tilespmem:$0x1F9B0] =	vst v3;
	v3 =	vld [tilespmem:$0x185C0]  }
0x1f9: {  	v12 =	vsel vm4, $0x208, v11;
	v11 =	vld.idx.msk [tilespmem:v4+s18+$0x0], $0xffff;
	[tilespmem:$0x1F9C0] =	vst v0;
	v0 =	vor.u32 s29, v32  }
0x1fa: {  	v15 =	vor.u32 s29, v15;
	v4 =	vsel vm5, $0x24D, v12;
	v12 =	vld [tilespmem:$0x18540]  }
0x1fb: {  	v59 =	vld.idx.msk [tilespmem:v1+s18+$0x0], $0xffff  }
0x1fc: {  	v4 =	vsel vm6, $0x282, v4;
	v62 =	vld.idx.msk [tilespmem:v2+s18+$0x0], $0xffff  }
0x1fd: {  	v1 =	vld [tilespmem:$0x18590];
	v16 =	vsel vm7, $0x2C7, v4;
	[tilespmem:$0x1F9D0] =	vst v3;
	v3 =	vor.u32 s29, v23  }
0x1fe: {  	v18 =	vsel vm8, $0x30C, v16;
	v0 =	vld.idx.msk [tilespmem:v0+s18+$0x0], $0xffff  }
0x1ff: {  	v16 =	vld.idx.msk [tilespmem:v15+s18+$0x0], $0xffff;
	v19 =	vsel vm9, $0x341, v18  }
0x200: {  	v15 =	vld [tilespmem:$0x18520];
	v19 =	vsel vm10, $0x386, v19  }
0x201: {  	v22 =	vor.u32 s29, v21;
	v4 =	vmul.u32 $0x18, v60;
	[tilespmem:$0x1F9F0] =	vst v19;
	v21 =	vor.u32 s29, v19;
	v19 =	vld [tilespmem:$0x18510]  }
0x202: {  	v18 =	vor.u32 s29, v45;
	v2 =	vld.idx.msk [tilespmem:v3+s18+$0x0], $0xffff  }
0x203: {  	s30 =	simm.s32 $0x10;
	v31 =	vmovc v39;
	v43 =	vmovc v47;
	v41 =	vmov v46;
	v20 =	vadd.s32 $0x10, v4;
	v23 =	vor.u32 s29, v38;
	[tilespmem:$0x1F9E0] =	vst v0;
	v3 =	vld [tilespmem:$0x18580]  }
.LBB2_3:
0x204: {  	v0 =	vld [tilespmem:$0x1FA20];
	_ =	sdelay $0x2  }
0x205: {  	v58 =	vld.idx.msk [tilespmem:v18+s18+$0x0], $0xffff  }
0x206: {  	v44 =	vld.idx.msk [tilespmem:v21+s18+$0x0], $0xffff  }
0x207: {  	[tilespmem:$0x1F950] =	vst v1;
	v1 =	vld.idx.msk [tilespmem:v20+s17+$0x0], $0xffff;
	v20 =	vor.u32 s29, v0  }
0x208: {  	v21 =	vld.idx.msk [tilespmem:v23+s18+$0x0], $0xffff  }
0x209: {  	v18 =	vor.u32 s29, v35;
	v0 =	vld.idx.msk [tilespmem:v22+s18+$0x0], $0xffff  }
0x20a: {  	v23 =	vor.u32 s29, v36;
	v22 =	vld [tilespmem:$0x18200]  }
0x20b: {  	v24 =	vld [tilespmem:$0x18210]  }
0x20c: {  	v20 =	vld.idx.msk [tilespmem:v20+s18+$0x0], $0xffff  }
0x20d: {  	v42 =	vld [tilespmem:$0x18220]  }
0x20e: {  	v18 =	vld.idx.msk [tilespmem:v18+s18+$0x0], $0xffff  }
0x20f: {  	v32 =	vor.u32 s29, v37;
	v21 =	vmul.f32 v22, v21;
	v22 =	vld.idx.msk [tilespmem:v23+s18+$0x0], $0xffff  }
0x210: {  	v46 =	vor.u32 s29, v34;
	v23 =	vld [tilespmem:$0x18230]  }
0x211: {  	v25 =	vld [tilespmem:$0x1FDD0];
	v21 =	vadd.f32 $0.0e+00, v21;
	v20 =	vmul.f32 v24, v20;
	_ =	sdelay $0x1  }
0x212: {  	v47 =	vld [tilespmem:$0x18240];
	v18 =	vmul.f32 v42, v18;
	v20 =	vadd.f32 v20, v21  }
0x213: {  	v24 =	vld.idx.msk [tilespmem:v32+s18+$0x0], $0xffff  }
0x214: {  	v45 =	vor.u32 s29, v33;
	v18 =	vadd.f32 v18, v20;
	v20 =	vmul.f32 v23, v22;
	v22 =	vld.idx.msk [tilespmem:v46+s18+$0x0], $0xffff  }
0x215: {  	v46 =	vor.u32 s29, v25;
	v25 =	vld [tilespmem:$0x1FDE0];
	_ =	sdelay $0x2  }
0x216: {  	v49 =	vld [tilespmem:$0x18250]  }
0x217: {  	v21 =	vld.idx.msk [tilespmem:v45+s18+$0x0], $0xffff  }
0x218: {  	v18 =	vadd.f32 v20, v18;
	v20 =	vmul.f32 v47, v24;
	v47 =	vor.u32 s29, v25;
	v25 =	vld [tilespmem:$0x1FDF0];
	_ =	sdelay $0x2  }
0x219: {  	v48 =	vor.u32 s29, v41  }
0x21a: {  	v51 =	vor.u32 s29, v43;
	v23 =	vld [tilespmem:$0x18260]  }
0x21b: {  	v18 =	vadd.f32 v20, v18;
	v20 =	vmul.f32 v49, v21;
	v49 =	vor.u32 s29, v25;
	v25 =	vld [tilespmem:$0x1FE00];
	_ =	sdelay $0x1  }
0x21c: {  	v50 =	vor.u32 s29, v52;
	v52 =	vld [tilespmem:$0x18270]  }
0x21d: {  	v24 =	vld.idx.msk [tilespmem:v48+s18+$0x0], $0xffff  }
0x21e: {  	v18 =	vadd.f32 v20, v18;
	v20 =	vmul.f32 v23, v22;
	v22 =	vld.idx.msk [tilespmem:v51+s18+$0x0], $0xffff  }
0x21f: {  	v51 =	vor.u32 s29, v25;
	v25 =	vld [tilespmem:$0x1FE10];
	_ =	sdelay $0x2  }
0x220: {  	v53 =	vor.u32 s29, v54;
	v54 =	vld [tilespmem:$0x18280]  }
0x221: {  	v21 =	vld.idx.msk [tilespmem:v50+s18+$0x0], $0xffff  }
0x222: {  	v18 =	vadd.f32 v20, v18;
	v20 =	vmul.f32 v52, v24;
	v52 =	vor.u32 s29, v25;
	v25 =	vld [tilespmem:$0x1FE20];
	_ =	sdelay $0x4  }
0x223: {  	v18 =	vadd.f32 v20, v18;
	v20 =	vmul.f32 v54, v21;
	v54 =	vor.u32 s29, v25;
	v25 =	vld [tilespmem:$0x1FE30];
	_ =	sdelay $0x3  }
0x224: {  	v40 =	vor.u32 s29, v55  }
0x225: {  	v41 =	vor.u32 s29, v56;
	v56 =	vor.u32 s29, v25;
	v25 =	vld [tilespmem:$0x1FE40]  }
0x226: {  	v42 =	vld [tilespmem:$0x182A0]  }
0x227: {  	v23 =	vld [tilespmem:$0x18290]  }
0x228: {  	v24 =	vld.idx.msk [tilespmem:v53+s18+$0x0], $0xffff  }
0x229: {  	v21 =	vld.idx.msk [tilespmem:v40+s18+$0x0], $0xffff  }
0x22a: {  	v40 =	vor.u32 s29, v25;
	v25 =	vld [tilespmem:$0x1FA30];
	_ =	sdelay $0x1  }
0x22b: {  	v27 =	vld [tilespmem:$0x1FCD0]  }
0x22c: {  	v28 =	vld [tilespmem:$0x1FCB0];
	v18 =	vadd.f32 v20, v18;
	v20 =	vmul.f32 v23, v22  }
0x22d: {  	v45 =	vld [tilespmem:$0x182B0]  }
0x22e: {  	v18 =	vadd.f32 v20, v18;
	v20 =	vmul.f32 v42, v24;
	v42 =	vor.u32 s29, v25;
	v25 =	vld [tilespmem:$0x1FA40]  }
0x22f: {  	v29 =	vld [tilespmem:$0x1FCC0]  }
0x230: {  	v30 =	vld [tilespmem:$0x1FC50]  }
0x231: {  	v26 =	vld [tilespmem:$0x1FB90];
	v43 =	vor.u32 s29, v31  }
0x232: {  	v48 =	vld [tilespmem:$0x182D0]  }
0x233: {  	v18 =	vadd.f32 v20, v18;
	v20 =	vmul.f32 v45, v21;
	v45 =	vor.u32 s29, v25;
	v25 =	vld [tilespmem:$0x1FA50]  }
0x234: {  	v22 =	vld.idx.msk [tilespmem:v41+s18+$0x0], $0xffff  }
0x235: {  	v23 =	vld [tilespmem:$0x182C0]  }
0x236: {  	v24 =	vld.idx.msk [tilespmem:v43+s18+$0x0], $0xffff  }
0x237: {  	v21 =	vld.idx.msk [tilespmem:v46+s18+$0x0], $0xffff  }
0x238: {  	v46 =	vor.u32 s29, v25;
	v25 =	vld [tilespmem:$0x1FA60]  }
0x239: {  	v55 =	vld [tilespmem:$0x18310]  }
0x23a: {  	v36 =	vld [tilespmem:$0x18460]  }
0x23b: {  	v37 =	vld [tilespmem:$0x18470];
	v18 =	vadd.f32 v20, v18;
	v20 =	vmul.f32 v23, v22  }
0x23c: {  	v50 =	vld [tilespmem:$0x182E0]  }
0x23d: {  	v18 =	vadd.f32 v20, v18;
	v20 =	vmul.f32 v48, v24;
	v48 =	vor.u32 s29, v25;
	v25 =	vld [tilespmem:$0x1FA70]  }
0x23e: {  	v31 =	vld [tilespmem:$0x1FC20]  }
0x23f: {  	v32 =	vld [tilespmem:$0x18450]  }
0x240: {  	v53 =	vld [tilespmem:$0x18300]  }
0x241: {  	v41 =	vld [tilespmem:$0x18330]  }
0x242: {  	v18 =	vadd.f32 v20, v18;
	v20 =	vmul.f32 v50, v21;
	v50 =	vor.u32 s29, v25;
	v25 =	vld [tilespmem:$0x1FA80]  }
0x243: {  	v22 =	vld.idx.msk [tilespmem:v47+s18+$0x0], $0xffff  }
0x244: {  	v23 =	vld [tilespmem:$0x182F0]  }
0x245: {  	v24 =	vld.idx.msk [tilespmem:v49+s18+$0x0], $0xffff  }
0x246: {  	v21 =	vld.idx.msk [tilespmem:v51+s18+$0x0], $0xffff  }
0x247: {  	v51 =	vor.u32 s29, v25;
	v25 =	vld [tilespmem:$0x1FA90]  }
0x248: {  	v43 =	vld [tilespmem:$0x18340]  }
0x249: {  	v47 =	vld [tilespmem:$0x18360]  }
0x24a: {  	v49 =	vld [tilespmem:$0x18370];
	v18 =	vadd.f32 v20, v18;
	v20 =	vmul.f32 v23, v22  }
0x24b: {  	v23 =	vld [tilespmem:$0x18320]  }
0x24c: {  	v18 =	vadd.f32 v20, v18;
	v20 =	vmul.f32 v53, v24;
	v53 =	vor.u32 s29, v25;
	v25 =	vld [tilespmem:$0x1FAA0]  }
0x24d: {  	v22 =	vld.idx.msk [tilespmem:v52+s18+$0x0], $0xffff  }
0x24e: {  	v52 =	vld [tilespmem:$0x18390]  }
0x24f: {  	v24 =	vld.idx.msk [tilespmem:v54+s18+$0x0], $0xffff  }
0x250: {  	v18 =	vadd.f32 v20, v18;
	v20 =	vmul.f32 v55, v21;
	v21 =	vld.idx.msk [tilespmem:v56+s18+$0x0], $0xffff  }
0x251: {  	v55 =	vor.u32 s29, v25;
	v25 =	vld [tilespmem:$0x1FAB0]  }
0x252: {  	v18 =	vadd.f32 v20, v18;
	v20 =	vmul.f32 v23, v22;
	v23 =	vld [tilespmem:$0x18350]  }
0x253: {  	v22 =	vld.idx.msk [tilespmem:v40+s18+$0x0], $0xffff  }
0x254: {  	v54 =	vld [tilespmem:$0x183A0];
	v18 =	vadd.f32 v20, v18;
	v20 =	vmul.f32 v41, v24  }
0x255: {  	v40 =	vld [tilespmem:$0x183C0]  }
0x256: {  	v18 =	vadd.f32 v20, v18;
	v20 =	vmul.f32 v43, v21;
	v56 =	vor.u32 s29, v25;
	v25 =	vld [tilespmem:$0x1FAC0]  }
0x257: {  	v24 =	vld.idx.msk [tilespmem:v42+s18+$0x0], $0xffff  }
0x258: {  	v18 =	vadd.f32 v20, v18;
	v20 =	vmul.f32 v23, v22;
	v23 =	vld [tilespmem:$0x18380]  }
0x259: {  	v42 =	vld [tilespmem:$0x183D0]  }
0x25a: {  	v21 =	vld.idx.msk [tilespmem:v45+s18+$0x0], $0xffff  }
0x25b: {  	v41 =	vor.u32 s29, v25;
	v25 =	vld [tilespmem:$0x1FAD0]  }
0x25c: {  	v22 =	vld.idx.msk [tilespmem:v46+s18+$0x0], $0xffff  }
0x25d: {  	v18 =	vadd.f32 v20, v18;
	v20 =	vmul.f32 v47, v24;
	v46 =	vld [tilespmem:$0x183F0]  }
0x25e: {  	v24 =	vld.idx.msk [tilespmem:v48+s18+$0x0], $0xffff  }
0x25f: {  	v18 =	vadd.f32 v20, v18;
	v20 =	vmul.f32 v49, v21;
	v21 =	vld.idx.msk [tilespmem:v50+s18+$0x0], $0xffff  }
0x260: {  	v43 =	vor.u32 s29, v25;
	v25 =	vld [tilespmem:$0x1FAE0]  }
0x261: {  	v18 =	vadd.f32 v20, v18;
	v20 =	vmul.f32 v23, v22;
	v23 =	vld [tilespmem:$0x183B0]  }
0x262: {  	v22 =	vld.idx.msk [tilespmem:v51+s18+$0x0], $0xffff  }
0x263: {  	v48 =	vld [tilespmem:$0x18400];
	v18 =	vadd.f32 v20, v18;
	v20 =	vmul.f32 v52, v24  }
0x264: {  	v51 =	vld [tilespmem:$0x18420]  }
0x265: {  	v18 =	vadd.f32 v20, v18;
	v20 =	vmul.f32 v54, v21;
	v45 =	vor.u32 s29, v25;
	v25 =	vld [tilespmem:$0x1FAF0]  }
0x266: {  	v24 =	vld.idx.msk [tilespmem:v53+s18+$0x0], $0xffff  }
0x267: {  	v18 =	vadd.f32 v20, v18;
	v20 =	vmul.f32 v23, v22;
	v23 =	vld [tilespmem:$0x183E0]  }
0x268: {  	v21 =	vld.idx.msk [tilespmem:v55+s18+$0x0], $0xffff  }
0x269: {  	v53 =	vld [tilespmem:$0x18430]  }
0x26a: {  	v47 =	vor.u32 s29, v25;
	v25 =	vld [tilespmem:$0x1FB00]  }
0x26b: {  	v18 =	vadd.f32 v20, v18;
	v20 =	vmul.f32 v40, v24;
	v40 =	vmov v59;
	v59 =	vld [tilespmem:$0x1FCF0]  }
0x26c: {  	v22 =	vld.idx.msk [tilespmem:v56+s18+$0x0], $0xffff  }
0x26d: {  	v18 =	vadd.f32 v20, v18;
	v20 =	vmul.f32 v42, v21;
	v42 =	vld [tilespmem:$0x1FD00]  }
0x26e: {  	v24 =	vld.idx.msk [tilespmem:v41+s18+$0x0], $0xffff  }
0x26f: {  	v49 =	vor.u32 s29, v25;
	v25 =	vld [tilespmem:$0x1FB10]  }
0x270: {  	v21 =	vld.idx.msk [tilespmem:v43+s18+$0x0], $0xffff  }
0x271: {  	v18 =	vadd.f32 v20, v18;
	v20 =	vmul.f32 v23, v22;
	v23 =	vld [tilespmem:$0x18410]  }
0x272: {  	v22 =	vld.idx.msk [tilespmem:v45+s18+$0x0], $0xffff  }
0x273: {  	v18 =	vadd.f32 v20, v18;
	v20 =	vmul.f32 v46, v24;
	v24 =	vld.idx.msk [tilespmem:v47+s18+$0x0], $0xffff  }
0x274: {  	v50 =	vor.u32 s29, v25;
	v25 =	vld [tilespmem:$0x1FB20]  }
0x275: {  	v56 =	vld [tilespmem:$0x1FCE0];
	v18 =	vadd.f32 v20, v18;
	v20 =	vmul.f32 v48, v21  }
0x276: {  	v43 =	vld [tilespmem:$0x1FC30]  }
0x277: {  	v18 =	vadd.f32 v20, v18;
	v20 =	vmul.f32 v23, v22;
	v23 =	vld [tilespmem:$0x18440]  }
0x278: {  	v21 =	vld.idx.msk [tilespmem:v49+s18+$0x0], $0xffff  }
0x279: {  	v18 =	vadd.f32 v20, v18;
	v20 =	vmul.f32 v51, v24;
	v52 =	vor.u32 s29, v25;
	v25 =	vld [tilespmem:$0x1FB30]  }
0x27a: {  	v51 =	vld [tilespmem:$0x1FBF0]  }
0x27b: {  	v20 =	vadd.f32 v20, v18;
	v18 =	vld [tilespmem:$0x1FB60]  }
0x27c: {  	v22 =	vld.idx.msk [tilespmem:v50+s18+$0x0], $0xffff  }
0x27d: {  	v21 =	vmul.f32 v53, v21;
	v53 =	vld [tilespmem:$0x1FC60]  }
0x27e: {  	v54 =	vor.u32 s29, v25;
	v25 =	vld [tilespmem:$0x1FB40]  }
0x27f: {  	v34 =	vadd.f32 v21, v20;
	v21 =	vld [tilespmem:$0x1FB70]  }
0x280: {  	v50 =	vld [tilespmem:$0x1FBE0]  }
0x281: {  	v24 =	vld.idx.msk [tilespmem:v52+s18+$0x0], $0xffff;
	v22 =	vmul.f32 v23, v22  }
0x282: {  	v52 =	vld [tilespmem:$0x1FC00]  }
0x283: {  	v22 =	vadd.f32 v22, v34;
	v34 =	vld [tilespmem:$0x1FBD0];
	v55 =	vor.u32 s29, v25  }
0x284: {  	v49 =	vor.u32 s29, v21;
	v21 =	vcombine.low v28, v29;
	v28 =	vcombine.low v29, v28;
	v29 =	vld [tilespmem:$0x1FBA0]  }
0x285: {  	v25 =	vld [tilespmem:$0x1FB50]  }
0x286: {  	v39 =	vor.u32 s29, v18;
	v35 =	vld.idx.msk [tilespmem:v54+s18+$0x0], $0xffff  }
0x287: {  	v54 =	vld [tilespmem:$0x1FC80]  }
0x288: {  	v23 =	vld.idx.msk [tilespmem:v55+s18+$0x0], $0xffff  }
0x289: {  	v24 =	vmul.f32 v32, v24;
	v55 =	vld [tilespmem:$0x1FC90]  }
0x28a: {  	v57 =	vmov v38;
	v38 =	vor.u32 s29, v25;
	v25 =	vld [tilespmem:$0x1FB80]  }
0x28b: {  	v22 =	vadd.f32 v24, v22;
	v24 =	vmul.f32 v36, v35;
	v35 =	vld.idx.msk [tilespmem:v39+s18+$0x0], $0xffff  }
0x28c: {  	v36 =	vld [tilespmem:$0x18490]  }
0x28d: {  	v20 =	vcombine.low v27, v56;
	v39 =	vor.u32 s29, v26;
	v26 =	vcombine.low v56, v27;
	v56 =	vld [tilespmem:$0x1FBB0]  }
0x28e: {  	v22 =	vadd.f32 v24, v22;
	v24 =	vld.idx.msk [tilespmem:v49+s18+$0x0], $0xffff  }
0x28f: {  	v32 =	vld.idx.msk [tilespmem:v38+s18+$0x0], $0xffff  }
0x290: {  	v38 =	vld [tilespmem:$0x18480]  }
0x291: {  	v49 =	vor.u32 s29, v29;
	v23 =	vmul.f32 v37, v23;
	v37 =	vld [tilespmem:$0x184A0]  }
0x292: {  	v41 =	vor.u32 s29, v25;
	v35 =	vmul.f32 v36, v35;
	v36 =	vld.idx.msk [tilespmem:v39+s18+$0x0], $0xffff  }
0x293: {  	v39 =	vld [tilespmem:$0x184C0]  }
0x294: {  	v18 =	vcombine.low v59, v42;
	v27 =	vcombine.low v42, v59;
	v33 =	vor.u32 s29, v56;
	v56 =	vld [tilespmem:$0x1FFE0]  }
0x295: {  	v59 =	vcombine.low v50, v34;
	v25 =	vcombine.low v34, v50;
	v34 =	vld [tilespmem:$0x184E0]  }
0x296: {  	v48 =	vcombine.low v51, v52;
	v42 =	vcombine.low v52, v51;
	v51 =	vld.idx.msk [tilespmem:v49+s18+$0x0], $0xffff  }
0x297: {  	v22 =	vadd.f32 v23, v22;
	v23 =	vmul.f32 v38, v32;
	v38 =	vld.idx.msk [tilespmem:v41+s18+$0x0], $0xffff  }
0x298: {  	v47 =	vcombine.low v31, v43;
	v41 =	vcombine.low v43, v31;
	v31 =	vld [tilespmem:$0x184B0]  }
0x299: {  	v32 =	vld [tilespmem:$0x184D0]  }
0x29a: {  	v37 =	vmul.f32 v37, v24;
	v24 =	vand.u32 $0xF, v59;
	v59 =	vld [tilespmem:$0x1FFC0];
	v43 =	vadd.f32 v23, v22  }
0x29b: {  	v33 =	vld.idx.msk [tilespmem:v33+s18+$0x0], $0xffff  }
0x29c: {  	v35 =	vadd.f32 v35, v43;
	v43 =	vld [tilespmem:$0x1FFA0]  }
0x29d: {  	v45 =	vcombine.low v30, v53;
	v29 =	vcombine.low v53, v30;
	[tilespmem:$0x1F900] =	vst v24;
	v53 =	vadd.s32 v24, v4;
	v24 =	vld [tilespmem:$0x1FFB0]  }
0x29e: {  	v23 =	vld [tilespmem:$0x1FBC0]  }
0x29f: {  	v31 =	vmul.f32 v31, v38;
	v38 =	vand.u32 $0xF, v42;
	v42 =	vld [tilespmem:$0x1FC10]  }
0x2a0: {  	v22 =	vld [tilespmem:$0x1FFF0]  }
0x2a1: {  	v46 =	vcombine.low v54, v55;
	v30 =	vcombine.low v55, v54;
	v54 =	vor.u32 s29, v43;
	v43 =	vld [tilespmem:$0x1FF90]  }
0x2a2: {  	v49 =	vor.u32 s29, v59;
	v59 =	vand.u32 $0xF, v41;
	v41 =	vld [tilespmem:$0x184F0];
	v24 =	vor.u32 s29, v24  }
0x2a3: {  	v32 =	vmul.f32 v32, v51;
	v51 =	vld.idx.msk [tilespmem:v53+s17+$0x0], $0xffff;
	v52 =	vor.u32 s29, v23  }
0x2a4: {  	v37 =	vadd.f32 v37, v35;
	v35 =	vor.u32 s29, v42;
	v42 =	vld [tilespmem:$0x1FC40]  }
0x2a5: {  	v23 =	vld [tilespmem:$0x1FFD0]  }
0x2a6: {  	v55 =	vor.u32 s29, v43;
	v43 =	vld [tilespmem:$0x1FF80]  }
0x2a7: {  	v2 =	vmul.f32 v3, v2;
	[tilespmem:$0x1F910] =	vst v38;
	v38 =	vadd.s32 v38, v4;
	v3 =	vld.idx.msk [tilespmem:v24+s18+$0x0], $0xffff  }
0x2a8: {  	v31 =	vadd.f32 v31, v37;
	v37 =	vmul.f32 v39, v36;
	v39 =	vld.idx.msk [tilespmem:v52+s18+$0x0], $0xffff  }
0x2a9: {  	v36 =	vor.u32 s29, v42;
	v42 =	vld [tilespmem:$0x1FC70]  }
0x2aa: {  	[tilespmem:$0x1F920] =	vst v59;
	v52 =	vadd.s32 v59, v4;
	v59 =	vand.u32 $0xF, v29;
	v29 =	vld [tilespmem:$0x18500]  }
0x2ab: {  	v50 =	vor.u32 s29, v56;
	v31 =	vadd.f32 v37, v31;
	v56 =	vor.u32 s29, v43;
	v43 =	vld [tilespmem:$0x1FF70]  }
0x2ac: {  	[tilespmem:$0x1F930] =	vst v59;
	v53 =	vadd.s32 v59, v4;
	v59 =	vmul.f32 v34, v33;
	v33 =	vld.idx.msk [tilespmem:v38+s17+$0x0], $0xffff  }
0x2ad: {  	v31 =	vadd.f32 v32, v31;
	v38 =	vand.u32 $0xF, v30;
	v30 =	vld.idx.msk [tilespmem:v35+s18+$0x0], $0xffff  }
0x2ae: {  	v34 =	vadd.s32 v38, v4;
	v37 =	vor.u32 s29, v42;
	v42 =	vld [tilespmem:$0x1FCA0]  }
0x2af: {  	v31 =	vadd.f32 v59, v31;
	v32 =	vmul.f32 v41, v39;
	v52 =	vld.idx.msk [tilespmem:v52+s17+$0x0], $0xffff  }
0x2b0: {  	v17 =	vmul.f32 v19, v17;
	[tilespmem:$0x1F940] =	vst v38;
	v59 =	vand.u32 $0xF, v28;
	v38 =	vor.u32 s29, v43;
	v43 =	vld [tilespmem:$0x1FF60]  }
0x2b1: {  	v29 =	vmul.f32 v29, v0;
	v31 =	vadd.f32 v32, v31;
	v32 =	vmul.f32 v51, v44;
	v44 =	vld.idx.msk [tilespmem:v53+s17+$0x0], $0xffff  }
0x2b2: {  	v26 =	vand.u32 $0xF, v26;
	v0 =	vand.u32 $0xF, v27;
	v28 =	vld.idx.msk [tilespmem:v36+s18+$0x0], $0xffff;
	v36 =	vadd.s32 v59, v4  }
0x2b3: {  	v53 =	vmovc v0;
	v27 =	vadd.f32 v29, v31;
	v29 =	vadd.f32 v32, v1;
	v32 =	vld.idx.msk [tilespmem:v34+s17+$0x0], $0xffff;
	v35 =	vor.u32 s29, v42  }
0x2b4: {  	v31 =	vmul.f32 v33, v58;
	v33 =	vadd.s32 v0, v4;
	v0 =	vld [tilespmem:$0x1F9E0];
	v42 =	vmovc v59;
	v59 =	vadd.s32 v26, v4  }
0x2b5: {  	v1 =	vld [tilespmem:$0x1F950];
	v39 =	vor.u32 s29, v43  }
0x2b6: {  	v15 =	vmul.f32 v15, v16;
	v13 =	vmul.f32 v14, v13;
	v17 =	vadd.f32 v17, v27;
	v19 =	vld.idx.msk [tilespmem:v37+s18+$0x0], $0xffff  }
0x2b7: {  	v51 =	vmovc v26;
	v27 =	vmul.f32 v52, v30;
	v26 =	vand.u32 $0xF, v25;
	v25 =	vadd.f32 v31, v29;
	v29 =	vld.idx.msk [tilespmem:v36+s17+$0x0], $0xffff  }
0x2b8: {  	v11 =	vmul.f32 v12, v11;
	v9 =	vmul.f32 v10, v9;
	v15 =	vadd.f32 v15, v17;
	v16 =	vld.idx.msk [tilespmem:v35+s18+$0x0], $0xffff  }
0x2b9: {  	v30 =	vadd.s32 v26, v4;
	v17 =	vadd.f32 v27, v25;
	v25 =	vmul.f32 v44, v28;
	v27 =	vld.idx.msk [tilespmem:v59+s17+$0x0], $0xffff  }
0x2ba: {  	v7 =	vmul.f32 v8, v7;
	v13 =	vadd.f32 v13, v15;
	v14 =	vld.idx.msk [tilespmem:v39+s18+$0x0], $0xffff;
	v39 =	vand.u32 $0xF, v48  }
0x2bb: {  	v12 =	vld.idx.msk [tilespmem:v38+s18+$0x0], $0xffff;
	v15 =	vadd.f32 v25, v17;
	v17 =	vmul.f32 v32, v19;
	v28 =	vadd.s32 v39, v4  }
0x2bc: {  	v5 =	vmul.f32 v6, v5;
	v44 =	vand.u32 $0xF, v47;
	v11 =	vadd.f32 v11, v13;
	v19 =	vld.idx.msk [tilespmem:v33+s17+$0x0], $0xffff  }
0x2bd: {  	v10 =	vld.idx.msk [tilespmem:v56+s18+$0x0], $0xffff;
	v25 =	vadd.s32 v44, v4;
	v13 =	vadd.f32 v17, v15;
	v15 =	vmul.f32 v29, v16  }
0x2be: {  	v45 =	vand.u32 $0xF, v45;
	v46 =	vand.u32 $0xF, v46;
	v9 =	vadd.f32 v9, v11;
	v16 =	vld.idx.msk [tilespmem:v30+s17+$0x0], $0xffff  }
0x2bf: {  	v8 =	vld.idx.msk [tilespmem:v55+s18+$0x0], $0xffff;
	v17 =	vadd.s32 v45, v4;
	v11 =	vadd.f32 v15, v13;
	v13 =	vmul.f32 v27, v14  }
0x2c0: {  	v23 =	vor.u32 s29, v23;
	v7 =	vadd.f32 v7, v9;
	v15 =	vadd.s32 v46, v4;
	v14 =	vld.idx.msk [tilespmem:v28+s17+$0x0], $0xffff  }
0x2c1: {  	v6 =	vld.idx.msk [tilespmem:v54+s18+$0x0], $0xffff;
	v47 =	vand.u32 $0xF, v21;
	v9 =	vadd.f32 v13, v11;
	v11 =	vmul.f32 v19, v12  }
0x2c2: {  	v5 =	vadd.f32 v5, v7;
	v12 =	vld.idx.msk [tilespmem:v25+s17+$0x0], $0xffff;
	v13 =	vadd.s32 v47, v4  }
0x2c3: {  	v0 =	vmul.f32 v1, v0;
	v1 =	vld.idx.msk [tilespmem:v49+s18+$0x0], $0xffff;
	v7 =	vadd.f32 v11, v9;
	v9 =	vmul.f32 v16, v10  }
0x2c4: {  	v49 =	vand.u32 $0xF, v18;
	v2 =	vadd.f32 v2, v5;
	v10 =	vld.idx.msk [tilespmem:v17+s17+$0x0], $0xffff  }
0x2c5: {  	v48 =	vand.u32 $0xF, v20;
	v5 =	vadd.f32 v9, v7;
	v7 =	vmul.f32 v14, v8;
	v8 =	vld.idx.msk [tilespmem:v15+s17+$0x0], $0xffff  }
0x2c6: {  	v0 =	vadd.f32 v0, v2;
	v11 =	vadd.s32 v48, v4;
	v4 =	vadd.s32 v49, v4;
	v14 =	vld.idx.msk [tilespmem:v23+s18+$0x0], $0xffff  }
0x2c7: {  	v9 =	vmul.f32 v63, v62;
	v2 =	vadd.f32 v7, v5;
	v5 =	vmul.f32 v12, v6;
	v6 =	vld.idx.msk [tilespmem:v13+s17+$0x0], $0xffff  }
0x2c8: {  	v12 =	vld.idx.msk [tilespmem:v50+s18+$0x0], $0xffff  }
0x2c9: {  	v7 =	vmul.f32 v61, v40;
	v0 =	vadd.f32 v9, v0;
	v9 =	vld [tilespmem:$0x1F9C0]  }
0x2ca: {  	v3 =	vmul.f32 v10, v3;
	v10 =	vld [tilespmem:$0x1F9D0];
	v2 =	vadd.f32 v5, v2  }
0x2cb: {  	v22 =	vor.u32 s29, v22;
	v0 =	vadd.f32 v7, v0;
	v7 =	vld [tilespmem:$0x1F9B0]  }
0x2cc: {  	v2 =	vadd.f32 v3, v2;
	v3 =	vld.idx.msk [tilespmem:v4+s17+$0x0], $0xffff  }
0x2cd: {  	v4 =	vld [tilespmem:$0x1F9A0]  }
0x2ce: {  	v5 =	vld.idx.msk [tilespmem:v11+s17+$0x0], $0xffff  }
0x2cf: {  	v1 =	vmul.f32 v8, v1  }
0x2d0: {  	v9 =	vmul.f32 v10, v9;
	v10 =	vld.idx.msk [tilespmem:v22+s18+$0x0], $0xffff  }
0x2d1: {  	v1 =	vadd.f32 v1, v2;
	v2 =	vmul.f32 v6, v14;
	v6 =	vld [tilespmem:$0x1F980]  }
0x2d2: {  	v0 =	vadd.f32 v9, v0;
	v4 =	vmul.f32 v7, v4;
	v7 =	vld [tilespmem:$0x1F990]  }
0x2d3: {  	v1 =	vadd.f32 v2, v1;
	v2 =	vmul.f32 v5, v12;
	v5 =	vld [tilespmem:$0x1F970]  }
0x2d4: {  	v0 =	vadd.f32 v4, v0;
	v4 =	vld [tilespmem:$0x1F960];
	_ =	sdelay $0x2  }
0x2d5: {  	v54 =	vld [tilespmem:$0x1FD90];
	v6 =	vmul.f32 v7, v6  }
0x2d6: {  	v41 =	vld [tilespmem:$0x1FD60];
	v1 =	vadd.f32 v2, v1  }
0x2d7: {  	v55 =	vld [tilespmem:$0x1FDA0];
	v2 =	vmul.f32 v3, v10;
	v4 =	vmul.f32 v5, v4;
	v0 =	vadd.f32 v6, v0  }
0x2d8: {  	v34 =	vld [tilespmem:$0x1FD50]  }
0x2d9: {  	v52 =	vld [tilespmem:$0x1FD70];
	v1 =	vadd.f32 v2, v1;
	v0 =	vadd.f32 v4, v0  }
0x2da: {  	v56 =	vld [tilespmem:$0x1FDB0]  }
0x2db: {  	v0 =	vadd.f32 v1, v0;
	v1 =	vld [tilespmem:$0x1FF30]  }
0x2dc: {  	v36 =	vld [tilespmem:$0x1FD20]  }
0x2dd: {  	v11 =	vlaneseq.u32;
	v4 =	vld [tilespmem:$0x1FA00]  }
0x2de: {  	v31 =	vld [tilespmem:$0x1FDC0];
	v50 =	vor.u32 $0xFFFFFFF8, v11  }
0x2df: {  	v37 =	vld [tilespmem:$0x1FD30];
	s29 =	sadd.s32 $0x400, s29;
	v2 =	vand.u32 v50, v60  }
0x2e0: {  	v43 =	vld [tilespmem:$0x1FD80];
	v1 =	vor.u32 s29, v1  }
0x2e1: {  	v38 =	vmov v57;
	v57 =	vld [tilespmem:$0x1FEF0]  }
0x2e2: {  	v3 =	vld [tilespmem:$0x1FF40];
	v0 =	vadd.f32 v0, v4  }
0x2e3: {  	v35 =	vld [tilespmem:$0x1FD10]  }
0x2e4: {  	v33 =	vld [tilespmem:$0x1FD40];
	[tilespmem:v2+s23+$0x0] =	vst.idx.msk $0xffff, v0  }
0x2e5: {  	v1 =	vld.idx.msk [tilespmem:v1+s18+$0x0], $0xffff  }
0x2e6: {  	v19 =	vld [tilespmem:$0x1F9F0]  }
0x2e7: {  	v8 =	vld [tilespmem:$0x1FE80];
	v3 =	vor.u32 s29, v3  }
0x2e8: {  	v12 =	vld [tilespmem:$0x1FE60]  }
0x2e9: {  	v10 =	vld [tilespmem:$0x1FE70]  }
0x2ea: {  	[tilespmem:$0x1F980] =	vst v1;
	v1 =	vld [tilespmem:$0x1FF00]  }
0x2eb: {  	v4 =	vld [tilespmem:$0x1FF20]  }
0x2ec: {  	v0 =	vld.idx.msk [tilespmem:v3+s18+$0x0], $0xffff  }
0x2ed: {  	v2 =	vld [tilespmem:$0x185F0]  }
0x2ee: {  	v3 =	vld [tilespmem:$0x185D0]  }
0x2ef: {  	v61 =	vld [tilespmem:$0x185B0];
	v1 =	vor.u32 s29, v1  }
0x2f0: {  	v63 =	vld [tilespmem:$0x185A0]  }
0x2f1: {  	[tilespmem:$0x1F960] =	vst v0;
	v0 =	vld [tilespmem:$0x1FF10]  }
0x2f2: {  	[tilespmem:$0x1F970] =	vst v2;
	v2 =	vld [tilespmem:$0x185E0]  }
0x2f3: {  	v4 =	vor.u32 s29, v4;
	[tilespmem:$0x1F9B0] =	vst v3;
	v3 =	vld [tilespmem:$0x185C0]  }
0x2f4: {  	v15 =	vor.u32 s29, v10;
	v59 =	vld.idx.msk [tilespmem:v1+s18+$0x0], $0xffff  }
0x2f5: {  	v1 =	vld [tilespmem:$0x1FED0]  }
0x2f6: {  	v6 =	vld [tilespmem:$0x18570]  }
0x2f7: {  	v13 =	vor.u32 s29, v8;
	v8 =	vld [tilespmem:$0x18560];
	v0 =	vor.u32 s29, v0  }
0x2f8: {  	[tilespmem:$0x1F990] =	vst v2;
	v2 =	vld.idx.msk [tilespmem:v4+s18+$0x0], $0xffff  }
0x2f9: {  	v16 =	vld.idx.msk [tilespmem:v15+s18+$0x0], $0xffff  }
0x2fa: {  	[tilespmem:$0x1F9D0] =	vst v3;
	v3 =	vor.u32 s29, v1;
	v1 =	vld [tilespmem:$0x1FEC0]  }
0x2fb: {  	v15 =	vld [tilespmem:$0x1FF50]  }
0x2fc: {  	v0 =	vld.idx.msk [tilespmem:v0+s18+$0x0], $0xffff  }
0x2fd: {  	v10 =	vld [tilespmem:$0x18550];
	[tilespmem:$0x1F9A0] =	vst v2;
	v2 =	vor.u32 s29, v57  }
0x2fe: {  	v17 =	vor.u32 s29, v12;
	v12 =	vld [tilespmem:$0x18540]  }
0x2ff: {  	v13 =	vld.idx.msk [tilespmem:v13+s18+$0x0], $0xffff;
	v4 =	vor.u32 s29, v1  }
0x300: {  	v18 =	vor.u32 s29, v15;
	v15 =	vld [tilespmem:$0x1FE50]  }
0x301: {  	[tilespmem:$0x1F9C0] =	vst v0;
	v0 =	vld [tilespmem:$0x1FEE0]  }
0x302: {  	v62 =	vld.idx.msk [tilespmem:v2+s18+$0x0], $0xffff  }
0x303: {  	v1 =	vld [tilespmem:$0x1FEB0]  }
0x304: {  	v5 =	vld.idx.msk [tilespmem:v4+s18+$0x0], $0xffff  }
0x305: {  	v4 =	vld [tilespmem:$0x1FE90]  }
0x306: {  	v2 =	vld.idx.msk [tilespmem:v3+s18+$0x0], $0xffff  }
0x307: {  	v0 =	vor.u32 s29, v0;
	v3 =	vld [tilespmem:$0x1FEA0]  }
0x308: {  	v14 =	vld [tilespmem:$0x18530]  }
0x309: {  	v17 =	vld.idx.msk [tilespmem:v17+s18+$0x0], $0xffff  }
0x30a: {  	v21 =	vor.u32 s29, v19;
	v19 =	vld [tilespmem:$0x18510];
	v4 =	vor.u32 s29, v4  }
0x30b: {  	v22 =	vor.u32 s29, v15;
	v15 =	vld [tilespmem:$0x18520];
	v7 =	vor.u32 s29, v1  }
0x30c: {  	p0 =	sne.s32 s30, $0x1F0;
	v0 =	vld.idx.msk [tilespmem:v0+s18+$0x0], $0xffff;
	v9 =	vor.u32 s29, v3  }
.Ltmp2:
0x30d: {  	v1 =	vld [tilespmem:$0x18590];
	(pc) =	sbr.rel @p0 .LBB2_3-.Ltmp2, $4  }
0x30e: {  	v60 =	vor.u32 s30, v11;
	v3 =	vld [tilespmem:$0x18580]  }
0x30f: {  	v11 =	vld.idx.msk [tilespmem:v4+s18+$0x0], $0xffff;
	v4 =	vmul.u32 $0x18, v60  }
0x310: {  	v7 =	vld.idx.msk [tilespmem:v7+s18+$0x0], $0xffff  }
0x311: {  	v23 =	vor.u32 s29, v38;
	s30 =	sadd.s32 $0x10, s30;
	[tilespmem:$0x1F9E0] =	vst v0;
	v9 =	vld.idx.msk [tilespmem:v9+s18+$0x0], $0xffff;
	v20 =	vadd.s32 $0x10, v4  }
0x312: {  	_ =	sdelay $0x2  }
0x313: {  	v0 =	vld [tilespmem:$0x1FA20]  }
0x314: {  	v20 =	vld.idx.msk [tilespmem:v20+s17+$0x0], $0xffff  }
0x315: {  	v22 =	vld.idx.msk [tilespmem:v22+s18+$0x0], $0xffff  }
0x316: {  	v23 =	vld.idx.msk [tilespmem:v23+s18+$0x0], $0xffff  }
0x317: {  	v27 =	vld [tilespmem:$0x18200]  }
0x318: {  	v25 =	vor.u32 s29, v35;
	v29 =	vld [tilespmem:$0x18210]  }
0x319: {  	v28 =	vor.u32 s29, v36;
	v58 =	vmov v31;
	v31 =	vld [tilespmem:$0x18220]  }
0x31a: {  	v40 =	vld [tilespmem:$0x18240];
	v24 =	vor.u32 s29, v0  }
0x31b: {  	v21 =	vld.idx.msk [tilespmem:v21+s18+$0x0], $0xffff  }
0x31c: {  	v18 =	vld.idx.msk [tilespmem:v18+s18+$0x0], $0xffff  }
0x31d: {  	v5 =	vmul.f32 v6, v5;
	v6 =	vadd.s32 v46, v4;
	v25 =	vld.idx.msk [tilespmem:v25+s18+$0x0], $0xffff  }
0x31e: {  	v2 =	vmul.f32 v3, v2;
	v3 =	vadd.s32 v47, v4;
	v23 =	vmul.f32 v27, v23;
	v27 =	vld.idx.msk [tilespmem:v28+s18+$0x0], $0xffff  }
0x31f: {  	v7 =	vmul.f32 v8, v7;
	v8 =	vadd.s32 v45, v4;
	v24 =	vld.idx.msk [tilespmem:v24+s18+$0x0], $0xffff  }
0x320: {  	v30 =	vor.u32 s29, v37;
	v28 =	vld [tilespmem:$0x18230]  }
0x321: {  	v32 =	vor.u32 s29, v33;
	v0 =	vld [tilespmem:$0x1F9E0]  }
0x322: {  	v6 =	vld.idx.msk [tilespmem:v6+s17+$0x0], $0xffff  }
0x323: {  	v33 =	vor.u32 s29, v34;
	v3 =	vld.idx.msk [tilespmem:v3+s17+$0x0], $0xffff  }
0x324: {  	v23 =	vadd.f32 $0.0e+00, v23;
	v8 =	vld.idx.msk [tilespmem:v8+s17+$0x0], $0xffff;
	v24 =	vmul.f32 v29, v24  }
0x325: {  	v41 =	vor.u32 s29, v41;
	v29 =	vld.idx.msk [tilespmem:v30+s18+$0x0], $0xffff  }
0x326: {  	v23 =	vadd.f32 v24, v23;
	v24 =	vmul.f32 v31, v25;
	v25 =	vld.idx.msk [tilespmem:v32+s18+$0x0], $0xffff  }
0x327: {  	v52 =	vor.u32 s29, v52;
	v31 =	vld [tilespmem:$0x18250]  }
0x328: {  	v23 =	vadd.f32 v24, v23;
	v24 =	vmul.f32 v28, v27;
	v27 =	vld.idx.msk [tilespmem:v33+s18+$0x0], $0xffff  }
0x329: {  	v28 =	vld [tilespmem:$0x18260]  }
0x32a: {  	v33 =	vor.u32 s29, v43;
	v23 =	vadd.f32 v24, v23;
	v24 =	vmul.f32 v40, v29;
	v40 =	vld.idx.msk [tilespmem:v41+s18+$0x0], $0xffff  }
0x32b: {  	v43 =	vor.u32 s29, v54;
	v41 =	vld [tilespmem:$0x18270]  }
0x32c: {  	v23 =	vadd.f32 v24, v23;
	v24 =	vmul.f32 v31, v25;
	v25 =	vld.idx.msk [tilespmem:v52+s18+$0x0], $0xffff  }
0x32d: {  	v54 =	vor.u32 s29, v55;
	v52 =	vld [tilespmem:$0x18280]  }
0x32e: {  	v55 =	vld [tilespmem:$0x18290];
	v23 =	vadd.f32 v24, v23;
	v24 =	vmul.f32 v28, v27  }
0x32f: {  	v27 =	vld.idx.msk [tilespmem:v33+s18+$0x0], $0xffff  }
0x330: {  	v56 =	vor.u32 s29, v56;
	v23 =	vadd.f32 v24, v23;
	v24 =	vmul.f32 v41, v40;
	v40 =	vld.idx.msk [tilespmem:v43+s18+$0x0], $0xffff  }
0x331: {  	v41 =	vld [tilespmem:$0x182A0]  }
0x332: {  	v23 =	vadd.f32 v24, v23;
	v24 =	vmul.f32 v52, v25;
	v25 =	vld.idx.msk [tilespmem:v54+s18+$0x0], $0xffff  }
0x333: {  	v43 =	vor.u32 s29, v58;
	v52 =	vld [tilespmem:$0x182B0]  }
0x334: {  	v54 =	vld [tilespmem:$0x1FDD0]  }
0x335: {  	v23 =	vadd.f32 v24, v23;
	v24 =	vmul.f32 v55, v27;
	v27 =	vld.idx.msk [tilespmem:v56+s18+$0x0], $0xffff  }
0x336: {  	v55 =	vld [tilespmem:$0x182C0]  }
0x337: {  	v56 =	vld [tilespmem:$0x1FDE0]  }
0x338: {  	v58 =	vld.idx.msk [tilespmem:v43+s18+$0x0], $0xffff  }
0x339: {  	v43 =	vld [tilespmem:$0x182E0]  }
0x33a: {  	v23 =	vadd.f32 v24, v23;
	v24 =	vmul.f32 v41, v40;
	v41 =	vld [tilespmem:$0x1FDF0]  }
0x33b: {  	v40 =	vld [tilespmem:$0x182D0];
	v32 =	vor.u32 s29, v54  }
0x33c: {  	v54 =	vld [tilespmem:$0x182F0];
	v23 =	vadd.f32 v24, v23;
	v24 =	vmul.f32 v52, v25  }
0x33d: {  	v52 =	vld [tilespmem:$0x1FE00]  }
0x33e: {  	v23 =	vadd.f32 v24, v23;
	v24 =	vmul.f32 v55, v27;
	v55 =	vld [tilespmem:$0x1FE10]  }
0x33f: {  	v33 =	vor.u32 s29, v56;
	v34 =	vor.u32 s29, v41;
	v41 =	vld [tilespmem:$0x18310]  }
0x340: {  	v25 =	vld.idx.msk [tilespmem:v32+s18+$0x0], $0xffff  }
0x341: {  	v23 =	vadd.f32 v24, v23;
	v24 =	vmul.f32 v40, v58;
	v58 =	vld [tilespmem:$0x18300]  }
0x342: {  	v40 =	vld [tilespmem:$0x1FE20]  }
0x343: {  	v32 =	vor.u32 s29, v52;
	v52 =	vld [tilespmem:$0x18320]  }
0x344: {  	v27 =	vld.idx.msk [tilespmem:v33+s18+$0x0], $0xffff  }
0x345: {  	v33 =	vor.u32 s29, v55;
	v56 =	vld.idx.msk [tilespmem:v34+s18+$0x0], $0xffff  }
0x346: {  	v23 =	vadd.f32 v24, v23;
	v24 =	vmul.f32 v43, v25;
	v43 =	vld [tilespmem:$0x1FE30]  }
0x347: {  	v34 =	vor.u32 s29, v40;
	v40 =	vld [tilespmem:$0x18340]  }
0x348: {  	v25 =	vld.idx.msk [tilespmem:v32+s18+$0x0], $0xffff  }
0x349: {  	v23 =	vadd.f32 v24, v23;
	v24 =	vmul.f32 v54, v27;
	v54 =	vld [tilespmem:$0x1FE40]  }
0x34a: {  	v27 =	vld.idx.msk [tilespmem:v33+s18+$0x0], $0xffff  }
0x34b: {  	v23 =	vadd.f32 v24, v23;
	v24 =	vmul.f32 v58, v56;
	v56 =	vld [tilespmem:$0x18330]  }
0x34c: {  	v58 =	vld [tilespmem:$0x1FA30]  }
0x34d: {  	v32 =	vor.u32 s29, v43;
	v55 =	vld.idx.msk [tilespmem:v34+s18+$0x0], $0xffff  }
0x34e: {  	v43 =	vld [tilespmem:$0x18350];
	v23 =	vadd.f32 v24, v23;
	v24 =	vmul.f32 v41, v25  }
0x34f: {  	v41 =	vld [tilespmem:$0x1FA40]  }
0x350: {  	v23 =	vadd.f32 v24, v23;
	v24 =	vmul.f32 v52, v27;
	v52 =	vld [tilespmem:$0x1FA50]  }
0x351: {  	v33 =	vor.u32 s29, v54;
	v34 =	vor.u32 s29, v58;
	v58 =	vld [tilespmem:$0x18370]  }
0x352: {  	v25 =	vld.idx.msk [tilespmem:v32+s18+$0x0], $0xffff  }
0x353: {  	v23 =	vadd.f32 v24, v23;
	v24 =	vmul.f32 v56, v55;
	v55 =	vld [tilespmem:$0x18360]  }
0x354: {  	v56 =	vld [tilespmem:$0x1FA60]  }
0x355: {  	v32 =	vor.u32 s29, v41;
	v41 =	vld [tilespmem:$0x18380]  }
0x356: {  	v27 =	vld.idx.msk [tilespmem:v33+s18+$0x0], $0xffff  }
0x357: {  	v33 =	vor.u32 s29, v52;
	v54 =	vld.idx.msk [tilespmem:v34+s18+$0x0], $0xffff  }
0x358: {  	v23 =	vadd.f32 v24, v23;
	v24 =	vmul.f32 v40, v25;
	v40 =	vld [tilespmem:$0x1FA70]  }
0x359: {  	v34 =	vor.u32 s29, v56;
	v56 =	vld [tilespmem:$0x183A0]  }
0x35a: {  	v25 =	vld.idx.msk [tilespmem:v32+s18+$0x0], $0xffff  }
0x35b: {  	v23 =	vadd.f32 v24, v23;
	v24 =	vmul.f32 v43, v27;
	v43 =	vld [tilespmem:$0x1FA80]  }
0x35c: {  	v27 =	vld.idx.msk [tilespmem:v33+s18+$0x0], $0xffff  }
0x35d: {  	v23 =	vadd.f32 v24, v23;
	v24 =	vmul.f32 v55, v54;
	v54 =	vld [tilespmem:$0x18390]  }
0x35e: {  	v55 =	vld [tilespmem:$0x1FA90]  }
0x35f: {  	v32 =	vor.u32 s29, v40;
	v52 =	vld.idx.msk [tilespmem:v34+s18+$0x0], $0xffff  }
0x360: {  	v40 =	vld [tilespmem:$0x183B0];
	v23 =	vadd.f32 v24, v23;
	v24 =	vmul.f32 v58, v25  }
0x361: {  	v58 =	vld [tilespmem:$0x1FAA0]  }
0x362: {  	v23 =	vadd.f32 v24, v23;
	v24 =	vmul.f32 v41, v27;
	v41 =	vld [tilespmem:$0x1FAB0]  }
0x363: {  	v33 =	vor.u32 s29, v43;
	v34 =	vor.u32 s29, v55;
	v55 =	vld [tilespmem:$0x183D0]  }
0x364: {  	v25 =	vld.idx.msk [tilespmem:v32+s18+$0x0], $0xffff  }
0x365: {  	v23 =	vadd.f32 v24, v23;
	v24 =	vmul.f32 v54, v52;
	v52 =	vld [tilespmem:$0x183C0]  }
0x366: {  	v54 =	vld [tilespmem:$0x1FAC0]  }
0x367: {  	v32 =	vor.u32 s29, v58;
	v58 =	vld [tilespmem:$0x183E0]  }
0x368: {  	v27 =	vld.idx.msk [tilespmem:v33+s18+$0x0], $0xffff  }
0x369: {  	v33 =	vor.u32 s29, v41;
	v43 =	vld.idx.msk [tilespmem:v34+s18+$0x0], $0xffff  }
0x36a: {  	v23 =	vadd.f32 v24, v23;
	v24 =	vmul.f32 v56, v25;
	v56 =	vld [tilespmem:$0x1FAD0]  }
0x36b: {  	v34 =	vor.u32 s29, v54;
	v54 =	vld [tilespmem:$0x18400]  }
0x36c: {  	v25 =	vld.idx.msk [tilespmem:v32+s18+$0x0], $0xffff  }
0x36d: {  	v23 =	vadd.f32 v24, v23;
	v24 =	vmul.f32 v40, v27;
	v40 =	vld [tilespmem:$0x1FAE0]  }
0x36e: {  	v27 =	vld.idx.msk [tilespmem:v33+s18+$0x0], $0xffff  }
0x36f: {  	v23 =	vadd.f32 v24, v23;
	v24 =	vmul.f32 v52, v43;
	v43 =	vld [tilespmem:$0x183F0]  }
0x370: {  	v52 =	vld [tilespmem:$0x1FAF0]  }
0x371: {  	v32 =	vor.u32 s29, v56;
	v41 =	vld.idx.msk [tilespmem:v34+s18+$0x0], $0xffff  }
0x372: {  	v56 =	vld [tilespmem:$0x18410];
	v23 =	vadd.f32 v24, v23;
	v24 =	vmul.f32 v55, v25  }
0x373: {  	v55 =	vld [tilespmem:$0x1FB00]  }
0x374: {  	v23 =	vadd.f32 v24, v23;
	v24 =	vmul.f32 v58, v27;
	v58 =	vld [tilespmem:$0x1FB10]  }
0x375: {  	v33 =	vor.u32 s29, v40;
	v34 =	vor.u32 s29, v52;
	v52 =	vld [tilespmem:$0x18430]  }
0x376: {  	v25 =	vld.idx.msk [tilespmem:v32+s18+$0x0], $0xffff  }
0x377: {  	v23 =	vadd.f32 v24, v23;
	v24 =	vmul.f32 v43, v41;
	v41 =	vld [tilespmem:$0x18420]  }
0x378: {  	v43 =	vld [tilespmem:$0x1FB20]  }
0x379: {  	v32 =	vor.u32 s29, v55;
	v55 =	vld [tilespmem:$0x18440]  }
0x37a: {  	v27 =	vld.idx.msk [tilespmem:v33+s18+$0x0], $0xffff  }
0x37b: {  	v33 =	vor.u32 s29, v58;
	v40 =	vld.idx.msk [tilespmem:v34+s18+$0x0], $0xffff  }
0x37c: {  	v23 =	vadd.f32 v24, v23;
	v24 =	vmul.f32 v54, v25;
	v54 =	vld [tilespmem:$0x1FB30]  }
0x37d: {  	v34 =	vor.u32 s29, v43;
	v43 =	vld [tilespmem:$0x18460]  }
0x37e: {  	v25 =	vld.idx.msk [tilespmem:v32+s18+$0x0], $0xffff  }
0x37f: {  	v23 =	vadd.f32 v24, v23;
	v24 =	vmul.f32 v56, v27;
	v56 =	vld [tilespmem:$0x1FB40]  }
0x380: {  	v27 =	vld.idx.msk [tilespmem:v33+s18+$0x0], $0xffff  }
0x381: {  	v23 =	vadd.f32 v24, v23;
	v24 =	vmul.f32 v41, v40;
	v40 =	vld [tilespmem:$0x18450]  }
0x382: {  	v41 =	vld [tilespmem:$0x1FB50]  }
0x383: {  	v32 =	vor.u32 s29, v54;
	v58 =	vld.idx.msk [tilespmem:v34+s18+$0x0], $0xffff  }
0x384: {  	v54 =	vld [tilespmem:$0x18470];
	v23 =	vadd.f32 v24, v23;
	v24 =	vmul.f32 v52, v25  }
0x385: {  	v52 =	vld [tilespmem:$0x1FB60]  }
0x386: {  	v23 =	vadd.f32 v24, v23;
	v24 =	vmul.f32 v55, v27;
	v55 =	vld [tilespmem:$0x1FB70]  }
0x387: {  	v33 =	vor.u32 s29, v56;
	v34 =	vor.u32 s29, v41;
	v41 =	vld [tilespmem:$0x18490]  }
0x388: {  	v25 =	vld.idx.msk [tilespmem:v32+s18+$0x0], $0xffff  }
0x389: {  	v23 =	vadd.f32 v24, v23;
	v24 =	vmul.f32 v40, v58;
	v58 =	vld [tilespmem:$0x18480]  }
0x38a: {  	v40 =	vld [tilespmem:$0x1FB80]  }
0x38b: {  	v32 =	vor.u32 s29, v52;
	v52 =	vld [tilespmem:$0x184A0]  }
0x38c: {  	v27 =	vld.idx.msk [tilespmem:v33+s18+$0x0], $0xffff  }
0x38d: {  	v33 =	vor.u32 s29, v55;
	v56 =	vld.idx.msk [tilespmem:v34+s18+$0x0], $0xffff  }
0x38e: {  	v23 =	vadd.f32 v24, v23;
	v24 =	vmul.f32 v43, v25;
	v43 =	vld [tilespmem:$0x1FB90]  }
0x38f: {  	v34 =	vor.u32 s29, v40;
	v40 =	vld [tilespmem:$0x184C0]  }
0x390: {  	v25 =	vld.idx.msk [tilespmem:v32+s18+$0x0], $0xffff  }
0x391: {  	v23 =	vadd.f32 v24, v23;
	v24 =	vmul.f32 v54, v27;
	v54 =	vld [tilespmem:$0x1FBA0]  }
0x392: {  	v27 =	vld.idx.msk [tilespmem:v33+s18+$0x0], $0xffff  }
0x393: {  	v23 =	vadd.f32 v24, v23;
	v24 =	vmul.f32 v58, v56;
	v56 =	vld [tilespmem:$0x184B0]  }
0x394: {  	v58 =	vld [tilespmem:$0x1FBB0]  }
0x395: {  	v32 =	vor.u32 s29, v43;
	v55 =	vld.idx.msk [tilespmem:v34+s18+$0x0], $0xffff  }
0x396: {  	v43 =	vld [tilespmem:$0x184D0]  }
0x397: {  	v23 =	vadd.f32 v24, v23;
	v24 =	vmul.f32 v41, v25;
	v41 =	vld [tilespmem:$0x1FBC0]  }
0x398: {  	v33 =	vor.u32 s29, v54;
	v54 =	vld [tilespmem:$0x1F900]  }
0x399: {  	v23 =	vadd.f32 v24, v23;
	v24 =	vmul.f32 v52, v27;
	v34 =	vor.u32 s29, v58;
	v58 =	vld [tilespmem:$0x184F0]  }
0x39a: {  	v25 =	vld.idx.msk [tilespmem:v32+s18+$0x0], $0xffff  }
0x39b: {  	v23 =	vadd.f32 v24, v23;
	v24 =	vmul.f32 v56, v55;
	v55 =	vld [tilespmem:$0x184E0]  }
0x39c: {  	v56 =	vld [tilespmem:$0x1F910];
	v32 =	vor.u32 s29, v41  }
0x39d: {  	v27 =	vld.idx.msk [tilespmem:v33+s18+$0x0], $0xffff  }
0x39e: {  	v41 =	vld [tilespmem:$0x18500]  }
0x39f: {  	v30 =	vadd.s32 v54, v4;
	v52 =	vld.idx.msk [tilespmem:v34+s18+$0x0], $0xffff  }
0x3a0: {  	v23 =	vadd.f32 v24, v23;
	v24 =	vmul.f32 v40, v25;
	v40 =	vld [tilespmem:$0x1FC10]  }
0x3a1: {  	v25 =	vld.idx.msk [tilespmem:v32+s18+$0x0], $0xffff  }
0x3a2: {  	v23 =	vadd.f32 v24, v23;
	v24 =	vmul.f32 v43, v27;
	v27 =	vld [tilespmem:$0x1F920]  }
0x3a3: {  	v31 =	vadd.s32 v56, v4;
	v43 =	vld [tilespmem:$0x1F930]  }
0x3a4: {  	v30 =	vld.idx.msk [tilespmem:v30+s17+$0x0], $0xffff  }
0x3a5: {  	v23 =	vadd.f32 v24, v23;
	v24 =	vld [tilespmem:$0x1FC40];
	v29 =	vmul.f32 v55, v52;
	v34 =	vor.u32 s29, v40  }
0x3a6: {  	v52 =	vld [tilespmem:$0x1FC70]  }
0x3a7: {  	v55 =	vld [tilespmem:$0x1F940];
	v23 =	vadd.f32 v29, v23;
	v25 =	vmul.f32 v58, v25;
	v27 =	vadd.s32 v27, v4  }
0x3a8: {  	v31 =	vld.idx.msk [tilespmem:v31+s17+$0x0], $0xffff;
	v33 =	vadd.s32 v43, v4  }
0x3a9: {  	v22 =	vmul.f32 v41, v22;
	v23 =	vadd.f32 v25, v23;
	v25 =	vld [tilespmem:$0x1FCA0]  }
0x3aa: {  	v24 =	vor.u32 s29, v24;
	v54 =	vld.idx.msk [tilespmem:v34+s18+$0x0], $0xffff  }
0x3ab: {  	v17 =	vmul.f32 v19, v17;
	v29 =	vor.u32 s29, v52;
	v19 =	vadd.f32 v22, v23;
	v22 =	vld [tilespmem:$0x1FF60]  }
0x3ac: {  	v27 =	vld.idx.msk [tilespmem:v27+s17+$0x0], $0xffff  }
0x3ad: {  	v15 =	vmul.f32 v15, v16;
	v56 =	vadd.s32 v42, v4;
	v23 =	vld.idx.msk [tilespmem:v33+s17+$0x0], $0xffff  }
0x3ae: {  	v21 =	vmul.f32 v30, v21;
	v34 =	vadd.s32 v55, v4;
	v16 =	vadd.f32 v17, v19;
	v17 =	vld [tilespmem:$0x1FF70]  }
0x3af: {  	v24 =	vld.idx.msk [tilespmem:v24+s18+$0x0], $0xffff  }
0x3b0: {  	v20 =	vadd.f32 v21, v20;
	v25 =	vor.u32 s29, v25;
	v21 =	vld.idx.msk [tilespmem:v29+s18+$0x0], $0xffff  }
0x3b1: {  	v13 =	vmul.f32 v14, v13;
	v58 =	vadd.s32 v51, v4;
	v14 =	vadd.f32 v15, v16;
	v15 =	vld [tilespmem:$0x1FF80]  }
0x3b2: {  	v16 =	vld.idx.msk [tilespmem:v56+s17+$0x0], $0xffff  }
0x3b3: {  	v18 =	vmul.f32 v31, v18;
	v22 =	vor.u32 s29, v22;
	v19 =	vld.idx.msk [tilespmem:v34+s17+$0x0], $0xffff  }
0x3b4: {  	v11 =	vmul.f32 v12, v11;
	v12 =	vadd.f32 v13, v14;
	v13 =	vld [tilespmem:$0x1FF90];
	v17 =	vor.u32 s29, v17  }
0x3b5: {  	v18 =	vadd.f32 v18, v20;
	v20 =	vld.idx.msk [tilespmem:v25+s18+$0x0], $0xffff;
	v25 =	vmul.f32 v27, v54;
	v27 =	vadd.s32 v53, v4  }
0x3b6: {  	v14 =	vld.idx.msk [tilespmem:v58+s17+$0x0], $0xffff  }
0x3b7: {  	v9 =	vmul.f32 v10, v9;
	v10 =	vadd.f32 v11, v12;
	v11 =	vld [tilespmem:$0x1FFA0];
	v15 =	vor.u32 s29, v15  }
0x3b8: {  	v23 =	vmul.f32 v23, v24;
	v24 =	vadd.s32 v26, v4;
	v18 =	vadd.f32 v25, v18;
	v22 =	vld.idx.msk [tilespmem:v22+s18+$0x0], $0xffff  }
0x3b9: {  	v17 =	vld.idx.msk [tilespmem:v17+s18+$0x0], $0xffff  }
0x3ba: {  	v19 =	vmul.f32 v19, v21;
	v13 =	vor.u32 s29, v13;
	v18 =	vadd.f32 v23, v18;
	v12 =	vld.idx.msk [tilespmem:v27+s17+$0x0], $0xffff  }
0x3bb: {  	v21 =	vadd.s32 v39, v4;
	v16 =	vmul.f32 v16, v20;
	v20 =	vld [tilespmem:$0x1FFB0]  }
0x3bc: {  	v11 =	vor.u32 s29, v11;
	v15 =	vld.idx.msk [tilespmem:v15+s18+$0x0], $0xffff;
	v18 =	vadd.f32 v19, v18  }
0x3bd: {  	v23 =	vld.idx.msk [tilespmem:v24+s17+$0x0], $0xffff  }
0x3be: {  	v9 =	vadd.f32 v9, v10;
	v19 =	vadd.s32 v44, v4;
	v10 =	vadd.f32 v16, v18;
	v16 =	vld [tilespmem:$0x1FFC0]  }
0x3bf: {  	v14 =	vmul.f32 v14, v22;
	v13 =	vld.idx.msk [tilespmem:v13+s18+$0x0], $0xffff  }
0x3c0: {  	v7 =	vadd.f32 v7, v9;
	v18 =	vld.idx.msk [tilespmem:v21+s17+$0x0], $0xffff  }
0x3c1: {  	v20 =	vor.u32 s29, v20;
	v11 =	vld.idx.msk [tilespmem:v11+s18+$0x0], $0xffff;
	v9 =	vadd.f32 v14, v10;
	v10 =	vmul.f32 v12, v17  }
0x3c2: {  	v0 =	vmul.f32 v1, v0;
	v1 =	vadd.s32 v48, v4;
	v5 =	vadd.f32 v5, v7;
	v12 =	vld [tilespmem:$0x1FFD0]  }
0x3c3: {  	v14 =	vld.idx.msk [tilespmem:v19+s17+$0x0], $0xffff;
	v7 =	vadd.f32 v10, v9;
	v9 =	vmul.f32 v23, v15;
	v16 =	vor.u32 s29, v16  }
0x3c4: {  	v2 =	vadd.f32 v2, v5;
	v10 =	vld [tilespmem:$0x1FFE0]  }
0x3c5: {  	v5 =	vadd.f32 v9, v7;
	v9 =	vld [tilespmem:$0x1FFF0]  }
0x3c6: {  	v0 =	vadd.f32 v0, v2;
	v7 =	vmul.f32 v18, v13;
	v13 =	vmul.f32 v63, v62;
	v17 =	vld.idx.msk [tilespmem:v20+s18+$0x0], $0xffff  }
0x3c7: {  	v1 =	vld.idx.msk [tilespmem:v1+s17+$0x0], $0xffff;
	v12 =	vor.u32 s29, v12  }
0x3c8: {  	v2 =	vadd.f32 v7, v5;
	v7 =	vmul.f32 v61, v59;
	v0 =	vadd.f32 v13, v0;
	v15 =	vld.idx.msk [tilespmem:v16+s18+$0x0], $0xffff  }
0x3c9: {  	v4 =	vadd.s32 v49, v4;
	v5 =	vmul.f32 v14, v11;
	v11 =	vld [tilespmem:$0x1F9D0]  }
0x3ca: {  	v10 =	vor.u32 s29, v10;
	v0 =	vadd.f32 v7, v0;
	v7 =	vld [tilespmem:$0x1F9B0]  }
0x3cb: {  	v2 =	vadd.f32 v5, v2;
	v9 =	vor.u32 s29, v9;
	v5 =	vmul.f32 v8, v17;
	v8 =	vld [tilespmem:$0x1F9C0]  }
0x3cc: {  	v12 =	vld.idx.msk [tilespmem:v12+s18+$0x0], $0xffff  }
0x3cd: {  	v2 =	vadd.f32 v5, v2;
	v5 =	vmul.f32 v6, v15;
	v6 =	vld [tilespmem:$0x1F9A0]  }
0x3ce: {  	v4 =	vld.idx.msk [tilespmem:v4+s17+$0x0], $0xffff  }
0x3cf: {  	v10 =	vld.idx.msk [tilespmem:v10+s18+$0x0], $0xffff  }
0x3d0: {  	v9 =	vld.idx.msk [tilespmem:v9+s18+$0x0], $0xffff;
	v8 =	vmul.f32 v11, v8  }
0x3d1: {  	v2 =	vadd.f32 v5, v2;
	v3 =	vmul.f32 v3, v12;
	v5 =	vld [tilespmem:$0x1F980]  }
0x3d2: {  	v0 =	vadd.f32 v8, v0;
	v6 =	vmul.f32 v7, v6;
	v7 =	vld [tilespmem:$0x1F990]  }
0x3d3: {  	v2 =	vadd.f32 v3, v2;
	v3 =	vld [tilespmem:$0x1F960]  }
0x3d4: {  	v0 =	vadd.f32 v6, v0;
	v6 =	vld [tilespmem:$0x1F970];
	_ =	sdelay $0x1  }
0x3d5: {  	v1 =	vmul.f32 v1, v10  }
0x3d6: {  	v5 =	vmul.f32 v7, v5  }
0x3d7: {  	v1 =	vadd.f32 v1, v2  }
0x3d8: {  	v2 =	vmul.f32 v4, v9;
	v3 =	vmul.f32 v6, v3;
	v0 =	vadd.f32 v5, v0;
	_ =	sdelay $0x1  }
0x3d9: {  	v1 =	vadd.f32 v2, v1;
	v0 =	vadd.f32 v3, v0;
	_ =	sdelay $0x1  }
0x3da: {  	v0 =	vadd.f32 v1, v0;
	v1 =	vld [tilespmem:$0x1FA00];
	_ =	sdelay $0x1  }
0x3db: {  	v2 =	vand.u32 v50, v60;
	_ =	sdelay $0x1  }
0x3dc: {  	s29 =	sshll.u32 s28, $0xA  }
0x3dd: {  	s2 =	sor.u32 s9, s29;
	v0 =	vadd.f32 v0, v1  }
0x3de: {  	s30 =	sshrl.u32 s2, $0x3  }
0x3df: {  	s2 =	sadd.s32 s3, s30;
	[tilespmem:v2+s23+$0x0] =	vst.idx.msk $0xffff, v0  }
0x3e0: {  	[hbm4b:s2+s4] =	stream.linear.scatter [tilespmem:s23], [sflag:$0x5], $0x200, $0x38;
	[tilespmem:$0x18610] =	vst v63  }
0x3e1: {  	p0 =	seq.s32 s28, $0x7;
	_ =	swait.ge [sflag:s13], $0x200  }
0x3e2: {  	s31 =	simm.s32 @!p0 $0x200;
	[sflag:s13] =	ssyncset.done $0x0  }
0x3e3: {  	s5 =	simm.s32 @!p0 $0x2000;
	s2 =	sadd.s32 @!p0 $0x400, s29;
	[sflag:s13] =	ssyncadd.s32 $0xFFFFFE00  }
0x3e4: {  	[tilespmem:s5], [sflag:$0x1] =	stream.indirect.gather @!p0 [hbm4b:s6+s31], $0x18, s2, s31, $0xb8;
	[tilespmem:$0x18610] =	vst v63  }
0x3e5: {  	s2 =	sadd.s32 @!p0 s9, s2  }
0x3e6: {  	s2 =	sshll.u32 @!p0 s2, $0x3  }
0x3e7: {  	s2 =	sand.u32 @!p0 $0x1FFFE000, s2  }
0x3e8: {  	s5 =	simm.s32 @!p0 $0x0;
	s31 =	simm.s32 @!p0 $0x8000;
	s2 =	sadd.s32 @!p0 s0, s2  }
0x3e9: {  	[tilespmem:s31], [sflag:$0x3] =	stream.linear.gather @!p0 [hbm4b:s2+s5], $0x8000, $0x38;
	[tilespmem:$0x18610] =	vst v63  }
0x3ea: {  	_ =	swait.ge [sflag:s24], $0x3000  }
0x3eb: {  	[sflag:s24] =	ssyncset.done $0x0  }
0x3ec: {  	[sflag:s24] =	ssyncadd.s32 $0xFFFFD000  }
0x3ed: {  	v0 =	vld [tilespmem:$0x1FF40];
	_ =	swait.ge [sflag:s25], $0x8000  }
0x3ee: {  	v1 =	vld [tilespmem:$0x1FF30];
	_ =	sdelay $0x3  }
0x3ef: {  	s31 =	simm.s32 $0x0  }
0x3f0: {  	v1 =	vor.u32 s31, v1;
	_ =	sdelay $0x2  }
0x3f1: {  	[sflag:s25] =	ssyncset.done $0x0  }
0x3f2: {  	[sflag:s25] =	ssyncadd.s32 $0xFFFF8000  }
0x3f3: {  	v41 =	vmov v42;
	v42 =	vmov v53;
	v53 =	vld.idx.msk [tilespmem:v1+s20+$0x0], $0xffff  }
0x3f4: {  	v1 =	vld [tilespmem:$0x1FF00];
	_ =	sdelay $0x4  }
0x3f5: {  	v1 =	vor.u32 s31, v1;
	_ =	sdelay $0x1  }
0x3f6: {  	v2 =	vld [tilespmem:$0x1FF20]  }
0x3f7: {  	v6 =	vld [tilespmem:$0x1FEA0]  }
0x3f8: {  	v10 =	vld [tilespmem:$0x1FE80];
	v0 =	vor.u32 s31, v0  }
0x3f9: {  	v60 =	vld.idx.msk [tilespmem:v1+s20+$0x0], $0xffff  }
0x3fa: {  	v1 =	vld [tilespmem:$0x1FEC0]  }
0x3fb: {  	v12 =	vld [tilespmem:$0x1FE70]  }
0x3fc: {  	v20 =	vld [tilespmem:$0x1FF50]  }
0x3fd: {  	v40 =	vmov v51;
	v51 =	vld.idx.msk [tilespmem:v0+s20+$0x0], $0xffff  }
0x3fe: {  	v0 =	vld [tilespmem:$0x1FF10]  }
0x3ff: {  	v22 =	vld [tilespmem:$0x1F9F0];
	v5 =	vor.u32 s31, v1  }
0x400: {  	v52 =	vld [tilespmem:$0x185F0]  }
0x401: {  	v54 =	vld [tilespmem:$0x185E0]  }
0x402: {  	v56 =	vld [tilespmem:$0x185D0];
	v2 =	vor.u32 s31, v2  }
0x403: {  	v58 =	vld [tilespmem:$0x185C0];
	v0 =	vor.u32 s31, v0  }
0x404: {  	v7 =	vld.idx.msk [tilespmem:v5+s20+$0x0], $0xffff  }
0x405: {  	v5 =	vld [tilespmem:$0x1FE90]  }
0x406: {  	v61 =	vld [tilespmem:$0x185B0]  }
0x407: {  	v55 =	vld.idx.msk [tilespmem:v2+s20+$0x0], $0xffff  }
0x408: {  	v2 =	vor.u32 s31, v57;
	v57 =	vld.idx.msk [tilespmem:v0+s20+$0x0], $0xffff  }
0x409: {  	v0 =	vld [tilespmem:$0x1FEE0]  }
0x40a: {  	v8 =	vld [tilespmem:$0x18570];
	v5 =	vor.u32 s31, v5  }
0x40b: {  	v14 =	vld [tilespmem:$0x18540]  }
0x40c: {  	v16 =	vld [tilespmem:$0x18530]  }
0x40d: {  	v19 =	vld [tilespmem:$0x18520]  }
0x40e: {  	v3 =	vor.u32 s31, v0;
	v0 =	vld [tilespmem:$0x1FED0]  }
0x40f: {  	v13 =	vld.idx.msk [tilespmem:v5+s20+$0x0], $0xffff  }
0x410: {  	v5 =	vld [tilespmem:$0x1FE60]  }
0x411: {  	v63 =	vld [tilespmem:$0x18510]  }
0x412: {  	v11 =	vor.u32 s31, v6;
	v6 =	vld [tilespmem:$0x18580]  }
0x413: {  	v15 =	vor.u32 s31, v10;
	v10 =	vld [tilespmem:$0x18560]  }
0x414: {  	v4 =	vor.u32 s31, v0;
	v0 =	vld.idx.msk [tilespmem:v2+s20+$0x0], $0xffff  }
0x415: {  	v2 =	vld.idx.msk [tilespmem:v3+s20+$0x0], $0xffff;
	v21 =	vor.u32 s31, v5  }
0x416: {  	v3 =	vld [tilespmem:$0x1FEB0]  }
0x417: {  	v17 =	vor.u32 s31, v12;
	v12 =	vld [tilespmem:$0x18550]  }
0x418: {  	v11 =	vld.idx.msk [tilespmem:v11+s20+$0x0], $0xffff  }
0x419: {  	v15 =	vld.idx.msk [tilespmem:v15+s20+$0x0], $0xffff  }
0x41a: {  	v62 =	vld.idx.msk [tilespmem:v21+s20+$0x0], $0xffff  }
0x41b: {  	v9 =	vor.u32 s31, v3;
	v21 =	vld [tilespmem:$0x1FE50]  }
0x41c: {  	v17 =	vld.idx.msk [tilespmem:v17+s20+$0x0], $0xffff;
	v5 =	vlaneseq.u32  }
0x41d: {  	v1 =	vld [tilespmem:$0x185A0];
	v59 =	vor.u32 s31, v5  }
0x41e: {  	v3 =	vld [tilespmem:$0x18590];
	v5 =	vmul.u32 $0x18, v59  }
0x41f: {  	v23 =	vor.u32 s31, v38;
	v20 =	vor.u32 s31, v20;
	v4 =	vld.idx.msk [tilespmem:v4+s20+$0x0], $0xffff  }
0x420: {  	s2 =	simm.s32 $0x10;
	v22 =	vor.u32 s31, v22;
	v9 =	vld.idx.msk [tilespmem:v9+s20+$0x0], $0xffff;
	v18 =	vadd.s32 $0x10, v5;
	v21 =	vor.u32 s31, v21  }
.LBB2_5:
0x421: {  	_ =	sdelay $0x3  }
0x422: {  	v18 =	vld.idx.msk [tilespmem:v18+s19+$0x0], $0xffff  }
0x423: {  	v24 =	vld [tilespmem:$0x1FA20]  }
0x424: {  	v20 =	vld.idx.msk [tilespmem:v20+s20+$0x0], $0xffff  }
0x425: {  	v21 =	vld.idx.msk [tilespmem:v21+s20+$0x0], $0xffff  }
0x426: {  	v22 =	vld.idx.msk [tilespmem:v22+s20+$0x0], $0xffff  }
0x427: {  	v23 =	vld.idx.msk [tilespmem:v23+s20+$0x0], $0xffff  }
0x428: {  	v27 =	vld [tilespmem:$0x18200]  }
0x429: {  	v29 =	vld [tilespmem:$0x18210]  }
0x42a: {  	v31 =	vld [tilespmem:$0x18220]  }
0x42b: {  	v32 =	vld [tilespmem:$0x1FD40]  }
0x42c: {  	v33 =	vld [tilespmem:$0x1FD50];
	v24 =	vor.u32 s31, v24  }
0x42d: {  	v43 =	vld [tilespmem:$0x18240]  }
0x42e: {  	v34 =	vld [tilespmem:$0x1FD60];
	v25 =	vor.u32 s31, v35  }
0x42f: {  	v28 =	vor.u32 s31, v36;
	v30 =	vor.u32 s31, v37;
	v37 =	vld [tilespmem:$0x18230]  }
0x430: {  	v36 =	vld [tilespmem:$0x1FD70]  }
0x431: {  	v24 =	vld.idx.msk [tilespmem:v24+s20+$0x0], $0xffff  }
0x432: {  	v35 =	vld [tilespmem:$0x1FC10]  }
0x433: {  	v32 =	vor.u32 s31, v32;
	v25 =	vld.idx.msk [tilespmem:v25+s20+$0x0], $0xffff  }
0x434: {  	v23 =	vmul.f32 v27, v23;
	v27 =	vld.idx.msk [tilespmem:v28+s20+$0x0], $0xffff  }
0x435: {  	v28 =	vld [tilespmem:$0x18260]  }
0x436: {  	v33 =	vor.u32 s31, v33;
	v23 =	vadd.f32 $0.0e+00, v23;
	v24 =	vmul.f32 v29, v24;
	v29 =	vld.idx.msk [tilespmem:v30+s20+$0x0], $0xffff  }
0x437: {  	v30 =	vld [tilespmem:$0x18270]  }
0x438: {  	v34 =	vor.u32 s31, v34;
	v23 =	vadd.f32 v24, v23;
	v24 =	vmul.f32 v31, v25;
	v25 =	vld.idx.msk [tilespmem:v32+s20+$0x0], $0xffff  }
0x439: {  	v31 =	vld [tilespmem:$0x18250]  }
0x43a: {  	v32 =	vor.u32 s31, v36;
	v36 =	vld [tilespmem:$0x1FDA0]  }
0x43b: {  	v23 =	vadd.f32 v24, v23;
	v24 =	vmul.f32 v37, v27;
	v27 =	vld.idx.msk [tilespmem:v33+s20+$0x0], $0xffff  }
0x43c: {  	v37 =	vld [tilespmem:$0x1FD80]  }
0x43d: {  	v23 =	vadd.f32 v24, v23;
	v24 =	vmul.f32 v43, v29;
	v29 =	vld.idx.msk [tilespmem:v34+s20+$0x0], $0xffff  }
0x43e: {  	v43 =	vld [tilespmem:$0x1FD90]  }
0x43f: {  	v23 =	vadd.f32 v24, v23;
	v24 =	vmul.f32 v31, v25;
	v25 =	vld.idx.msk [tilespmem:v32+s20+$0x0], $0xffff  }
0x440: {  	v31 =	vld [tilespmem:$0x18280]  }
0x441: {  	v32 =	vor.u32 s31, v36;
	v36 =	vld [tilespmem:$0x1FDD0];
	v33 =	vor.u32 s31, v37  }
0x442: {  	v37 =	vld [tilespmem:$0x1FDB0]  }
0x443: {  	v23 =	vadd.f32 v24, v23;
	v24 =	vmul.f32 v28, v27;
	v28 =	vld [tilespmem:$0x18290]  }
0x444: {  	v34 =	vor.u32 s31, v43;
	v43 =	vld [tilespmem:$0x1FDC0]  }
0x445: {  	v23 =	vadd.f32 v24, v23;
	v24 =	vmul.f32 v30, v29;
	v30 =	vld [tilespmem:$0x182A0]  }
0x446: {  	v27 =	vld.idx.msk [tilespmem:v33+s20+$0x0], $0xffff  }
0x447: {  	v23 =	vadd.f32 v24, v23;
	v24 =	vmul.f32 v31, v25;
	v25 =	vld.idx.msk [tilespmem:v32+s20+$0x0], $0xffff  }
0x448: {  	v33 =	vor.u32 s31, v37;
	v31 =	vld [tilespmem:$0x182B0]  }
0x449: {  	v37 =	vld [tilespmem:$0x1FDE0]  }
0x44a: {  	v32 =	vor.u32 s31, v36;
	v36 =	vld [tilespmem:$0x1FE00]  }
0x44b: {  	v29 =	vld.idx.msk [tilespmem:v34+s20+$0x0], $0xffff;
	v34 =	vor.u32 s31, v43  }
0x44c: {  	v43 =	vld [tilespmem:$0x1FDF0]  }
0x44d: {  	v23 =	vadd.f32 v24, v23;
	v24 =	vmul.f32 v28, v27;
	v27 =	vld.idx.msk [tilespmem:v33+s20+$0x0], $0xffff  }
0x44e: {  	v28 =	vld [tilespmem:$0x182C0]  }
0x44f: {  	v33 =	vor.u32 s31, v37;
	v37 =	vld [tilespmem:$0x1FE10]  }
0x450: {  	v23 =	vadd.f32 v24, v23;
	v24 =	vmul.f32 v30, v29;
	v29 =	vld.idx.msk [tilespmem:v34+s20+$0x0], $0xffff  }
0x451: {  	v30 =	vld [tilespmem:$0x182D0]  }
0x452: {  	v34 =	vor.u32 s31, v43;
	v43 =	vld [tilespmem:$0x1FE20]  }
0x453: {  	v23 =	vadd.f32 v24, v23;
	v24 =	vmul.f32 v31, v25;
	v25 =	vld.idx.msk [tilespmem:v32+s20+$0x0], $0xffff  }
0x454: {  	v31 =	vld [tilespmem:$0x182E0]  }
0x455: {  	v32 =	vor.u32 s31, v36;
	v36 =	vld [tilespmem:$0x1FE30]  }
0x456: {  	v23 =	vadd.f32 v24, v23;
	v24 =	vmul.f32 v28, v27;
	v27 =	vld.idx.msk [tilespmem:v33+s20+$0x0], $0xffff  }
0x457: {  	v28 =	vld [tilespmem:$0x182F0]  }
0x458: {  	v33 =	vor.u32 s31, v37;
	v37 =	vld [tilespmem:$0x1FE40]  }
0x459: {  	v23 =	vadd.f32 v24, v23;
	v24 =	vmul.f32 v30, v29;
	v29 =	vld.idx.msk [tilespmem:v34+s20+$0x0], $0xffff  }
0x45a: {  	v30 =	vld [tilespmem:$0x18300]  }
0x45b: {  	v34 =	vor.u32 s31, v43;
	v43 =	vld [tilespmem:$0x1FA30]  }
0x45c: {  	v23 =	vadd.f32 v24, v23;
	v24 =	vmul.f32 v31, v25;
	v25 =	vld.idx.msk [tilespmem:v32+s20+$0x0], $0xffff  }
0x45d: {  	v31 =	vld [tilespmem:$0x18310]  }
0x45e: {  	v32 =	vor.u32 s31, v36;
	v36 =	vld [tilespmem:$0x1FA40]  }
0x45f: {  	v23 =	vadd.f32 v24, v23;
	v24 =	vmul.f32 v28, v27;
	v27 =	vld.idx.msk [tilespmem:v33+s20+$0x0], $0xffff  }
0x460: {  	v28 =	vld [tilespmem:$0x18320]  }
0x461: {  	v33 =	vor.u32 s31, v37;
	v37 =	vld [tilespmem:$0x1FA50]  }
0x462: {  	v23 =	vadd.f32 v24, v23;
	v24 =	vmul.f32 v30, v29;
	v29 =	vld.idx.msk [tilespmem:v34+s20+$0x0], $0xffff  }
0x463: {  	v30 =	vld [tilespmem:$0x18330]  }
0x464: {  	v34 =	vor.u32 s31, v43;
	v43 =	vld [tilespmem:$0x1FA60]  }
0x465: {  	v23 =	vadd.f32 v24, v23;
	v24 =	vmul.f32 v31, v25;
	v25 =	vld.idx.msk [tilespmem:v32+s20+$0x0], $0xffff  }
0x466: {  	v31 =	vld [tilespmem:$0x18340]  }
0x467: {  	v32 =	vor.u32 s31, v36;
	v36 =	vld [tilespmem:$0x1FA70]  }
0x468: {  	v23 =	vadd.f32 v24, v23;
	v24 =	vmul.f32 v28, v27;
	v27 =	vld.idx.msk [tilespmem:v33+s20+$0x0], $0xffff  }
0x469: {  	v28 =	vld [tilespmem:$0x18350]  }
0x46a: {  	v33 =	vor.u32 s31, v37;
	v37 =	vld [tilespmem:$0x1FA80]  }
0x46b: {  	v23 =	vadd.f32 v24, v23;
	v24 =	vmul.f32 v30, v29;
	v29 =	vld.idx.msk [tilespmem:v34+s20+$0x0], $0xffff  }
0x46c: {  	v30 =	vld [tilespmem:$0x18360]  }
0x46d: {  	v34 =	vor.u32 s31, v43;
	v43 =	vld [tilespmem:$0x1FA90]  }
0x46e: {  	v23 =	vadd.f32 v24, v23;
	v24 =	vmul.f32 v31, v25;
	v25 =	vld.idx.msk [tilespmem:v32+s20+$0x0], $0xffff  }
0x46f: {  	v31 =	vld [tilespmem:$0x18370]  }
0x470: {  	v32 =	vor.u32 s31, v36;
	v36 =	vld [tilespmem:$0x1FAA0]  }
0x471: {  	v23 =	vadd.f32 v24, v23;
	v24 =	vmul.f32 v28, v27;
	v27 =	vld.idx.msk [tilespmem:v33+s20+$0x0], $0xffff  }
0x472: {  	v28 =	vld [tilespmem:$0x18380]  }
0x473: {  	v33 =	vor.u32 s31, v37;
	v37 =	vld [tilespmem:$0x1FAB0]  }
0x474: {  	v23 =	vadd.f32 v24, v23;
	v24 =	vmul.f32 v30, v29;
	v29 =	vld.idx.msk [tilespmem:v34+s20+$0x0], $0xffff  }
0x475: {  	v30 =	vld [tilespmem:$0x18390]  }
0x476: {  	v34 =	vor.u32 s31, v43;
	v43 =	vld [tilespmem:$0x1FAC0]  }
0x477: {  	v23 =	vadd.f32 v24, v23;
	v24 =	vmul.f32 v31, v25;
	v25 =	vld.idx.msk [tilespmem:v32+s20+$0x0], $0xffff  }
0x478: {  	v31 =	vld [tilespmem:$0x183A0]  }
0x479: {  	v32 =	vor.u32 s31, v36;
	v36 =	vld [tilespmem:$0x1FAD0]  }
0x47a: {  	v23 =	vadd.f32 v24, v23;
	v24 =	vmul.f32 v28, v27;
	v27 =	vld.idx.msk [tilespmem:v33+s20+$0x0], $0xffff  }
0x47b: {  	v28 =	vld [tilespmem:$0x183B0]  }
0x47c: {  	v33 =	vor.u32 s31, v37;
	v37 =	vld [tilespmem:$0x1FAE0]  }
0x47d: {  	v23 =	vadd.f32 v24, v23;
	v24 =	vmul.f32 v30, v29;
	v29 =	vld.idx.msk [tilespmem:v34+s20+$0x0], $0xffff  }
0x47e: {  	v30 =	vld [tilespmem:$0x183C0]  }
0x47f: {  	v34 =	vor.u32 s31, v43;
	v43 =	vld [tilespmem:$0x1FAF0]  }
0x480: {  	v23 =	vadd.f32 v24, v23;
	v24 =	vmul.f32 v31, v25;
	v25 =	vld.idx.msk [tilespmem:v32+s20+$0x0], $0xffff  }
0x481: {  	v31 =	vld [tilespmem:$0x183D0]  }
0x482: {  	v32 =	vor.u32 s31, v36;
	v36 =	vld [tilespmem:$0x1FB00]  }
0x483: {  	v23 =	vadd.f32 v24, v23;
	v24 =	vmul.f32 v28, v27;
	v27 =	vld.idx.msk [tilespmem:v33+s20+$0x0], $0xffff  }
0x484: {  	v28 =	vld [tilespmem:$0x183E0]  }
0x485: {  	v33 =	vor.u32 s31, v37;
	v37 =	vld [tilespmem:$0x1FB10]  }
0x486: {  	v23 =	vadd.f32 v24, v23;
	v24 =	vmul.f32 v30, v29;
	v29 =	vld.idx.msk [tilespmem:v34+s20+$0x0], $0xffff  }
0x487: {  	v30 =	vld [tilespmem:$0x183F0]  }
0x488: {  	v34 =	vor.u32 s31, v43;
	v43 =	vld [tilespmem:$0x1FB20]  }
0x489: {  	v23 =	vadd.f32 v24, v23;
	v24 =	vmul.f32 v31, v25;
	v25 =	vld.idx.msk [tilespmem:v32+s20+$0x0], $0xffff  }
0x48a: {  	v31 =	vld [tilespmem:$0x18400]  }
0x48b: {  	v32 =	vor.u32 s31, v36;
	v36 =	vld [tilespmem:$0x1FB30]  }
0x48c: {  	v23 =	vadd.f32 v24, v23;
	v24 =	vmul.f32 v28, v27;
	v27 =	vld.idx.msk [tilespmem:v33+s20+$0x0], $0xffff  }
0x48d: {  	v28 =	vld [tilespmem:$0x18410]  }
0x48e: {  	v33 =	vor.u32 s31, v37;
	v37 =	vld [tilespmem:$0x1FB40]  }
0x48f: {  	v23 =	vadd.f32 v24, v23;
	v24 =	vmul.f32 v30, v29;
	v29 =	vld.idx.msk [tilespmem:v34+s20+$0x0], $0xffff  }
0x490: {  	v30 =	vld [tilespmem:$0x18420]  }
0x491: {  	v34 =	vor.u32 s31, v43;
	v43 =	vld [tilespmem:$0x1FB50]  }
0x492: {  	v23 =	vadd.f32 v24, v23;
	v24 =	vmul.f32 v31, v25;
	v25 =	vld.idx.msk [tilespmem:v32+s20+$0x0], $0xffff  }
0x493: {  	v31 =	vld [tilespmem:$0x18430]  }
0x494: {  	v32 =	vor.u32 s31, v36;
	v36 =	vld [tilespmem:$0x1FB60]  }
0x495: {  	v23 =	vadd.f32 v24, v23;
	v24 =	vmul.f32 v28, v27;
	v27 =	vld.idx.msk [tilespmem:v33+s20+$0x0], $0xffff  }
0x496: {  	v28 =	vld [tilespmem:$0x18440]  }
0x497: {  	v33 =	vor.u32 s31, v37;
	v37 =	vld [tilespmem:$0x1FB70]  }
0x498: {  	v23 =	vadd.f32 v24, v23;
	v24 =	vmul.f32 v30, v29;
	v29 =	vld.idx.msk [tilespmem:v34+s20+$0x0], $0xffff  }
0x499: {  	v30 =	vld [tilespmem:$0x18450]  }
0x49a: {  	v34 =	vor.u32 s31, v43;
	v43 =	vld [tilespmem:$0x1FB80]  }
0x49b: {  	v23 =	vadd.f32 v24, v23;
	v24 =	vmul.f32 v31, v25;
	v25 =	vld.idx.msk [tilespmem:v32+s20+$0x0], $0xffff  }
0x49c: {  	v31 =	vld [tilespmem:$0x18460]  }
0x49d: {  	v32 =	vor.u32 s31, v36;
	v36 =	vld [tilespmem:$0x1FB90]  }
0x49e: {  	v23 =	vadd.f32 v24, v23;
	v24 =	vmul.f32 v28, v27;
	v27 =	vld.idx.msk [tilespmem:v33+s20+$0x0], $0xffff  }
0x49f: {  	v28 =	vld [tilespmem:$0x18470]  }
0x4a0: {  	v33 =	vor.u32 s31, v37;
	v37 =	vld [tilespmem:$0x1FBA0]  }
0x4a1: {  	v23 =	vadd.f32 v24, v23;
	v24 =	vmul.f32 v30, v29;
	v29 =	vld.idx.msk [tilespmem:v34+s20+$0x0], $0xffff  }
0x4a2: {  	v30 =	vld [tilespmem:$0x18480]  }
0x4a3: {  	v34 =	vor.u32 s31, v43;
	v43 =	vld [tilespmem:$0x1FBB0]  }
0x4a4: {  	v23 =	vadd.f32 v24, v23;
	v24 =	vmul.f32 v31, v25;
	v25 =	vld.idx.msk [tilespmem:v32+s20+$0x0], $0xffff  }
0x4a5: {  	v31 =	vld [tilespmem:$0x18490]  }
0x4a6: {  	v32 =	vor.u32 s31, v36;
	v36 =	vld [tilespmem:$0x1FBC0]  }
0x4a7: {  	v23 =	vadd.f32 v24, v23;
	v24 =	vmul.f32 v28, v27;
	v27 =	vld.idx.msk [tilespmem:v33+s20+$0x0], $0xffff  }
0x4a8: {  	v28 =	vld [tilespmem:$0x184A0]  }
0x4a9: {  	v33 =	vor.u32 s31, v37;
	v37 =	vld [tilespmem:$0x1F900]  }
0x4aa: {  	v23 =	vadd.f32 v24, v23;
	v24 =	vmul.f32 v30, v29;
	v29 =	vld.idx.msk [tilespmem:v34+s20+$0x0], $0xffff  }
0x4ab: {  	v30 =	vld [tilespmem:$0x184B0]  }
0x4ac: {  	v34 =	vor.u32 s31, v43;
	v43 =	vld [tilespmem:$0x1F910]  }
0x4ad: {  	v23 =	vadd.f32 v24, v23;
	v24 =	vmul.f32 v31, v25;
	v25 =	vld.idx.msk [tilespmem:v32+s20+$0x0], $0xffff  }
0x4ae: {  	v31 =	vld [tilespmem:$0x184C0]  }
0x4af: {  	v32 =	vor.u32 s31, v36;
	v36 =	vld [tilespmem:$0x1F920]  }
0x4b0: {  	v23 =	vadd.f32 v24, v23;
	v24 =	vmul.f32 v28, v27;
	v27 =	vld.idx.msk [tilespmem:v33+s20+$0x0], $0xffff  }
0x4b1: {  	v28 =	vld [tilespmem:$0x184D0]  }
0x4b2: {  	v33 =	vadd.s32 v37, v5;
	v37 =	vld [tilespmem:$0x1FC40]  }
0x4b3: {  	v23 =	vadd.f32 v24, v23;
	v24 =	vmul.f32 v30, v29;
	v29 =	vld.idx.msk [tilespmem:v34+s20+$0x0], $0xffff  }
0x4b4: {  	v30 =	vld [tilespmem:$0x184E0]  }
0x4b5: {  	v34 =	vadd.s32 v43, v5;
	v43 =	vld [tilespmem:$0x1F930]  }
0x4b6: {  	v23 =	vadd.f32 v24, v23;
	v24 =	vmul.f32 v31, v25;
	v25 =	vld.idx.msk [tilespmem:v32+s20+$0x0], $0xffff  }
0x4b7: {  	v32 =	vld [tilespmem:$0x184F0]  }
0x4b8: {  	v31 =	vor.u32 s31, v35;
	v23 =	vadd.f32 v24, v23;
	v24 =	vmul.f32 v28, v27;
	v27 =	vld.idx.msk [tilespmem:v33+s19+$0x0], $0xffff  }
0x4b9: {  	v35 =	vadd.s32 v36, v5;
	v33 =	vld [tilespmem:$0x18500]  }
0x4ba: {  	v28 =	vor.u32 s31, v37;
	v37 =	vld [tilespmem:$0x1FC70]  }
0x4bb: {  	v36 =	vadd.s32 v43, v5;
	v43 =	vld [tilespmem:$0x1F940]  }
0x4bc: {  	v23 =	vadd.f32 v24, v23;
	v24 =	vmul.f32 v30, v29;
	v29 =	vld.idx.msk [tilespmem:v34+s19+$0x0], $0xffff  }
0x4bd: {  	v31 =	vld.idx.msk [tilespmem:v31+s20+$0x0], $0xffff  }
0x4be: {  	v23 =	vadd.f32 v24, v23;
	v24 =	vmul.f32 v32, v25;
	v25 =	vld.idx.msk [tilespmem:v35+s19+$0x0], $0xffff  }
0x4bf: {  	v30 =	vor.u32 s31, v37;
	v37 =	vld [tilespmem:$0x1FCA0]  }
0x4c0: {  	v35 =	vadd.s32 v41, v5;
	v28 =	vld.idx.msk [tilespmem:v28+s20+$0x0], $0xffff  }
0x4c1: {  	v22 =	vmul.f32 v27, v22;
	v27 =	vmul.f32 v63, v62;
	v63 =	vld [tilespmem:$0x1FF70]  }
0x4c2: {  	v21 =	vmul.f32 v33, v21;
	v62 =	vld [tilespmem:$0x1FF90];
	v34 =	vadd.s32 v43, v5  }
0x4c3: {  	v43 =	vld [tilespmem:$0x1FF60];
	v23 =	vadd.f32 v24, v23;
	v18 =	vadd.f32 v22, v18;
	v20 =	vmul.f32 v29, v20  }
0x4c4: {  	v33 =	vadd.s32 v40, v5;
	v24 =	vld.idx.msk [tilespmem:v36+s19+$0x0], $0xffff  }
0x4c5: {  	v21 =	vadd.f32 v21, v23;
	v18 =	vadd.f32 v20, v18;
	v20 =	vmul.f32 v25, v31;
	v25 =	vld.idx.msk [tilespmem:v35+s19+$0x0], $0xffff  }
0x4c6: {  	v23 =	vadd.s32 v42, v5;
	v30 =	vld.idx.msk [tilespmem:v30+s20+$0x0], $0xffff  }
0x4c7: {  	v17 =	vmul.f32 v19, v17;
	v36 =	vor.u32 s31, v63;
	v21 =	vadd.f32 v27, v21;
	v63 =	vld [tilespmem:$0x1FFA0]  }
0x4c8: {  	v15 =	vmul.f32 v16, v15;
	v32 =	vor.u32 s31, v37;
	v37 =	vor.u32 s31, v43;
	v22 =	vld.idx.msk [tilespmem:v34+s19+$0x0], $0xffff  }
0x4c9: {  	v43 =	vld [tilespmem:$0x1FF80];
	v18 =	vadd.f32 v20, v18;
	v20 =	vmul.f32 v24, v28;
	v17 =	vadd.f32 v17, v21  }
0x4ca: {  	v31 =	vor.u32 s31, v62;
	v21 =	vld.idx.msk [tilespmem:v33+s19+$0x0], $0xffff  }
0x4cb: {  	v15 =	vadd.f32 v15, v17;
	v17 =	vadd.f32 v20, v18;
	v20 =	vld.idx.msk [tilespmem:v23+s19+$0x0], $0xffff  }
0x4cc: {  	v27 =	vadd.s32 v26, v5;
	v23 =	vld [tilespmem:$0x1FFB0]  }
0x4cd: {  	v19 =	vld.idx.msk [tilespmem:v32+s20+$0x0], $0xffff  }
0x4ce: {  	v13 =	vmul.f32 v14, v13;
	v14 =	vld.idx.msk [tilespmem:v36+s20+$0x0], $0xffff;
	v28 =	vor.u32 s31, v63  }
0x4cf: {  	v9 =	vmul.f32 v10, v9;
	v10 =	vld.idx.msk [tilespmem:v31+s20+$0x0], $0xffff;
	v29 =	vor.u32 s31, v43;
	v18 =	vmul.f32 v22, v30  }
0x4d0: {  	v16 =	vld.idx.msk [tilespmem:v37+s20+$0x0], $0xffff  }
0x4d1: {  	v24 =	vadd.s32 v39, v5;
	v13 =	vadd.f32 v13, v15;
	v15 =	vadd.f32 v18, v17;
	v18 =	vld.idx.msk [tilespmem:v27+s19+$0x0], $0xffff  }
0x4d2: {  	v11 =	vmul.f32 v12, v11;
	v17 =	vmul.f32 v25, v19;
	v25 =	vld [tilespmem:$0x1FFC0]  }
0x4d3: {  	v7 =	vmul.f32 v8, v7;
	v22 =	vadd.s32 v44, v5;
	v8 =	vld.idx.msk [tilespmem:v28+s20+$0x0], $0xffff  }
0x4d4: {  	v11 =	vadd.f32 v11, v13;
	v12 =	vld.idx.msk [tilespmem:v29+s20+$0x0], $0xffff  }
0x4d5: {  	v23 =	vor.u32 s31, v23;
	v13 =	vadd.f32 v17, v15;
	v15 =	vmul.f32 v21, v16;
	v21 =	vld [tilespmem:$0x1FFD0]  }
0x4d6: {  	v19 =	vadd.s32 v45, v5;
	v9 =	vadd.f32 v9, v11;
	v16 =	vld.idx.msk [tilespmem:v24+s19+$0x0], $0xffff  }
0x4d7: {  	v17 =	vadd.s32 v46, v5;
	v11 =	vadd.f32 v15, v13;
	v13 =	vmul.f32 v20, v14;
	v20 =	vld [tilespmem:$0x1FFE0]  }
0x4d8: {  	v4 =	vmul.f32 v6, v4;
	v7 =	vadd.f32 v7, v9;
	v14 =	vld.idx.msk [tilespmem:v22+s19+$0x0], $0xffff;
	v25 =	vor.u32 s31, v25  }
0x4d9: {  	v15 =	vadd.s32 v47, v5;
	v9 =	vadd.f32 v13, v11;
	v11 =	vmul.f32 v18, v12;
	v18 =	vld [tilespmem:$0x1FFF0]  }
0x4da: {  	v6 =	vld.idx.msk [tilespmem:v23+s20+$0x0], $0xffff;
	v21 =	vor.u32 s31, v21  }
0x4db: {  	v2 =	vmul.f32 v3, v2;
	v4 =	vadd.f32 v4, v7;
	v12 =	vld.idx.msk [tilespmem:v19+s19+$0x0], $0xffff;
	v13 =	vadd.s32 v48, v5  }
0x4dc: {  	v7 =	vadd.f32 v11, v9;
	v9 =	vmul.f32 v16, v10;
	v10 =	vld.idx.msk [tilespmem:v17+s19+$0x0], $0xffff;
	v20 =	vor.u32 s31, v20  }
0x4dd: {  	v0 =	vmul.f32 v1, v0;
	v5 =	vadd.s32 v49, v5;
	v2 =	vadd.f32 v2, v4;
	v3 =	vld.idx.msk [tilespmem:v25+s20+$0x0], $0xffff  }
0x4de: {  	v4 =	vadd.f32 v9, v7;
	v7 =	vmul.f32 v14, v8;
	v8 =	vld.idx.msk [tilespmem:v15+s19+$0x0], $0xffff;
	v18 =	vor.u32 s31, v18  }
0x4df: {  	v0 =	vadd.f32 v0, v2;
	v9 =	vmul.f32 v61, v60;
	v1 =	vld.idx.msk [tilespmem:v21+s20+$0x0], $0xffff  }
0x4e0: {  	v2 =	vadd.f32 v7, v4;
	v4 =	vmul.f32 v12, v6;
	v6 =	vld.idx.msk [tilespmem:v13+s19+$0x0], $0xffff  }
0x4e1: {  	v7 =	vmul.f32 v58, v57;
	v0 =	vadd.f32 v9, v0;
	v11 =	vld.idx.msk [tilespmem:v20+s20+$0x0], $0xffff  }
0x4e2: {  	v2 =	vadd.f32 v4, v2;
	v4 =	vld.idx.msk [tilespmem:v5+s19+$0x0], $0xffff;
	v3 =	vmul.f32 v10, v3  }
0x4e3: {  	v5 =	vmul.f32 v56, v55;
	v0 =	vadd.f32 v7, v0;
	v12 =	vld.idx.msk [tilespmem:v18+s20+$0x0], $0xffff  }
0x4e4: {  	v2 =	vadd.f32 v3, v2;
	v1 =	vmul.f32 v8, v1  }
0x4e5: {  	v0 =	vadd.f32 v5, v0  }
0x4e6: {  	v35 =	vld [tilespmem:$0x1FD10];
	v3 =	vmul.f32 v54, v53;
	v1 =	vadd.f32 v1, v2;
	v2 =	vmul.f32 v6, v11  }
0x4e7: {  	v36 =	vld [tilespmem:$0x1FD20];
	v5 =	vmul.f32 v52, v51  }
0x4e8: {  	v37 =	vld [tilespmem:$0x1FD30];
	v0 =	vadd.f32 v3, v0;
	v1 =	vadd.f32 v2, v1;
	v2 =	vmul.f32 v4, v12  }
0x4e9: {  	v19 =	vld [tilespmem:$0x1FF50]  }
0x4ea: {  	v3 =	vld [tilespmem:$0x1FF40];
	v0 =	vadd.f32 v5, v0;
	v1 =	vadd.f32 v2, v1  }
0x4eb: {  	v4 =	vld [tilespmem:$0x1FA00]  }
0x4ec: {  	v0 =	vadd.f32 v1, v0;
	v1 =	vld [tilespmem:$0x1FF30]  }
0x4ed: {  	v14 =	vld [tilespmem:$0x1FE60];
	s31 =	sadd.s32 $0x400, s31  }
0x4ee: {  	v20 =	vor.u32 s31, v19;
	v19 =	vld [tilespmem:$0x1FE50];
	v2 =	vand.u32 v50, v59  }
0x4ef: {  	v10 =	vld [tilespmem:$0x1FE80]  }
0x4f0: {  	v6 =	vld [tilespmem:$0x1FEA0];
	v3 =	vor.u32 s31, v3  }
0x4f1: {  	v12 =	vld [tilespmem:$0x1FE70];
	v0 =	vadd.f32 v0, v4;
	v1 =	vor.u32 s31, v1  }
0x4f2: {  	v4 =	vld [tilespmem:$0x1FF20]  }
0x4f3: {  	[tilespmem:v2+s23+$0x0] =	vst.idx.msk $0xffff, v0;
	v0 =	vld [tilespmem:$0x1FF10]  }
0x4f4: {  	v2 =	vld [tilespmem:$0x1FEF0]  }
0x4f5: {  	v51 =	vld.idx.msk [tilespmem:v3+s20+$0x0], $0xffff  }
0x4f6: {  	v53 =	vld.idx.msk [tilespmem:v1+s20+$0x0], $0xffff  }
0x4f7: {  	v1 =	vld [tilespmem:$0x1FF00]  }
0x4f8: {  	v52 =	vld [tilespmem:$0x185F0]  }
0x4f9: {  	v54 =	vld [tilespmem:$0x185E0]  }
0x4fa: {  	v56 =	vld [tilespmem:$0x185D0];
	v0 =	vor.u32 s31, v0  }
0x4fb: {  	v58 =	vld [tilespmem:$0x185C0]  }
0x4fc: {  	v61 =	vld [tilespmem:$0x185B0];
	v1 =	vor.u32 s31, v1  }
0x4fd: {  	v11 =	vor.u32 s31, v6;
	v6 =	vld [tilespmem:$0x18580]  }
0x4fe: {  	v8 =	vld [tilespmem:$0x18570]  }
0x4ff: {  	v57 =	vld.idx.msk [tilespmem:v0+s20+$0x0], $0xffff  }
0x500: {  	v0 =	vld [tilespmem:$0x1FEE0]  }
0x501: {  	v60 =	vld.idx.msk [tilespmem:v1+s20+$0x0], $0xffff  }
0x502: {  	v1 =	vld [tilespmem:$0x1FEC0]  }
0x503: {  	v15 =	vor.u32 s31, v10;
	v10 =	vld [tilespmem:$0x18560]  }
0x504: {  	v11 =	vld.idx.msk [tilespmem:v11+s20+$0x0], $0xffff  }
0x505: {  	v17 =	vor.u32 s31, v12;
	v12 =	vld [tilespmem:$0x18550];
	v4 =	vor.u32 s31, v4  }
0x506: {  	v2 =	vor.u32 s31, v2;
	v3 =	vor.u32 s31, v0;
	v0 =	vld [tilespmem:$0x1FED0]  }
0x507: {  	v22 =	vor.u32 s31, v14;
	v14 =	vld [tilespmem:$0x18540];
	v5 =	vor.u32 s31, v1  }
0x508: {  	v15 =	vld.idx.msk [tilespmem:v15+s20+$0x0], $0xffff  }
0x509: {  	v16 =	vld [tilespmem:$0x18530]  }
0x50a: {  	v55 =	vld.idx.msk [tilespmem:v4+s20+$0x0], $0xffff  }
0x50b: {  	v4 =	vor.u32 s31, v0;
	v0 =	vld.idx.msk [tilespmem:v2+s20+$0x0], $0xffff  }
0x50c: {  	v7 =	vld.idx.msk [tilespmem:v5+s20+$0x0], $0xffff  }
0x50d: {  	v5 =	vld [tilespmem:$0x1FE90]  }
0x50e: {  	v2 =	vld.idx.msk [tilespmem:v3+s20+$0x0], $0xffff  }
0x50f: {  	v3 =	vld [tilespmem:$0x1FEB0]  }
0x510: {  	v21 =	vor.u32 s31, v19;
	v19 =	vld [tilespmem:$0x18520]  }
0x511: {  	v62 =	vld.idx.msk [tilespmem:v22+s20+$0x0], $0xffff  }
0x512: {  	v22 =	vld [tilespmem:$0x1F9F0];
	v5 =	vor.u32 s31, v5  }
0x513: {  	v63 =	vld [tilespmem:$0x18510]  }
0x514: {  	p1 =	sne.s32 s2, $0x1F0;
	v17 =	vld.idx.msk [tilespmem:v17+s20+$0x0], $0xffff;
	v9 =	vor.u32 s31, v3  }
.Ltmp3:
0x515: {  	v13 =	vlaneseq.u32;
	v1 =	vld [tilespmem:$0x185A0];
	(pc) =	sbr.rel @p1 .LBB2_5-.Ltmp3, $4  }
0x516: {  	v59 =	vor.u32 s2, v13;
	v3 =	vld [tilespmem:$0x18590]  }
0x517: {  	v13 =	vld.idx.msk [tilespmem:v5+s20+$0x0], $0xffff;
	v5 =	vmul.u32 $0x18, v59  }
0x518: {  	v4 =	vld.idx.msk [tilespmem:v4+s20+$0x0], $0xffff  }
0x519: {  	v23 =	vor.u32 s31, v38;
	s2 =	sadd.s32 $0x10, s2;
	v22 =	vor.u32 s31, v22;
	v9 =	vld.idx.msk [tilespmem:v9+s20+$0x0], $0xffff;
	v18 =	vadd.s32 $0x10, v5  }
0x51a: {  	v24 =	vld [tilespmem:$0x1FA20];
	_ =	sdelay $0x4  }
0x51b: {  	v23 =	vld.idx.msk [tilespmem:v23+s20+$0x0], $0xffff;
	v24 =	vor.u32 s31, v24  }
0x51c: {  	v27 =	vld [tilespmem:$0x18200]  }
0x51d: {  	v25 =	vor.u32 s31, v35;
	v32 =	vld [tilespmem:$0x1FD40]  }
0x51e: {  	v29 =	vld [tilespmem:$0x18210]  }
0x51f: {  	v31 =	vld [tilespmem:$0x18220]  }
0x520: {  	v28 =	vor.u32 s31, v36;
	v24 =	vld.idx.msk [tilespmem:v24+s20+$0x0], $0xffff  }
0x521: {  	v33 =	vld [tilespmem:$0x1FD50]  }
0x522: {  	v25 =	vld.idx.msk [tilespmem:v25+s20+$0x0], $0xffff;
	v32 =	vor.u32 s31, v32  }
0x523: {  	v43 =	vld [tilespmem:$0x1FD70];
	v23 =	vmul.f32 v27, v23  }
0x524: {  	v34 =	vld [tilespmem:$0x1FD60]  }
0x525: {  	v30 =	vor.u32 s31, v37;
	v27 =	vld.idx.msk [tilespmem:v28+s20+$0x0], $0xffff;
	v23 =	vadd.f32 $0.0e+00, v23;
	v24 =	vmul.f32 v29, v24  }
0x526: {  	v28 =	vld [tilespmem:$0x18230]  }
0x527: {  	v33 =	vor.u32 s31, v33;
	v23 =	vadd.f32 v24, v23;
	v24 =	vmul.f32 v31, v25;
	v25 =	vld.idx.msk [tilespmem:v32+s20+$0x0], $0xffff  }
0x528: {  	v32 =	vor.u32 s31, v43;
	v43 =	vld [tilespmem:$0x1FD80];
	_ =	sdelay $0x1  }
0x529: {  	v29 =	vld.idx.msk [tilespmem:v30+s20+$0x0], $0xffff  }
0x52a: {  	v30 =	vld [tilespmem:$0x18240]  }
0x52b: {  	v34 =	vor.u32 s31, v34;
	v23 =	vadd.f32 v24, v23;
	v24 =	vmul.f32 v28, v27;
	v27 =	vld.idx.msk [tilespmem:v33+s20+$0x0], $0xffff  }
0x52c: {  	v33 =	vor.u32 s31, v43;
	v43 =	vld [tilespmem:$0x1FD90];
	_ =	sdelay $0x2  }
0x52d: {  	v31 =	vld [tilespmem:$0x18250]  }
0x52e: {  	v23 =	vadd.f32 v24, v23;
	v24 =	vmul.f32 v30, v29;
	v29 =	vld.idx.msk [tilespmem:v34+s20+$0x0], $0xffff  }
0x52f: {  	v34 =	vor.u32 s31, v43;
	v43 =	vld [tilespmem:$0x1FDA0];
	_ =	sdelay $0x2  }
0x530: {  	v28 =	vld [tilespmem:$0x18260]  }
0x531: {  	v23 =	vadd.f32 v24, v23;
	v24 =	vmul.f32 v31, v25;
	v25 =	vld.idx.msk [tilespmem:v32+s20+$0x0], $0xffff  }
0x532: {  	v32 =	vor.u32 s31, v43;
	v43 =	vld [tilespmem:$0x1FDB0];
	_ =	sdelay $0x2  }
0x533: {  	v30 =	vld [tilespmem:$0x18270]  }
0x534: {  	v23 =	vadd.f32 v24, v23;
	v24 =	vmul.f32 v28, v27;
	v27 =	vld.idx.msk [tilespmem:v33+s20+$0x0], $0xffff  }
0x535: {  	v33 =	vor.u32 s31, v43;
	v43 =	vld [tilespmem:$0x1FDC0];
	_ =	sdelay $0x2  }
0x536: {  	v31 =	vld [tilespmem:$0x18280]  }
0x537: {  	v23 =	vadd.f32 v24, v23;
	v24 =	vmul.f32 v30, v29;
	v29 =	vld.idx.msk [tilespmem:v34+s20+$0x0], $0xffff  }
0x538: {  	v34 =	vor.u32 s31, v43;
	v43 =	vld [tilespmem:$0x1FDD0];
	_ =	sdelay $0x2  }
0x539: {  	v28 =	vld [tilespmem:$0x18290]  }
0x53a: {  	v23 =	vadd.f32 v24, v23;
	v24 =	vmul.f32 v31, v25;
	v25 =	vld.idx.msk [tilespmem:v32+s20+$0x0], $0xffff  }
0x53b: {  	v32 =	vor.u32 s31, v43;
	v43 =	vld [tilespmem:$0x1FDE0];
	_ =	sdelay $0x2  }
0x53c: {  	v30 =	vld [tilespmem:$0x182A0]  }
0x53d: {  	v23 =	vadd.f32 v24, v23;
	v24 =	vmul.f32 v28, v27;
	v27 =	vld.idx.msk [tilespmem:v33+s20+$0x0], $0xffff  }
0x53e: {  	v33 =	vor.u32 s31, v43;
	v43 =	vld [tilespmem:$0x1FDF0];
	_ =	sdelay $0x2  }
0x53f: {  	v31 =	vld [tilespmem:$0x182B0]  }
0x540: {  	v23 =	vadd.f32 v24, v23;
	v24 =	vmul.f32 v30, v29;
	v29 =	vld.idx.msk [tilespmem:v34+s20+$0x0], $0xffff  }
0x541: {  	v34 =	vor.u32 s31, v43;
	v43 =	vld [tilespmem:$0x1FE00];
	_ =	sdelay $0x2  }
0x542: {  	v28 =	vld [tilespmem:$0x182C0]  }
0x543: {  	v23 =	vadd.f32 v24, v23;
	v24 =	vmul.f32 v31, v25;
	v25 =	vld.idx.msk [tilespmem:v32+s20+$0x0], $0xffff  }
0x544: {  	v32 =	vor.u32 s31, v43;
	v43 =	vld [tilespmem:$0x1FE10];
	_ =	sdelay $0x2  }
0x545: {  	v30 =	vld [tilespmem:$0x182D0]  }
0x546: {  	v23 =	vadd.f32 v24, v23;
	v24 =	vmul.f32 v28, v27;
	v27 =	vld.idx.msk [tilespmem:v33+s20+$0x0], $0xffff  }
0x547: {  	v33 =	vor.u32 s31, v43;
	v43 =	vld [tilespmem:$0x1FE20];
	_ =	sdelay $0x2  }
0x548: {  	v31 =	vld [tilespmem:$0x182E0]  }
0x549: {  	v23 =	vadd.f32 v24, v23;
	v24 =	vmul.f32 v30, v29;
	v29 =	vld.idx.msk [tilespmem:v34+s20+$0x0], $0xffff  }
0x54a: {  	v34 =	vor.u32 s31, v43;
	v43 =	vld [tilespmem:$0x1FE30];
	_ =	sdelay $0x2  }
0x54b: {  	v28 =	vld [tilespmem:$0x182F0]  }
0x54c: {  	v23 =	vadd.f32 v24, v23;
	v24 =	vmul.f32 v31, v25;
	v25 =	vld.idx.msk [tilespmem:v32+s20+$0x0], $0xffff  }
0x54d: {  	v32 =	vor.u32 s31, v43;
	v43 =	vld [tilespmem:$0x1FE40];
	_ =	sdelay $0x2  }
0x54e: {  	v30 =	vld [tilespmem:$0x18300]  }
0x54f: {  	v23 =	vadd.f32 v24, v23;
	v24 =	vmul.f32 v28, v27;
	v27 =	vld.idx.msk [tilespmem:v33+s20+$0x0], $0xffff  }
0x550: {  	v33 =	vor.u32 s31, v43;
	v43 =	vld [tilespmem:$0x1FA30];
	_ =	sdelay $0x2  }
0x551: {  	v31 =	vld [tilespmem:$0x18310]  }
0x552: {  	v23 =	vadd.f32 v24, v23;
	v24 =	vmul.f32 v30, v29;
	v29 =	vld.idx.msk [tilespmem:v34+s20+$0x0], $0xffff  }
0x553: {  	v34 =	vor.u32 s31, v43;
	v43 =	vld [tilespmem:$0x1FA40];
	_ =	sdelay $0x2  }
0x554: {  	v28 =	vld [tilespmem:$0x18320]  }
0x555: {  	v23 =	vadd.f32 v24, v23;
	v24 =	vmul.f32 v31, v25;
	v25 =	vld.idx.msk [tilespmem:v32+s20+$0x0], $0xffff  }
0x556: {  	v32 =	vor.u32 s31, v43;
	v43 =	vld [tilespmem:$0x1FA50];
	_ =	sdelay $0x2  }
0x557: {  	v30 =	vld [tilespmem:$0x18330]  }
0x558: {  	v23 =	vadd.f32 v24, v23;
	v24 =	vmul.f32 v28, v27;
	v27 =	vld.idx.msk [tilespmem:v33+s20+$0x0], $0xffff  }
0x559: {  	v33 =	vor.u32 s31, v43;
	v43 =	vld [tilespmem:$0x1FA60];
	_ =	sdelay $0x2  }
0x55a: {  	v31 =	vld [tilespmem:$0x18340]  }
0x55b: {  	v23 =	vadd.f32 v24, v23;
	v24 =	vmul.f32 v30, v29;
	v29 =	vld.idx.msk [tilespmem:v34+s20+$0x0], $0xffff  }
0x55c: {  	v34 =	vor.u32 s31, v43;
	v43 =	vld [tilespmem:$0x1FA70];
	_ =	sdelay $0x2  }
0x55d: {  	v28 =	vld [tilespmem:$0x18350]  }
0x55e: {  	v23 =	vadd.f32 v24, v23;
	v24 =	vmul.f32 v31, v25;
	v25 =	vld.idx.msk [tilespmem:v32+s20+$0x0], $0xffff  }
0x55f: {  	v32 =	vor.u32 s31, v43;
	v43 =	vld [tilespmem:$0x1FA80];
	_ =	sdelay $0x2  }
0x560: {  	v30 =	vld [tilespmem:$0x18360]  }
0x561: {  	v23 =	vadd.f32 v24, v23;
	v24 =	vmul.f32 v28, v27;
	v27 =	vld.idx.msk [tilespmem:v33+s20+$0x0], $0xffff  }
0x562: {  	v33 =	vor.u32 s31, v43;
	v43 =	vld [tilespmem:$0x1FA90];
	_ =	sdelay $0x2  }
0x563: {  	v31 =	vld [tilespmem:$0x18370]  }
0x564: {  	v23 =	vadd.f32 v24, v23;
	v24 =	vmul.f32 v30, v29;
	v29 =	vld.idx.msk [tilespmem:v34+s20+$0x0], $0xffff  }
0x565: {  	v34 =	vor.u32 s31, v43;
	v43 =	vld [tilespmem:$0x1FAA0];
	_ =	sdelay $0x2  }
0x566: {  	v28 =	vld [tilespmem:$0x18380]  }
0x567: {  	v23 =	vadd.f32 v24, v23;
	v24 =	vmul.f32 v31, v25;
	v25 =	vld.idx.msk [tilespmem:v32+s20+$0x0], $0xffff  }
0x568: {  	v32 =	vor.u32 s31, v43;
	v43 =	vld [tilespmem:$0x1FAB0];
	_ =	sdelay $0x2  }
0x569: {  	v30 =	vld [tilespmem:$0x18390]  }
0x56a: {  	v23 =	vadd.f32 v24, v23;
	v24 =	vmul.f32 v28, v27;
	v27 =	vld.idx.msk [tilespmem:v33+s20+$0x0], $0xffff  }
0x56b: {  	v33 =	vor.u32 s31, v43;
	v43 =	vld [tilespmem:$0x1FAC0];
	_ =	sdelay $0x2  }
0x56c: {  	v31 =	vld [tilespmem:$0x183A0]  }
0x56d: {  	v23 =	vadd.f32 v24, v23;
	v24 =	vmul.f32 v30, v29;
	v29 =	vld.idx.msk [tilespmem:v34+s20+$0x0], $0xffff  }
0x56e: {  	v34 =	vor.u32 s31, v43;
	v43 =	vld [tilespmem:$0x1FAD0];
	_ =	sdelay $0x2  }
0x56f: {  	v28 =	vld [tilespmem:$0x183B0]  }
0x570: {  	v23 =	vadd.f32 v24, v23;
	v24 =	vmul.f32 v31, v25;
	v25 =	vld.idx.msk [tilespmem:v32+s20+$0x0], $0xffff  }
0x571: {  	v32 =	vor.u32 s31, v43;
	v43 =	vld [tilespmem:$0x1FAE0];
	_ =	sdelay $0x2  }
0x572: {  	v30 =	vld [tilespmem:$0x183C0]  }
0x573: {  	v23 =	vadd.f32 v24, v23;
	v24 =	vmul.f32 v28, v27;
	v27 =	vld.idx.msk [tilespmem:v33+s20+$0x0], $0xffff  }
0x574: {  	v33 =	vor.u32 s31, v43;
	v43 =	vld [tilespmem:$0x1FAF0];
	_ =	sdelay $0x2  }
0x575: {  	v31 =	vld [tilespmem:$0x183D0]  }
0x576: {  	v23 =	vadd.f32 v24, v23;
	v24 =	vmul.f32 v30, v29;
	v29 =	vld.idx.msk [tilespmem:v34+s20+$0x0], $0xffff  }
0x577: {  	v34 =	vor.u32 s31, v43;
	v43 =	vld [tilespmem:$0x1FB00];
	_ =	sdelay $0x2  }
0x578: {  	v28 =	vld [tilespmem:$0x183E0]  }
0x579: {  	v23 =	vadd.f32 v24, v23;
	v24 =	vmul.f32 v31, v25;
	v25 =	vld.idx.msk [tilespmem:v32+s20+$0x0], $0xffff  }
0x57a: {  	v32 =	vor.u32 s31, v43;
	v43 =	vld [tilespmem:$0x1FB10];
	_ =	sdelay $0x2  }
0x57b: {  	v30 =	vld [tilespmem:$0x183F0]  }
0x57c: {  	v23 =	vadd.f32 v24, v23;
	v24 =	vmul.f32 v28, v27;
	v27 =	vld.idx.msk [tilespmem:v33+s20+$0x0], $0xffff  }
0x57d: {  	v33 =	vor.u32 s31, v43;
	v43 =	vld [tilespmem:$0x1FB20];
	_ =	sdelay $0x2  }
0x57e: {  	v31 =	vld [tilespmem:$0x18400]  }
0x57f: {  	v23 =	vadd.f32 v24, v23;
	v24 =	vmul.f32 v30, v29;
	v29 =	vld.idx.msk [tilespmem:v34+s20+$0x0], $0xffff  }
0x580: {  	v34 =	vor.u32 s31, v43;
	v43 =	vld [tilespmem:$0x1FB30];
	_ =	sdelay $0x2  }
0x581: {  	v28 =	vld [tilespmem:$0x18410]  }
0x582: {  	v23 =	vadd.f32 v24, v23;
	v24 =	vmul.f32 v31, v25;
	v25 =	vld.idx.msk [tilespmem:v32+s20+$0x0], $0xffff  }
0x583: {  	v32 =	vor.u32 s31, v43;
	v43 =	vld [tilespmem:$0x1FB40];
	_ =	sdelay $0x2  }
0x584: {  	v30 =	vld [tilespmem:$0x18420]  }
0x585: {  	v23 =	vadd.f32 v24, v23;
	v24 =	vmul.f32 v28, v27;
	v27 =	vld.idx.msk [tilespmem:v33+s20+$0x0], $0xffff  }
0x586: {  	v33 =	vor.u32 s31, v43;
	v43 =	vld [tilespmem:$0x1FB50];
	_ =	sdelay $0x2  }
0x587: {  	v31 =	vld [tilespmem:$0x18430]  }
0x588: {  	v23 =	vadd.f32 v24, v23;
	v24 =	vmul.f32 v30, v29;
	v29 =	vld.idx.msk [tilespmem:v34+s20+$0x0], $0xffff  }
0x589: {  	v34 =	vor.u32 s31, v43;
	v43 =	vld [tilespmem:$0x1FB60];
	_ =	sdelay $0x2  }
0x58a: {  	v28 =	vld [tilespmem:$0x18440]  }
0x58b: {  	v23 =	vadd.f32 v24, v23;
	v24 =	vmul.f32 v31, v25;
	v25 =	vld.idx.msk [tilespmem:v32+s20+$0x0], $0xffff  }
0x58c: {  	v32 =	vor.u32 s31, v43;
	v43 =	vld [tilespmem:$0x1FB70];
	_ =	sdelay $0x2  }
0x58d: {  	v30 =	vld [tilespmem:$0x18450]  }
0x58e: {  	v23 =	vadd.f32 v24, v23;
	v24 =	vmul.f32 v28, v27;
	v27 =	vld.idx.msk [tilespmem:v33+s20+$0x0], $0xffff  }
0x58f: {  	v33 =	vor.u32 s31, v43;
	v43 =	vld [tilespmem:$0x1FB80];
	_ =	sdelay $0x2  }
0x590: {  	v31 =	vld [tilespmem:$0x18460]  }
0x591: {  	v23 =	vadd.f32 v24, v23;
	v24 =	vmul.f32 v30, v29;
	v29 =	vld.idx.msk [tilespmem:v34+s20+$0x0], $0xffff  }
0x592: {  	v34 =	vor.u32 s31, v43;
	v43 =	vld [tilespmem:$0x1FB90];
	_ =	sdelay $0x2  }
0x593: {  	v28 =	vld [tilespmem:$0x18470]  }
0x594: {  	v23 =	vadd.f32 v24, v23;
	v24 =	vmul.f32 v31, v25;
	v25 =	vld.idx.msk [tilespmem:v32+s20+$0x0], $0xffff  }
0x595: {  	v32 =	vor.u32 s31, v43;
	v43 =	vld [tilespmem:$0x1FBA0];
	_ =	sdelay $0x2  }
0x596: {  	v30 =	vld [tilespmem:$0x18480]  }
0x597: {  	v23 =	vadd.f32 v24, v23;
	v24 =	vmul.f32 v28, v27;
	v27 =	vld.idx.msk [tilespmem:v33+s20+$0x0], $0xffff  }
0x598: {  	v33 =	vor.u32 s31, v43;
	v43 =	vld [tilespmem:$0x1FBB0];
	_ =	sdelay $0x1  }
0x599: {  	v31 =	vld [tilespmem:$0x18490]  }
0x59a: {  	v28 =	vld [tilespmem:$0x184A0]  }
0x59b: {  	v23 =	vadd.f32 v24, v23;
	v24 =	vmul.f32 v30, v29;
	v29 =	vld.idx.msk [tilespmem:v34+s20+$0x0], $0xffff  }
0x59c: {  	v34 =	vor.u32 s31, v43;
	v43 =	vld [tilespmem:$0x1FBC0];
	_ =	sdelay $0x1  }
0x59d: {  	v30 =	vld [tilespmem:$0x184B0]  }
0x59e: {  	v23 =	vadd.f32 v24, v23;
	v24 =	vmul.f32 v31, v25;
	_ =	sdelay $0x1  }
0x59f: {  	v23 =	vadd.f32 v24, v23;
	v25 =	vld.idx.msk [tilespmem:v32+s20+$0x0], $0xffff;
	v32 =	vor.u32 s31, v43;
	v43 =	vmul.f32 v28, v27  }
0x5a0: {  	v18 =	vld.idx.msk [tilespmem:v18+s19+$0x0], $0xffff  }
0x5a1: {  	v31 =	vld [tilespmem:$0x184C0];
	v23 =	vadd.f32 v43, v23;
	v43 =	vmul.f32 v30, v29  }
0x5a2: {  	v27 =	vld.idx.msk [tilespmem:v33+s20+$0x0], $0xffff  }
0x5a3: {  	v23 =	vadd.f32 v43, v23;
	v43 =	vld [tilespmem:$0x1F910]  }
0x5a4: {  	v33 =	vld [tilespmem:$0x184E0]  }
0x5a5: {  	v29 =	vld.idx.msk [tilespmem:v34+s20+$0x0], $0xffff  }
0x5a6: {  	v34 =	vld [tilespmem:$0x1F900]  }
0x5a7: {  	v28 =	vld [tilespmem:$0x184D0]  }
0x5a8: {  	v24 =	vmul.f32 v31, v25;
	v31 =	vadd.s32 v43, v5;
	v43 =	vld [tilespmem:$0x1F920]  }
0x5a9: {  	v21 =	vld.idx.msk [tilespmem:v21+s20+$0x0], $0xffff  }
0x5aa: {  	v22 =	vld.idx.msk [tilespmem:v22+s20+$0x0], $0xffff  }
0x5ab: {  	v30 =	vadd.s32 v34, v5;
	v29 =	vmul.f32 v33, v29;
	v33 =	vld [tilespmem:$0x1FC40]  }
0x5ac: {  	v34 =	vld [tilespmem:$0x1FC10]  }
0x5ad: {  	v27 =	vmul.f32 v28, v27;
	v28 =	vadd.s32 v43, v5;
	v43 =	vld [tilespmem:$0x1F930]  }
0x5ae: {  	v25 =	vld.idx.msk [tilespmem:v32+s20+$0x0], $0xffff;
	v23 =	vadd.f32 v24, v23  }
0x5af: {  	v32 =	vld [tilespmem:$0x184F0]  }
0x5b0: {  	v23 =	vadd.f32 v27, v23;
	v27 =	vld.idx.msk [tilespmem:v30+s19+$0x0], $0xffff;
	v30 =	vor.u32 s31, v33  }
0x5b1: {  	v24 =	vor.u32 s31, v34;
	v34 =	vld [tilespmem:$0x18500]  }
0x5b2: {  	v33 =	vadd.s32 v43, v5;
	v43 =	vld [tilespmem:$0x1FC70]  }
0x5b3: {  	v20 =	vld.idx.msk [tilespmem:v20+s20+$0x0], $0xffff  }
0x5b4: {  	v23 =	vadd.f32 v29, v23;
	v29 =	vld.idx.msk [tilespmem:v31+s19+$0x0], $0xffff  }
0x5b5: {  	v25 =	vmul.f32 v32, v25;
	v22 =	vmul.f32 v27, v22;
	v27 =	vld.idx.msk [tilespmem:v30+s20+$0x0], $0xffff;
	v30 =	vadd.s32 v41, v5  }
0x5b6: {  	v24 =	vld.idx.msk [tilespmem:v24+s20+$0x0], $0xffff  }
0x5b7: {  	v23 =	vadd.f32 v25, v23;
	v21 =	vmul.f32 v34, v21;
	v31 =	vor.u32 s31, v43;
	v43 =	vld [tilespmem:$0x1F940]  }
0x5b8: {  	v25 =	vld.idx.msk [tilespmem:v28+s19+$0x0], $0xffff  }
0x5b9: {  	v21 =	vadd.f32 v21, v23;
	v23 =	vld [tilespmem:$0x1FF60]  }
0x5ba: {  	v40 =	vadd.s32 v40, v5;
	v17 =	vmul.f32 v19, v17;
	v19 =	vld.idx.msk [tilespmem:v30+s19+$0x0], $0xffff  }
0x5bb: {  	v18 =	vadd.f32 v22, v18;
	v20 =	vmul.f32 v29, v20;
	v30 =	vld [tilespmem:$0x1FFA0]  }
0x5bc: {  	v32 =	vadd.s32 v43, v5;
	v43 =	vld [tilespmem:$0x1FCA0]  }
0x5bd: {  	v63 =	vmul.f32 v63, v62;
	v18 =	vadd.f32 v20, v18;
	v33 =	vld.idx.msk [tilespmem:v33+s19+$0x0], $0xffff;
	v62 =	vmul.f32 v25, v24  }
0x5be: {  	v25 =	vadd.s32 v42, v5;
	v42 =	vld [tilespmem:$0x1FF90]  }
0x5bf: {  	v23 =	vor.u32 s31, v23;
	v18 =	vadd.f32 v62, v18;
	v62 =	vld.idx.msk [tilespmem:v40+s19+$0x0], $0xffff  }
0x5c0: {  	v22 =	vld.idx.msk [tilespmem:v31+s20+$0x0], $0xffff  }
0x5c1: {  	v28 =	vor.u32 s31, v43;
	v43 =	vld [tilespmem:$0x1FF70]  }
0x5c2: {  	v29 =	vld.idx.msk [tilespmem:v32+s19+$0x0], $0xffff  }
0x5c3: {  	v32 =	vld [tilespmem:$0x1FF80]  }
0x5c4: {  	v41 =	vadd.f32 v63, v21;
	v23 =	vld.idx.msk [tilespmem:v23+s20+$0x0], $0xffff  }
0x5c5: {  	v34 =	vmul.f32 v33, v27;
	v27 =	vadd.s32 v26, v5;
	v33 =	vadd.s32 v44, v5;
	v44 =	vld [tilespmem:$0x1FFC0]  }
0x5c6: {  	v15 =	vmul.f32 v16, v15;
	v63 =	vadd.f32 v17, v41;
	v31 =	vor.u32 s31, v30;
	v30 =	vld [tilespmem:$0x1FFE0]  }
0x5c7: {  	v21 =	vor.u32 s31, v43;
	v24 =	vld.idx.msk [tilespmem:v28+s20+$0x0], $0xffff  }
0x5c8: {  	v13 =	vmul.f32 v14, v13;
	v41 =	vadd.f32 v15, v63;
	v17 =	vor.u32 s31, v32;
	v32 =	vld.idx.msk [tilespmem:v25+s19+$0x0], $0xffff  }
0x5c9: {  	v28 =	vadd.s32 v39, v5;
	v39 =	vld [tilespmem:$0x1FFB0]  }
0x5ca: {  	v43 =	vor.u32 s31, v42;
	v63 =	vmul.f32 v29, v22;
	v29 =	vadd.f32 v13, v41;
	v41 =	vld.idx.msk [tilespmem:v27+s19+$0x0], $0xffff  }
0x5cb: {  	v18 =	vadd.f32 v34, v18;
	v13 =	vld.idx.msk [tilespmem:v31+s20+$0x0], $0xffff  }
0x5cc: {  	v21 =	vld.idx.msk [tilespmem:v21+s20+$0x0], $0xffff  }
0x5cd: {  	v11 =	vmul.f32 v12, v11;
	v25 =	vld [tilespmem:$0x1FFD0];
	v18 =	vadd.f32 v63, v18;
	v19 =	vmul.f32 v19, v24  }
0x5ce: {  	v9 =	vmul.f32 v10, v9;
	v16 =	vmul.f32 v62, v23;
	v17 =	vld.idx.msk [tilespmem:v17+s20+$0x0], $0xffff;
	v40 =	vor.u32 s31, v39  }
0x5cf: {  	v42 =	vadd.s32 v45, v5;
	v34 =	vadd.f32 v11, v29;
	v15 =	vld.idx.msk [tilespmem:v43+s20+$0x0], $0xffff;
	v18 =	vadd.f32 v19, v18  }
0x5d0: {  	v7 =	vmul.f32 v8, v7;
	v45 =	vor.u32 s31, v44;
	v63 =	vadd.s32 v46, v5;
	v62 =	vld.idx.msk [tilespmem:v28+s19+$0x0], $0xffff  }
0x5d1: {  	v27 =	vld.idx.msk [tilespmem:v33+s19+$0x0], $0xffff;
	v43 =	vadd.f32 v9, v34;
	v16 =	vadd.f32 v16, v18;
	v14 =	vmul.f32 v32, v21  }
0x5d2: {  	v4 =	vmul.f32 v6, v4;
	v26 =	vor.u32 s31, v25;
	v28 =	vadd.s32 v47, v5;
	v39 =	vld [tilespmem:$0x1FFF0]  }
0x5d3: {  	v24 =	vadd.f32 v7, v43;
	v12 =	vmul.f32 v41, v17;
	v11 =	vld.idx.msk [tilespmem:v40+s20+$0x0], $0xffff;
	v14 =	vadd.f32 v14, v16  }
0x5d4: {  	v2 =	vmul.f32 v3, v2;
	v31 =	vor.u32 s31, v30;
	v33 =	vadd.s32 v48, v5;
	v32 =	vld.idx.msk [tilespmem:v42+s19+$0x0], $0xffff  }
0x5d5: {  	v9 =	vld.idx.msk [tilespmem:v45+s20+$0x0], $0xffff;
	v29 =	vadd.f32 v4, v24;
	v10 =	vmul.f32 v62, v15;
	v12 =	vadd.f32 v12, v14  }
0x5d6: {  	v0 =	vmul.f32 v1, v0;
	v34 =	vadd.s32 v49, v5;
	v8 =	vmul.f32 v27, v13;
	v41 =	vld.idx.msk [tilespmem:v63+s19+$0x0], $0xffff  }
0x5d7: {  	v40 =	vor.u32 s31, v39;
	v7 =	vld.idx.msk [tilespmem:v26+s20+$0x0], $0xffff;
	v2 =	vadd.f32 v2, v29;
	v42 =	vadd.f32 v10, v12  }
0x5d8: {  	v43 =	vmul.f32 v61, v60;
	v44 =	vld.idx.msk [tilespmem:v28+s19+$0x0], $0xffff  }
0x5d9: {  	v48 =	vld.idx.msk [tilespmem:v33+s19+$0x0], $0xffff;
	v0 =	vadd.f32 v0, v2;
	v46 =	vmul.f32 v32, v11;
	v45 =	vadd.f32 v8, v42  }
0x5da: {  	v47 =	vmul.f32 v58, v57;
	v4 =	vld.idx.msk [tilespmem:v31+s20+$0x0], $0xffff  }
0x5db: {  	v1 =	vld.idx.msk [tilespmem:v34+s19+$0x0], $0xffff;
	v0 =	vadd.f32 v43, v0;
	v49 =	vmul.f32 v41, v9;
	v2 =	vadd.f32 v46, v45  }
0x5dc: {  	v56 =	vmul.f32 v56, v55;
	v5 =	vld.idx.msk [tilespmem:v40+s20+$0x0], $0xffff  }
0x5dd: {  	v57 =	vmul.f32 v44, v7;
	v0 =	vadd.f32 v47, v0;
	v2 =	vadd.f32 v49, v2  }
0x5de: {  	v58 =	vmul.f32 v54, v53  }
0x5df: {  	v60 =	vmul.f32 v48, v4;
	v0 =	vadd.f32 v56, v0;
	v2 =	vadd.f32 v57, v2  }
0x5e0: {  	v61 =	vmul.f32 v52, v51  }
0x5e1: {  	v1 =	vmul.f32 v1, v5;
	v0 =	vadd.f32 v58, v0;
	v2 =	vadd.f32 v60, v2  }
0x5e2: {  	v63 =	vld [tilespmem:$0x1FA00]  }
0x5e3: {  	v0 =	vadd.f32 v61, v0;
	v1 =	vadd.f32 v1, v2  }
0x5e4: {  	v62 =	vand.u32 v50, v59  }
0x5e5: {  	v0 =	vadd.f32 v1, v0;
	_ =	sdelay $0x1  }
0x5e6: {  	v0 =	vadd.f32 v0, v63  }
0x5e7: {  	s2 =	sadd.s32 s30, s3  }
.Ltmp4:
0x5e8: {  	s2 =	sadd.s32 $0x40, s2;
	[tilespmem:v62+s23+$0x0] =	vst.idx.msk $0xffff, v0;
	(pc) =	sbr.rel @p0 .LBB2_8-.Ltmp4, $4  }
0x5e9: {  	[hbm4b:s2+s4] =	stream.linear.scatter [tilespmem:s23], [sflag:$0x5], $0x200, $0x38;
	[tilespmem:$0x18610] =	vst v63  }
0x5ea: {  	_ =	swait.ge [sflag:s13], $0x200  }
0x5eb: {  	[sflag:s13] =	ssyncset.done $0x0  }
0x5ec: {  	[sflag:s13] =	ssyncadd.s32 $0xFFFFFE00  }
0x5ed: {  	v33 =	vld [tilespmem:$0x1FD40]  }
0x5ee: {  	v34 =	vld [tilespmem:$0x1FD50]  }
0x5ef: {  	v46 =	vld [tilespmem:$0x1FD60]  }
0x5f0: {  	v52 =	vld [tilespmem:$0x1FD70]  }
0x5f1: {  	v47 =	vld [tilespmem:$0x1FD80]  }
0x5f2: {  	v54 =	vld [tilespmem:$0x1FD90]  }
0x5f3: {  	v55 =	vld [tilespmem:$0x1FDA0]  }
0x5f4: {  	v56 =	vld [tilespmem:$0x1FDB0]  }
0x5f5: {  	v39 =	vld [tilespmem:$0x1FDC0]  }
0x5f6: {  	v21 =	vld [tilespmem:$0x1FE50]  }
0x5f7: {  	v16 =	vld [tilespmem:$0x1FE60]  }
0x5f8: {  	v15 =	vld [tilespmem:$0x1FE70]  }
0x5f9: {  	v17 =	vld [tilespmem:$0x1FE80]  }
0x5fa: {  	v18 =	vld [tilespmem:$0x1FE90]  }
0x5fb: {  	v19 =	vld [tilespmem:$0x1FEA0]  }
0x5fc: {  	v20 =	vld [tilespmem:$0x1FEB0]  }
0x5fd: {  	v22 =	vld [tilespmem:$0x1FEC0]  }
0x5fe: {  	v23 =	vld [tilespmem:$0x1FED0]  }
0x5ff: {  	v32 =	vld [tilespmem:$0x1FEE0]  }
0x600: {  	s2 =	sadd.s32 $0x600, s29;
	v57 =	vld [tilespmem:$0x1FEF0]  }
0x601: {  	v40 =	vld [tilespmem:$0x1FF00];
	[tilespmem:s19], [sflag:$0x2] =	stream.indirect.gather [hbm4b:s6+s16], $0x18, s2, s16, $0xb8  }
.Ltmp5:
0x602: {  	v41 =	vld [tilespmem:$0x1FF10];
	s2 =	sadd.s32 s9, s2;
	(pc) =	sbr.rel .LBB2_2-.Ltmp5, $4  }
0x603: {  	v44 =	vld [tilespmem:$0x1FF40];
	s2 =	sshll.u32 s2, $0x3  }
0x604: {  	v42 =	vld [tilespmem:$0x1FF20];
	s2 =	sand.u32 $0x1FFFF000, s2  }
0x605: {  	s28 =	sadd.s32 $0x1, s28;
	v43 =	vld [tilespmem:$0x1FF30];
	s2 =	sadd.s32 s0, s2  }
0x606: {  	v45 =	vld [tilespmem:$0x1FF50];
	v14 =	vlaneseq.u32;
	[tilespmem:s20], [sflag:$0x4] =	stream.linear.gather [hbm4b:s2+s4], $0x8000, $0x38  }
.LBB2_9:
0x607: {  	_ =	sfence.sel $0x180000  }
0x608: {  	[bflag:$0x0] =	sbarrier.arrive $0xFFFF  }
0x609: {  	_ =	strace $0x90000047  }
0x60a: {  	s0 =	stileid.u32;
	[bflag:$0x2] =	sbarrier.arrive $0xFFFF  }
0x60b: {  	p0 =	sne.s32 s0, $0x0;
	s0 =	rddreg [dreg:$0x5]  }
0x60c: {  	s0 =	sadd.s32 @!p0 $0x100000, s0  }
0x60d: {  	[sflag:s0] =	ssyncadd.tile.s32 @!p0 $0x1;
	_ =	shalt  }
.Lfunc_end2:
_tile_overlayer_lowered:
.L_overlay_start_2:
0x60e: {  	(tag) =	ssettag $0x2  }
0x60f: {  	s0 =	rddreg [dreg:$0x0];
	s2 =	stileid.u32  }
0x610: {  	s1 =	rddreg [dreg:$0x1];
	p0 =	sne.s32 s2, $0x0  }
0x611: {  	s3 =	rddreg [dreg:$0x2];
	[bflag:$0x3] =	sbarrier.arrive $0xFFFF;
	s2 =	simm.s32 @!p0 $0x1C05  }
0x612: {  	[timem:s3], [sflag:s2] =	dma.local @!p0 [hbm:s0], s1  }
0x613: {  	s0 =	simm.s32 @!p0 $0x5  }
0x614: {  	_ =	swait.ge @!p0 [sflag:s0], s1  }
0x615: {  	s1 =	ssub.s32 @!p0 $0x0, s1;
	[sflag:s0] =	ssyncset.done @!p0 $0x0  }
0x616: {  	[sflag:s0] =	ssyncadd.s32 @!p0 s1  }
0x617: {  	[bflag:$0x3] =	sbarrier.arrive $0xFFFF  }
0x618: {  	_ =	shalt  }

</sc_bundles>
